<compile_context>
chip_gen: v7x
topology: tpu7x:2x2x1
jax: 0.10.2.dev20260603
libtpu: 0.0.44.dev20260713+nightly
codegen_flags: <defaults>
</compile_context>

<pallas_src>
import functools

import jax
import jax.numpy as jnp
from jax import lax
from jax.experimental import pallas as pl
from jax.experimental.pallas import tpu as pltpu
from jax.experimental.pallas import tpu_sc as plsc

_B, _N, _C, _T = 4, 1024, 32, 12
_CS, _CT = 32, 32
_E = 16384
_F = _C * _T


def _temporal_body(xA_ref, U1r_ref, A_ref, BU2_ref, K3u_ref, be_ref, Ve_ref,
                   R_ref, K2_ref, M2_ref, out_ref):
    xA = xA_ref[0]
    v = jnp.dot(U1r_ref[...], xA, preferred_element_type=jnp.float32)
    tl2 = jnp.dot(A_ref[...] * v, BU2_ref[...],
                  preferred_element_type=jnp.float32)
    tr = jnp.dot(xA, K3u_ref[...], preferred_element_type=jnp.float32)
    dpt = jnp.dot(tl2, tr, preferred_element_type=jnp.float32)
    sig = jax.nn.sigmoid(dpt + be_ref[...])
    Eatt = jnp.dot(Ve_ref[...], sig, preferred_element_type=jnp.float32)
    m = jnp.max(Eatt, axis=0, keepdims=True)
    e = jnp.exp(Eatt - m)
    Enorm = e / jnp.sum(e, axis=0, keepdims=True)
    RE = jnp.dot(R_ref[...], Enorm, preferred_element_type=jnp.float32)
    TILE2 = jnp.dot(RE, K2_ref[...], preferred_element_type=jnp.float32)
    BDE2 = M2_ref[...] * TILE2
    out_ref[0] = jnp.dot(xA, BDE2, preferred_element_type=jnp.float32)


def _temporal_call(xA, U1r, A, BU2, K3u, be2, Ve, R, K2, M2):
    full = lambda a: pl.BlockSpec(a.shape, lambda b: (0,) * a.ndim)
    return pl.pallas_call(
        _temporal_body,
        grid=(_B,),
        in_specs=[
            pl.BlockSpec((1, _N, _F), lambda b: (b, 0, 0)),
            full(U1r), full(A), full(BU2), full(K3u), full(be2), full(Ve),
            full(R), full(K2), full(M2),
        ],
        out_specs=pl.BlockSpec((1, _N, _F), lambda b: (b, 0, 0)),
        out_shape=jax.ShapeDtypeStruct((_B, _N, _F), jnp.float32),
    )(xA, U1r, A, BU2, K3u, be2, Ve, R, K2, M2)


def _main_body(xt_ref, xA_ref, bs_ref, Vs_ref, adj_ref, K12_ref, K3_ref,
               BD0_ref, gb0e_ref, BD1_ref, gb1e_ref, TCBD_ref, tbe_ref,
               KR_ref, rbe_ref, G_ref, lwe_ref, lbe_ref, out_ref):
    xt = xt_ref[0]
    nl2 = jnp.dot(xt, K12_ref[...], preferred_element_type=jnp.float32)
    nr = jnp.dot(xt, K3_ref[...], preferred_element_type=jnp.float32)
    dps = lax.dot_general(nl2, nr, (((1,), (1,)), ((), ())),
                          preferred_element_type=jnp.float32)
    S = jax.nn.sigmoid(dps + bs_ref[...])
    A = jnp.dot(Vs_ref[...], S.astype(jnp.bfloat16),
                preferred_element_type=jnp.float32)
    m = jnp.max(A, axis=0, keepdims=True)
    e = jnp.exp(A - m)
    P = e / jnp.sum(e, axis=0, keepdims=True)
    hs = jnp.dot(P.astype(jnp.bfloat16), xt.astype(jnp.bfloat16),
                 preferred_element_type=jnp.float32)
    adj = adj_ref[...]
    agg = jnp.dot(adj, hs.astype(jnp.bfloat16),
                  preferred_element_type=jnp.float32)
    h1 = jnp.dot(hs + agg, BD0_ref[...],
                 preferred_element_type=jnp.float32) + gb0e_ref[...]
    agg1 = jnp.dot(adj, h1.astype(jnp.bfloat16),
                   preferred_element_type=jnp.float32)
    h2 = jnp.dot(h1 + agg1, BD1_ref[...],
                 preferred_element_type=jnp.float32) + gb1e_ref[...]
    xc = jnp.maximum(h2, 0.0)
    tout = jnp.dot(xc, TCBD_ref[...],
                   preferred_element_type=jnp.float32) + tbe_ref[...]
    rout = jnp.dot(xA_ref[0], KR_ref[...],
                   preferred_element_type=jnp.float32) + rbe_ref[...]
    zz = jnp.maximum(tout + rout, 0.0)
    mu = jnp.dot(zz, G_ref[...], preferred_element_type=jnp.float32)
    q = jnp.dot(zz * zz, G_ref[...], preferred_element_type=jnp.float32)
    var = q - mu * mu
    out_ref[0] = (zz - mu) / jnp.sqrt(var + 1e-5) * lwe_ref[...] + lbe_ref[...]


def _main_call(xt, xA, bs2, Vs, adj, K12, K3, BD0, gb0e, BD1, gb1e, TCBD,
               tbe, KR, rbe, G, lwe, lbe):
    full = lambda a: pl.BlockSpec(a.shape, lambda b: (0,) * a.ndim)
    big = pl.BlockSpec((1, _N, _F), lambda b: (b, 0, 0))
    return pl.pallas_call(
        _main_body,
        grid=(_B,),
        in_specs=[
            big, big, full(bs2), full(Vs), full(adj), full(K12), full(K3),
            full(BD0), full(gb0e), full(BD1), full(gb1e), full(TCBD),
            full(tbe), full(KR), full(rbe), full(G), full(lwe), full(lbe),
        ],
        out_specs=big,
        out_shape=jax.ShapeDtypeStruct((_B, _N, _F), jnp.float32),
    )(xt, xA, bs2, Vs, adj, K12, K3, BD0, gb0e, BD1, gb1e, TCBD, tbe, KR,
      rbe, G, lwe, lbe)


_NSUB = 16
_EPS = _E // _NSUB
_ROWS = _N // 2
_HALF = _ROWS * _N
_ZCH = 4096
_SLC = _HALF // _NSUB


def _adj_sc_body(ei_hbm, adj_hbm, src_v, dst_v, idx_q, val_q, zero_v, adj_sh):
    c = lax.axis_index("c")
    s = lax.axis_index("s")
    base = s * _EPS
    pltpu.sync_copy(ei_hbm.at[0, pl.ds(base, _EPS)], src_v)
    pltpu.sync_copy(ei_hbm.at[1, pl.ds(base, _EPS)], dst_v)
    row0 = c * _ROWS
    one16 = jnp.full((16,), 1.0, jnp.float32)
    zero16 = jnp.zeros((16,), jnp.float32)
    for g in range(_EPS // 16):
        sl = pl.ds(g * 16, 16)
        d = dst_v[sl]
        local = d - row0
        ok = (local >= 0) & (local < _ROWS)
        fi = jnp.clip(local, 0, _ROWS - 1) * _N + src_v[sl]
        j = g // 8
        k = g % 8
        idx_q[j, pl.ds(k * 16, 16)] = fi
        val_q[j, pl.ds(k * 16, 16)] = jnp.where(ok, one16, zero16)

    @pl.loop(0, _ZCH, step=16)
    def _(i):
        zero_v[pl.ds(i, 16)] = jnp.zeros((16,), jnp.float32)

    zbase = s * _SLC
    for k in range(_SLC // _ZCH):
        pltpu.sync_copy(zero_v, adj_sh.at[pl.ds(zbase + k * _ZCH, _ZCH)])
    plsc.subcore_barrier()
    for j in range(_EPS // 128):
        pltpu.sync_copy(val_q.at[j], adj_sh.at[idx_q.at[j]], add=True)
    plsc.subcore_barrier()
    out_base = c * _HALF + s * _SLC
    pltpu.sync_copy(adj_sh.at[pl.ds(s * _SLC, _SLC)],
                    adj_hbm.at[pl.ds(out_base, _SLC)])


def _build_adj(edge_index):
    mesh = plsc.VectorSubcoreMesh(core_axis_name="c", subcore_axis_name="s")
    kfn = pl.kernel(
        _adj_sc_body,
        out_type=jax.ShapeDtypeStruct((_N * _N,), jnp.float32),
        mesh=mesh,
        scratch_types=[
            pltpu.VMEM((_EPS,), jnp.int32),
            pltpu.VMEM((_EPS,), jnp.int32),
            pltpu.VMEM((_EPS // 128, 128), jnp.int32),
            pltpu.VMEM((_EPS // 128, 128), jnp.float32),
            pltpu.VMEM((_ZCH,), jnp.float32),
            pltpu.VMEM_SHARED((_HALF,), jnp.float32),
        ],
    )
    return kfn(edge_index).reshape(_N, _N)


def kernel(x, W1, W2, W3, bs, Vs, U1, U2, U3, be, Ve, gw0, gb0, gw1, gb1,
           tw, tb, rw, rb, lw, lb, edge_index):
    f32 = jnp.float32
    xA = x.reshape(_B, _N, _F)
    eyeT = jnp.eye(_T, dtype=f32)
    eyeC = jnp.eye(_C, dtype=f32)
    U1r = U1[None, :]
    cu = jnp.arange(_F)
    to = jnp.arange(_F)
    A = ((cu[None, :] % _T) == jnp.arange(_T)[:, None]).astype(f32)
    BU2 = jnp.broadcast_to(U2[:, None, :], (_C, _T, _N)).reshape(_F, _N)
    K3u = jnp.kron(U3[:, None], eyeT)
    R = jnp.tile(eyeT, (_C, 1))
    K2 = jnp.kron(eyeT, jnp.ones((1, _C), f32))
    M2 = ((cu[:, None] // _T) == (to[None, :] % _C)).astype(f32)
    xt = _temporal_call(xA, U1r, A, BU2, K3u, be[0], Ve, R, K2, M2)
    K12 = jnp.dot(jnp.kron(W1[:, None], eyeC), W2)
    K3 = jnp.kron(eyeT, W3[:, None])
    BD0 = jnp.kron(eyeT, gw0.T)
    BD1 = jnp.kron(eyeT, gw1.T)
    gb0e = jnp.tile(gb0, _T)[None, :]
    gb1e = jnp.tile(gb1, _T)[None, :]
    TCBD = (jnp.kron(jnp.eye(_T, k=1, dtype=f32), tw[:, :, 0, 0].T)
            + jnp.kron(eyeT, tw[:, :, 0, 1].T)
            + jnp.kron(jnp.eye(_T, k=-1, dtype=f32), tw[:, :, 0, 2].T))
    tbe = jnp.tile(tb, _T)[None, :]
    rw2t = rw[:, :, 0, 0].T
    R2tile = jnp.broadcast_to(rw2t[:, None, None, :],
                              (_C, _T, _T, _CT)).reshape(_F, _F)
    KRmask = ((cu[:, None] % _T) == (to[None, :] // _C)).astype(f32)
    KR = KRmask * R2tile
    rbe = jnp.tile(rb, _T)[None, :]
    G = jnp.kron(eyeT, jnp.ones((_C, _C), f32) / _C)
    lwe = jnp.tile(lw, _T)[None, :]
    lbe = jnp.tile(lb, _T)[None, :]
    adj = _build_adj(edge_index).astype(jnp.bfloat16)
    Z = _main_call(xt, xA, bs[0], Vs.astype(jnp.bfloat16), adj, K12, K3,
                   BD0, gb0e, BD1, gb1e, TCBD, tbe, KR, rbe, G, lwe, lbe)
    return Z.reshape(_B, _N, _T, _CT).transpose(0, 1, 3, 2)

# --- scband reference (transcript-rebuilt; emitter-appended) ---
"""Pipeline reference for scband-stacginblock-36696200577452 (READ-ONLY COPY).

The authoritative reference and input builder live on the scoring server;
editing this copy changes nothing except your own understanding.
"""

import jax, jax.numpy as jnp
import numpy as np

B, N, C, T = 4, 1024, 32, 12
CS, CT = 32, 32
E = 16384

def setup_inputs(seed: int = 0):
    key = jax.random.key(seed)
    ks = jax.random.split(key, 22)
    sc = 0.05
    inp = {}
    inp["x"] = jax.random.normal(ks[0], (B, N, C, T), jnp.float32)
    inp["W1"] = jax.random.normal(ks[1], (T,), jnp.float32) * sc
    inp["W2"] = jax.random.normal(ks[2], (C, T), jnp.float32) * sc
    inp["W3"] = jax.random.normal(ks[3], (C,), jnp.float32) * sc
    inp["bs"] = jax.random.normal(ks[4], (1, N, N), jnp.float32) * 0.01
    inp["Vs"] = jax.random.normal(ks[5], (N, N), jnp.float32) * 0.01
    inp["U1"] = jax.random.normal(ks[6], (N,), jnp.float32) * sc
    inp["U2"] = jax.random.normal(ks[7], (C, N), jnp.float32) * sc
    inp["U3"] = jax.random.normal(ks[8], (C,), jnp.float32) * sc
    inp["be"] = jax.random.normal(ks[9], (1, T, T), jnp.float32) * 0.01
    inp["Ve"] = jax.random.normal(ks[10], (T, T), jnp.float32) * 0.01
    inp["gw0"] = jax.random.normal(ks[11], (CS, C), jnp.float32) * (1.0 / np.sqrt(C))
    inp["gb0"] = jnp.zeros((CS,), jnp.float32)
    inp["gw1"] = jax.random.normal(ks[12], (CS, CS), jnp.float32) * (1.0 / np.sqrt(CS))
    inp["gb1"] = jnp.zeros((CS,), jnp.float32)
    inp["tw"] = jax.random.normal(ks[13], (CT, CS, 1, 3), jnp.float32) * (1.0 / np.sqrt(CS * 3))
    inp["tb"] = jnp.zeros((CT,), jnp.float32)
    inp["rw"] = jax.random.normal(ks[14], (CT, C, 1, 1), jnp.float32) * (1.0 / np.sqrt(C))
    inp["rb"] = jnp.zeros((CT,), jnp.float32)
    inp["lw"] = jnp.ones((CT,), jnp.float32)
    inp["lb"] = jnp.zeros((CT,), jnp.float32)
    inp["edge_index"] = jax.random.randint(ks[15], (2, E), 0, N, dtype=jnp.int32)
    return inp

def reference(x, W1, W2, W3, bs, Vs, U1, U2, U3, be, Ve, gw0, gb0, gw1, gb1, tw, tb, rw, rb, lw, lb, edge_index):
    Bv, Nv, Cv, Tv = x.shape
    # Temporal attention: (B,T,T)
    tl = jnp.einsum('bnct,n->btc', x, U1)
    tl = jnp.einsum('btc,cn->btn', tl, U2)
    tr = jnp.einsum('c,bnct->bnt', U3, x)
    dpt = jnp.einsum('btn,bnu->btu', tl, tr)
    Eatt = jnp.einsum('ts,bsu->btu', Ve, jax.nn.sigmoid(dpt + be))
    Enorm = jax.nn.softmax(Eatt, axis=1)
    xt = jnp.matmul(x.reshape(Bv, Nv * Cv, Tv), Enorm).reshape(Bv, Nv, Cv, Tv)
    # Spatial attention: (B,N,N)
    nl = jnp.einsum('bnct,t->bnc', xt, W1)
    nl = jnp.einsum('bnc,ct->bnt', nl, W2)
    nr = jnp.einsum('c,bnct->bnt', W3, xt).transpose(0, 2, 1)
    dps = jnp.matmul(nl, nr)
    Satt = jnp.einsum('nm,bmk->bnk', Vs, jax.nn.sigmoid(dps + bs))
    Snorm = jax.nn.softmax(Satt, axis=1)
    xs = jnp.matmul(Snorm, xt.reshape(Bv, Nv, Cv * Tv)).reshape(Bv, Nv, Cv, Tv)
    # K=2 GIN layers (eps=0): h <- Linear(h + scatter_add(h[src] -> dst)), vectorized over all T timesteps
    src = edge_index[0]
    dst = edge_index[1]
    h = xs.transpose(0, 3, 1, 2)  # (B,T,N,C)
    agg = jnp.zeros(h.shape, h.dtype).at[:, :, dst, :].add(h[:, :, src, :])
    h = jnp.einsum('btnc,oc->btno', h + agg, gw0) + gb0
    agg = jnp.zeros(h.shape, h.dtype).at[:, :, dst, :].add(h[:, :, src, :])
    h = jnp.einsum('btnc,oc->btno', h + agg, gw1) + gb1
    xconv = jax.nn.relu(h).transpose(0, 2, 3, 1)  # (B,N,CS,T)
    # TimeConv: Conv2d(CS->CT, kernel (1,3), stride (1,1), pad (0,1)) on (B,CS,N,T)
    tin = xconv.transpose(0, 2, 1, 3)
    tout = jax.lax.conv_general_dilated(tin, tw, (1, 1), ((0, 0), (1, 1)), dimension_numbers=('NCHW', 'OIHW', 'NCHW')) + tb[None, :, None, None]
    # ResidualConv: 1x1 conv on (B,C,N,T)
    rin = x.transpose(0, 2, 1, 3)
    rout = jnp.einsum('oc,bcnt->bont', rw[:, :, 0, 0], rin) + rb[None, :, None, None]
    z = jax.nn.relu(rout + tout).transpose(0, 3, 2, 1)  # (B,T,N,CT)
    mu = jnp.mean(z, axis=-1, keepdims=True)
    var = jnp.mean((z - mu) ** 2, axis=-1, keepdims=True)
    ln = (z - mu) / jnp.sqrt(var + 1e-5) * lw + lb
    return ln.transpose(0, 2, 3, 1)  # (B,N,CT,T)

if __name__ == "__main__":
    import jax
    _d = setup_inputs()
    print(jax.jit(kernel)(*tuple(_d.values())))

</pallas_src>

<mosaic_0001>
#map = affine_map<(d0, d1) -> (0, 0)>
#map1 = affine_map<(d0, d1) -> (0)>
module attributes {stable_mosaic.version = 14 : i64} {
  func.func @_adj_sc_body(%arg0: i32, %arg1: i32, %arg2: memref<2x16384xi32, #tpu.memory_space<hbm>>, %arg3: memref<1048576xf32, #tpu.memory_space<hbm>>, %arg4: memref<1024xi32, #tpu.memory_space<vmem>>, %arg5: memref<1024xi32, #tpu.memory_space<vmem>>, %arg6: memref<8x128xi32, #tpu.memory_space<vmem>>, %arg7: memref<8x128xf32, #tpu.memory_space<vmem>>, %arg8: memref<4096xf32, #tpu.memory_space<vmem>>, %arg9: memref<524288xf32, #tpu.memory_space<vmem_shared>>) attributes {dimension_semantics = [#tpu.dimension_semantics<core_parallel>, #tpu.dimension_semantics<subcore_parallel>], iteration_bounds = array<i64: 2, 16>, scalar_prefetch = 0 : i64, scratch_operands = 6 : i64, tpu.core_type = #tpu.core_type<sc_vector_subcore>, window_params = [{transform_indices = #map}, {transform_indices = #map1}]} {
    %mul3A = arith.constant 1024 : i32
    %mul3A_0 = arith.muli %arg1, %mul3A : i32
    %run_scoped3A = arith.constant 0 : i32
    "tpu.region"() ({
      %run_scoped3A_2474 = tpu.sem_alloc : memref<!tpu.dma_semaphore, #tpu.memory_space<semaphore_mem>>
      %dma_start3A = tpu.memref_slice %arg2[%run_scoped3A, %mul3A_0] : memref<2x16384xi32, #tpu.memory_space<hbm>> -> memref<1x1024xi32, #tpu.memory_space<hbm>>
      %dma_start3A_2475 = tpu.memref_squeeze %dma_start3A : memref<1x1024xi32, #tpu.memory_space<hbm>> -> memref<1024xi32, #tpu.memory_space<hbm>>
      %dma_start3A_2476 = tpu.memref_slice %arg2[%run_scoped3A, %mul3A_0] : memref<2x16384xi32, #tpu.memory_space<hbm>> -> memref<1x1024xi32, #tpu.memory_space<hbm>>
      %dma_start3A_2477 = tpu.memref_squeeze %dma_start3A_2476 : memref<1x1024xi32, #tpu.memory_space<hbm>> -> memref<1024xi32, #tpu.memory_space<hbm>>
      tpu.enqueue_dma source(%dma_start3A_2477 : memref<1024xi32, #tpu.memory_space<hbm>>) target(%arg4 : memref<1024xi32, #tpu.memory_space<vmem>>) target_semaphore(%run_scoped3A_2474 : memref<!tpu.dma_semaphore, #tpu.memory_space<semaphore_mem>>)
      %dma_wait3A = tpu.memref_slice %arg2[%run_scoped3A, %mul3A_0] : memref<2x16384xi32, #tpu.memory_space<hbm>> -> memref<1x1024xi32, #tpu.memory_space<hbm>>
      %dma_wait3A_2478 = tpu.memref_squeeze %dma_wait3A : memref<1x1024xi32, #tpu.memory_space<hbm>> -> memref<1024xi32, #tpu.memory_space<hbm>>
      %dma_wait3A_2479 = tpu.memref_slice %arg2[%run_scoped3A, %mul3A_0] : memref<2x16384xi32, #tpu.memory_space<hbm>> -> memref<1x1024xi32, #tpu.memory_space<hbm>>
      %dma_wait3A_2480 = tpu.memref_squeeze %dma_wait3A_2479 : memref<1x1024xi32, #tpu.memory_space<hbm>> -> memref<1024xi32, #tpu.memory_space<hbm>>
      tpu.wait_dma2 semaphore(%run_scoped3A_2474 : memref<!tpu.dma_semaphore, #tpu.memory_space<semaphore_mem>>) src(%dma_wait3A_2480 : memref<1024xi32, #tpu.memory_space<hbm>>) dst(%arg4 : memref<1024xi32, #tpu.memory_space<vmem>>)
      tpu.yield
    }) : () -> ()
    %run_scoped3A_1 = arith.constant 1 : i32
    "tpu.region"() ({
      %run_scoped3A_2474 = tpu.sem_alloc : memref<!tpu.dma_semaphore, #tpu.memory_space<semaphore_mem>>
      %dma_start3A = tpu.memref_slice %arg2[%run_scoped3A_1, %mul3A_0] : memref<2x16384xi32, #tpu.memory_space<hbm>> -> memref<1x1024xi32, #tpu.memory_space<hbm>>
      %dma_start3A_2475 = tpu.memref_squeeze %dma_start3A : memref<1x1024xi32, #tpu.memory_space<hbm>> -> memref<1024xi32, #tpu.memory_space<hbm>>
      %dma_start3A_2476 = tpu.memref_slice %arg2[%run_scoped3A_1, %mul3A_0] : memref<2x16384xi32, #tpu.memory_space<hbm>> -> memref<1x1024xi32, #tpu.memory_space<hbm>>
      %dma_start3A_2477 = tpu.memref_squeeze %dma_start3A_2476 : memref<1x1024xi32, #tpu.memory_space<hbm>> -> memref<1024xi32, #tpu.memory_space<hbm>>
      tpu.enqueue_dma source(%dma_start3A_2477 : memref<1024xi32, #tpu.memory_space<hbm>>) target(%arg5 : memref<1024xi32, #tpu.memory_space<vmem>>) target_semaphore(%run_scoped3A_2474 : memref<!tpu.dma_semaphore, #tpu.memory_space<semaphore_mem>>)
      %dma_wait3A = tpu.memref_slice %arg2[%run_scoped3A_1, %mul3A_0] : memref<2x16384xi32, #tpu.memory_space<hbm>> -> memref<1x1024xi32, #tpu.memory_space<hbm>>
      %dma_wait3A_2478 = tpu.memref_squeeze %dma_wait3A : memref<1x1024xi32, #tpu.memory_space<hbm>> -> memref<1024xi32, #tpu.memory_space<hbm>>
      %dma_wait3A_2479 = tpu.memref_slice %arg2[%run_scoped3A_1, %mul3A_0] : memref<2x16384xi32, #tpu.memory_space<hbm>> -> memref<1x1024xi32, #tpu.memory_space<hbm>>
      %dma_wait3A_2480 = tpu.memref_squeeze %dma_wait3A_2479 : memref<1x1024xi32, #tpu.memory_space<hbm>> -> memref<1024xi32, #tpu.memory_space<hbm>>
      tpu.wait_dma2 semaphore(%run_scoped3A_2474 : memref<!tpu.dma_semaphore, #tpu.memory_space<semaphore_mem>>) src(%dma_wait3A_2480 : memref<1024xi32, #tpu.memory_space<hbm>>) dst(%arg5 : memref<1024xi32, #tpu.memory_space<vmem>>)
      tpu.yield
    }) : () -> ()
    %mul3A_2 = arith.constant 512 : i32
    %mul3A_3 = arith.muli %arg0, %mul3A_2 : i32
    %broadcast_in_dim3A = arith.constant 1.000000e+00 : f32
    %broadcast_in_dim3A_4 = vector.broadcast %broadcast_in_dim3A : f32 to vector<16xf32>
    %broadcast_in_dim3A_5 = arith.constant 0.000000e+00 : f32
    %broadcast_in_dim3A_6 = vector.broadcast %broadcast_in_dim3A_5 : f32 to vector<16xf32>
    %get3A = arith.constant 0 : index
    %get3A_7 = tpu.vector_load %arg5[%get3A] {strides = array<i32>} : memref<1024xi32, #tpu.memory_space<vmem>>, vector<16xi32>,
    %get3A_8 = vector.shape_cast %get3A_7 : vector<16xi32> to vector<16xi32>
    %sub3A = vector.broadcast %mul3A_3 : i32 to vector<16xi32>
    %sub3A_9 = arith.subi %get3A_8, %sub3A : vector<16xi32>
    %ge3A = arith.constant 0 : i32
    %ge3A_10 = vector.broadcast %ge3A : i32 to vector<16xi32>
    %ge3A_11 = arith.cmpi sge, %sub3A_9, %ge3A_10 : vector<16xi32>
    %lt3A = arith.constant 512 : i32
    %lt3A_12 = vector.broadcast %lt3A : i32 to vector<16xi32>
    %lt3A_13 = arith.cmpi slt, %sub3A_9, %lt3A_12 : vector<16xi32>
    %and3A = arith.andi %ge3A_11, %lt3A_13 : vector<16xi1>
    %jit3A = arith.constant 0 : i32
    %jit3A_14 = arith.constant 511 : i32
    %max3A = vector.broadcast %jit3A : i32 to vector<16xi32>
    %max3A_15 = arith.maxsi %max3A, %sub3A_9 : vector<16xi32>
    %min3A = vector.broadcast %jit3A_14 : i32 to vector<16xi32>
    %min3A_16 = arith.minsi %min3A, %max3A_15 : vector<16xi32>
    %mul3A_17 = arith.constant 1024 : i32
    %mul3A_18 = vector.broadcast %mul3A_17 : i32 to vector<16xi32>
    %mul3A_19 = arith.muli %min3A_16, %mul3A_18 : vector<16xi32>
    %get3A_20 = arith.constant 0 : index
    %get3A_21 = tpu.vector_load %arg4[%get3A_20] {strides = array<i32>} : memref<1024xi32, #tpu.memory_space<vmem>>, vector<16xi32>,
    %get3A_22 = vector.shape_cast %get3A_21 : vector<16xi32> to vector<16xi32>
    %add3A = arith.addi %mul3A_19, %get3A_22 : vector<16xi32>
    %swap3A = arith.constant 0 : i32
    %swap3A_23 = arith.index_cast %swap3A : i32 to index
    %swap3A_24 = arith.constant 0 : index
    %swap3A_25 = tpu.vector_load %arg6[%swap3A_23, %swap3A_24] {strides = array<i32>} : memref<8x128xi32, #tpu.memory_space<vmem>>, vector<1x16xi32>,
    %swap3A_26 = vector.shape_cast %swap3A_25 : vector<1x16xi32> to vector<16xi32>
    %swap3A_27 = vector.shape_cast %add3A : vector<16xi32> to vector<1x16xi32>
    tpu.vector_store %arg6[%swap3A_23, %swap3A_24], %swap3A_27 {strides = array<i32>} : memref<8x128xi32, #tpu.memory_space<vmem>>, vector<1x16xi32>,
    %select_n3A = arith.select %and3A, %broadcast_in_dim3A_4, %broadcast_in_dim3A_6 : vector<16xi1>, vector<16xf32>
    %swap3A_28 = arith.constant 0 : i32
    %swap3A_29 = arith.index_cast %swap3A_28 : i32 to index
    %swap3A_30 = arith.constant 0 : index
    %swap3A_31 = tpu.vector_load %arg7[%swap3A_29, %swap3A_30] {strides = array<i32>} : memref<8x128xf32, #tpu.memory_space<vmem>>, vector<1x16xf32>,
    %swap3A_32 = vector.shape_cast %swap3A_31 : vector<1x16xf32> to vector<16xf32>
    %swap3A_33 = vector.shape_cast %select_n3A : vector<16xf32> to vector<1x16xf32>
    tpu.vector_store %arg7[%swap3A_29, %swap3A_30], %swap3A_33 {strides = array<i32>} : memref<8x128xf32, #tpu.memory_space<vmem>>, vector<1x16xf32>,
    %get3A_34 = arith.constant 16 : index
    %get3A_35 = tpu.vector_load %arg5[%get3A_34] {strides = array<i32>} : memref<1024xi32, #tpu.memory_space<vmem>>, vector<16xi32>,
    %get3A_36 = vector.shape_cast %get3A_35 : vector<16xi32> to vector<16xi32>
    %sub3A_37 = vector.broadcast %mul3A_3 : i32 to vector<16xi32>
    %sub3A_38 = arith.subi %get3A_36, %sub3A_37 : vector<16xi32>
    %ge3A_39 = arith.constant 0 : i32
    %ge3A_40 = vector.broadcast %ge3A_39 : i32 to vector<16xi32>
    %ge3A_41 = arith.cmpi sge, %sub3A_38, %ge3A_40 : vector<16xi32>
    %lt3A_42 = arith.constant 512 : i32
    %lt3A_43 = vector.broadcast %lt3A_42 : i32 to vector<16xi32>
    %lt3A_44 = arith.cmpi slt, %sub3A_38, %lt3A_43 : vector<16xi32>
    %and3A_45 = arith.andi %ge3A_41, %lt3A_44 : vector<16xi1>
    %jit3A_46 = arith.constant 0 : i32
    %jit3A_47 = arith.constant 511 : i32
    %max3A_48 = vector.broadcast %jit3A_46 : i32 to vector<16xi32>
    %max3A_49 = arith.maxsi %max3A_48, %sub3A_38 : vector<16xi32>
    %min3A_50 = vector.broadcast %jit3A_47 : i32 to vector<16xi32>
    %min3A_51 = arith.minsi %min3A_50, %max3A_49 : vector<16xi32>
    %mul3A_52 = arith.constant 1024 : i32
    %mul3A_53 = vector.broadcast %mul3A_52 : i32 to vector<16xi32>
    %mul3A_54 = arith.muli %min3A_51, %mul3A_53 : vector<16xi32>
    %get3A_55 = arith.constant 16 : index
    %get3A_56 = tpu.vector_load %arg4[%get3A_55] {strides = array<i32>} : memref<1024xi32, #tpu.memory_space<vmem>>, vector<16xi32>,
    %get3A_57 = vector.shape_cast %get3A_56 : vector<16xi32> to vector<16xi32>
    %add3A_58 = arith.addi %mul3A_54, %get3A_57 : vector<16xi32>
    %swap3A_59 = arith.constant 0 : i32
    %swap3A_60 = arith.index_cast %swap3A_59 : i32 to index
    %swap3A_61 = arith.constant 16 : index
    %swap3A_62 = tpu.vector_load %arg6[%swap3A_60, %swap3A_61] {strides = array<i32>} : memref<8x128xi32, #tpu.memory_space<vmem>>, vector<1x16xi32>,
    %swap3A_63 = vector.shape_cast %swap3A_62 : vector<1x16xi32> to vector<16xi32>
    %swap3A_64 = vector.shape_cast %add3A_58 : vector<16xi32> to vector<1x16xi32>
    tpu.vector_store %arg6[%swap3A_60, %swap3A_61], %swap3A_64 {strides = array<i32>} : memref<8x128xi32, #tpu.memory_space<vmem>>, vector<1x16xi32>,
    %select_n3A_65 = arith.select %and3A_45, %broadcast_in_dim3A_4, %broadcast_in_dim3A_6 : vector<16xi1>, vector<16xf32>
    %swap3A_66 = arith.constant 0 : i32
    %swap3A_67 = arith.index_cast %swap3A_66 : i32 to index
    %swap3A_68 = arith.constant 16 : index
    %swap3A_69 = tpu.vector_load %arg7[%swap3A_67, %swap3A_68] {strides = array<i32>} : memref<8x128xf32, #tpu.memory_space<vmem>>, vector<1x16xf32>,
    %swap3A_70 = vector.shape_cast %swap3A_69 : vector<1x16xf32> to vector<16xf32>
    %swap3A_71 = vector.shape_cast %select_n3A_65 : vector<16xf32> to vector<1x16xf32>
    tpu.vector_store %arg7[%swap3A_67, %swap3A_68], %swap3A_71 {strides = array<i32>} : memref<8x128xf32, #tpu.memory_space<vmem>>, vector<1x16xf32>,
    %get3A_72 = arith.constant 32 : index
    %get3A_73 = tpu.vector_load %arg5[%get3A_72] {strides = array<i32>} : memref<1024xi32, #tpu.memory_space<vmem>>, vector<16xi32>,
    %get3A_74 = vector.shape_cast %get3A_73 : vector<16xi32> to vector<16xi32>
    %sub3A_75 = vector.broadcast %mul3A_3 : i32 to vector<16xi32>
    %sub3A_76 = arith.subi %get3A_74, %sub3A_75 : vector<16xi32>
    %ge3A_77 = arith.constant 0 : i32
    %ge3A_78 = vector.broadcast %ge3A_77 : i32 to vector<16xi32>
    %ge3A_79 = arith.cmpi sge, %sub3A_76, %ge3A_78 : vector<16xi32>
    %lt3A_80 = arith.constant 512 : i32
    %lt3A_81 = vector.broadcast %lt3A_80 : i32 to vector<16xi32>
    %lt3A_82 = arith.cmpi slt, %sub3A_76, %lt3A_81 : vector<16xi32>
    %and3A_83 = arith.andi %ge3A_79, %lt3A_82 : vector<16xi1>
    %jit3A_84 = arith.constant 0 : i32
    %jit3A_85 = arith.constant 511 : i32
    %max3A_86 = vector.broadcast %jit3A_84 : i32 to vector<16xi32>
    %max3A_87 = arith.maxsi %max3A_86, %sub3A_76 : vector<16xi32>
    %min3A_88 = vector.broadcast %jit3A_85 : i32 to vector<16xi32>
    %min3A_89 = arith.minsi %min3A_88, %max3A_87 : vector<16xi32>
    %mul3A_90 = arith.constant 1024 : i32
    %mul3A_91 = vector.broadcast %mul3A_90 : i32 to vector<16xi32>
    %mul3A_92 = arith.muli %min3A_89, %mul3A_91 : vector<16xi32>
    %get3A_93 = arith.constant 32 : index
    %get3A_94 = tpu.vector_load %arg4[%get3A_93] {strides = array<i32>} : memref<1024xi32, #tpu.memory_space<vmem>>, vector<16xi32>,
    %get3A_95 = vector.shape_cast %get3A_94 : vector<16xi32> to vector<16xi32>
    %add3A_96 = arith.addi %mul3A_92, %get3A_95 : vector<16xi32>
    %swap3A_97 = arith.constant 0 : i32
    %swap3A_98 = arith.index_cast %swap3A_97 : i32 to index
    %swap3A_99 = arith.constant 32 : index
    %swap3A_100 = tpu.vector_load %arg6[%swap3A_98, %swap3A_99] {strides = array<i32>} : memref<8x128xi32, #tpu.memory_space<vmem>>, vector<1x16xi32>,
    %swap3A_101 = vector.shape_cast %swap3A_100 : vector<1x16xi32> to vector<16xi32>
    %swap3A_102 = vector.shape_cast %add3A_96 : vector<16xi32> to vector<1x16xi32>
    tpu.vector_store %arg6[%swap3A_98, %swap3A_99], %swap3A_102 {strides = array<i32>} : memref<8x128xi32, #tpu.memory_space<vmem>>, vector<1x16xi32>,
    %select_n3A_103 = arith.select %and3A_83, %broadcast_in_dim3A_4, %broadcast_in_dim3A_6 : vector<16xi1>, vector<16xf32>
    %swap3A_104 = arith.constant 0 : i32
    %swap3A_105 = arith.index_cast %swap3A_104 : i32 to index
    %swap3A_106 = arith.constant 32 : index
    %swap3A_107 = tpu.vector_load %arg7[%swap3A_105, %swap3A_106] {strides = array<i32>} : memref<8x128xf32, #tpu.memory_space<vmem>>, vector<1x16xf32>,
    %swap3A_108 = vector.shape_cast %swap3A_107 : vector<1x16xf32> to vector<16xf32>
    %swap3A_109 = vector.shape_cast %select_n3A_103 : vector<16xf32> to vector<1x16xf32>
    tpu.vector_store %arg7[%swap3A_105, %swap3A_106], %swap3A_109 {strides = array<i32>} : memref<8x128xf32, #tpu.memory_space<vmem>>, vector<1x16xf32>,
    %get3A_110 = arith.constant 48 : index
    %get3A_111 = tpu.vector_load %arg5[%get3A_110] {strides = array<i32>} : memref<1024xi32, #tpu.memory_space<vmem>>, vector<16xi32>,
    %get3A_112 = vector.shape_cast %get3A_111 : vector<16xi32> to vector<16xi32>
    %sub3A_113 = vector.broadcast %mul3A_3 : i32 to vector<16xi32>
    %sub3A_114 = arith.subi %get3A_112, %sub3A_113 : vector<16xi32>
    %ge3A_115 = arith.constant 0 : i32
    %ge3A_116 = vector.broadcast %ge3A_115 : i32 to vector<16xi32>
    %ge3A_117 = arith.cmpi sge, %sub3A_114, %ge3A_116 : vector<16xi32>
    %lt3A_118 = arith.constant 512 : i32
    %lt3A_119 = vector.broadcast %lt3A_118 : i32 to vector<16xi32>
    %lt3A_120 = arith.cmpi slt, %sub3A_114, %lt3A_119 : vector<16xi32>
    %and3A_121 = arith.andi %ge3A_117, %lt3A_120 : vector<16xi1>
    %jit3A_122 = arith.constant 0 : i32
    %jit3A_123 = arith.constant 511 : i32
    %max3A_124 = vector.broadcast %jit3A_122 : i32 to vector<16xi32>
    %max3A_125 = arith.maxsi %max3A_124, %sub3A_114 : vector<16xi32>
    %min3A_126 = vector.broadcast %jit3A_123 : i32 to vector<16xi32>
    %min3A_127 = arith.minsi %min3A_126, %max3A_125 : vector<16xi32>
    %mul3A_128 = arith.constant 1024 : i32
    %mul3A_129 = vector.broadcast %mul3A_128 : i32 to vector<16xi32>
    %mul3A_130 = arith.muli %min3A_127, %mul3A_129 : vector<16xi32>
    %get3A_131 = arith.constant 48 : index
    %get3A_132 = tpu.vector_load %arg4[%get3A_131] {strides = array<i32>} : memref<1024xi32, #tpu.memory_space<vmem>>, vector<16xi32>,
    %get3A_133 = vector.shape_cast %get3A_132 : vector<16xi32> to vector<16xi32>
    %add3A_134 = arith.addi %mul3A_130, %get3A_133 : vector<16xi32>
    %swap3A_135 = arith.constant 0 : i32
    %swap3A_136 = arith.index_cast %swap3A_135 : i32 to index
    %swap3A_137 = arith.constant 48 : index
    %swap3A_138 = tpu.vector_load %arg6[%swap3A_136, %swap3A_137] {strides = array<i32>} : memref<8x128xi32, #tpu.memory_space<vmem>>, vector<1x16xi32>,
    %swap3A_139 = vector.shape_cast %swap3A_138 : vector<1x16xi32> to vector<16xi32>
    %swap3A_140 = vector.shape_cast %add3A_134 : vector<16xi32> to vector<1x16xi32>
    tpu.vector_store %arg6[%swap3A_136, %swap3A_137], %swap3A_140 {strides = array<i32>} : memref<8x128xi32, #tpu.memory_space<vmem>>, vector<1x16xi32>,
    %select_n3A_141 = arith.select %and3A_121, %broadcast_in_dim3A_4, %broadcast_in_dim3A_6 : vector<16xi1>, vector<16xf32>
    %swap3A_142 = arith.constant 0 : i32
    %swap3A_143 = arith.index_cast %swap3A_142 : i32 to index
    %swap3A_144 = arith.constant 48 : index
    %swap3A_145 = tpu.vector_load %arg7[%swap3A_143, %swap3A_144] {strides = array<i32>} : memref<8x128xf32, #tpu.memory_space<vmem>>, vector<1x16xf32>,
    %swap3A_146 = vector.shape_cast %swap3A_145 : vector<1x16xf32> to vector<16xf32>
    %swap3A_147 = vector.shape_cast %select_n3A_141 : vector<16xf32> to vector<1x16xf32>
    tpu.vector_store %arg7[%swap3A_143, %swap3A_144], %swap3A_147 {strides = array<i32>} : memref<8x128xf32, #tpu.memory_space<vmem>>, vector<1x16xf32>,
    %get3A_148 = arith.constant 64 : index
    %get3A_149 = tpu.vector_load %arg5[%get3A_148] {strides = array<i32>} : memref<1024xi32, #tpu.memory_space<vmem>>, vector<16xi32>,
    %get3A_150 = vector.shape_cast %get3A_149 : vector<16xi32> to vector<16xi32>
    %sub3A_151 = vector.broadcast %mul3A_3 : i32 to vector<16xi32>
    %sub3A_152 = arith.subi %get3A_150, %sub3A_151 : vector<16xi32>
    %ge3A_153 = arith.constant 0 : i32
    %ge3A_154 = vector.broadcast %ge3A_153 : i32 to vector<16xi32>
    %ge3A_155 = arith.cmpi sge, %sub3A_152, %ge3A_154 : vector<16xi32>
    %lt3A_156 = arith.constant 512 : i32
    %lt3A_157 = vector.broadcast %lt3A_156 : i32 to vector<16xi32>
    %lt3A_158 = arith.cmpi slt, %sub3A_152, %lt3A_157 : vector<16xi32>
    %and3A_159 = arith.andi %ge3A_155, %lt3A_158 : vector<16xi1>
    %jit3A_160 = arith.constant 0 : i32
    %jit3A_161 = arith.constant 511 : i32
    %max3A_162 = vector.broadcast %jit3A_160 : i32 to vector<16xi32>
    %max3A_163 = arith.maxsi %max3A_162, %sub3A_152 : vector<16xi32>
    %min3A_164 = vector.broadcast %jit3A_161 : i32 to vector<16xi32>
    %min3A_165 = arith.minsi %min3A_164, %max3A_163 : vector<16xi32>
    %mul3A_166 = arith.constant 1024 : i32
    %mul3A_167 = vector.broadcast %mul3A_166 : i32 to vector<16xi32>
    %mul3A_168 = arith.muli %min3A_165, %mul3A_167 : vector<16xi32>
    %get3A_169 = arith.constant 64 : index
    %get3A_170 = tpu.vector_load %arg4[%get3A_169] {strides = array<i32>} : memref<1024xi32, #tpu.memory_space<vmem>>, vector<16xi32>,
    %get3A_171 = vector.shape_cast %get3A_170 : vector<16xi32> to vector<16xi32>
    %add3A_172 = arith.addi %mul3A_168, %get3A_171 : vector<16xi32>
    %swap3A_173 = arith.constant 0 : i32
    %swap3A_174 = arith.index_cast %swap3A_173 : i32 to index
    %swap3A_175 = arith.constant 64 : index
    %swap3A_176 = tpu.vector_load %arg6[%swap3A_174, %swap3A_175] {strides = array<i32>} : memref<8x128xi32, #tpu.memory_space<vmem>>, vector<1x16xi32>,
    %swap3A_177 = vector.shape_cast %swap3A_176 : vector<1x16xi32> to vector<16xi32>
    %swap3A_178 = vector.shape_cast %add3A_172 : vector<16xi32> to vector<1x16xi32>
    tpu.vector_store %arg6[%swap3A_174, %swap3A_175], %swap3A_178 {strides = array<i32>} : memref<8x128xi32, #tpu.memory_space<vmem>>, vector<1x16xi32>,
    %select_n3A_179 = arith.select %and3A_159, %broadcast_in_dim3A_4, %broadcast_in_dim3A_6 : vector<16xi1>, vector<16xf32>
    %swap3A_180 = arith.constant 0 : i32
    %swap3A_181 = arith.index_cast %swap3A_180 : i32 to index
    %swap3A_182 = arith.constant 64 : index
    %swap3A_183 = tpu.vector_load %arg7[%swap3A_181, %swap3A_182] {strides = array<i32>} : memref<8x128xf32, #tpu.memory_space<vmem>>, vector<1x16xf32>,
    %swap3A_184 = vector.shape_cast %swap3A_183 : vector<1x16xf32> to vector<16xf32>
    %swap3A_185 = vector.shape_cast %select_n3A_179 : vector<16xf32> to vector<1x16xf32>
    tpu.vector_store %arg7[%swap3A_181, %swap3A_182], %swap3A_185 {strides = array<i32>} : memref<8x128xf32, #tpu.memory_space<vmem>>, vector<1x16xf32>,
    %get3A_186 = arith.constant 80 : index
    %get3A_187 = tpu.vector_load %arg5[%get3A_186] {strides = array<i32>} : memref<1024xi32, #tpu.memory_space<vmem>>, vector<16xi32>,
    %get3A_188 = vector.shape_cast %get3A_187 : vector<16xi32> to vector<16xi32>
    %sub3A_189 = vector.broadcast %mul3A_3 : i32 to vector<16xi32>
    %sub3A_190 = arith.subi %get3A_188, %sub3A_189 : vector<16xi32>
    %ge3A_191 = arith.constant 0 : i32
    %ge3A_192 = vector.broadcast %ge3A_191 : i32 to vector<16xi32>
    %ge3A_193 = arith.cmpi sge, %sub3A_190, %ge3A_192 : vector<16xi32>
    %lt3A_194 = arith.constant 512 : i32
    %lt3A_195 = vector.broadcast %lt3A_194 : i32 to vector<16xi32>
    %lt3A_196 = arith.cmpi slt, %sub3A_190, %lt3A_195 : vector<16xi32>
    %and3A_197 = arith.andi %ge3A_193, %lt3A_196 : vector<16xi1>
    %jit3A_198 = arith.constant 0 : i32
    %jit3A_199 = arith.constant 511 : i32
    %max3A_200 = vector.broadcast %jit3A_198 : i32 to vector<16xi32>
    %max3A_201 = arith.maxsi %max3A_200, %sub3A_190 : vector<16xi32>
    %min3A_202 = vector.broadcast %jit3A_199 : i32 to vector<16xi32>
    %min3A_203 = arith.minsi %min3A_202, %max3A_201 : vector<16xi32>
    %mul3A_204 = arith.constant 1024 : i32
    %mul3A_205 = vector.broadcast %mul3A_204 : i32 to vector<16xi32>
    %mul3A_206 = arith.muli %min3A_203, %mul3A_205 : vector<16xi32>
    %get3A_207 = arith.constant 80 : index
    %get3A_208 = tpu.vector_load %arg4[%get3A_207] {strides = array<i32>} : memref<1024xi32, #tpu.memory_space<vmem>>, vector<16xi32>,
    %get3A_209 = vector.shape_cast %get3A_208 : vector<16xi32> to vector<16xi32>
    %add3A_210 = arith.addi %mul3A_206, %get3A_209 : vector<16xi32>
    %swap3A_211 = arith.constant 0 : i32
    %swap3A_212 = arith.index_cast %swap3A_211 : i32 to index
    %swap3A_213 = arith.constant 80 : index
    %swap3A_214 = tpu.vector_load %arg6[%swap3A_212, %swap3A_213] {strides = array<i32>} : memref<8x128xi32, #tpu.memory_space<vmem>>, vector<1x16xi32>,
    %swap3A_215 = vector.shape_cast %swap3A_214 : vector<1x16xi32> to vector<16xi32>
    %swap3A_216 = vector.shape_cast %add3A_210 : vector<16xi32> to vector<1x16xi32>
    tpu.vector_store %arg6[%swap3A_212, %swap3A_213], %swap3A_216 {strides = array<i32>} : memref<8x128xi32, #tpu.memory_space<vmem>>, vector<1x16xi32>,
    %select_n3A_217 = arith.select %and3A_197, %broadcast_in_dim3A_4, %broadcast_in_dim3A_6 : vector<16xi1>, vector<16xf32>
    %swap3A_218 = arith.constant 0 : i32
    %swap3A_219 = arith.index_cast %swap3A_218 : i32 to index
    %swap3A_220 = arith.constant 80 : index
    %swap3A_221 = tpu.vector_load %arg7[%swap3A_219, %swap3A_220] {strides = array<i32>} : memref<8x128xf32, #tpu.memory_space<vmem>>, vector<1x16xf32>,
    %swap3A_222 = vector.shape_cast %swap3A_221 : vector<1x16xf32> to vector<16xf32>
    %swap3A_223 = vector.shape_cast %select_n3A_217 : vector<16xf32> to vector<1x16xf32>
    tpu.vector_store %arg7[%swap3A_219, %swap3A_220], %swap3A_223 {strides = array<i32>} : memref<8x128xf32, #tpu.memory_space<vmem>>, vector<1x16xf32>,
    %get3A_224 = arith.constant 96 : index
    %get3A_225 = tpu.vector_load %arg5[%get3A_224] {strides = array<i32>} : memref<1024xi32, #tpu.memory_space<vmem>>, vector<16xi32>,
    %get3A_226 = vector.shape_cast %get3A_225 : vector<16xi32> to vector<16xi32>
    %sub3A_227 = vector.broadcast %mul3A_3 : i32 to vector<16xi32>
    %sub3A_228 = arith.subi %get3A_226, %sub3A_227 : vector<16xi32>
    %ge3A_229 = arith.constant 0 : i32
    %ge3A_230 = vector.broadcast %ge3A_229 : i32 to vector<16xi32>
    %ge3A_231 = arith.cmpi sge, %sub3A_228, %ge3A_230 : vector<16xi32>
    %lt3A_232 = arith.constant 512 : i32
    %lt3A_233 = vector.broadcast %lt3A_232 : i32 to vector<16xi32>
    %lt3A_234 = arith.cmpi slt, %sub3A_228, %lt3A_233 : vector<16xi32>
    %and3A_235 = arith.andi %ge3A_231, %lt3A_234 : vector<16xi1>
    %jit3A_236 = arith.constant 0 : i32
    %jit3A_237 = arith.constant 511 : i32
    %max3A_238 = vector.broadcast %jit3A_236 : i32 to vector<16xi32>
    %max3A_239 = arith.maxsi %max3A_238, %sub3A_228 : vector<16xi32>
    %min3A_240 = vector.broadcast %jit3A_237 : i32 to vector<16xi32>
    %min3A_241 = arith.minsi %min3A_240, %max3A_239 : vector<16xi32>
    %mul3A_242 = arith.constant 1024 : i32
    %mul3A_243 = vector.broadcast %mul3A_242 : i32 to vector<16xi32>
    %mul3A_244 = arith.muli %min3A_241, %mul3A_243 : vector<16xi32>
    %get3A_245 = arith.constant 96 : index
    %get3A_246 = tpu.vector_load %arg4[%get3A_245] {strides = array<i32>} : memref<1024xi32, #tpu.memory_space<vmem>>, vector<16xi32>,
    %get3A_247 = vector.shape_cast %get3A_246 : vector<16xi32> to vector<16xi32>
    %add3A_248 = arith.addi %mul3A_244, %get3A_247 : vector<16xi32>
    %swap3A_249 = arith.constant 0 : i32
    %swap3A_250 = arith.index_cast %swap3A_249 : i32 to index
    %swap3A_251 = arith.constant 96 : index
    %swap3A_252 = tpu.vector_load %arg6[%swap3A_250, %swap3A_251] {strides = array<i32>} : memref<8x128xi32, #tpu.memory_space<vmem>>, vector<1x16xi32>,
    %swap3A_253 = vector.shape_cast %swap3A_252 : vector<1x16xi32> to vector<16xi32>
    %swap3A_254 = vector.shape_cast %add3A_248 : vector<16xi32> to vector<1x16xi32>
    tpu.vector_store %arg6[%swap3A_250, %swap3A_251], %swap3A_254 {strides = array<i32>} : memref<8x128xi32, #tpu.memory_space<vmem>>, vector<1x16xi32>,
    %select_n3A_255 = arith.select %and3A_235, %broadcast_in_dim3A_4, %broadcast_in_dim3A_6 : vector<16xi1>, vector<16xf32>
    %swap3A_256 = arith.constant 0 : i32
    %swap3A_257 = arith.index_cast %swap3A_256 : i32 to index
    %swap3A_258 = arith.constant 96 : index
    %swap3A_259 = tpu.vector_load %arg7[%swap3A_257, %swap3A_258] {strides = array<i32>} : memref<8x128xf32, #tpu.memory_space<vmem>>, vector<1x16xf32>,
    %swap3A_260 = vector.shape_cast %swap3A_259 : vector<1x16xf32> to vector<16xf32>
    %swap3A_261 = vector.shape_cast %select_n3A_255 : vector<16xf32> to vector<1x16xf32>
    tpu.vector_store %arg7[%swap3A_257, %swap3A_258], %swap3A_261 {strides = array<i32>} : memref<8x128xf32, #tpu.memory_space<vmem>>, vector<1x16xf32>,
    %get3A_262 = arith.constant 112 : index
    %get3A_263 = tpu.vector_load %arg5[%get3A_262] {strides = array<i32>} : memref<1024xi32, #tpu.memory_space<vmem>>, vector<16xi32>,
    %get3A_264 = vector.shape_cast %get3A_263 : vector<16xi32> to vector<16xi32>
    %sub3A_265 = vector.broadcast %mul3A_3 : i32 to vector<16xi32>
    %sub3A_266 = arith.subi %get3A_264, %sub3A_265 : vector<16xi32>
    %ge3A_267 = arith.constant 0 : i32
    %ge3A_268 = vector.broadcast %ge3A_267 : i32 to vector<16xi32>
    %ge3A_269 = arith.cmpi sge, %sub3A_266, %ge3A_268 : vector<16xi32>
    %lt3A_270 = arith.constant 512 : i32
    %lt3A_271 = vector.broadcast %lt3A_270 : i32 to vector<16xi32>
    %lt3A_272 = arith.cmpi slt, %sub3A_266, %lt3A_271 : vector<16xi32>
    %and3A_273 = arith.andi %ge3A_269, %lt3A_272 : vector<16xi1>
    %jit3A_274 = arith.constant 0 : i32
    %jit3A_275 = arith.constant 511 : i32
    %max3A_276 = vector.broadcast %jit3A_274 : i32 to vector<16xi32>
    %max3A_277 = arith.maxsi %max3A_276, %sub3A_266 : vector<16xi32>
    %min3A_278 = vector.broadcast %jit3A_275 : i32 to vector<16xi32>
    %min3A_279 = arith.minsi %min3A_278, %max3A_277 : vector<16xi32>
    %mul3A_280 = arith.constant 1024 : i32
    %mul3A_281 = vector.broadcast %mul3A_280 : i32 to vector<16xi32>
    %mul3A_282 = arith.muli %min3A_279, %mul3A_281 : vector<16xi32>
    %get3A_283 = arith.constant 112 : index
    %get3A_284 = tpu.vector_load %arg4[%get3A_283] {strides = array<i32>} : memref<1024xi32, #tpu.memory_space<vmem>>, vector<16xi32>,
    %get3A_285 = vector.shape_cast %get3A_284 : vector<16xi32> to vector<16xi32>
    %add3A_286 = arith.addi %mul3A_282, %get3A_285 : vector<16xi32>
    %swap3A_287 = arith.constant 0 : i32
    %swap3A_288 = arith.index_cast %swap3A_287 : i32 to index
    %swap3A_289 = arith.constant 112 : index
    %swap3A_290 = tpu.vector_load %arg6[%swap3A_288, %swap3A_289] {strides = array<i32>} : memref<8x128xi32, #tpu.memory_space<vmem>>, vector<1x16xi32>,
    %swap3A_291 = vector.shape_cast %swap3A_290 : vector<1x16xi32> to vector<16xi32>
    %swap3A_292 = vector.shape_cast %add3A_286 : vector<16xi32> to vector<1x16xi32>
    tpu.vector_store %arg6[%swap3A_288, %swap3A_289], %swap3A_292 {strides = array<i32>} : memref<8x128xi32, #tpu.memory_space<vmem>>, vector<1x16xi32>,
    %select_n3A_293 = arith.select %and3A_273, %broadcast_in_dim3A_4, %broadcast_in_dim3A_6 : vector<16xi1>, vector<16xf32>
    %swap3A_294 = arith.constant 0 : i32
    %swap3A_295 = arith.index_cast %swap3A_294 : i32 to index
    %swap3A_296 = arith.constant 112 : index
    %swap3A_297 = tpu.vector_load %arg7[%swap3A_295, %swap3A_296] {strides = array<i32>} : memref<8x128xf32, #tpu.memory_space<vmem>>, vector<1x16xf32>,
    %swap3A_298 = vector.shape_cast %swap3A_297 : vector<1x16xf32> to vector<16xf32>
    %swap3A_299 = vector.shape_cast %select_n3A_293 : vector<16xf32> to vector<1x16xf32>
    tpu.vector_store %arg7[%swap3A_295, %swap3A_296], %swap3A_299 {strides = array<i32>} : memref<8x128xf32, #tpu.memory_space<vmem>>, vector<1x16xf32>,
    %get3A_300 = arith.constant 128 : index
    %get3A_301 = tpu.vector_load %arg5[%get3A_300] {strides = array<i32>} : memref<1024xi32, #tpu.memory_space<vmem>>, vector<16xi32>,
    %get3A_302 = vector.shape_cast %get3A_301 : vector<16xi32> to vector<16xi32>
    %sub3A_303 = vector.broadcast %mul3A_3 : i32 to vector<16xi32>
    %sub3A_304 = arith.subi %get3A_302, %sub3A_303 : vector<16xi32>
    %ge3A_305 = arith.constant 0 : i32
    %ge3A_306 = vector.broadcast %ge3A_305 : i32 to vector<16xi32>
    %ge3A_307 = arith.cmpi sge, %sub3A_304, %ge3A_306 : vector<16xi32>
    %lt3A_308 = arith.constant 512 : i32
    %lt3A_309 = vector.broadcast %lt3A_308 : i32 to vector<16xi32>
    %lt3A_310 = arith.cmpi slt, %sub3A_304, %lt3A_309 : vector<16xi32>
    %and3A_311 = arith.andi %ge3A_307, %lt3A_310 : vector<16xi1>
    %jit3A_312 = arith.constant 0 : i32
    %jit3A_313 = arith.constant 511 : i32
    %max3A_314 = vector.broadcast %jit3A_312 : i32 to vector<16xi32>
    %max3A_315 = arith.maxsi %max3A_314, %sub3A_304 : vector<16xi32>
    %min3A_316 = vector.broadcast %jit3A_313 : i32 to vector<16xi32>
    %min3A_317 = arith.minsi %min3A_316, %max3A_315 : vector<16xi32>
    %mul3A_318 = arith.constant 1024 : i32
    %mul3A_319 = vector.broadcast %mul3A_318 : i32 to vector<16xi32>
    %mul3A_320 = arith.muli %min3A_317, %mul3A_319 : vector<16xi32>
    %get3A_321 = arith.constant 128 : index
    %get3A_322 = tpu.vector_load %arg4[%get3A_321] {strides = array<i32>} : memref<1024xi32, #tpu.memory_space<vmem>>, vector<16xi32>,
    %get3A_323 = vector.shape_cast %get3A_322 : vector<16xi32> to vector<16xi32>
    %add3A_324 = arith.addi %mul3A_320, %get3A_323 : vector<16xi32>
    %swap3A_325 = arith.constant 1 : i32
    %swap3A_326 = arith.index_cast %swap3A_325 : i32 to index
    %swap3A_327 = arith.constant 0 : index
    %swap3A_328 = tpu.vector_load %arg6[%swap3A_326, %swap3A_327] {strides = array<i32>} : memref<8x128xi32, #tpu.memory_space<vmem>>, vector<1x16xi32>,
    %swap3A_329 = vector.shape_cast %swap3A_328 : vector<1x16xi32> to vector<16xi32>
    %swap3A_330 = vector.shape_cast %add3A_324 : vector<16xi32> to vector<1x16xi32>
    tpu.vector_store %arg6[%swap3A_326, %swap3A_327], %swap3A_330 {strides = array<i32>} : memref<8x128xi32, #tpu.memory_space<vmem>>, vector<1x16xi32>,
    %select_n3A_331 = arith.select %and3A_311, %broadcast_in_dim3A_4, %broadcast_in_dim3A_6 : vector<16xi1>, vector<16xf32>
    %swap3A_332 = arith.constant 1 : i32
    %swap3A_333 = arith.index_cast %swap3A_332 : i32 to index
    %swap3A_334 = arith.constant 0 : index
    %swap3A_335 = tpu.vector_load %arg7[%swap3A_333, %swap3A_334] {strides = array<i32>} : memref<8x128xf32, #tpu.memory_space<vmem>>, vector<1x16xf32>,
    %swap3A_336 = vector.shape_cast %swap3A_335 : vector<1x16xf32> to vector<16xf32>
    %swap3A_337 = vector.shape_cast %select_n3A_331 : vector<16xf32> to vector<1x16xf32>
    tpu.vector_store %arg7[%swap3A_333, %swap3A_334], %swap3A_337 {strides = array<i32>} : memref<8x128xf32, #tpu.memory_space<vmem>>, vector<1x16xf32>,
    %get3A_338 = arith.constant 144 : index
    %get3A_339 = tpu.vector_load %arg5[%get3A_338] {strides = array<i32>} : memref<1024xi32, #tpu.memory_space<vmem>>, vector<16xi32>,
    %get3A_340 = vector.shape_cast %get3A_339 : vector<16xi32> to vector<16xi32>
    %sub3A_341 = vector.broadcast %mul3A_3 : i32 to vector<16xi32>
    %sub3A_342 = arith.subi %get3A_340, %sub3A_341 : vector<16xi32>
    %ge3A_343 = arith.constant 0 : i32
    %ge3A_344 = vector.broadcast %ge3A_343 : i32 to vector<16xi32>
    %ge3A_345 = arith.cmpi sge, %sub3A_342, %ge3A_344 : vector<16xi32>
    %lt3A_346 = arith.constant 512 : i32
    %lt3A_347 = vector.broadcast %lt3A_346 : i32 to vector<16xi32>
    %lt3A_348 = arith.cmpi slt, %sub3A_342, %lt3A_347 : vector<16xi32>
    %and3A_349 = arith.andi %ge3A_345, %lt3A_348 : vector<16xi1>
    %jit3A_350 = arith.constant 0 : i32
    %jit3A_351 = arith.constant 511 : i32
    %max3A_352 = vector.broadcast %jit3A_350 : i32 to vector<16xi32>
    %max3A_353 = arith.maxsi %max3A_352, %sub3A_342 : vector<16xi32>
    %min3A_354 = vector.broadcast %jit3A_351 : i32 to vector<16xi32>
    %min3A_355 = arith.minsi %min3A_354, %max3A_353 : vector<16xi32>
    %mul3A_356 = arith.constant 1024 : i32
    %mul3A_357 = vector.broadcast %mul3A_356 : i32 to vector<16xi32>
    %mul3A_358 = arith.muli %min3A_355, %mul3A_357 : vector<16xi32>
    %get3A_359 = arith.constant 144 : index
    %get3A_360 = tpu.vector_load %arg4[%get3A_359] {strides = array<i32>} : memref<1024xi32, #tpu.memory_space<vmem>>, vector<16xi32>,
    %get3A_361 = vector.shape_cast %get3A_360 : vector<16xi32> to vector<16xi32>
    %add3A_362 = arith.addi %mul3A_358, %get3A_361 : vector<16xi32>
    %swap3A_363 = arith.constant 1 : i32
    %swap3A_364 = arith.index_cast %swap3A_363 : i32 to index
    %swap3A_365 = arith.constant 16 : index
    %swap3A_366 = tpu.vector_load %arg6[%swap3A_364, %swap3A_365] {strides = array<i32>} : memref<8x128xi32, #tpu.memory_space<vmem>>, vector<1x16xi32>,
    %swap3A_367 = vector.shape_cast %swap3A_366 : vector<1x16xi32> to vector<16xi32>
    %swap3A_368 = vector.shape_cast %add3A_362 : vector<16xi32> to vector<1x16xi32>
    tpu.vector_store %arg6[%swap3A_364, %swap3A_365], %swap3A_368 {strides = array<i32>} : memref<8x128xi32, #tpu.memory_space<vmem>>, vector<1x16xi32>,
    %select_n3A_369 = arith.select %and3A_349, %broadcast_in_dim3A_4, %broadcast_in_dim3A_6 : vector<16xi1>, vector<16xf32>
    %swap3A_370 = arith.constant 1 : i32
    %swap3A_371 = arith.index_cast %swap3A_370 : i32 to index
    %swap3A_372 = arith.constant 16 : index
    %swap3A_373 = tpu.vector_load %arg7[%swap3A_371, %swap3A_372] {strides = array<i32>} : memref<8x128xf32, #tpu.memory_space<vmem>>, vector<1x16xf32>,
    %swap3A_374 = vector.shape_cast %swap3A_373 : vector<1x16xf32> to vector<16xf32>
    %swap3A_375 = vector.shape_cast %select_n3A_369 : vector<16xf32> to vector<1x16xf32>
    tpu.vector_store %arg7[%swap3A_371, %swap3A_372], %swap3A_375 {strides = array<i32>} : memref<8x128xf32, #tpu.memory_space<vmem>>, vector<1x16xf32>,
    %get3A_376 = arith.constant 160 : index
    %get3A_377 = tpu.vector_load %arg5[%get3A_376] {strides = array<i32>} : memref<1024xi32, #tpu.memory_space<vmem>>, vector<16xi32>,
    %get3A_378 = vector.shape_cast %get3A_377 : vector<16xi32> to vector<16xi32>
    %sub3A_379 = vector.broadcast %mul3A_3 : i32 to vector<16xi32>
    %sub3A_380 = arith.subi %get3A_378, %sub3A_379 : vector<16xi32>
    %ge3A_381 = arith.constant 0 : i32
    %ge3A_382 = vector.broadcast %ge3A_381 : i32 to vector<16xi32>
    %ge3A_383 = arith.cmpi sge, %sub3A_380, %ge3A_382 : vector<16xi32>
    %lt3A_384 = arith.constant 512 : i32
    %lt3A_385 = vector.broadcast %lt3A_384 : i32 to vector<16xi32>
    %lt3A_386 = arith.cmpi slt, %sub3A_380, %lt3A_385 : vector<16xi32>
    %and3A_387 = arith.andi %ge3A_383, %lt3A_386 : vector<16xi1>
    %jit3A_388 = arith.constant 0 : i32
    %jit3A_389 = arith.constant 511 : i32
    %max3A_390 = vector.broadcast %jit3A_388 : i32 to vector<16xi32>
    %max3A_391 = arith.maxsi %max3A_390, %sub3A_380 : vector<16xi32>
    %min3A_392 = vector.broadcast %jit3A_389 : i32 to vector<16xi32>
    %min3A_393 = arith.minsi %min3A_392, %max3A_391 : vector<16xi32>
    %mul3A_394 = arith.constant 1024 : i32
    %mul3A_395 = vector.broadcast %mul3A_394 : i32 to vector<16xi32>
    %mul3A_396 = arith.muli %min3A_393, %mul3A_395 : vector<16xi32>
    %get3A_397 = arith.constant 160 : index
    %get3A_398 = tpu.vector_load %arg4[%get3A_397] {strides = array<i32>} : memref<1024xi32, #tpu.memory_space<vmem>>, vector<16xi32>,
    %get3A_399 = vector.shape_cast %get3A_398 : vector<16xi32> to vector<16xi32>
    %add3A_400 = arith.addi %mul3A_396, %get3A_399 : vector<16xi32>
    %swap3A_401 = arith.constant 1 : i32
    %swap3A_402 = arith.index_cast %swap3A_401 : i32 to index
    %swap3A_403 = arith.constant 32 : index
    %swap3A_404 = tpu.vector_load %arg6[%swap3A_402, %swap3A_403] {strides = array<i32>} : memref<8x128xi32, #tpu.memory_space<vmem>>, vector<1x16xi32>,
    %swap3A_405 = vector.shape_cast %swap3A_404 : vector<1x16xi32> to vector<16xi32>
    %swap3A_406 = vector.shape_cast %add3A_400 : vector<16xi32> to vector<1x16xi32>
    tpu.vector_store %arg6[%swap3A_402, %swap3A_403], %swap3A_406 {strides = array<i32>} : memref<8x128xi32, #tpu.memory_space<vmem>>, vector<1x16xi32>,
    %select_n3A_407 = arith.select %and3A_387, %broadcast_in_dim3A_4, %broadcast_in_dim3A_6 : vector<16xi1>, vector<16xf32>
    %swap3A_408 = arith.constant 1 : i32
    %swap3A_409 = arith.index_cast %swap3A_408 : i32 to index
    %swap3A_410 = arith.constant 32 : index
    %swap3A_411 = tpu.vector_load %arg7[%swap3A_409, %swap3A_410] {strides = array<i32>} : memref<8x128xf32, #tpu.memory_space<vmem>>, vector<1x16xf32>,
    %swap3A_412 = vector.shape_cast %swap3A_411 : vector<1x16xf32> to vector<16xf32>
    %swap3A_413 = vector.shape_cast %select_n3A_407 : vector<16xf32> to vector<1x16xf32>
    tpu.vector_store %arg7[%swap3A_409, %swap3A_410], %swap3A_413 {strides = array<i32>} : memref<8x128xf32, #tpu.memory_space<vmem>>, vector<1x16xf32>,
    %get3A_414 = arith.constant 176 : index
    %get3A_415 = tpu.vector_load %arg5[%get3A_414] {strides = array<i32>} : memref<1024xi32, #tpu.memory_space<vmem>>, vector<16xi32>,
    %get3A_416 = vector.shape_cast %get3A_415 : vector<16xi32> to vector<16xi32>
    %sub3A_417 = vector.broadcast %mul3A_3 : i32 to vector<16xi32>
    %sub3A_418 = arith.subi %get3A_416, %sub3A_417 : vector<16xi32>
    %ge3A_419 = arith.constant 0 : i32
    %ge3A_420 = vector.broadcast %ge3A_419 : i32 to vector<16xi32>
    %ge3A_421 = arith.cmpi sge, %sub3A_418, %ge3A_420 : vector<16xi32>
    %lt3A_422 = arith.constant 512 : i32
    %lt3A_423 = vector.broadcast %lt3A_422 : i32 to vector<16xi32>
    %lt3A_424 = arith.cmpi slt, %sub3A_418, %lt3A_423 : vector<16xi32>
    %and3A_425 = arith.andi %ge3A_421, %lt3A_424 : vector<16xi1>
    %jit3A_426 = arith.constant 0 : i32
    %jit3A_427 = arith.constant 511 : i32
    %max3A_428 = vector.broadcast %jit3A_426 : i32 to vector<16xi32>
    %max3A_429 = arith.maxsi %max3A_428, %sub3A_418 : vector<16xi32>
    %min3A_430 = vector.broadcast %jit3A_427 : i32 to vector<16xi32>
    %min3A_431 = arith.minsi %min3A_430, %max3A_429 : vector<16xi32>
    %mul3A_432 = arith.constant 1024 : i32
    %mul3A_433 = vector.broadcast %mul3A_432 : i32 to vector<16xi32>
    %mul3A_434 = arith.muli %min3A_431, %mul3A_433 : vector<16xi32>
    %get3A_435 = arith.constant 176 : index
    %get3A_436 = tpu.vector_load %arg4[%get3A_435] {strides = array<i32>} : memref<1024xi32, #tpu.memory_space<vmem>>, vector<16xi32>,
    %get3A_437 = vector.shape_cast %get3A_436 : vector<16xi32> to vector<16xi32>
    %add3A_438 = arith.addi %mul3A_434, %get3A_437 : vector<16xi32>
    %swap3A_439 = arith.constant 1 : i32
    %swap3A_440 = arith.index_cast %swap3A_439 : i32 to index
    %swap3A_441 = arith.constant 48 : index
    %swap3A_442 = tpu.vector_load %arg6[%swap3A_440, %swap3A_441] {strides = array<i32>} : memref<8x128xi32, #tpu.memory_space<vmem>>, vector<1x16xi32>,
    %swap3A_443 = vector.shape_cast %swap3A_442 : vector<1x16xi32> to vector<16xi32>
    %swap3A_444 = vector.shape_cast %add3A_438 : vector<16xi32> to vector<1x16xi32>
    tpu.vector_store %arg6[%swap3A_440, %swap3A_441], %swap3A_444 {strides = array<i32>} : memref<8x128xi32, #tpu.memory_space<vmem>>, vector<1x16xi32>,
    %select_n3A_445 = arith.select %and3A_425, %broadcast_in_dim3A_4, %broadcast_in_dim3A_6 : vector<16xi1>, vector<16xf32>
    %swap3A_446 = arith.constant 1 : i32
    %swap3A_447 = arith.index_cast %swap3A_446 : i32 to index
    %swap3A_448 = arith.constant 48 : index
    %swap3A_449 = tpu.vector_load %arg7[%swap3A_447, %swap3A_448] {strides = array<i32>} : memref<8x128xf32, #tpu.memory_space<vmem>>, vector<1x16xf32>,
    %swap3A_450 = vector.shape_cast %swap3A_449 : vector<1x16xf32> to vector<16xf32>
    %swap3A_451 = vector.shape_cast %select_n3A_445 : vector<16xf32> to vector<1x16xf32>
    tpu.vector_store %arg7[%swap3A_447, %swap3A_448], %swap3A_451 {strides = array<i32>} : memref<8x128xf32, #tpu.memory_space<vmem>>, vector<1x16xf32>,
    %get3A_452 = arith.constant 192 : index
    %get3A_453 = tpu.vector_load %arg5[%get3A_452] {strides = array<i32>} : memref<1024xi32, #tpu.memory_space<vmem>>, vector<16xi32>,
    %get3A_454 = vector.shape_cast %get3A_453 : vector<16xi32> to vector<16xi32>
    %sub3A_455 = vector.broadcast %mul3A_3 : i32 to vector<16xi32>
    %sub3A_456 = arith.subi %get3A_454, %sub3A_455 : vector<16xi32>
    %ge3A_457 = arith.constant 0 : i32
    %ge3A_458 = vector.broadcast %ge3A_457 : i32 to vector<16xi32>
    %ge3A_459 = arith.cmpi sge, %sub3A_456, %ge3A_458 : vector<16xi32>
    %lt3A_460 = arith.constant 512 : i32
    %lt3A_461 = vector.broadcast %lt3A_460 : i32 to vector<16xi32>
    %lt3A_462 = arith.cmpi slt, %sub3A_456, %lt3A_461 : vector<16xi32>
    %and3A_463 = arith.andi %ge3A_459, %lt3A_462 : vector<16xi1>
    %jit3A_464 = arith.constant 0 : i32
    %jit3A_465 = arith.constant 511 : i32
    %max3A_466 = vector.broadcast %jit3A_464 : i32 to vector<16xi32>
    %max3A_467 = arith.maxsi %max3A_466, %sub3A_456 : vector<16xi32>
    %min3A_468 = vector.broadcast %jit3A_465 : i32 to vector<16xi32>
    %min3A_469 = arith.minsi %min3A_468, %max3A_467 : vector<16xi32>
    %mul3A_470 = arith.constant 1024 : i32
    %mul3A_471 = vector.broadcast %mul3A_470 : i32 to vector<16xi32>
    %mul3A_472 = arith.muli %min3A_469, %mul3A_471 : vector<16xi32>
    %get3A_473 = arith.constant 192 : index
    %get3A_474 = tpu.vector_load %arg4[%get3A_473] {strides = array<i32>} : memref<1024xi32, #tpu.memory_space<vmem>>, vector<16xi32>,
    %get3A_475 = vector.shape_cast %get3A_474 : vector<16xi32> to vector<16xi32>
    %add3A_476 = arith.addi %mul3A_472, %get3A_475 : vector<16xi32>
    %swap3A_477 = arith.constant 1 : i32
    %swap3A_478 = arith.index_cast %swap3A_477 : i32 to index
    %swap3A_479 = arith.constant 64 : index
    %swap3A_480 = tpu.vector_load %arg6[%swap3A_478, %swap3A_479] {strides = array<i32>} : memref<8x128xi32, #tpu.memory_space<vmem>>, vector<1x16xi32>,
    %swap3A_481 = vector.shape_cast %swap3A_480 : vector<1x16xi32> to vector<16xi32>
    %swap3A_482 = vector.shape_cast %add3A_476 : vector<16xi32> to vector<1x16xi32>
    tpu.vector_store %arg6[%swap3A_478, %swap3A_479], %swap3A_482 {strides = array<i32>} : memref<8x128xi32, #tpu.memory_space<vmem>>, vector<1x16xi32>,
    %select_n3A_483 = arith.select %and3A_463, %broadcast_in_dim3A_4, %broadcast_in_dim3A_6 : vector<16xi1>, vector<16xf32>
    %swap3A_484 = arith.constant 1 : i32
    %swap3A_485 = arith.index_cast %swap3A_484 : i32 to index
    %swap3A_486 = arith.constant 64 : index
    %swap3A_487 = tpu.vector_load %arg7[%swap3A_485, %swap3A_486] {strides = array<i32>} : memref<8x128xf32, #tpu.memory_space<vmem>>, vector<1x16xf32>,
    %swap3A_488 = vector.shape_cast %swap3A_487 : vector<1x16xf32> to vector<16xf32>
    %swap3A_489 = vector.shape_cast %select_n3A_483 : vector<16xf32> to vector<1x16xf32>
    tpu.vector_store %arg7[%swap3A_485, %swap3A_486], %swap3A_489 {strides = array<i32>} : memref<8x128xf32, #tpu.memory_space<vmem>>, vector<1x16xf32>,
    %get3A_490 = arith.constant 208 : index
    %get3A_491 = tpu.vector_load %arg5[%get3A_490] {strides = array<i32>} : memref<1024xi32, #tpu.memory_space<vmem>>, vector<16xi32>,
    %get3A_492 = vector.shape_cast %get3A_491 : vector<16xi32> to vector<16xi32>
    %sub3A_493 = vector.broadcast %mul3A_3 : i32 to vector<16xi32>
    %sub3A_494 = arith.subi %get3A_492, %sub3A_493 : vector<16xi32>
    %ge3A_495 = arith.constant 0 : i32
    %ge3A_496 = vector.broadcast %ge3A_495 : i32 to vector<16xi32>
    %ge3A_497 = arith.cmpi sge, %sub3A_494, %ge3A_496 : vector<16xi32>
    %lt3A_498 = arith.constant 512 : i32
    %lt3A_499 = vector.broadcast %lt3A_498 : i32 to vector<16xi32>
    %lt3A_500 = arith.cmpi slt, %sub3A_494, %lt3A_499 : vector<16xi32>
    %and3A_501 = arith.andi %ge3A_497, %lt3A_500 : vector<16xi1>
    %jit3A_502 = arith.constant 0 : i32
    %jit3A_503 = arith.constant 511 : i32
    %max3A_504 = vector.broadcast %jit3A_502 : i32 to vector<16xi32>
    %max3A_505 = arith.maxsi %max3A_504, %sub3A_494 : vector<16xi32>
    %min3A_506 = vector.broadcast %jit3A_503 : i32 to vector<16xi32>
    %min3A_507 = arith.minsi %min3A_506, %max3A_505 : vector<16xi32>
    %mul3A_508 = arith.constant 1024 : i32
    %mul3A_509 = vector.broadcast %mul3A_508 : i32 to vector<16xi32>
    %mul3A_510 = arith.muli %min3A_507, %mul3A_509 : vector<16xi32>
    %get3A_511 = arith.constant 208 : index
    %get3A_512 = tpu.vector_load %arg4[%get3A_511] {strides = array<i32>} : memref<1024xi32, #tpu.memory_space<vmem>>, vector<16xi32>,
    %get3A_513 = vector.shape_cast %get3A_512 : vector<16xi32> to vector<16xi32>
    %add3A_514 = arith.addi %mul3A_510, %get3A_513 : vector<16xi32>
    %swap3A_515 = arith.constant 1 : i32
    %swap3A_516 = arith.index_cast %swap3A_515 : i32 to index
    %swap3A_517 = arith.constant 80 : index
    %swap3A_518 = tpu.vector_load %arg6[%swap3A_516, %swap3A_517] {strides = array<i32>} : memref<8x128xi32, #tpu.memory_space<vmem>>, vector<1x16xi32>,
    %swap3A_519 = vector.shape_cast %swap3A_518 : vector<1x16xi32> to vector<16xi32>
    %swap3A_520 = vector.shape_cast %add3A_514 : vector<16xi32> to vector<1x16xi32>
    tpu.vector_store %arg6[%swap3A_516, %swap3A_517], %swap3A_520 {strides = array<i32>} : memref<8x128xi32, #tpu.memory_space<vmem>>, vector<1x16xi32>,
    %select_n3A_521 = arith.select %and3A_501, %broadcast_in_dim3A_4, %broadcast_in_dim3A_6 : vector<16xi1>, vector<16xf32>
    %swap3A_522 = arith.constant 1 : i32
    %swap3A_523 = arith.index_cast %swap3A_522 : i32 to index
    %swap3A_524 = arith.constant 80 : index
    %swap3A_525 = tpu.vector_load %arg7[%swap3A_523, %swap3A_524] {strides = array<i32>} : memref<8x128xf32, #tpu.memory_space<vmem>>, vector<1x16xf32>,
    %swap3A_526 = vector.shape_cast %swap3A_525 : vector<1x16xf32> to vector<16xf32>
    %swap3A_527 = vector.shape_cast %select_n3A_521 : vector<16xf32> to vector<1x16xf32>
    tpu.vector_store %arg7[%swap3A_523, %swap3A_524], %swap3A_527 {strides = array<i32>} : memref<8x128xf32, #tpu.memory_space<vmem>>, vector<1x16xf32>,
    %get3A_528 = arith.constant 224 : index
    %get3A_529 = tpu.vector_load %arg5[%get3A_528] {strides = array<i32>} : memref<1024xi32, #tpu.memory_space<vmem>>, vector<16xi32>,
    %get3A_530 = vector.shape_cast %get3A_529 : vector<16xi32> to vector<16xi32>
    %sub3A_531 = vector.broadcast %mul3A_3 : i32 to vector<16xi32>
    %sub3A_532 = arith.subi %get3A_530, %sub3A_531 : vector<16xi32>
    %ge3A_533 = arith.constant 0 : i32
    %ge3A_534 = vector.broadcast %ge3A_533 : i32 to vector<16xi32>
    %ge3A_535 = arith.cmpi sge, %sub3A_532, %ge3A_534 : vector<16xi32>
    %lt3A_536 = arith.constant 512 : i32
    %lt3A_537 = vector.broadcast %lt3A_536 : i32 to vector<16xi32>
    %lt3A_538 = arith.cmpi slt, %sub3A_532, %lt3A_537 : vector<16xi32>
    %and3A_539 = arith.andi %ge3A_535, %lt3A_538 : vector<16xi1>
    %jit3A_540 = arith.constant 0 : i32
    %jit3A_541 = arith.constant 511 : i32
    %max3A_542 = vector.broadcast %jit3A_540 : i32 to vector<16xi32>
    %max3A_543 = arith.maxsi %max3A_542, %sub3A_532 : vector<16xi32>
    %min3A_544 = vector.broadcast %jit3A_541 : i32 to vector<16xi32>
    %min3A_545 = arith.minsi %min3A_544, %max3A_543 : vector<16xi32>
    %mul3A_546 = arith.constant 1024 : i32
    %mul3A_547 = vector.broadcast %mul3A_546 : i32 to vector<16xi32>
    %mul3A_548 = arith.muli %min3A_545, %mul3A_547 : vector<16xi32>
    %get3A_549 = arith.constant 224 : index
    %get3A_550 = tpu.vector_load %arg4[%get3A_549] {strides = array<i32>} : memref<1024xi32, #tpu.memory_space<vmem>>, vector<16xi32>,
    %get3A_551 = vector.shape_cast %get3A_550 : vector<16xi32> to vector<16xi32>
    %add3A_552 = arith.addi %mul3A_548, %get3A_551 : vector<16xi32>
    %swap3A_553 = arith.constant 1 : i32
    %swap3A_554 = arith.index_cast %swap3A_553 : i32 to index
    %swap3A_555 = arith.constant 96 : index
    %swap3A_556 = tpu.vector_load %arg6[%swap3A_554, %swap3A_555] {strides = array<i32>} : memref<8x128xi32, #tpu.memory_space<vmem>>, vector<1x16xi32>,
    %swap3A_557 = vector.shape_cast %swap3A_556 : vector<1x16xi32> to vector<16xi32>
    %swap3A_558 = vector.shape_cast %add3A_552 : vector<16xi32> to vector<1x16xi32>
    tpu.vector_store %arg6[%swap3A_554, %swap3A_555], %swap3A_558 {strides = array<i32>} : memref<8x128xi32, #tpu.memory_space<vmem>>, vector<1x16xi32>,
    %select_n3A_559 = arith.select %and3A_539, %broadcast_in_dim3A_4, %broadcast_in_dim3A_6 : vector<16xi1>, vector<16xf32>
    %swap3A_560 = arith.constant 1 : i32
    %swap3A_561 = arith.index_cast %swap3A_560 : i32 to index
    %swap3A_562 = arith.constant 96 : index
    %swap3A_563 = tpu.vector_load %arg7[%swap3A_561, %swap3A_562] {strides = array<i32>} : memref<8x128xf32, #tpu.memory_space<vmem>>, vector<1x16xf32>,
    %swap3A_564 = vector.shape_cast %swap3A_563 : vector<1x16xf32> to vector<16xf32>
    %swap3A_565 = vector.shape_cast %select_n3A_559 : vector<16xf32> to vector<1x16xf32>
    tpu.vector_store %arg7[%swap3A_561, %swap3A_562], %swap3A_565 {strides = array<i32>} : memref<8x128xf32, #tpu.memory_space<vmem>>, vector<1x16xf32>,
    %get3A_566 = arith.constant 240 : index
    %get3A_567 = tpu.vector_load %arg5[%get3A_566] {strides = array<i32>} : memref<1024xi32, #tpu.memory_space<vmem>>, vector<16xi32>,
    %get3A_568 = vector.shape_cast %get3A_567 : vector<16xi32> to vector<16xi32>
    %sub3A_569 = vector.broadcast %mul3A_3 : i32 to vector<16xi32>
    %sub3A_570 = arith.subi %get3A_568, %sub3A_569 : vector<16xi32>
    %ge3A_571 = arith.constant 0 : i32
    %ge3A_572 = vector.broadcast %ge3A_571 : i32 to vector<16xi32>
    %ge3A_573 = arith.cmpi sge, %sub3A_570, %ge3A_572 : vector<16xi32>
    %lt3A_574 = arith.constant 512 : i32
    %lt3A_575 = vector.broadcast %lt3A_574 : i32 to vector<16xi32>
    %lt3A_576 = arith.cmpi slt, %sub3A_570, %lt3A_575 : vector<16xi32>
    %and3A_577 = arith.andi %ge3A_573, %lt3A_576 : vector<16xi1>
    %jit3A_578 = arith.constant 0 : i32
    %jit3A_579 = arith.constant 511 : i32
    %max3A_580 = vector.broadcast %jit3A_578 : i32 to vector<16xi32>
    %max3A_581 = arith.maxsi %max3A_580, %sub3A_570 : vector<16xi32>
    %min3A_582 = vector.broadcast %jit3A_579 : i32 to vector<16xi32>
    %min3A_583 = arith.minsi %min3A_582, %max3A_581 : vector<16xi32>
    %mul3A_584 = arith.constant 1024 : i32
    %mul3A_585 = vector.broadcast %mul3A_584 : i32 to vector<16xi32>
    %mul3A_586 = arith.muli %min3A_583, %mul3A_585 : vector<16xi32>
    %get3A_587 = arith.constant 240 : index
    %get3A_588 = tpu.vector_load %arg4[%get3A_587] {strides = array<i32>} : memref<1024xi32, #tpu.memory_space<vmem>>, vector<16xi32>,
    %get3A_589 = vector.shape_cast %get3A_588 : vector<16xi32> to vector<16xi32>
    %add3A_590 = arith.addi %mul3A_586, %get3A_589 : vector<16xi32>
    %swap3A_591 = arith.constant 1 : i32
    %swap3A_592 = arith.index_cast %swap3A_591 : i32 to index
    %swap3A_593 = arith.constant 112 : index
    %swap3A_594 = tpu.vector_load %arg6[%swap3A_592, %swap3A_593] {strides = array<i32>} : memref<8x128xi32, #tpu.memory_space<vmem>>, vector<1x16xi32>,
    %swap3A_595 = vector.shape_cast %swap3A_594 : vector<1x16xi32> to vector<16xi32>
    %swap3A_596 = vector.shape_cast %add3A_590 : vector<16xi32> to vector<1x16xi32>
    tpu.vector_store %arg6[%swap3A_592, %swap3A_593], %swap3A_596 {strides = array<i32>} : memref<8x128xi32, #tpu.memory_space<vmem>>, vector<1x16xi32>,
    %select_n3A_597 = arith.select %and3A_577, %broadcast_in_dim3A_4, %broadcast_in_dim3A_6 : vector<16xi1>, vector<16xf32>
    %swap3A_598 = arith.constant 1 : i32
    %swap3A_599 = arith.index_cast %swap3A_598 : i32 to index
    %swap3A_600 = arith.constant 112 : index
    %swap3A_601 = tpu.vector_load %arg7[%swap3A_599, %swap3A_600] {strides = array<i32>} : memref<8x128xf32, #tpu.memory_space<vmem>>, vector<1x16xf32>,
    %swap3A_602 = vector.shape_cast %swap3A_601 : vector<1x16xf32> to vector<16xf32>
    %swap3A_603 = vector.shape_cast %select_n3A_597 : vector<16xf32> to vector<1x16xf32>
    tpu.vector_store %arg7[%swap3A_599, %swap3A_600], %swap3A_603 {strides = array<i32>} : memref<8x128xf32, #tpu.memory_space<vmem>>, vector<1x16xf32>,
    %get3A_604 = arith.constant 256 : index
    %get3A_605 = tpu.vector_load %arg5[%get3A_604] {strides = array<i32>} : memref<1024xi32, #tpu.memory_space<vmem>>, vector<16xi32>,
    %get3A_606 = vector.shape_cast %get3A_605 : vector<16xi32> to vector<16xi32>
    %sub3A_607 = vector.broadcast %mul3A_3 : i32 to vector<16xi32>
    %sub3A_608 = arith.subi %get3A_606, %sub3A_607 : vector<16xi32>
    %ge3A_609 = arith.constant 0 : i32
    %ge3A_610 = vector.broadcast %ge3A_609 : i32 to vector<16xi32>
    %ge3A_611 = arith.cmpi sge, %sub3A_608, %ge3A_610 : vector<16xi32>
    %lt3A_612 = arith.constant 512 : i32
    %lt3A_613 = vector.broadcast %lt3A_612 : i32 to vector<16xi32>
    %lt3A_614 = arith.cmpi slt, %sub3A_608, %lt3A_613 : vector<16xi32>
    %and3A_615 = arith.andi %ge3A_611, %lt3A_614 : vector<16xi1>
    %jit3A_616 = arith.constant 0 : i32
    %jit3A_617 = arith.constant 511 : i32
    %max3A_618 = vector.broadcast %jit3A_616 : i32 to vector<16xi32>
    %max3A_619 = arith.maxsi %max3A_618, %sub3A_608 : vector<16xi32>
    %min3A_620 = vector.broadcast %jit3A_617 : i32 to vector<16xi32>
    %min3A_621 = arith.minsi %min3A_620, %max3A_619 : vector<16xi32>
    %mul3A_622 = arith.constant 1024 : i32
    %mul3A_623 = vector.broadcast %mul3A_622 : i32 to vector<16xi32>
    %mul3A_624 = arith.muli %min3A_621, %mul3A_623 : vector<16xi32>
    %get3A_625 = arith.constant 256 : index
    %get3A_626 = tpu.vector_load %arg4[%get3A_625] {strides = array<i32>} : memref<1024xi32, #tpu.memory_space<vmem>>, vector<16xi32>,
    %get3A_627 = vector.shape_cast %get3A_626 : vector<16xi32> to vector<16xi32>
    %add3A_628 = arith.addi %mul3A_624, %get3A_627 : vector<16xi32>
    %swap3A_629 = arith.constant 2 : i32
    %swap3A_630 = arith.index_cast %swap3A_629 : i32 to index
    %swap3A_631 = arith.constant 0 : index
    %swap3A_632 = tpu.vector_load %arg6[%swap3A_630, %swap3A_631] {strides = array<i32>} : memref<8x128xi32, #tpu.memory_space<vmem>>, vector<1x16xi32>,
    %swap3A_633 = vector.shape_cast %swap3A_632 : vector<1x16xi32> to vector<16xi32>
    %swap3A_634 = vector.shape_cast %add3A_628 : vector<16xi32> to vector<1x16xi32>
    tpu.vector_store %arg6[%swap3A_630, %swap3A_631], %swap3A_634 {strides = array<i32>} : memref<8x128xi32, #tpu.memory_space<vmem>>, vector<1x16xi32>,
    %select_n3A_635 = arith.select %and3A_615, %broadcast_in_dim3A_4, %broadcast_in_dim3A_6 : vector<16xi1>, vector<16xf32>
    %swap3A_636 = arith.constant 2 : i32
    %swap3A_637 = arith.index_cast %swap3A_636 : i32 to index
    %swap3A_638 = arith.constant 0 : index
    %swap3A_639 = tpu.vector_load %arg7[%swap3A_637, %swap3A_638] {strides = array<i32>} : memref<8x128xf32, #tpu.memory_space<vmem>>, vector<1x16xf32>,
    %swap3A_640 = vector.shape_cast %swap3A_639 : vector<1x16xf32> to vector<16xf32>
    %swap3A_641 = vector.shape_cast %select_n3A_635 : vector<16xf32> to vector<1x16xf32>
    tpu.vector_store %arg7[%swap3A_637, %swap3A_638], %swap3A_641 {strides = array<i32>} : memref<8x128xf32, #tpu.memory_space<vmem>>, vector<1x16xf32>,
    %get3A_642 = arith.constant 272 : index
    %get3A_643 = tpu.vector_load %arg5[%get3A_642] {strides = array<i32>} : memref<1024xi32, #tpu.memory_space<vmem>>, vector<16xi32>,
    %get3A_644 = vector.shape_cast %get3A_643 : vector<16xi32> to vector<16xi32>
    %sub3A_645 = vector.broadcast %mul3A_3 : i32 to vector<16xi32>
    %sub3A_646 = arith.subi %get3A_644, %sub3A_645 : vector<16xi32>
    %ge3A_647 = arith.constant 0 : i32
    %ge3A_648 = vector.broadcast %ge3A_647 : i32 to vector<16xi32>
    %ge3A_649 = arith.cmpi sge, %sub3A_646, %ge3A_648 : vector<16xi32>
    %lt3A_650 = arith.constant 512 : i32
    %lt3A_651 = vector.broadcast %lt3A_650 : i32 to vector<16xi32>
    %lt3A_652 = arith.cmpi slt, %sub3A_646, %lt3A_651 : vector<16xi32>
    %and3A_653 = arith.andi %ge3A_649, %lt3A_652 : vector<16xi1>
    %jit3A_654 = arith.constant 0 : i32
    %jit3A_655 = arith.constant 511 : i32
    %max3A_656 = vector.broadcast %jit3A_654 : i32 to vector<16xi32>
    %max3A_657 = arith.maxsi %max3A_656, %sub3A_646 : vector<16xi32>
    %min3A_658 = vector.broadcast %jit3A_655 : i32 to vector<16xi32>
    %min3A_659 = arith.minsi %min3A_658, %max3A_657 : vector<16xi32>
    %mul3A_660 = arith.constant 1024 : i32
    %mul3A_661 = vector.broadcast %mul3A_660 : i32 to vector<16xi32>
    %mul3A_662 = arith.muli %min3A_659, %mul3A_661 : vector<16xi32>
    %get3A_663 = arith.constant 272 : index
    %get3A_664 = tpu.vector_load %arg4[%get3A_663] {strides = array<i32>} : memref<1024xi32, #tpu.memory_space<vmem>>, vector<16xi32>,
    %get3A_665 = vector.shape_cast %get3A_664 : vector<16xi32> to vector<16xi32>
    %add3A_666 = arith.addi %mul3A_662, %get3A_665 : vector<16xi32>
    %swap3A_667 = arith.constant 2 : i32
    %swap3A_668 = arith.index_cast %swap3A_667 : i32 to index
    %swap3A_669 = arith.constant 16 : index
    %swap3A_670 = tpu.vector_load %arg6[%swap3A_668, %swap3A_669] {strides = array<i32>} : memref<8x128xi32, #tpu.memory_space<vmem>>, vector<1x16xi32>,
    %swap3A_671 = vector.shape_cast %swap3A_670 : vector<1x16xi32> to vector<16xi32>
    %swap3A_672 = vector.shape_cast %add3A_666 : vector<16xi32> to vector<1x16xi32>
    tpu.vector_store %arg6[%swap3A_668, %swap3A_669], %swap3A_672 {strides = array<i32>} : memref<8x128xi32, #tpu.memory_space<vmem>>, vector<1x16xi32>,
    %select_n3A_673 = arith.select %and3A_653, %broadcast_in_dim3A_4, %broadcast_in_dim3A_6 : vector<16xi1>, vector<16xf32>
    %swap3A_674 = arith.constant 2 : i32
    %swap3A_675 = arith.index_cast %swap3A_674 : i32 to index
    %swap3A_676 = arith.constant 16 : index
    %swap3A_677 = tpu.vector_load %arg7[%swap3A_675, %swap3A_676] {strides = array<i32>} : memref<8x128xf32, #tpu.memory_space<vmem>>, vector<1x16xf32>,
    %swap3A_678 = vector.shape_cast %swap3A_677 : vector<1x16xf32> to vector<16xf32>
    %swap3A_679 = vector.shape_cast %select_n3A_673 : vector<16xf32> to vector<1x16xf32>
    tpu.vector_store %arg7[%swap3A_675, %swap3A_676], %swap3A_679 {strides = array<i32>} : memref<8x128xf32, #tpu.memory_space<vmem>>, vector<1x16xf32>,
    %get3A_680 = arith.constant 288 : index
    %get3A_681 = tpu.vector_load %arg5[%get3A_680] {strides = array<i32>} : memref<1024xi32, #tpu.memory_space<vmem>>, vector<16xi32>,
    %get3A_682 = vector.shape_cast %get3A_681 : vector<16xi32> to vector<16xi32>
    %sub3A_683 = vector.broadcast %mul3A_3 : i32 to vector<16xi32>
    %sub3A_684 = arith.subi %get3A_682, %sub3A_683 : vector<16xi32>
    %ge3A_685 = arith.constant 0 : i32
    %ge3A_686 = vector.broadcast %ge3A_685 : i32 to vector<16xi32>
    %ge3A_687 = arith.cmpi sge, %sub3A_684, %ge3A_686 : vector<16xi32>
    %lt3A_688 = arith.constant 512 : i32
    %lt3A_689 = vector.broadcast %lt3A_688 : i32 to vector<16xi32>
    %lt3A_690 = arith.cmpi slt, %sub3A_684, %lt3A_689 : vector<16xi32>
    %and3A_691 = arith.andi %ge3A_687, %lt3A_690 : vector<16xi1>
    %jit3A_692 = arith.constant 0 : i32
    %jit3A_693 = arith.constant 511 : i32
    %max3A_694 = vector.broadcast %jit3A_692 : i32 to vector<16xi32>
    %max3A_695 = arith.maxsi %max3A_694, %sub3A_684 : vector<16xi32>
    %min3A_696 = vector.broadcast %jit3A_693 : i32 to vector<16xi32>
    %min3A_697 = arith.minsi %min3A_696, %max3A_695 : vector<16xi32>
    %mul3A_698 = arith.constant 1024 : i32
    %mul3A_699 = vector.broadcast %mul3A_698 : i32 to vector<16xi32>
    %mul3A_700 = arith.muli %min3A_697, %mul3A_699 : vector<16xi32>
    %get3A_701 = arith.constant 288 : index
    %get3A_702 = tpu.vector_load %arg4[%get3A_701] {strides = array<i32>} : memref<1024xi32, #tpu.memory_space<vmem>>, vector<16xi32>,
    %get3A_703 = vector.shape_cast %get3A_702 : vector<16xi32> to vector<16xi32>
    %add3A_704 = arith.addi %mul3A_700, %get3A_703 : vector<16xi32>
    %swap3A_705 = arith.constant 2 : i32
    %swap3A_706 = arith.index_cast %swap3A_705 : i32 to index
    %swap3A_707 = arith.constant 32 : index
    %swap3A_708 = tpu.vector_load %arg6[%swap3A_706, %swap3A_707] {strides = array<i32>} : memref<8x128xi32, #tpu.memory_space<vmem>>, vector<1x16xi32>,
    %swap3A_709 = vector.shape_cast %swap3A_708 : vector<1x16xi32> to vector<16xi32>
    %swap3A_710 = vector.shape_cast %add3A_704 : vector<16xi32> to vector<1x16xi32>
    tpu.vector_store %arg6[%swap3A_706, %swap3A_707], %swap3A_710 {strides = array<i32>} : memref<8x128xi32, #tpu.memory_space<vmem>>, vector<1x16xi32>,
    %select_n3A_711 = arith.select %and3A_691, %broadcast_in_dim3A_4, %broadcast_in_dim3A_6 : vector<16xi1>, vector<16xf32>
    %swap3A_712 = arith.constant 2 : i32
    %swap3A_713 = arith.index_cast %swap3A_712 : i32 to index
    %swap3A_714 = arith.constant 32 : index
    %swap3A_715 = tpu.vector_load %arg7[%swap3A_713, %swap3A_714] {strides = array<i32>} : memref<8x128xf32, #tpu.memory_space<vmem>>, vector<1x16xf32>,
    %swap3A_716 = vector.shape_cast %swap3A_715 : vector<1x16xf32> to vector<16xf32>
    %swap3A_717 = vector.shape_cast %select_n3A_711 : vector<16xf32> to vector<1x16xf32>
    tpu.vector_store %arg7[%swap3A_713, %swap3A_714], %swap3A_717 {strides = array<i32>} : memref<8x128xf32, #tpu.memory_space<vmem>>, vector<1x16xf32>,
    %get3A_718 = arith.constant 304 : index
    %get3A_719 = tpu.vector_load %arg5[%get3A_718] {strides = array<i32>} : memref<1024xi32, #tpu.memory_space<vmem>>, vector<16xi32>,
    %get3A_720 = vector.shape_cast %get3A_719 : vector<16xi32> to vector<16xi32>
    %sub3A_721 = vector.broadcast %mul3A_3 : i32 to vector<16xi32>
    %sub3A_722 = arith.subi %get3A_720, %sub3A_721 : vector<16xi32>
    %ge3A_723 = arith.constant 0 : i32
    %ge3A_724 = vector.broadcast %ge3A_723 : i32 to vector<16xi32>
    %ge3A_725 = arith.cmpi sge, %sub3A_722, %ge3A_724 : vector<16xi32>
    %lt3A_726 = arith.constant 512 : i32
    %lt3A_727 = vector.broadcast %lt3A_726 : i32 to vector<16xi32>
    %lt3A_728 = arith.cmpi slt, %sub3A_722, %lt3A_727 : vector<16xi32>
    %and3A_729 = arith.andi %ge3A_725, %lt3A_728 : vector<16xi1>
    %jit3A_730 = arith.constant 0 : i32
    %jit3A_731 = arith.constant 511 : i32
    %max3A_732 = vector.broadcast %jit3A_730 : i32 to vector<16xi32>
    %max3A_733 = arith.maxsi %max3A_732, %sub3A_722 : vector<16xi32>
    %min3A_734 = vector.broadcast %jit3A_731 : i32 to vector<16xi32>
    %min3A_735 = arith.minsi %min3A_734, %max3A_733 : vector<16xi32>
    %mul3A_736 = arith.constant 1024 : i32
    %mul3A_737 = vector.broadcast %mul3A_736 : i32 to vector<16xi32>
    %mul3A_738 = arith.muli %min3A_735, %mul3A_737 : vector<16xi32>
    %get3A_739 = arith.constant 304 : index
    %get3A_740 = tpu.vector_load %arg4[%get3A_739] {strides = array<i32>} : memref<1024xi32, #tpu.memory_space<vmem>>, vector<16xi32>,
    %get3A_741 = vector.shape_cast %get3A_740 : vector<16xi32> to vector<16xi32>
    %add3A_742 = arith.addi %mul3A_738, %get3A_741 : vector<16xi32>
    %swap3A_743 = arith.constant 2 : i32
    %swap3A_744 = arith.index_cast %swap3A_743 : i32 to index
    %swap3A_745 = arith.constant 48 : index
    %swap3A_746 = tpu.vector_load %arg6[%swap3A_744, %swap3A_745] {strides = array<i32>} : memref<8x128xi32, #tpu.memory_space<vmem>>, vector<1x16xi32>,
    %swap3A_747 = vector.shape_cast %swap3A_746 : vector<1x16xi32> to vector<16xi32>
    %swap3A_748 = vector.shape_cast %add3A_742 : vector<16xi32> to vector<1x16xi32>
    tpu.vector_store %arg6[%swap3A_744, %swap3A_745], %swap3A_748 {strides = array<i32>} : memref<8x128xi32, #tpu.memory_space<vmem>>, vector<1x16xi32>,
    %select_n3A_749 = arith.select %and3A_729, %broadcast_in_dim3A_4, %broadcast_in_dim3A_6 : vector<16xi1>, vector<16xf32>
    %swap3A_750 = arith.constant 2 : i32
    %swap3A_751 = arith.index_cast %swap3A_750 : i32 to index
    %swap3A_752 = arith.constant 48 : index
    %swap3A_753 = tpu.vector_load %arg7[%swap3A_751, %swap3A_752] {strides = array<i32>} : memref<8x128xf32, #tpu.memory_space<vmem>>, vector<1x16xf32>,
    %swap3A_754 = vector.shape_cast %swap3A_753 : vector<1x16xf32> to vector<16xf32>
    %swap3A_755 = vector.shape_cast %select_n3A_749 : vector<16xf32> to vector<1x16xf32>
    tpu.vector_store %arg7[%swap3A_751, %swap3A_752], %swap3A_755 {strides = array<i32>} : memref<8x128xf32, #tpu.memory_space<vmem>>, vector<1x16xf32>,
    %get3A_756 = arith.constant 320 : index
    %get3A_757 = tpu.vector_load %arg5[%get3A_756] {strides = array<i32>} : memref<1024xi32, #tpu.memory_space<vmem>>, vector<16xi32>,
    %get3A_758 = vector.shape_cast %get3A_757 : vector<16xi32> to vector<16xi32>
    %sub3A_759 = vector.broadcast %mul3A_3 : i32 to vector<16xi32>
    %sub3A_760 = arith.subi %get3A_758, %sub3A_759 : vector<16xi32>
    %ge3A_761 = arith.constant 0 : i32
    %ge3A_762 = vector.broadcast %ge3A_761 : i32 to vector<16xi32>
    %ge3A_763 = arith.cmpi sge, %sub3A_760, %ge3A_762 : vector<16xi32>
    %lt3A_764 = arith.constant 512 : i32
    %lt3A_765 = vector.broadcast %lt3A_764 : i32 to vector<16xi32>
    %lt3A_766 = arith.cmpi slt, %sub3A_760, %lt3A_765 : vector<16xi32>
    %and3A_767 = arith.andi %ge3A_763, %lt3A_766 : vector<16xi1>
    %jit3A_768 = arith.constant 0 : i32
    %jit3A_769 = arith.constant 511 : i32
    %max3A_770 = vector.broadcast %jit3A_768 : i32 to vector<16xi32>
    %max3A_771 = arith.maxsi %max3A_770, %sub3A_760 : vector<16xi32>
    %min3A_772 = vector.broadcast %jit3A_769 : i32 to vector<16xi32>
    %min3A_773 = arith.minsi %min3A_772, %max3A_771 : vector<16xi32>
    %mul3A_774 = arith.constant 1024 : i32
    %mul3A_775 = vector.broadcast %mul3A_774 : i32 to vector<16xi32>
    %mul3A_776 = arith.muli %min3A_773, %mul3A_775 : vector<16xi32>
    %get3A_777 = arith.constant 320 : index
    %get3A_778 = tpu.vector_load %arg4[%get3A_777] {strides = array<i32>} : memref<1024xi32, #tpu.memory_space<vmem>>, vector<16xi32>,
    %get3A_779 = vector.shape_cast %get3A_778 : vector<16xi32> to vector<16xi32>
    %add3A_780 = arith.addi %mul3A_776, %get3A_779 : vector<16xi32>
    %swap3A_781 = arith.constant 2 : i32
    %swap3A_782 = arith.index_cast %swap3A_781 : i32 to index
    %swap3A_783 = arith.constant 64 : index
    %swap3A_784 = tpu.vector_load %arg6[%swap3A_782, %swap3A_783] {strides = array<i32>} : memref<8x128xi32, #tpu.memory_space<vmem>>, vector<1x16xi32>,
    %swap3A_785 = vector.shape_cast %swap3A_784 : vector<1x16xi32> to vector<16xi32>
    %swap3A_786 = vector.shape_cast %add3A_780 : vector<16xi32> to vector<1x16xi32>
    tpu.vector_store %arg6[%swap3A_782, %swap3A_783], %swap3A_786 {strides = array<i32>} : memref<8x128xi32, #tpu.memory_space<vmem>>, vector<1x16xi32>,
    %select_n3A_787 = arith.select %and3A_767, %broadcast_in_dim3A_4, %broadcast_in_dim3A_6 : vector<16xi1>, vector<16xf32>
    %swap3A_788 = arith.constant 2 : i32
    %swap3A_789 = arith.index_cast %swap3A_788 : i32 to index
    %swap3A_790 = arith.constant 64 : index
    %swap3A_791 = tpu.vector_load %arg7[%swap3A_789, %swap3A_790] {strides = array<i32>} : memref<8x128xf32, #tpu.memory_space<vmem>>, vector<1x16xf32>,
    %swap3A_792 = vector.shape_cast %swap3A_791 : vector<1x16xf32> to vector<16xf32>
    %swap3A_793 = vector.shape_cast %select_n3A_787 : vector<16xf32> to vector<1x16xf32>
    tpu.vector_store %arg7[%swap3A_789, %swap3A_790], %swap3A_793 {strides = array<i32>} : memref<8x128xf32, #tpu.memory_space<vmem>>, vector<1x16xf32>,
    %get3A_794 = arith.constant 336 : index
    %get3A_795 = tpu.vector_load %arg5[%get3A_794] {strides = array<i32>} : memref<1024xi32, #tpu.memory_space<vmem>>, vector<16xi32>,
    %get3A_796 = vector.shape_cast %get3A_795 : vector<16xi32> to vector<16xi32>
    %sub3A_797 = vector.broadcast %mul3A_3 : i32 to vector<16xi32>
    %sub3A_798 = arith.subi %get3A_796, %sub3A_797 : vector<16xi32>
    %ge3A_799 = arith.constant 0 : i32
    %ge3A_800 = vector.broadcast %ge3A_799 : i32 to vector<16xi32>
    %ge3A_801 = arith.cmpi sge, %sub3A_798, %ge3A_800 : vector<16xi32>
    %lt3A_802 = arith.constant 512 : i32
    %lt3A_803 = vector.broadcast %lt3A_802 : i32 to vector<16xi32>
    %lt3A_804 = arith.cmpi slt, %sub3A_798, %lt3A_803 : vector<16xi32>
    %and3A_805 = arith.andi %ge3A_801, %lt3A_804 : vector<16xi1>
    %jit3A_806 = arith.constant 0 : i32
    %jit3A_807 = arith.constant 511 : i32
    %max3A_808 = vector.broadcast %jit3A_806 : i32 to vector<16xi32>
    %max3A_809 = arith.maxsi %max3A_808, %sub3A_798 : vector<16xi32>
    %min3A_810 = vector.broadcast %jit3A_807 : i32 to vector<16xi32>
    %min3A_811 = arith.minsi %min3A_810, %max3A_809 : vector<16xi32>
    %mul3A_812 = arith.constant 1024 : i32
    %mul3A_813 = vector.broadcast %mul3A_812 : i32 to vector<16xi32>
    %mul3A_814 = arith.muli %min3A_811, %mul3A_813 : vector<16xi32>
    %get3A_815 = arith.constant 336 : index
    %get3A_816 = tpu.vector_load %arg4[%get3A_815] {strides = array<i32>} : memref<1024xi32, #tpu.memory_space<vmem>>, vector<16xi32>,
    %get3A_817 = vector.shape_cast %get3A_816 : vector<16xi32> to vector<16xi32>
    %add3A_818 = arith.addi %mul3A_814, %get3A_817 : vector<16xi32>
    %swap3A_819 = arith.constant 2 : i32
    %swap3A_820 = arith.index_cast %swap3A_819 : i32 to index
    %swap3A_821 = arith.constant 80 : index
    %swap3A_822 = tpu.vector_load %arg6[%swap3A_820, %swap3A_821] {strides = array<i32>} : memref<8x128xi32, #tpu.memory_space<vmem>>, vector<1x16xi32>,
    %swap3A_823 = vector.shape_cast %swap3A_822 : vector<1x16xi32> to vector<16xi32>
    %swap3A_824 = vector.shape_cast %add3A_818 : vector<16xi32> to vector<1x16xi32>
    tpu.vector_store %arg6[%swap3A_820, %swap3A_821], %swap3A_824 {strides = array<i32>} : memref<8x128xi32, #tpu.memory_space<vmem>>, vector<1x16xi32>,
    %select_n3A_825 = arith.select %and3A_805, %broadcast_in_dim3A_4, %broadcast_in_dim3A_6 : vector<16xi1>, vector<16xf32>
    %swap3A_826 = arith.constant 2 : i32
    %swap3A_827 = arith.index_cast %swap3A_826 : i32 to index
    %swap3A_828 = arith.constant 80 : index
    %swap3A_829 = tpu.vector_load %arg7[%swap3A_827, %swap3A_828] {strides = array<i32>} : memref<8x128xf32, #tpu.memory_space<vmem>>, vector<1x16xf32>,
    %swap3A_830 = vector.shape_cast %swap3A_829 : vector<1x16xf32> to vector<16xf32>
    %swap3A_831 = vector.shape_cast %select_n3A_825 : vector<16xf32> to vector<1x16xf32>
    tpu.vector_store %arg7[%swap3A_827, %swap3A_828], %swap3A_831 {strides = array<i32>} : memref<8x128xf32, #tpu.memory_space<vmem>>, vector<1x16xf32>,
    %get3A_832 = arith.constant 352 : index
    %get3A_833 = tpu.vector_load %arg5[%get3A_832] {strides = array<i32>} : memref<1024xi32, #tpu.memory_space<vmem>>, vector<16xi32>,
    %get3A_834 = vector.shape_cast %get3A_833 : vector<16xi32> to vector<16xi32>
    %sub3A_835 = vector.broadcast %mul3A_3 : i32 to vector<16xi32>
    %sub3A_836 = arith.subi %get3A_834, %sub3A_835 : vector<16xi32>
    %ge3A_837 = arith.constant 0 : i32
    %ge3A_838 = vector.broadcast %ge3A_837 : i32 to vector<16xi32>
    %ge3A_839 = arith.cmpi sge, %sub3A_836, %ge3A_838 : vector<16xi32>
    %lt3A_840 = arith.constant 512 : i32
    %lt3A_841 = vector.broadcast %lt3A_840 : i32 to vector<16xi32>
    %lt3A_842 = arith.cmpi slt, %sub3A_836, %lt3A_841 : vector<16xi32>
    %and3A_843 = arith.andi %ge3A_839, %lt3A_842 : vector<16xi1>
    %jit3A_844 = arith.constant 0 : i32
    %jit3A_845 = arith.constant 511 : i32
    %max3A_846 = vector.broadcast %jit3A_844 : i32 to vector<16xi32>
    %max3A_847 = arith.maxsi %max3A_846, %sub3A_836 : vector<16xi32>
    %min3A_848 = vector.broadcast %jit3A_845 : i32 to vector<16xi32>
    %min3A_849 = arith.minsi %min3A_848, %max3A_847 : vector<16xi32>
    %mul3A_850 = arith.constant 1024 : i32
    %mul3A_851 = vector.broadcast %mul3A_850 : i32 to vector<16xi32>
    %mul3A_852 = arith.muli %min3A_849, %mul3A_851 : vector<16xi32>
    %get3A_853 = arith.constant 352 : index
    %get3A_854 = tpu.vector_load %arg4[%get3A_853] {strides = array<i32>} : memref<1024xi32, #tpu.memory_space<vmem>>, vector<16xi32>,
    %get3A_855 = vector.shape_cast %get3A_854 : vector<16xi32> to vector<16xi32>
    %add3A_856 = arith.addi %mul3A_852, %get3A_855 : vector<16xi32>
    %swap3A_857 = arith.constant 2 : i32
    %swap3A_858 = arith.index_cast %swap3A_857 : i32 to index
    %swap3A_859 = arith.constant 96 : index
    %swap3A_860 = tpu.vector_load %arg6[%swap3A_858, %swap3A_859] {strides = array<i32>} : memref<8x128xi32, #tpu.memory_space<vmem>>, vector<1x16xi32>,
    %swap3A_861 = vector.shape_cast %swap3A_860 : vector<1x16xi32> to vector<16xi32>
    %swap3A_862 = vector.shape_cast %add3A_856 : vector<16xi32> to vector<1x16xi32>
    tpu.vector_store %arg6[%swap3A_858, %swap3A_859], %swap3A_862 {strides = array<i32>} : memref<8x128xi32, #tpu.memory_space<vmem>>, vector<1x16xi32>,
    %select_n3A_863 = arith.select %and3A_843, %broadcast_in_dim3A_4, %broadcast_in_dim3A_6 : vector<16xi1>, vector<16xf32>
    %swap3A_864 = arith.constant 2 : i32
    %swap3A_865 = arith.index_cast %swap3A_864 : i32 to index
    %swap3A_866 = arith.constant 96 : index
    %swap3A_867 = tpu.vector_load %arg7[%swap3A_865, %swap3A_866] {strides = array<i32>} : memref<8x128xf32, #tpu.memory_space<vmem>>, vector<1x16xf32>,
    %swap3A_868 = vector.shape_cast %swap3A_867 : vector<1x16xf32> to vector<16xf32>
    %swap3A_869 = vector.shape_cast %select_n3A_863 : vector<16xf32> to vector<1x16xf32>
    tpu.vector_store %arg7[%swap3A_865, %swap3A_866], %swap3A_869 {strides = array<i32>} : memref<8x128xf32, #tpu.memory_space<vmem>>, vector<1x16xf32>,
    %get3A_870 = arith.constant 368 : index
    %get3A_871 = tpu.vector_load %arg5[%get3A_870] {strides = array<i32>} : memref<1024xi32, #tpu.memory_space<vmem>>, vector<16xi32>,
    %get3A_872 = vector.shape_cast %get3A_871 : vector<16xi32> to vector<16xi32>
    %sub3A_873 = vector.broadcast %mul3A_3 : i32 to vector<16xi32>
    %sub3A_874 = arith.subi %get3A_872, %sub3A_873 : vector<16xi32>
    %ge3A_875 = arith.constant 0 : i32
    %ge3A_876 = vector.broadcast %ge3A_875 : i32 to vector<16xi32>
    %ge3A_877 = arith.cmpi sge, %sub3A_874, %ge3A_876 : vector<16xi32>
    %lt3A_878 = arith.constant 512 : i32
    %lt3A_879 = vector.broadcast %lt3A_878 : i32 to vector<16xi32>
    %lt3A_880 = arith.cmpi slt, %sub3A_874, %lt3A_879 : vector<16xi32>
    %and3A_881 = arith.andi %ge3A_877, %lt3A_880 : vector<16xi1>
    %jit3A_882 = arith.constant 0 : i32
    %jit3A_883 = arith.constant 511 : i32
    %max3A_884 = vector.broadcast %jit3A_882 : i32 to vector<16xi32>
    %max3A_885 = arith.maxsi %max3A_884, %sub3A_874 : vector<16xi32>
    %min3A_886 = vector.broadcast %jit3A_883 : i32 to vector<16xi32>
    %min3A_887 = arith.minsi %min3A_886, %max3A_885 : vector<16xi32>
    %mul3A_888 = arith.constant 1024 : i32
    %mul3A_889 = vector.broadcast %mul3A_888 : i32 to vector<16xi32>
    %mul3A_890 = arith.muli %min3A_887, %mul3A_889 : vector<16xi32>
    %get3A_891 = arith.constant 368 : index
    %get3A_892 = tpu.vector_load %arg4[%get3A_891] {strides = array<i32>} : memref<1024xi32, #tpu.memory_space<vmem>>, vector<16xi32>,
    %get3A_893 = vector.shape_cast %get3A_892 : vector<16xi32> to vector<16xi32>
    %add3A_894 = arith.addi %mul3A_890, %get3A_893 : vector<16xi32>
    %swap3A_895 = arith.constant 2 : i32
    %swap3A_896 = arith.index_cast %swap3A_895 : i32 to index
    %swap3A_897 = arith.constant 112 : index
    %swap3A_898 = tpu.vector_load %arg6[%swap3A_896, %swap3A_897] {strides = array<i32>} : memref<8x128xi32, #tpu.memory_space<vmem>>, vector<1x16xi32>,
    %swap3A_899 = vector.shape_cast %swap3A_898 : vector<1x16xi32> to vector<16xi32>
    %swap3A_900 = vector.shape_cast %add3A_894 : vector<16xi32> to vector<1x16xi32>
    tpu.vector_store %arg6[%swap3A_896, %swap3A_897], %swap3A_900 {strides = array<i32>} : memref<8x128xi32, #tpu.memory_space<vmem>>, vector<1x16xi32>,
    %select_n3A_901 = arith.select %and3A_881, %broadcast_in_dim3A_4, %broadcast_in_dim3A_6 : vector<16xi1>, vector<16xf32>
    %swap3A_902 = arith.constant 2 : i32
    %swap3A_903 = arith.index_cast %swap3A_902 : i32 to index
    %swap3A_904 = arith.constant 112 : index
    %swap3A_905 = tpu.vector_load %arg7[%swap3A_903, %swap3A_904] {strides = array<i32>} : memref<8x128xf32, #tpu.memory_space<vmem>>, vector<1x16xf32>,
    %swap3A_906 = vector.shape_cast %swap3A_905 : vector<1x16xf32> to vector<16xf32>
    %swap3A_907 = vector.shape_cast %select_n3A_901 : vector<16xf32> to vector<1x16xf32>
    tpu.vector_store %arg7[%swap3A_903, %swap3A_904], %swap3A_907 {strides = array<i32>} : memref<8x128xf32, #tpu.memory_space<vmem>>, vector<1x16xf32>,
    %get3A_908 = arith.constant 384 : index
    %get3A_909 = tpu.vector_load %arg5[%get3A_908] {strides = array<i32>} : memref<1024xi32, #tpu.memory_space<vmem>>, vector<16xi32>,
    %get3A_910 = vector.shape_cast %get3A_909 : vector<16xi32> to vector<16xi32>
    %sub3A_911 = vector.broadcast %mul3A_3 : i32 to vector<16xi32>
    %sub3A_912 = arith.subi %get3A_910, %sub3A_911 : vector<16xi32>
    %ge3A_913 = arith.constant 0 : i32
    %ge3A_914 = vector.broadcast %ge3A_913 : i32 to vector<16xi32>
    %ge3A_915 = arith.cmpi sge, %sub3A_912, %ge3A_914 : vector<16xi32>
    %lt3A_916 = arith.constant 512 : i32
    %lt3A_917 = vector.broadcast %lt3A_916 : i32 to vector<16xi32>
    %lt3A_918 = arith.cmpi slt, %sub3A_912, %lt3A_917 : vector<16xi32>
    %and3A_919 = arith.andi %ge3A_915, %lt3A_918 : vector<16xi1>
    %jit3A_920 = arith.constant 0 : i32
    %jit3A_921 = arith.constant 511 : i32
    %max3A_922 = vector.broadcast %jit3A_920 : i32 to vector<16xi32>
    %max3A_923 = arith.maxsi %max3A_922, %sub3A_912 : vector<16xi32>
    %min3A_924 = vector.broadcast %jit3A_921 : i32 to vector<16xi32>
    %min3A_925 = arith.minsi %min3A_924, %max3A_923 : vector<16xi32>
    %mul3A_926 = arith.constant 1024 : i32
    %mul3A_927 = vector.broadcast %mul3A_926 : i32 to vector<16xi32>
    %mul3A_928 = arith.muli %min3A_925, %mul3A_927 : vector<16xi32>
    %get3A_929 = arith.constant 384 : index
    %get3A_930 = tpu.vector_load %arg4[%get3A_929] {strides = array<i32>} : memref<1024xi32, #tpu.memory_space<vmem>>, vector<16xi32>,
    %get3A_931 = vector.shape_cast %get3A_930 : vector<16xi32> to vector<16xi32>
    %add3A_932 = arith.addi %mul3A_928, %get3A_931 : vector<16xi32>
    %swap3A_933 = arith.constant 3 : i32
    %swap3A_934 = arith.index_cast %swap3A_933 : i32 to index
    %swap3A_935 = arith.constant 0 : index
    %swap3A_936 = tpu.vector_load %arg6[%swap3A_934, %swap3A_935] {strides = array<i32>} : memref<8x128xi32, #tpu.memory_space<vmem>>, vector<1x16xi32>,
    %swap3A_937 = vector.shape_cast %swap3A_936 : vector<1x16xi32> to vector<16xi32>
    %swap3A_938 = vector.shape_cast %add3A_932 : vector<16xi32> to vector<1x16xi32>
    tpu.vector_store %arg6[%swap3A_934, %swap3A_935], %swap3A_938 {strides = array<i32>} : memref<8x128xi32, #tpu.memory_space<vmem>>, vector<1x16xi32>,
    %select_n3A_939 = arith.select %and3A_919, %broadcast_in_dim3A_4, %broadcast_in_dim3A_6 : vector<16xi1>, vector<16xf32>
    %swap3A_940 = arith.constant 3 : i32
    %swap3A_941 = arith.index_cast %swap3A_940 : i32 to index
    %swap3A_942 = arith.constant 0 : index
    %swap3A_943 = tpu.vector_load %arg7[%swap3A_941, %swap3A_942] {strides = array<i32>} : memref<8x128xf32, #tpu.memory_space<vmem>>, vector<1x16xf32>,
    %swap3A_944 = vector.shape_cast %swap3A_943 : vector<1x16xf32> to vector<16xf32>
    %swap3A_945 = vector.shape_cast %select_n3A_939 : vector<16xf32> to vector<1x16xf32>
    tpu.vector_store %arg7[%swap3A_941, %swap3A_942], %swap3A_945 {strides = array<i32>} : memref<8x128xf32, #tpu.memory_space<vmem>>, vector<1x16xf32>,
    %get3A_946 = arith.constant 400 : index
    %get3A_947 = tpu.vector_load %arg5[%get3A_946] {strides = array<i32>} : memref<1024xi32, #tpu.memory_space<vmem>>, vector<16xi32>,
    %get3A_948 = vector.shape_cast %get3A_947 : vector<16xi32> to vector<16xi32>
    %sub3A_949 = vector.broadcast %mul3A_3 : i32 to vector<16xi32>
    %sub3A_950 = arith.subi %get3A_948, %sub3A_949 : vector<16xi32>
    %ge3A_951 = arith.constant 0 : i32
    %ge3A_952 = vector.broadcast %ge3A_951 : i32 to vector<16xi32>
    %ge3A_953 = arith.cmpi sge, %sub3A_950, %ge3A_952 : vector<16xi32>
    %lt3A_954 = arith.constant 512 : i32
    %lt3A_955 = vector.broadcast %lt3A_954 : i32 to vector<16xi32>
    %lt3A_956 = arith.cmpi slt, %sub3A_950, %lt3A_955 : vector<16xi32>
    %and3A_957 = arith.andi %ge3A_953, %lt3A_956 : vector<16xi1>
    %jit3A_958 = arith.constant 0 : i32
    %jit3A_959 = arith.constant 511 : i32
    %max3A_960 = vector.broadcast %jit3A_958 : i32 to vector<16xi32>
    %max3A_961 = arith.maxsi %max3A_960, %sub3A_950 : vector<16xi32>
    %min3A_962 = vector.broadcast %jit3A_959 : i32 to vector<16xi32>
    %min3A_963 = arith.minsi %min3A_962, %max3A_961 : vector<16xi32>
    %mul3A_964 = arith.constant 1024 : i32
    %mul3A_965 = vector.broadcast %mul3A_964 : i32 to vector<16xi32>
    %mul3A_966 = arith.muli %min3A_963, %mul3A_965 : vector<16xi32>
    %get3A_967 = arith.constant 400 : index
    %get3A_968 = tpu.vector_load %arg4[%get3A_967] {strides = array<i32>} : memref<1024xi32, #tpu.memory_space<vmem>>, vector<16xi32>,
    %get3A_969 = vector.shape_cast %get3A_968 : vector<16xi32> to vector<16xi32>
    %add3A_970 = arith.addi %mul3A_966, %get3A_969 : vector<16xi32>
    %swap3A_971 = arith.constant 3 : i32
    %swap3A_972 = arith.index_cast %swap3A_971 : i32 to index
    %swap3A_973 = arith.constant 16 : index
    %swap3A_974 = tpu.vector_load %arg6[%swap3A_972, %swap3A_973] {strides = array<i32>} : memref<8x128xi32, #tpu.memory_space<vmem>>, vector<1x16xi32>,
    %swap3A_975 = vector.shape_cast %swap3A_974 : vector<1x16xi32> to vector<16xi32>
    %swap3A_976 = vector.shape_cast %add3A_970 : vector<16xi32> to vector<1x16xi32>
    tpu.vector_store %arg6[%swap3A_972, %swap3A_973], %swap3A_976 {strides = array<i32>} : memref<8x128xi32, #tpu.memory_space<vmem>>, vector<1x16xi32>,
    %select_n3A_977 = arith.select %and3A_957, %broadcast_in_dim3A_4, %broadcast_in_dim3A_6 : vector<16xi1>, vector<16xf32>
    %swap3A_978 = arith.constant 3 : i32
    %swap3A_979 = arith.index_cast %swap3A_978 : i32 to index
    %swap3A_980 = arith.constant 16 : index
    %swap3A_981 = tpu.vector_load %arg7[%swap3A_979, %swap3A_980] {strides = array<i32>} : memref<8x128xf32, #tpu.memory_space<vmem>>, vector<1x16xf32>,
    %swap3A_982 = vector.shape_cast %swap3A_981 : vector<1x16xf32> to vector<16xf32>
    %swap3A_983 = vector.shape_cast %select_n3A_977 : vector<16xf32> to vector<1x16xf32>
    tpu.vector_store %arg7[%swap3A_979, %swap3A_980], %swap3A_983 {strides = array<i32>} : memref<8x128xf32, #tpu.memory_space<vmem>>, vector<1x16xf32>,
    %get3A_984 = arith.constant 416 : index
    %get3A_985 = tpu.vector_load %arg5[%get3A_984] {strides = array<i32>} : memref<1024xi32, #tpu.memory_space<vmem>>, vector<16xi32>,
    %get3A_986 = vector.shape_cast %get3A_985 : vector<16xi32> to vector<16xi32>
    %sub3A_987 = vector.broadcast %mul3A_3 : i32 to vector<16xi32>
    %sub3A_988 = arith.subi %get3A_986, %sub3A_987 : vector<16xi32>
    %ge3A_989 = arith.constant 0 : i32
    %ge3A_990 = vector.broadcast %ge3A_989 : i32 to vector<16xi32>
    %ge3A_991 = arith.cmpi sge, %sub3A_988, %ge3A_990 : vector<16xi32>
    %lt3A_992 = arith.constant 512 : i32
    %lt3A_993 = vector.broadcast %lt3A_992 : i32 to vector<16xi32>
    %lt3A_994 = arith.cmpi slt, %sub3A_988, %lt3A_993 : vector<16xi32>
    %and3A_995 = arith.andi %ge3A_991, %lt3A_994 : vector<16xi1>
    %jit3A_996 = arith.constant 0 : i32
    %jit3A_997 = arith.constant 511 : i32
    %max3A_998 = vector.broadcast %jit3A_996 : i32 to vector<16xi32>
    %max3A_999 = arith.maxsi %max3A_998, %sub3A_988 : vector<16xi32>
    %min3A_1000 = vector.broadcast %jit3A_997 : i32 to vector<16xi32>
    %min3A_1001 = arith.minsi %min3A_1000, %max3A_999 : vector<16xi32>
    %mul3A_1002 = arith.constant 1024 : i32
    %mul3A_1003 = vector.broadcast %mul3A_1002 : i32 to vector<16xi32>
    %mul3A_1004 = arith.muli %min3A_1001, %mul3A_1003 : vector<16xi32>
    %get3A_1005 = arith.constant 416 : index
    %get3A_1006 = tpu.vector_load %arg4[%get3A_1005] {strides = array<i32>} : memref<1024xi32, #tpu.memory_space<vmem>>, vector<16xi32>,
    %get3A_1007 = vector.shape_cast %get3A_1006 : vector<16xi32> to vector<16xi32>
    %add3A_1008 = arith.addi %mul3A_1004, %get3A_1007 : vector<16xi32>
    %swap3A_1009 = arith.constant 3 : i32
    %swap3A_1010 = arith.index_cast %swap3A_1009 : i32 to index
    %swap3A_1011 = arith.constant 32 : index
    %swap3A_1012 = tpu.vector_load %arg6[%swap3A_1010, %swap3A_1011] {strides = array<i32>} : memref<8x128xi32, #tpu.memory_space<vmem>>, vector<1x16xi32>,
    %swap3A_1013 = vector.shape_cast %swap3A_1012 : vector<1x16xi32> to vector<16xi32>
    %swap3A_1014 = vector.shape_cast %add3A_1008 : vector<16xi32> to vector<1x16xi32>
    tpu.vector_store %arg6[%swap3A_1010, %swap3A_1011], %swap3A_1014 {strides = array<i32>} : memref<8x128xi32, #tpu.memory_space<vmem>>, vector<1x16xi32>,
    %select_n3A_1015 = arith.select %and3A_995, %broadcast_in_dim3A_4, %broadcast_in_dim3A_6 : vector<16xi1>, vector<16xf32>
    %swap3A_1016 = arith.constant 3 : i32
    %swap3A_1017 = arith.index_cast %swap3A_1016 : i32 to index
    %swap3A_1018 = arith.constant 32 : index
    %swap3A_1019 = tpu.vector_load %arg7[%swap3A_1017, %swap3A_1018] {strides = array<i32>} : memref<8x128xf32, #tpu.memory_space<vmem>>, vector<1x16xf32>,
    %swap3A_1020 = vector.shape_cast %swap3A_1019 : vector<1x16xf32> to vector<16xf32>
    %swap3A_1021 = vector.shape_cast %select_n3A_1015 : vector<16xf32> to vector<1x16xf32>
    tpu.vector_store %arg7[%swap3A_1017, %swap3A_1018], %swap3A_1021 {strides = array<i32>} : memref<8x128xf32, #tpu.memory_space<vmem>>, vector<1x16xf32>,
    %get3A_1022 = arith.constant 432 : index
    %get3A_1023 = tpu.vector_load %arg5[%get3A_1022] {strides = array<i32>} : memref<1024xi32, #tpu.memory_space<vmem>>, vector<16xi32>,
    %get3A_1024 = vector.shape_cast %get3A_1023 : vector<16xi32> to vector<16xi32>
    %sub3A_1025 = vector.broadcast %mul3A_3 : i32 to vector<16xi32>
    %sub3A_1026 = arith.subi %get3A_1024, %sub3A_1025 : vector<16xi32>
    %ge3A_1027 = arith.constant 0 : i32
    %ge3A_1028 = vector.broadcast %ge3A_1027 : i32 to vector<16xi32>
    %ge3A_1029 = arith.cmpi sge, %sub3A_1026, %ge3A_1028 : vector<16xi32>
    %lt3A_1030 = arith.constant 512 : i32
    %lt3A_1031 = vector.broadcast %lt3A_1030 : i32 to vector<16xi32>
    %lt3A_1032 = arith.cmpi slt, %sub3A_1026, %lt3A_1031 : vector<16xi32>
    %and3A_1033 = arith.andi %ge3A_1029, %lt3A_1032 : vector<16xi1>
    %jit3A_1034 = arith.constant 0 : i32
    %jit3A_1035 = arith.constant 511 : i32
    %max3A_1036 = vector.broadcast %jit3A_1034 : i32 to vector<16xi32>
    %max3A_1037 = arith.maxsi %max3A_1036, %sub3A_1026 : vector<16xi32>
    %min3A_1038 = vector.broadcast %jit3A_1035 : i32 to vector<16xi32>
    %min3A_1039 = arith.minsi %min3A_1038, %max3A_1037 : vector<16xi32>
    %mul3A_1040 = arith.constant 1024 : i32
    %mul3A_1041 = vector.broadcast %mul3A_1040 : i32 to vector<16xi32>
    %mul3A_1042 = arith.muli %min3A_1039, %mul3A_1041 : vector<16xi32>
    %get3A_1043 = arith.constant 432 : index
    %get3A_1044 = tpu.vector_load %arg4[%get3A_1043] {strides = array<i32>} : memref<1024xi32, #tpu.memory_space<vmem>>, vector<16xi32>,
    %get3A_1045 = vector.shape_cast %get3A_1044 : vector<16xi32> to vector<16xi32>
    %add3A_1046 = arith.addi %mul3A_1042, %get3A_1045 : vector<16xi32>
    %swap3A_1047 = arith.constant 3 : i32
    %swap3A_1048 = arith.index_cast %swap3A_1047 : i32 to index
    %swap3A_1049 = arith.constant 48 : index
    %swap3A_1050 = tpu.vector_load %arg6[%swap3A_1048, %swap3A_1049] {strides = array<i32>} : memref<8x128xi32, #tpu.memory_space<vmem>>, vector<1x16xi32>,
    %swap3A_1051 = vector.shape_cast %swap3A_1050 : vector<1x16xi32> to vector<16xi32>
    %swap3A_1052 = vector.shape_cast %add3A_1046 : vector<16xi32> to vector<1x16xi32>
    tpu.vector_store %arg6[%swap3A_1048, %swap3A_1049], %swap3A_1052 {strides = array<i32>} : memref<8x128xi32, #tpu.memory_space<vmem>>, vector<1x16xi32>,
    %select_n3A_1053 = arith.select %and3A_1033, %broadcast_in_dim3A_4, %broadcast_in_dim3A_6 : vector<16xi1>, vector<16xf32>
    %swap3A_1054 = arith.constant 3 : i32
    %swap3A_1055 = arith.index_cast %swap3A_1054 : i32 to index
    %swap3A_1056 = arith.constant 48 : index
    %swap3A_1057 = tpu.vector_load %arg7[%swap3A_1055, %swap3A_1056] {strides = array<i32>} : memref<8x128xf32, #tpu.memory_space<vmem>>, vector<1x16xf32>,
    %swap3A_1058 = vector.shape_cast %swap3A_1057 : vector<1x16xf32> to vector<16xf32>
    %swap3A_1059 = vector.shape_cast %select_n3A_1053 : vector<16xf32> to vector<1x16xf32>
    tpu.vector_store %arg7[%swap3A_1055, %swap3A_1056], %swap3A_1059 {strides = array<i32>} : memref<8x128xf32, #tpu.memory_space<vmem>>, vector<1x16xf32>,
    %get3A_1060 = arith.constant 448 : index
    %get3A_1061 = tpu.vector_load %arg5[%get3A_1060] {strides = array<i32>} : memref<1024xi32, #tpu.memory_space<vmem>>, vector<16xi32>,
    %get3A_1062 = vector.shape_cast %get3A_1061 : vector<16xi32> to vector<16xi32>
    %sub3A_1063 = vector.broadcast %mul3A_3 : i32 to vector<16xi32>
    %sub3A_1064 = arith.subi %get3A_1062, %sub3A_1063 : vector<16xi32>
    %ge3A_1065 = arith.constant 0 : i32
    %ge3A_1066 = vector.broadcast %ge3A_1065 : i32 to vector<16xi32>
    %ge3A_1067 = arith.cmpi sge, %sub3A_1064, %ge3A_1066 : vector<16xi32>
    %lt3A_1068 = arith.constant 512 : i32
    %lt3A_1069 = vector.broadcast %lt3A_1068 : i32 to vector<16xi32>
    %lt3A_1070 = arith.cmpi slt, %sub3A_1064, %lt3A_1069 : vector<16xi32>
    %and3A_1071 = arith.andi %ge3A_1067, %lt3A_1070 : vector<16xi1>
    %jit3A_1072 = arith.constant 0 : i32
    %jit3A_1073 = arith.constant 511 : i32
    %max3A_1074 = vector.broadcast %jit3A_1072 : i32 to vector<16xi32>
    %max3A_1075 = arith.maxsi %max3A_1074, %sub3A_1064 : vector<16xi32>
    %min3A_1076 = vector.broadcast %jit3A_1073 : i32 to vector<16xi32>
    %min3A_1077 = arith.minsi %min3A_1076, %max3A_1075 : vector<16xi32>
    %mul3A_1078 = arith.constant 1024 : i32
    %mul3A_1079 = vector.broadcast %mul3A_1078 : i32 to vector<16xi32>
    %mul3A_1080 = arith.muli %min3A_1077, %mul3A_1079 : vector<16xi32>
    %get3A_1081 = arith.constant 448 : index
    %get3A_1082 = tpu.vector_load %arg4[%get3A_1081] {strides = array<i32>} : memref<1024xi32, #tpu.memory_space<vmem>>, vector<16xi32>,
    %get3A_1083 = vector.shape_cast %get3A_1082 : vector<16xi32> to vector<16xi32>
    %add3A_1084 = arith.addi %mul3A_1080, %get3A_1083 : vector<16xi32>
    %swap3A_1085 = arith.constant 3 : i32
    %swap3A_1086 = arith.index_cast %swap3A_1085 : i32 to index
    %swap3A_1087 = arith.constant 64 : index
    %swap3A_1088 = tpu.vector_load %arg6[%swap3A_1086, %swap3A_1087] {strides = array<i32>} : memref<8x128xi32, #tpu.memory_space<vmem>>, vector<1x16xi32>,
    %swap3A_1089 = vector.shape_cast %swap3A_1088 : vector<1x16xi32> to vector<16xi32>
    %swap3A_1090 = vector.shape_cast %add3A_1084 : vector<16xi32> to vector<1x16xi32>
    tpu.vector_store %arg6[%swap3A_1086, %swap3A_1087], %swap3A_1090 {strides = array<i32>} : memref<8x128xi32, #tpu.memory_space<vmem>>, vector<1x16xi32>,
    %select_n3A_1091 = arith.select %and3A_1071, %broadcast_in_dim3A_4, %broadcast_in_dim3A_6 : vector<16xi1>, vector<16xf32>
    %swap3A_1092 = arith.constant 3 : i32
    %swap3A_1093 = arith.index_cast %swap3A_1092 : i32 to index
    %swap3A_1094 = arith.constant 64 : index
    %swap3A_1095 = tpu.vector_load %arg7[%swap3A_1093, %swap3A_1094] {strides = array<i32>} : memref<8x128xf32, #tpu.memory_space<vmem>>, vector<1x16xf32>,
    %swap3A_1096 = vector.shape_cast %swap3A_1095 : vector<1x16xf32> to vector<16xf32>
    %swap3A_1097 = vector.shape_cast %select_n3A_1091 : vector<16xf32> to vector<1x16xf32>
    tpu.vector_store %arg7[%swap3A_1093, %swap3A_1094], %swap3A_1097 {strides = array<i32>} : memref<8x128xf32, #tpu.memory_space<vmem>>, vector<1x16xf32>,
    %get3A_1098 = arith.constant 464 : index
    %get3A_1099 = tpu.vector_load %arg5[%get3A_1098] {strides = array<i32>} : memref<1024xi32, #tpu.memory_space<vmem>>, vector<16xi32>,
    %get3A_1100 = vector.shape_cast %get3A_1099 : vector<16xi32> to vector<16xi32>
    %sub3A_1101 = vector.broadcast %mul3A_3 : i32 to vector<16xi32>
    %sub3A_1102 = arith.subi %get3A_1100, %sub3A_1101 : vector<16xi32>
    %ge3A_1103 = arith.constant 0 : i32
    %ge3A_1104 = vector.broadcast %ge3A_1103 : i32 to vector<16xi32>
    %ge3A_1105 = arith.cmpi sge, %sub3A_1102, %ge3A_1104 : vector<16xi32>
    %lt3A_1106 = arith.constant 512 : i32
    %lt3A_1107 = vector.broadcast %lt3A_1106 : i32 to vector<16xi32>
    %lt3A_1108 = arith.cmpi slt, %sub3A_1102, %lt3A_1107 : vector<16xi32>
    %and3A_1109 = arith.andi %ge3A_1105, %lt3A_1108 : vector<16xi1>
    %jit3A_1110 = arith.constant 0 : i32
    %jit3A_1111 = arith.constant 511 : i32
    %max3A_1112 = vector.broadcast %jit3A_1110 : i32 to vector<16xi32>
    %max3A_1113 = arith.maxsi %max3A_1112, %sub3A_1102 : vector<16xi32>
    %min3A_1114 = vector.broadcast %jit3A_1111 : i32 to vector<16xi32>
    %min3A_1115 = arith.minsi %min3A_1114, %max3A_1113 : vector<16xi32>
    %mul3A_1116 = arith.constant 1024 : i32
    %mul3A_1117 = vector.broadcast %mul3A_1116 : i32 to vector<16xi32>
    %mul3A_1118 = arith.muli %min3A_1115, %mul3A_1117 : vector<16xi32>
    %get3A_1119 = arith.constant 464 : index
    %get3A_1120 = tpu.vector_load %arg4[%get3A_1119] {strides = array<i32>} : memref<1024xi32, #tpu.memory_space<vmem>>, vector<16xi32>,
    %get3A_1121 = vector.shape_cast %get3A_1120 : vector<16xi32> to vector<16xi32>
    %add3A_1122 = arith.addi %mul3A_1118, %get3A_1121 : vector<16xi32>
    %swap3A_1123 = arith.constant 3 : i32
    %swap3A_1124 = arith.index_cast %swap3A_1123 : i32 to index
    %swap3A_1125 = arith.constant 80 : index
    %swap3A_1126 = tpu.vector_load %arg6[%swap3A_1124, %swap3A_1125] {strides = array<i32>} : memref<8x128xi32, #tpu.memory_space<vmem>>, vector<1x16xi32>,
    %swap3A_1127 = vector.shape_cast %swap3A_1126 : vector<1x16xi32> to vector<16xi32>
    %swap3A_1128 = vector.shape_cast %add3A_1122 : vector<16xi32> to vector<1x16xi32>
    tpu.vector_store %arg6[%swap3A_1124, %swap3A_1125], %swap3A_1128 {strides = array<i32>} : memref<8x128xi32, #tpu.memory_space<vmem>>, vector<1x16xi32>,
    %select_n3A_1129 = arith.select %and3A_1109, %broadcast_in_dim3A_4, %broadcast_in_dim3A_6 : vector<16xi1>, vector<16xf32>
    %swap3A_1130 = arith.constant 3 : i32
    %swap3A_1131 = arith.index_cast %swap3A_1130 : i32 to index
    %swap3A_1132 = arith.constant 80 : index
    %swap3A_1133 = tpu.vector_load %arg7[%swap3A_1131, %swap3A_1132] {strides = array<i32>} : memref<8x128xf32, #tpu.memory_space<vmem>>, vector<1x16xf32>,
    %swap3A_1134 = vector.shape_cast %swap3A_1133 : vector<1x16xf32> to vector<16xf32>
    %swap3A_1135 = vector.shape_cast %select_n3A_1129 : vector<16xf32> to vector<1x16xf32>
    tpu.vector_store %arg7[%swap3A_1131, %swap3A_1132], %swap3A_1135 {strides = array<i32>} : memref<8x128xf32, #tpu.memory_space<vmem>>, vector<1x16xf32>,
    %get3A_1136 = arith.constant 480 : index
    %get3A_1137 = tpu.vector_load %arg5[%get3A_1136] {strides = array<i32>} : memref<1024xi32, #tpu.memory_space<vmem>>, vector<16xi32>,
    %get3A_1138 = vector.shape_cast %get3A_1137 : vector<16xi32> to vector<16xi32>
    %sub3A_1139 = vector.broadcast %mul3A_3 : i32 to vector<16xi32>
    %sub3A_1140 = arith.subi %get3A_1138, %sub3A_1139 : vector<16xi32>
    %ge3A_1141 = arith.constant 0 : i32
    %ge3A_1142 = vector.broadcast %ge3A_1141 : i32 to vector<16xi32>
    %ge3A_1143 = arith.cmpi sge, %sub3A_1140, %ge3A_1142 : vector<16xi32>
    %lt3A_1144 = arith.constant 512 : i32
    %lt3A_1145 = vector.broadcast %lt3A_1144 : i32 to vector<16xi32>
    %lt3A_1146 = arith.cmpi slt, %sub3A_1140, %lt3A_1145 : vector<16xi32>
    %and3A_1147 = arith.andi %ge3A_1143, %lt3A_1146 : vector<16xi1>
    %jit3A_1148 = arith.constant 0 : i32
    %jit3A_1149 = arith.constant 511 : i32
    %max3A_1150 = vector.broadcast %jit3A_1148 : i32 to vector<16xi32>
    %max3A_1151 = arith.maxsi %max3A_1150, %sub3A_1140 : vector<16xi32>
    %min3A_1152 = vector.broadcast %jit3A_1149 : i32 to vector<16xi32>
    %min3A_1153 = arith.minsi %min3A_1152, %max3A_1151 : vector<16xi32>
    %mul3A_1154 = arith.constant 1024 : i32
    %mul3A_1155 = vector.broadcast %mul3A_1154 : i32 to vector<16xi32>
    %mul3A_1156 = arith.muli %min3A_1153, %mul3A_1155 : vector<16xi32>
    %get3A_1157 = arith.constant 480 : index
    %get3A_1158 = tpu.vector_load %arg4[%get3A_1157] {strides = array<i32>} : memref<1024xi32, #tpu.memory_space<vmem>>, vector<16xi32>,
    %get3A_1159 = vector.shape_cast %get3A_1158 : vector<16xi32> to vector<16xi32>
    %add3A_1160 = arith.addi %mul3A_1156, %get3A_1159 : vector<16xi32>
    %swap3A_1161 = arith.constant 3 : i32
    %swap3A_1162 = arith.index_cast %swap3A_1161 : i32 to index
    %swap3A_1163 = arith.constant 96 : index
    %swap3A_1164 = tpu.vector_load %arg6[%swap3A_1162, %swap3A_1163] {strides = array<i32>} : memref<8x128xi32, #tpu.memory_space<vmem>>, vector<1x16xi32>,
    %swap3A_1165 = vector.shape_cast %swap3A_1164 : vector<1x16xi32> to vector<16xi32>
    %swap3A_1166 = vector.shape_cast %add3A_1160 : vector<16xi32> to vector<1x16xi32>
    tpu.vector_store %arg6[%swap3A_1162, %swap3A_1163], %swap3A_1166 {strides = array<i32>} : memref<8x128xi32, #tpu.memory_space<vmem>>, vector<1x16xi32>,
    %select_n3A_1167 = arith.select %and3A_1147, %broadcast_in_dim3A_4, %broadcast_in_dim3A_6 : vector<16xi1>, vector<16xf32>
    %swap3A_1168 = arith.constant 3 : i32
    %swap3A_1169 = arith.index_cast %swap3A_1168 : i32 to index
    %swap3A_1170 = arith.constant 96 : index
    %swap3A_1171 = tpu.vector_load %arg7[%swap3A_1169, %swap3A_1170] {strides = array<i32>} : memref<8x128xf32, #tpu.memory_space<vmem>>, vector<1x16xf32>,
    %swap3A_1172 = vector.shape_cast %swap3A_1171 : vector<1x16xf32> to vector<16xf32>
    %swap3A_1173 = vector.shape_cast %select_n3A_1167 : vector<16xf32> to vector<1x16xf32>
    tpu.vector_store %arg7[%swap3A_1169, %swap3A_1170], %swap3A_1173 {strides = array<i32>} : memref<8x128xf32, #tpu.memory_space<vmem>>, vector<1x16xf32>,
    %get3A_1174 = arith.constant 496 : index
    %get3A_1175 = tpu.vector_load %arg5[%get3A_1174] {strides = array<i32>} : memref<1024xi32, #tpu.memory_space<vmem>>, vector<16xi32>,
    %get3A_1176 = vector.shape_cast %get3A_1175 : vector<16xi32> to vector<16xi32>
    %sub3A_1177 = vector.broadcast %mul3A_3 : i32 to vector<16xi32>
    %sub3A_1178 = arith.subi %get3A_1176, %sub3A_1177 : vector<16xi32>
    %ge3A_1179 = arith.constant 0 : i32
    %ge3A_1180 = vector.broadcast %ge3A_1179 : i32 to vector<16xi32>
    %ge3A_1181 = arith.cmpi sge, %sub3A_1178, %ge3A_1180 : vector<16xi32>
    %lt3A_1182 = arith.constant 512 : i32
    %lt3A_1183 = vector.broadcast %lt3A_1182 : i32 to vector<16xi32>
    %lt3A_1184 = arith.cmpi slt, %sub3A_1178, %lt3A_1183 : vector<16xi32>
    %and3A_1185 = arith.andi %ge3A_1181, %lt3A_1184 : vector<16xi1>
    %jit3A_1186 = arith.constant 0 : i32
    %jit3A_1187 = arith.constant 511 : i32
    %max3A_1188 = vector.broadcast %jit3A_1186 : i32 to vector<16xi32>
    %max3A_1189 = arith.maxsi %max3A_1188, %sub3A_1178 : vector<16xi32>
    %min3A_1190 = vector.broadcast %jit3A_1187 : i32 to vector<16xi32>
    %min3A_1191 = arith.minsi %min3A_1190, %max3A_1189 : vector<16xi32>
    %mul3A_1192 = arith.constant 1024 : i32
    %mul3A_1193 = vector.broadcast %mul3A_1192 : i32 to vector<16xi32>
    %mul3A_1194 = arith.muli %min3A_1191, %mul3A_1193 : vector<16xi32>
    %get3A_1195 = arith.constant 496 : index
    %get3A_1196 = tpu.vector_load %arg4[%get3A_1195] {strides = array<i32>} : memref<1024xi32, #tpu.memory_space<vmem>>, vector<16xi32>,
    %get3A_1197 = vector.shape_cast %get3A_1196 : vector<16xi32> to vector<16xi32>
    %add3A_1198 = arith.addi %mul3A_1194, %get3A_1197 : vector<16xi32>
    %swap3A_1199 = arith.constant 3 : i32
    %swap3A_1200 = arith.index_cast %swap3A_1199 : i32 to index
    %swap3A_1201 = arith.constant 112 : index
    %swap3A_1202 = tpu.vector_load %arg6[%swap3A_1200, %swap3A_1201] {strides = array<i32>} : memref<8x128xi32, #tpu.memory_space<vmem>>, vector<1x16xi32>,
    %swap3A_1203 = vector.shape_cast %swap3A_1202 : vector<1x16xi32> to vector<16xi32>
    %swap3A_1204 = vector.shape_cast %add3A_1198 : vector<16xi32> to vector<1x16xi32>
    tpu.vector_store %arg6[%swap3A_1200, %swap3A_1201], %swap3A_1204 {strides = array<i32>} : memref<8x128xi32, #tpu.memory_space<vmem>>, vector<1x16xi32>,
    %select_n3A_1205 = arith.select %and3A_1185, %broadcast_in_dim3A_4, %broadcast_in_dim3A_6 : vector<16xi1>, vector<16xf32>
    %swap3A_1206 = arith.constant 3 : i32
    %swap3A_1207 = arith.index_cast %swap3A_1206 : i32 to index
    %swap3A_1208 = arith.constant 112 : index
    %swap3A_1209 = tpu.vector_load %arg7[%swap3A_1207, %swap3A_1208] {strides = array<i32>} : memref<8x128xf32, #tpu.memory_space<vmem>>, vector<1x16xf32>,
    %swap3A_1210 = vector.shape_cast %swap3A_1209 : vector<1x16xf32> to vector<16xf32>
    %swap3A_1211 = vector.shape_cast %select_n3A_1205 : vector<16xf32> to vector<1x16xf32>
    tpu.vector_store %arg7[%swap3A_1207, %swap3A_1208], %swap3A_1211 {strides = array<i32>} : memref<8x128xf32, #tpu.memory_space<vmem>>, vector<1x16xf32>,
    %get3A_1212 = arith.constant 512 : index
    %get3A_1213 = tpu.vector_load %arg5[%get3A_1212] {strides = array<i32>} : memref<1024xi32, #tpu.memory_space<vmem>>, vector<16xi32>,
    %get3A_1214 = vector.shape_cast %get3A_1213 : vector<16xi32> to vector<16xi32>
    %sub3A_1215 = vector.broadcast %mul3A_3 : i32 to vector<16xi32>
    %sub3A_1216 = arith.subi %get3A_1214, %sub3A_1215 : vector<16xi32>
    %ge3A_1217 = arith.constant 0 : i32
    %ge3A_1218 = vector.broadcast %ge3A_1217 : i32 to vector<16xi32>
    %ge3A_1219 = arith.cmpi sge, %sub3A_1216, %ge3A_1218 : vector<16xi32>
    %lt3A_1220 = arith.constant 512 : i32
    %lt3A_1221 = vector.broadcast %lt3A_1220 : i32 to vector<16xi32>
    %lt3A_1222 = arith.cmpi slt, %sub3A_1216, %lt3A_1221 : vector<16xi32>
    %and3A_1223 = arith.andi %ge3A_1219, %lt3A_1222 : vector<16xi1>
    %jit3A_1224 = arith.constant 0 : i32
    %jit3A_1225 = arith.constant 511 : i32
    %max3A_1226 = vector.broadcast %jit3A_1224 : i32 to vector<16xi32>
    %max3A_1227 = arith.maxsi %max3A_1226, %sub3A_1216 : vector<16xi32>
    %min3A_1228 = vector.broadcast %jit3A_1225 : i32 to vector<16xi32>
    %min3A_1229 = arith.minsi %min3A_1228, %max3A_1227 : vector<16xi32>
    %mul3A_1230 = arith.constant 1024 : i32
    %mul3A_1231 = vector.broadcast %mul3A_1230 : i32 to vector<16xi32>
    %mul3A_1232 = arith.muli %min3A_1229, %mul3A_1231 : vector<16xi32>
    %get3A_1233 = arith.constant 512 : index
    %get3A_1234 = tpu.vector_load %arg4[%get3A_1233] {strides = array<i32>} : memref<1024xi32, #tpu.memory_space<vmem>>, vector<16xi32>,
    %get3A_1235 = vector.shape_cast %get3A_1234 : vector<16xi32> to vector<16xi32>
    %add3A_1236 = arith.addi %mul3A_1232, %get3A_1235 : vector<16xi32>
    %swap3A_1237 = arith.constant 4 : i32
    %swap3A_1238 = arith.index_cast %swap3A_1237 : i32 to index
    %swap3A_1239 = arith.constant 0 : index
    %swap3A_1240 = tpu.vector_load %arg6[%swap3A_1238, %swap3A_1239] {strides = array<i32>} : memref<8x128xi32, #tpu.memory_space<vmem>>, vector<1x16xi32>,
    %swap3A_1241 = vector.shape_cast %swap3A_1240 : vector<1x16xi32> to vector<16xi32>
    %swap3A_1242 = vector.shape_cast %add3A_1236 : vector<16xi32> to vector<1x16xi32>
    tpu.vector_store %arg6[%swap3A_1238, %swap3A_1239], %swap3A_1242 {strides = array<i32>} : memref<8x128xi32, #tpu.memory_space<vmem>>, vector<1x16xi32>,
    %select_n3A_1243 = arith.select %and3A_1223, %broadcast_in_dim3A_4, %broadcast_in_dim3A_6 : vector<16xi1>, vector<16xf32>
    %swap3A_1244 = arith.constant 4 : i32
    %swap3A_1245 = arith.index_cast %swap3A_1244 : i32 to index
    %swap3A_1246 = arith.constant 0 : index
    %swap3A_1247 = tpu.vector_load %arg7[%swap3A_1245, %swap3A_1246] {strides = array<i32>} : memref<8x128xf32, #tpu.memory_space<vmem>>, vector<1x16xf32>,
    %swap3A_1248 = vector.shape_cast %swap3A_1247 : vector<1x16xf32> to vector<16xf32>
    %swap3A_1249 = vector.shape_cast %select_n3A_1243 : vector<16xf32> to vector<1x16xf32>
    tpu.vector_store %arg7[%swap3A_1245, %swap3A_1246], %swap3A_1249 {strides = array<i32>} : memref<8x128xf32, #tpu.memory_space<vmem>>, vector<1x16xf32>,
    %get3A_1250 = arith.constant 528 : index
    %get3A_1251 = tpu.vector_load %arg5[%get3A_1250] {strides = array<i32>} : memref<1024xi32, #tpu.memory_space<vmem>>, vector<16xi32>,
    %get3A_1252 = vector.shape_cast %get3A_1251 : vector<16xi32> to vector<16xi32>
    %sub3A_1253 = vector.broadcast %mul3A_3 : i32 to vector<16xi32>
    %sub3A_1254 = arith.subi %get3A_1252, %sub3A_1253 : vector<16xi32>
    %ge3A_1255 = arith.constant 0 : i32
    %ge3A_1256 = vector.broadcast %ge3A_1255 : i32 to vector<16xi32>
    %ge3A_1257 = arith.cmpi sge, %sub3A_1254, %ge3A_1256 : vector<16xi32>
    %lt3A_1258 = arith.constant 512 : i32
    %lt3A_1259 = vector.broadcast %lt3A_1258 : i32 to vector<16xi32>
    %lt3A_1260 = arith.cmpi slt, %sub3A_1254, %lt3A_1259 : vector<16xi32>
    %and3A_1261 = arith.andi %ge3A_1257, %lt3A_1260 : vector<16xi1>
    %jit3A_1262 = arith.constant 0 : i32
    %jit3A_1263 = arith.constant 511 : i32
    %max3A_1264 = vector.broadcast %jit3A_1262 : i32 to vector<16xi32>
    %max3A_1265 = arith.maxsi %max3A_1264, %sub3A_1254 : vector<16xi32>
    %min3A_1266 = vector.broadcast %jit3A_1263 : i32 to vector<16xi32>
    %min3A_1267 = arith.minsi %min3A_1266, %max3A_1265 : vector<16xi32>
    %mul3A_1268 = arith.constant 1024 : i32
    %mul3A_1269 = vector.broadcast %mul3A_1268 : i32 to vector<16xi32>
    %mul3A_1270 = arith.muli %min3A_1267, %mul3A_1269 : vector<16xi32>
    %get3A_1271 = arith.constant 528 : index
    %get3A_1272 = tpu.vector_load %arg4[%get3A_1271] {strides = array<i32>} : memref<1024xi32, #tpu.memory_space<vmem>>, vector<16xi32>,
    %get3A_1273 = vector.shape_cast %get3A_1272 : vector<16xi32> to vector<16xi32>
    %add3A_1274 = arith.addi %mul3A_1270, %get3A_1273 : vector<16xi32>
    %swap3A_1275 = arith.constant 4 : i32
    %swap3A_1276 = arith.index_cast %swap3A_1275 : i32 to index
    %swap3A_1277 = arith.constant 16 : index
    %swap3A_1278 = tpu.vector_load %arg6[%swap3A_1276, %swap3A_1277] {strides = array<i32>} : memref<8x128xi32, #tpu.memory_space<vmem>>, vector<1x16xi32>,
    %swap3A_1279 = vector.shape_cast %swap3A_1278 : vector<1x16xi32> to vector<16xi32>
    %swap3A_1280 = vector.shape_cast %add3A_1274 : vector<16xi32> to vector<1x16xi32>
    tpu.vector_store %arg6[%swap3A_1276, %swap3A_1277], %swap3A_1280 {strides = array<i32>} : memref<8x128xi32, #tpu.memory_space<vmem>>, vector<1x16xi32>,
    %select_n3A_1281 = arith.select %and3A_1261, %broadcast_in_dim3A_4, %broadcast_in_dim3A_6 : vector<16xi1>, vector<16xf32>
    %swap3A_1282 = arith.constant 4 : i32
    %swap3A_1283 = arith.index_cast %swap3A_1282 : i32 to index
    %swap3A_1284 = arith.constant 16 : index
    %swap3A_1285 = tpu.vector_load %arg7[%swap3A_1283, %swap3A_1284] {strides = array<i32>} : memref<8x128xf32, #tpu.memory_space<vmem>>, vector<1x16xf32>,
    %swap3A_1286 = vector.shape_cast %swap3A_1285 : vector<1x16xf32> to vector<16xf32>
    %swap3A_1287 = vector.shape_cast %select_n3A_1281 : vector<16xf32> to vector<1x16xf32>
    tpu.vector_store %arg7[%swap3A_1283, %swap3A_1284], %swap3A_1287 {strides = array<i32>} : memref<8x128xf32, #tpu.memory_space<vmem>>, vector<1x16xf32>,
    %get3A_1288 = arith.constant 544 : index
    %get3A_1289 = tpu.vector_load %arg5[%get3A_1288] {strides = array<i32>} : memref<1024xi32, #tpu.memory_space<vmem>>, vector<16xi32>,
    %get3A_1290 = vector.shape_cast %get3A_1289 : vector<16xi32> to vector<16xi32>
    %sub3A_1291 = vector.broadcast %mul3A_3 : i32 to vector<16xi32>
    %sub3A_1292 = arith.subi %get3A_1290, %sub3A_1291 : vector<16xi32>
    %ge3A_1293 = arith.constant 0 : i32
    %ge3A_1294 = vector.broadcast %ge3A_1293 : i32 to vector<16xi32>
    %ge3A_1295 = arith.cmpi sge, %sub3A_1292, %ge3A_1294 : vector<16xi32>
    %lt3A_1296 = arith.constant 512 : i32
    %lt3A_1297 = vector.broadcast %lt3A_1296 : i32 to vector<16xi32>
    %lt3A_1298 = arith.cmpi slt, %sub3A_1292, %lt3A_1297 : vector<16xi32>
    %and3A_1299 = arith.andi %ge3A_1295, %lt3A_1298 : vector<16xi1>
    %jit3A_1300 = arith.constant 0 : i32
    %jit3A_1301 = arith.constant 511 : i32
    %max3A_1302 = vector.broadcast %jit3A_1300 : i32 to vector<16xi32>
    %max3A_1303 = arith.maxsi %max3A_1302, %sub3A_1292 : vector<16xi32>
    %min3A_1304 = vector.broadcast %jit3A_1301 : i32 to vector<16xi32>
    %min3A_1305 = arith.minsi %min3A_1304, %max3A_1303 : vector<16xi32>
    %mul3A_1306 = arith.constant 1024 : i32
    %mul3A_1307 = vector.broadcast %mul3A_1306 : i32 to vector<16xi32>
    %mul3A_1308 = arith.muli %min3A_1305, %mul3A_1307 : vector<16xi32>
    %get3A_1309 = arith.constant 544 : index
    %get3A_1310 = tpu.vector_load %arg4[%get3A_1309] {strides = array<i32>} : memref<1024xi32, #tpu.memory_space<vmem>>, vector<16xi32>,
    %get3A_1311 = vector.shape_cast %get3A_1310 : vector<16xi32> to vector<16xi32>
    %add3A_1312 = arith.addi %mul3A_1308, %get3A_1311 : vector<16xi32>
    %swap3A_1313 = arith.constant 4 : i32
    %swap3A_1314 = arith.index_cast %swap3A_1313 : i32 to index
    %swap3A_1315 = arith.constant 32 : index
    %swap3A_1316 = tpu.vector_load %arg6[%swap3A_1314, %swap3A_1315] {strides = array<i32>} : memref<8x128xi32, #tpu.memory_space<vmem>>, vector<1x16xi32>,
    %swap3A_1317 = vector.shape_cast %swap3A_1316 : vector<1x16xi32> to vector<16xi32>
    %swap3A_1318 = vector.shape_cast %add3A_1312 : vector<16xi32> to vector<1x16xi32>
    tpu.vector_store %arg6[%swap3A_1314, %swap3A_1315], %swap3A_1318 {strides = array<i32>} : memref<8x128xi32, #tpu.memory_space<vmem>>, vector<1x16xi32>,
    %select_n3A_1319 = arith.select %and3A_1299, %broadcast_in_dim3A_4, %broadcast_in_dim3A_6 : vector<16xi1>, vector<16xf32>
    %swap3A_1320 = arith.constant 4 : i32
    %swap3A_1321 = arith.index_cast %swap3A_1320 : i32 to index
    %swap3A_1322 = arith.constant 32 : index
    %swap3A_1323 = tpu.vector_load %arg7[%swap3A_1321, %swap3A_1322] {strides = array<i32>} : memref<8x128xf32, #tpu.memory_space<vmem>>, vector<1x16xf32>,
    %swap3A_1324 = vector.shape_cast %swap3A_1323 : vector<1x16xf32> to vector<16xf32>
    %swap3A_1325 = vector.shape_cast %select_n3A_1319 : vector<16xf32> to vector<1x16xf32>
    tpu.vector_store %arg7[%swap3A_1321, %swap3A_1322], %swap3A_1325 {strides = array<i32>} : memref<8x128xf32, #tpu.memory_space<vmem>>, vector<1x16xf32>,
    %get3A_1326 = arith.constant 560 : index
    %get3A_1327 = tpu.vector_load %arg5[%get3A_1326] {strides = array<i32>} : memref<1024xi32, #tpu.memory_space<vmem>>, vector<16xi32>,
    %get3A_1328 = vector.shape_cast %get3A_1327 : vector<16xi32> to vector<16xi32>
    %sub3A_1329 = vector.broadcast %mul3A_3 : i32 to vector<16xi32>
    %sub3A_1330 = arith.subi %get3A_1328, %sub3A_1329 : vector<16xi32>
    %ge3A_1331 = arith.constant 0 : i32
    %ge3A_1332 = vector.broadcast %ge3A_1331 : i32 to vector<16xi32>
    %ge3A_1333 = arith.cmpi sge, %sub3A_1330, %ge3A_1332 : vector<16xi32>
    %lt3A_1334 = arith.constant 512 : i32
    %lt3A_1335 = vector.broadcast %lt3A_1334 : i32 to vector<16xi32>
    %lt3A_1336 = arith.cmpi slt, %sub3A_1330, %lt3A_1335 : vector<16xi32>
    %and3A_1337 = arith.andi %ge3A_1333, %lt3A_1336 : vector<16xi1>
    %jit3A_1338 = arith.constant 0 : i32
    %jit3A_1339 = arith.constant 511 : i32
    %max3A_1340 = vector.broadcast %jit3A_1338 : i32 to vector<16xi32>
    %max3A_1341 = arith.maxsi %max3A_1340, %sub3A_1330 : vector<16xi32>
    %min3A_1342 = vector.broadcast %jit3A_1339 : i32 to vector<16xi32>
    %min3A_1343 = arith.minsi %min3A_1342, %max3A_1341 : vector<16xi32>
    %mul3A_1344 = arith.constant 1024 : i32
    %mul3A_1345 = vector.broadcast %mul3A_1344 : i32 to vector<16xi32>
    %mul3A_1346 = arith.muli %min3A_1343, %mul3A_1345 : vector<16xi32>
    %get3A_1347 = arith.constant 560 : index
    %get3A_1348 = tpu.vector_load %arg4[%get3A_1347] {strides = array<i32>} : memref<1024xi32, #tpu.memory_space<vmem>>, vector<16xi32>,
    %get3A_1349 = vector.shape_cast %get3A_1348 : vector<16xi32> to vector<16xi32>
    %add3A_1350 = arith.addi %mul3A_1346, %get3A_1349 : vector<16xi32>
    %swap3A_1351 = arith.constant 4 : i32
    %swap3A_1352 = arith.index_cast %swap3A_1351 : i32 to index
    %swap3A_1353 = arith.constant 48 : index
    %swap3A_1354 = tpu.vector_load %arg6[%swap3A_1352, %swap3A_1353] {strides = array<i32>} : memref<8x128xi32, #tpu.memory_space<vmem>>, vector<1x16xi32>,
    %swap3A_1355 = vector.shape_cast %swap3A_1354 : vector<1x16xi32> to vector<16xi32>
    %swap3A_1356 = vector.shape_cast %add3A_1350 : vector<16xi32> to vector<1x16xi32>
    tpu.vector_store %arg6[%swap3A_1352, %swap3A_1353], %swap3A_1356 {strides = array<i32>} : memref<8x128xi32, #tpu.memory_space<vmem>>, vector<1x16xi32>,
    %select_n3A_1357 = arith.select %and3A_1337, %broadcast_in_dim3A_4, %broadcast_in_dim3A_6 : vector<16xi1>, vector<16xf32>
    %swap3A_1358 = arith.constant 4 : i32
    %swap3A_1359 = arith.index_cast %swap3A_1358 : i32 to index
    %swap3A_1360 = arith.constant 48 : index
    %swap3A_1361 = tpu.vector_load %arg7[%swap3A_1359, %swap3A_1360] {strides = array<i32>} : memref<8x128xf32, #tpu.memory_space<vmem>>, vector<1x16xf32>,
    %swap3A_1362 = vector.shape_cast %swap3A_1361 : vector<1x16xf32> to vector<16xf32>
    %swap3A_1363 = vector.shape_cast %select_n3A_1357 : vector<16xf32> to vector<1x16xf32>
    tpu.vector_store %arg7[%swap3A_1359, %swap3A_1360], %swap3A_1363 {strides = array<i32>} : memref<8x128xf32, #tpu.memory_space<vmem>>, vector<1x16xf32>,
    %get3A_1364 = arith.constant 576 : index
    %get3A_1365 = tpu.vector_load %arg5[%get3A_1364] {strides = array<i32>} : memref<1024xi32, #tpu.memory_space<vmem>>, vector<16xi32>,
    %get3A_1366 = vector.shape_cast %get3A_1365 : vector<16xi32> to vector<16xi32>
    %sub3A_1367 = vector.broadcast %mul3A_3 : i32 to vector<16xi32>
    %sub3A_1368 = arith.subi %get3A_1366, %sub3A_1367 : vector<16xi32>
    %ge3A_1369 = arith.constant 0 : i32
    %ge3A_1370 = vector.broadcast %ge3A_1369 : i32 to vector<16xi32>
    %ge3A_1371 = arith.cmpi sge, %sub3A_1368, %ge3A_1370 : vector<16xi32>
    %lt3A_1372 = arith.constant 512 : i32
    %lt3A_1373 = vector.broadcast %lt3A_1372 : i32 to vector<16xi32>
    %lt3A_1374 = arith.cmpi slt, %sub3A_1368, %lt3A_1373 : vector<16xi32>
    %and3A_1375 = arith.andi %ge3A_1371, %lt3A_1374 : vector<16xi1>
    %jit3A_1376 = arith.constant 0 : i32
    %jit3A_1377 = arith.constant 511 : i32
    %max3A_1378 = vector.broadcast %jit3A_1376 : i32 to vector<16xi32>
    %max3A_1379 = arith.maxsi %max3A_1378, %sub3A_1368 : vector<16xi32>
    %min3A_1380 = vector.broadcast %jit3A_1377 : i32 to vector<16xi32>
    %min3A_1381 = arith.minsi %min3A_1380, %max3A_1379 : vector<16xi32>
    %mul3A_1382 = arith.constant 1024 : i32
    %mul3A_1383 = vector.broadcast %mul3A_1382 : i32 to vector<16xi32>
    %mul3A_1384 = arith.muli %min3A_1381, %mul3A_1383 : vector<16xi32>
    %get3A_1385 = arith.constant 576 : index
    %get3A_1386 = tpu.vector_load %arg4[%get3A_1385] {strides = array<i32>} : memref<1024xi32, #tpu.memory_space<vmem>>, vector<16xi32>,
    %get3A_1387 = vector.shape_cast %get3A_1386 : vector<16xi32> to vector<16xi32>
    %add3A_1388 = arith.addi %mul3A_1384, %get3A_1387 : vector<16xi32>
    %swap3A_1389 = arith.constant 4 : i32
    %swap3A_1390 = arith.index_cast %swap3A_1389 : i32 to index
    %swap3A_1391 = arith.constant 64 : index
    %swap3A_1392 = tpu.vector_load %arg6[%swap3A_1390, %swap3A_1391] {strides = array<i32>} : memref<8x128xi32, #tpu.memory_space<vmem>>, vector<1x16xi32>,
    %swap3A_1393 = vector.shape_cast %swap3A_1392 : vector<1x16xi32> to vector<16xi32>
    %swap3A_1394 = vector.shape_cast %add3A_1388 : vector<16xi32> to vector<1x16xi32>
    tpu.vector_store %arg6[%swap3A_1390, %swap3A_1391], %swap3A_1394 {strides = array<i32>} : memref<8x128xi32, #tpu.memory_space<vmem>>, vector<1x16xi32>,
    %select_n3A_1395 = arith.select %and3A_1375, %broadcast_in_dim3A_4, %broadcast_in_dim3A_6 : vector<16xi1>, vector<16xf32>
    %swap3A_1396 = arith.constant 4 : i32
    %swap3A_1397 = arith.index_cast %swap3A_1396 : i32 to index
    %swap3A_1398 = arith.constant 64 : index
    %swap3A_1399 = tpu.vector_load %arg7[%swap3A_1397, %swap3A_1398] {strides = array<i32>} : memref<8x128xf32, #tpu.memory_space<vmem>>, vector<1x16xf32>,
    %swap3A_1400 = vector.shape_cast %swap3A_1399 : vector<1x16xf32> to vector<16xf32>
    %swap3A_1401 = vector.shape_cast %select_n3A_1395 : vector<16xf32> to vector<1x16xf32>
    tpu.vector_store %arg7[%swap3A_1397, %swap3A_1398], %swap3A_1401 {strides = array<i32>} : memref<8x128xf32, #tpu.memory_space<vmem>>, vector<1x16xf32>,
    %get3A_1402 = arith.constant 592 : index
    %get3A_1403 = tpu.vector_load %arg5[%get3A_1402] {strides = array<i32>} : memref<1024xi32, #tpu.memory_space<vmem>>, vector<16xi32>,
    %get3A_1404 = vector.shape_cast %get3A_1403 : vector<16xi32> to vector<16xi32>
    %sub3A_1405 = vector.broadcast %mul3A_3 : i32 to vector<16xi32>
    %sub3A_1406 = arith.subi %get3A_1404, %sub3A_1405 : vector<16xi32>
    %ge3A_1407 = arith.constant 0 : i32
    %ge3A_1408 = vector.broadcast %ge3A_1407 : i32 to vector<16xi32>
    %ge3A_1409 = arith.cmpi sge, %sub3A_1406, %ge3A_1408 : vector<16xi32>
    %lt3A_1410 = arith.constant 512 : i32
    %lt3A_1411 = vector.broadcast %lt3A_1410 : i32 to vector<16xi32>
    %lt3A_1412 = arith.cmpi slt, %sub3A_1406, %lt3A_1411 : vector<16xi32>
    %and3A_1413 = arith.andi %ge3A_1409, %lt3A_1412 : vector<16xi1>
    %jit3A_1414 = arith.constant 0 : i32
    %jit3A_1415 = arith.constant 511 : i32
    %max3A_1416 = vector.broadcast %jit3A_1414 : i32 to vector<16xi32>
    %max3A_1417 = arith.maxsi %max3A_1416, %sub3A_1406 : vector<16xi32>
    %min3A_1418 = vector.broadcast %jit3A_1415 : i32 to vector<16xi32>
    %min3A_1419 = arith.minsi %min3A_1418, %max3A_1417 : vector<16xi32>
    %mul3A_1420 = arith.constant 1024 : i32
    %mul3A_1421 = vector.broadcast %mul3A_1420 : i32 to vector<16xi32>
    %mul3A_1422 = arith.muli %min3A_1419, %mul3A_1421 : vector<16xi32>
    %get3A_1423 = arith.constant 592 : index
    %get3A_1424 = tpu.vector_load %arg4[%get3A_1423] {strides = array<i32>} : memref<1024xi32, #tpu.memory_space<vmem>>, vector<16xi32>,
    %get3A_1425 = vector.shape_cast %get3A_1424 : vector<16xi32> to vector<16xi32>
    %add3A_1426 = arith.addi %mul3A_1422, %get3A_1425 : vector<16xi32>
    %swap3A_1427 = arith.constant 4 : i32
    %swap3A_1428 = arith.index_cast %swap3A_1427 : i32 to index
    %swap3A_1429 = arith.constant 80 : index
    %swap3A_1430 = tpu.vector_load %arg6[%swap3A_1428, %swap3A_1429] {strides = array<i32>} : memref<8x128xi32, #tpu.memory_space<vmem>>, vector<1x16xi32>,
    %swap3A_1431 = vector.shape_cast %swap3A_1430 : vector<1x16xi32> to vector<16xi32>
    %swap3A_1432 = vector.shape_cast %add3A_1426 : vector<16xi32> to vector<1x16xi32>
    tpu.vector_store %arg6[%swap3A_1428, %swap3A_1429], %swap3A_1432 {strides = array<i32>} : memref<8x128xi32, #tpu.memory_space<vmem>>, vector<1x16xi32>,
    %select_n3A_1433 = arith.select %and3A_1413, %broadcast_in_dim3A_4, %broadcast_in_dim3A_6 : vector<16xi1>, vector<16xf32>
    %swap3A_1434 = arith.constant 4 : i32
    %swap3A_1435 = arith.index_cast %swap3A_1434 : i32 to index
    %swap3A_1436 = arith.constant 80 : index
    %swap3A_1437 = tpu.vector_load %arg7[%swap3A_1435, %swap3A_1436] {strides = array<i32>} : memref<8x128xf32, #tpu.memory_space<vmem>>, vector<1x16xf32>,
    %swap3A_1438 = vector.shape_cast %swap3A_1437 : vector<1x16xf32> to vector<16xf32>
    %swap3A_1439 = vector.shape_cast %select_n3A_1433 : vector<16xf32> to vector<1x16xf32>
    tpu.vector_store %arg7[%swap3A_1435, %swap3A_1436], %swap3A_1439 {strides = array<i32>} : memref<8x128xf32, #tpu.memory_space<vmem>>, vector<1x16xf32>,
    %get3A_1440 = arith.constant 608 : index
    %get3A_1441 = tpu.vector_load %arg5[%get3A_1440] {strides = array<i32>} : memref<1024xi32, #tpu.memory_space<vmem>>, vector<16xi32>,
    %get3A_1442 = vector.shape_cast %get3A_1441 : vector<16xi32> to vector<16xi32>
    %sub3A_1443 = vector.broadcast %mul3A_3 : i32 to vector<16xi32>
    %sub3A_1444 = arith.subi %get3A_1442, %sub3A_1443 : vector<16xi32>
    %ge3A_1445 = arith.constant 0 : i32
    %ge3A_1446 = vector.broadcast %ge3A_1445 : i32 to vector<16xi32>
    %ge3A_1447 = arith.cmpi sge, %sub3A_1444, %ge3A_1446 : vector<16xi32>
    %lt3A_1448 = arith.constant 512 : i32
    %lt3A_1449 = vector.broadcast %lt3A_1448 : i32 to vector<16xi32>
    %lt3A_1450 = arith.cmpi slt, %sub3A_1444, %lt3A_1449 : vector<16xi32>
    %and3A_1451 = arith.andi %ge3A_1447, %lt3A_1450 : vector<16xi1>
    %jit3A_1452 = arith.constant 0 : i32
    %jit3A_1453 = arith.constant 511 : i32
    %max3A_1454 = vector.broadcast %jit3A_1452 : i32 to vector<16xi32>
    %max3A_1455 = arith.maxsi %max3A_1454, %sub3A_1444 : vector<16xi32>
    %min3A_1456 = vector.broadcast %jit3A_1453 : i32 to vector<16xi32>
    %min3A_1457 = arith.minsi %min3A_1456, %max3A_1455 : vector<16xi32>
    %mul3A_1458 = arith.constant 1024 : i32
    %mul3A_1459 = vector.broadcast %mul3A_1458 : i32 to vector<16xi32>
    %mul3A_1460 = arith.muli %min3A_1457, %mul3A_1459 : vector<16xi32>
    %get3A_1461 = arith.constant 608 : index
    %get3A_1462 = tpu.vector_load %arg4[%get3A_1461] {strides = array<i32>} : memref<1024xi32, #tpu.memory_space<vmem>>, vector<16xi32>,
    %get3A_1463 = vector.shape_cast %get3A_1462 : vector<16xi32> to vector<16xi32>
    %add3A_1464 = arith.addi %mul3A_1460, %get3A_1463 : vector<16xi32>
    %swap3A_1465 = arith.constant 4 : i32
    %swap3A_1466 = arith.index_cast %swap3A_1465 : i32 to index
    %swap3A_1467 = arith.constant 96 : index
    %swap3A_1468 = tpu.vector_load %arg6[%swap3A_1466, %swap3A_1467] {strides = array<i32>} : memref<8x128xi32, #tpu.memory_space<vmem>>, vector<1x16xi32>,
    %swap3A_1469 = vector.shape_cast %swap3A_1468 : vector<1x16xi32> to vector<16xi32>
    %swap3A_1470 = vector.shape_cast %add3A_1464 : vector<16xi32> to vector<1x16xi32>
    tpu.vector_store %arg6[%swap3A_1466, %swap3A_1467], %swap3A_1470 {strides = array<i32>} : memref<8x128xi32, #tpu.memory_space<vmem>>, vector<1x16xi32>,
    %select_n3A_1471 = arith.select %and3A_1451, %broadcast_in_dim3A_4, %broadcast_in_dim3A_6 : vector<16xi1>, vector<16xf32>
    %swap3A_1472 = arith.constant 4 : i32
    %swap3A_1473 = arith.index_cast %swap3A_1472 : i32 to index
    %swap3A_1474 = arith.constant 96 : index
    %swap3A_1475 = tpu.vector_load %arg7[%swap3A_1473, %swap3A_1474] {strides = array<i32>} : memref<8x128xf32, #tpu.memory_space<vmem>>, vector<1x16xf32>,
    %swap3A_1476 = vector.shape_cast %swap3A_1475 : vector<1x16xf32> to vector<16xf32>
    %swap3A_1477 = vector.shape_cast %select_n3A_1471 : vector<16xf32> to vector<1x16xf32>
    tpu.vector_store %arg7[%swap3A_1473, %swap3A_1474], %swap3A_1477 {strides = array<i32>} : memref<8x128xf32, #tpu.memory_space<vmem>>, vector<1x16xf32>,
    %get3A_1478 = arith.constant 624 : index
    %get3A_1479 = tpu.vector_load %arg5[%get3A_1478] {strides = array<i32>} : memref<1024xi32, #tpu.memory_space<vmem>>, vector<16xi32>,
    %get3A_1480 = vector.shape_cast %get3A_1479 : vector<16xi32> to vector<16xi32>
    %sub3A_1481 = vector.broadcast %mul3A_3 : i32 to vector<16xi32>
    %sub3A_1482 = arith.subi %get3A_1480, %sub3A_1481 : vector<16xi32>
    %ge3A_1483 = arith.constant 0 : i32
    %ge3A_1484 = vector.broadcast %ge3A_1483 : i32 to vector<16xi32>
    %ge3A_1485 = arith.cmpi sge, %sub3A_1482, %ge3A_1484 : vector<16xi32>
    %lt3A_1486 = arith.constant 512 : i32
    %lt3A_1487 = vector.broadcast %lt3A_1486 : i32 to vector<16xi32>
    %lt3A_1488 = arith.cmpi slt, %sub3A_1482, %lt3A_1487 : vector<16xi32>
    %and3A_1489 = arith.andi %ge3A_1485, %lt3A_1488 : vector<16xi1>
    %jit3A_1490 = arith.constant 0 : i32
    %jit3A_1491 = arith.constant 511 : i32
    %max3A_1492 = vector.broadcast %jit3A_1490 : i32 to vector<16xi32>
    %max3A_1493 = arith.maxsi %max3A_1492, %sub3A_1482 : vector<16xi32>
    %min3A_1494 = vector.broadcast %jit3A_1491 : i32 to vector<16xi32>
    %min3A_1495 = arith.minsi %min3A_1494, %max3A_1493 : vector<16xi32>
    %mul3A_1496 = arith.constant 1024 : i32
    %mul3A_1497 = vector.broadcast %mul3A_1496 : i32 to vector<16xi32>
    %mul3A_1498 = arith.muli %min3A_1495, %mul3A_1497 : vector<16xi32>
    %get3A_1499 = arith.constant 624 : index
    %get3A_1500 = tpu.vector_load %arg4[%get3A_1499] {strides = array<i32>} : memref<1024xi32, #tpu.memory_space<vmem>>, vector<16xi32>,
    %get3A_1501 = vector.shape_cast %get3A_1500 : vector<16xi32> to vector<16xi32>
    %add3A_1502 = arith.addi %mul3A_1498, %get3A_1501 : vector<16xi32>
    %swap3A_1503 = arith.constant 4 : i32
    %swap3A_1504 = arith.index_cast %swap3A_1503 : i32 to index
    %swap3A_1505 = arith.constant 112 : index
    %swap3A_1506 = tpu.vector_load %arg6[%swap3A_1504, %swap3A_1505] {strides = array<i32>} : memref<8x128xi32, #tpu.memory_space<vmem>>, vector<1x16xi32>,
    %swap3A_1507 = vector.shape_cast %swap3A_1506 : vector<1x16xi32> to vector<16xi32>
    %swap3A_1508 = vector.shape_cast %add3A_1502 : vector<16xi32> to vector<1x16xi32>
    tpu.vector_store %arg6[%swap3A_1504, %swap3A_1505], %swap3A_1508 {strides = array<i32>} : memref<8x128xi32, #tpu.memory_space<vmem>>, vector<1x16xi32>,
    %select_n3A_1509 = arith.select %and3A_1489, %broadcast_in_dim3A_4, %broadcast_in_dim3A_6 : vector<16xi1>, vector<16xf32>
    %swap3A_1510 = arith.constant 4 : i32
    %swap3A_1511 = arith.index_cast %swap3A_1510 : i32 to index
    %swap3A_1512 = arith.constant 112 : index
    %swap3A_1513 = tpu.vector_load %arg7[%swap3A_1511, %swap3A_1512] {strides = array<i32>} : memref<8x128xf32, #tpu.memory_space<vmem>>, vector<1x16xf32>,
    %swap3A_1514 = vector.shape_cast %swap3A_1513 : vector<1x16xf32> to vector<16xf32>
    %swap3A_1515 = vector.shape_cast %select_n3A_1509 : vector<16xf32> to vector<1x16xf32>
    tpu.vector_store %arg7[%swap3A_1511, %swap3A_1512], %swap3A_1515 {strides = array<i32>} : memref<8x128xf32, #tpu.memory_space<vmem>>, vector<1x16xf32>,
    %get3A_1516 = arith.constant 640 : index
    %get3A_1517 = tpu.vector_load %arg5[%get3A_1516] {strides = array<i32>} : memref<1024xi32, #tpu.memory_space<vmem>>, vector<16xi32>,
    %get3A_1518 = vector.shape_cast %get3A_1517 : vector<16xi32> to vector<16xi32>
    %sub3A_1519 = vector.broadcast %mul3A_3 : i32 to vector<16xi32>
    %sub3A_1520 = arith.subi %get3A_1518, %sub3A_1519 : vector<16xi32>
    %ge3A_1521 = arith.constant 0 : i32
    %ge3A_1522 = vector.broadcast %ge3A_1521 : i32 to vector<16xi32>
    %ge3A_1523 = arith.cmpi sge, %sub3A_1520, %ge3A_1522 : vector<16xi32>
    %lt3A_1524 = arith.constant 512 : i32
    %lt3A_1525 = vector.broadcast %lt3A_1524 : i32 to vector<16xi32>
    %lt3A_1526 = arith.cmpi slt, %sub3A_1520, %lt3A_1525 : vector<16xi32>
    %and3A_1527 = arith.andi %ge3A_1523, %lt3A_1526 : vector<16xi1>
    %jit3A_1528 = arith.constant 0 : i32
    %jit3A_1529 = arith.constant 511 : i32
    %max3A_1530 = vector.broadcast %jit3A_1528 : i32 to vector<16xi32>
    %max3A_1531 = arith.maxsi %max3A_1530, %sub3A_1520 : vector<16xi32>
    %min3A_1532 = vector.broadcast %jit3A_1529 : i32 to vector<16xi32>
    %min3A_1533 = arith.minsi %min3A_1532, %max3A_1531 : vector<16xi32>
    %mul3A_1534 = arith.constant 1024 : i32
    %mul3A_1535 = vector.broadcast %mul3A_1534 : i32 to vector<16xi32>
    %mul3A_1536 = arith.muli %min3A_1533, %mul3A_1535 : vector<16xi32>
    %get3A_1537 = arith.constant 640 : index
    %get3A_1538 = tpu.vector_load %arg4[%get3A_1537] {strides = array<i32>} : memref<1024xi32, #tpu.memory_space<vmem>>, vector<16xi32>,
    %get3A_1539 = vector.shape_cast %get3A_1538 : vector<16xi32> to vector<16xi32>
    %add3A_1540 = arith.addi %mul3A_1536, %get3A_1539 : vector<16xi32>
    %swap3A_1541 = arith.constant 5 : i32
    %swap3A_1542 = arith.index_cast %swap3A_1541 : i32 to index
    %swap3A_1543 = arith.constant 0 : index
    %swap3A_1544 = tpu.vector_load %arg6[%swap3A_1542, %swap3A_1543] {strides = array<i32>} : memref<8x128xi32, #tpu.memory_space<vmem>>, vector<1x16xi32>,
    %swap3A_1545 = vector.shape_cast %swap3A_1544 : vector<1x16xi32> to vector<16xi32>
    %swap3A_1546 = vector.shape_cast %add3A_1540 : vector<16xi32> to vector<1x16xi32>
    tpu.vector_store %arg6[%swap3A_1542, %swap3A_1543], %swap3A_1546 {strides = array<i32>} : memref<8x128xi32, #tpu.memory_space<vmem>>, vector<1x16xi32>,
    %select_n3A_1547 = arith.select %and3A_1527, %broadcast_in_dim3A_4, %broadcast_in_dim3A_6 : vector<16xi1>, vector<16xf32>
    %swap3A_1548 = arith.constant 5 : i32
    %swap3A_1549 = arith.index_cast %swap3A_1548 : i32 to index
    %swap3A_1550 = arith.constant 0 : index
    %swap3A_1551 = tpu.vector_load %arg7[%swap3A_1549, %swap3A_1550] {strides = array<i32>} : memref<8x128xf32, #tpu.memory_space<vmem>>, vector<1x16xf32>,
    %swap3A_1552 = vector.shape_cast %swap3A_1551 : vector<1x16xf32> to vector<16xf32>
    %swap3A_1553 = vector.shape_cast %select_n3A_1547 : vector<16xf32> to vector<1x16xf32>
    tpu.vector_store %arg7[%swap3A_1549, %swap3A_1550], %swap3A_1553 {strides = array<i32>} : memref<8x128xf32, #tpu.memory_space<vmem>>, vector<1x16xf32>,
    %get3A_1554 = arith.constant 656 : index
    %get3A_1555 = tpu.vector_load %arg5[%get3A_1554] {strides = array<i32>} : memref<1024xi32, #tpu.memory_space<vmem>>, vector<16xi32>,
    %get3A_1556 = vector.shape_cast %get3A_1555 : vector<16xi32> to vector<16xi32>
    %sub3A_1557 = vector.broadcast %mul3A_3 : i32 to vector<16xi32>
    %sub3A_1558 = arith.subi %get3A_1556, %sub3A_1557 : vector<16xi32>
    %ge3A_1559 = arith.constant 0 : i32
    %ge3A_1560 = vector.broadcast %ge3A_1559 : i32 to vector<16xi32>
    %ge3A_1561 = arith.cmpi sge, %sub3A_1558, %ge3A_1560 : vector<16xi32>
    %lt3A_1562 = arith.constant 512 : i32
    %lt3A_1563 = vector.broadcast %lt3A_1562 : i32 to vector<16xi32>
    %lt3A_1564 = arith.cmpi slt, %sub3A_1558, %lt3A_1563 : vector<16xi32>
    %and3A_1565 = arith.andi %ge3A_1561, %lt3A_1564 : vector<16xi1>
    %jit3A_1566 = arith.constant 0 : i32
    %jit3A_1567 = arith.constant 511 : i32
    %max3A_1568 = vector.broadcast %jit3A_1566 : i32 to vector<16xi32>
    %max3A_1569 = arith.maxsi %max3A_1568, %sub3A_1558 : vector<16xi32>
    %min3A_1570 = vector.broadcast %jit3A_1567 : i32 to vector<16xi32>
    %min3A_1571 = arith.minsi %min3A_1570, %max3A_1569 : vector<16xi32>
    %mul3A_1572 = arith.constant 1024 : i32
    %mul3A_1573 = vector.broadcast %mul3A_1572 : i32 to vector<16xi32>
    %mul3A_1574 = arith.muli %min3A_1571, %mul3A_1573 : vector<16xi32>
    %get3A_1575 = arith.constant 656 : index
    %get3A_1576 = tpu.vector_load %arg4[%get3A_1575] {strides = array<i32>} : memref<1024xi32, #tpu.memory_space<vmem>>, vector<16xi32>,
    %get3A_1577 = vector.shape_cast %get3A_1576 : vector<16xi32> to vector<16xi32>
    %add3A_1578 = arith.addi %mul3A_1574, %get3A_1577 : vector<16xi32>
    %swap3A_1579 = arith.constant 5 : i32
    %swap3A_1580 = arith.index_cast %swap3A_1579 : i32 to index
    %swap3A_1581 = arith.constant 16 : index
    %swap3A_1582 = tpu.vector_load %arg6[%swap3A_1580, %swap3A_1581] {strides = array<i32>} : memref<8x128xi32, #tpu.memory_space<vmem>>, vector<1x16xi32>,
    %swap3A_1583 = vector.shape_cast %swap3A_1582 : vector<1x16xi32> to vector<16xi32>
    %swap3A_1584 = vector.shape_cast %add3A_1578 : vector<16xi32> to vector<1x16xi32>
    tpu.vector_store %arg6[%swap3A_1580, %swap3A_1581], %swap3A_1584 {strides = array<i32>} : memref<8x128xi32, #tpu.memory_space<vmem>>, vector<1x16xi32>,
    %select_n3A_1585 = arith.select %and3A_1565, %broadcast_in_dim3A_4, %broadcast_in_dim3A_6 : vector<16xi1>, vector<16xf32>
    %swap3A_1586 = arith.constant 5 : i32
    %swap3A_1587 = arith.index_cast %swap3A_1586 : i32 to index
    %swap3A_1588 = arith.constant 16 : index
    %swap3A_1589 = tpu.vector_load %arg7[%swap3A_1587, %swap3A_1588] {strides = array<i32>} : memref<8x128xf32, #tpu.memory_space<vmem>>, vector<1x16xf32>,
    %swap3A_1590 = vector.shape_cast %swap3A_1589 : vector<1x16xf32> to vector<16xf32>
    %swap3A_1591 = vector.shape_cast %select_n3A_1585 : vector<16xf32> to vector<1x16xf32>
    tpu.vector_store %arg7[%swap3A_1587, %swap3A_1588], %swap3A_1591 {strides = array<i32>} : memref<8x128xf32, #tpu.memory_space<vmem>>, vector<1x16xf32>,
    %get3A_1592 = arith.constant 672 : index
    %get3A_1593 = tpu.vector_load %arg5[%get3A_1592] {strides = array<i32>} : memref<1024xi32, #tpu.memory_space<vmem>>, vector<16xi32>,
    %get3A_1594 = vector.shape_cast %get3A_1593 : vector<16xi32> to vector<16xi32>
    %sub3A_1595 = vector.broadcast %mul3A_3 : i32 to vector<16xi32>
    %sub3A_1596 = arith.subi %get3A_1594, %sub3A_1595 : vector<16xi32>
    %ge3A_1597 = arith.constant 0 : i32
    %ge3A_1598 = vector.broadcast %ge3A_1597 : i32 to vector<16xi32>
    %ge3A_1599 = arith.cmpi sge, %sub3A_1596, %ge3A_1598 : vector<16xi32>
    %lt3A_1600 = arith.constant 512 : i32
    %lt3A_1601 = vector.broadcast %lt3A_1600 : i32 to vector<16xi32>
    %lt3A_1602 = arith.cmpi slt, %sub3A_1596, %lt3A_1601 : vector<16xi32>
    %and3A_1603 = arith.andi %ge3A_1599, %lt3A_1602 : vector<16xi1>
    %jit3A_1604 = arith.constant 0 : i32
    %jit3A_1605 = arith.constant 511 : i32
    %max3A_1606 = vector.broadcast %jit3A_1604 : i32 to vector<16xi32>
    %max3A_1607 = arith.maxsi %max3A_1606, %sub3A_1596 : vector<16xi32>
    %min3A_1608 = vector.broadcast %jit3A_1605 : i32 to vector<16xi32>
    %min3A_1609 = arith.minsi %min3A_1608, %max3A_1607 : vector<16xi32>
    %mul3A_1610 = arith.constant 1024 : i32
    %mul3A_1611 = vector.broadcast %mul3A_1610 : i32 to vector<16xi32>
    %mul3A_1612 = arith.muli %min3A_1609, %mul3A_1611 : vector<16xi32>
    %get3A_1613 = arith.constant 672 : index
    %get3A_1614 = tpu.vector_load %arg4[%get3A_1613] {strides = array<i32>} : memref<1024xi32, #tpu.memory_space<vmem>>, vector<16xi32>,
    %get3A_1615 = vector.shape_cast %get3A_1614 : vector<16xi32> to vector<16xi32>
    %add3A_1616 = arith.addi %mul3A_1612, %get3A_1615 : vector<16xi32>
    %swap3A_1617 = arith.constant 5 : i32
    %swap3A_1618 = arith.index_cast %swap3A_1617 : i32 to index
    %swap3A_1619 = arith.constant 32 : index
    %swap3A_1620 = tpu.vector_load %arg6[%swap3A_1618, %swap3A_1619] {strides = array<i32>} : memref<8x128xi32, #tpu.memory_space<vmem>>, vector<1x16xi32>,
    %swap3A_1621 = vector.shape_cast %swap3A_1620 : vector<1x16xi32> to vector<16xi32>
    %swap3A_1622 = vector.shape_cast %add3A_1616 : vector<16xi32> to vector<1x16xi32>
    tpu.vector_store %arg6[%swap3A_1618, %swap3A_1619], %swap3A_1622 {strides = array<i32>} : memref<8x128xi32, #tpu.memory_space<vmem>>, vector<1x16xi32>,
    %select_n3A_1623 = arith.select %and3A_1603, %broadcast_in_dim3A_4, %broadcast_in_dim3A_6 : vector<16xi1>, vector<16xf32>
    %swap3A_1624 = arith.constant 5 : i32
    %swap3A_1625 = arith.index_cast %swap3A_1624 : i32 to index
    %swap3A_1626 = arith.constant 32 : index
    %swap3A_1627 = tpu.vector_load %arg7[%swap3A_1625, %swap3A_1626] {strides = array<i32>} : memref<8x128xf32, #tpu.memory_space<vmem>>, vector<1x16xf32>,
    %swap3A_1628 = vector.shape_cast %swap3A_1627 : vector<1x16xf32> to vector<16xf32>
    %swap3A_1629 = vector.shape_cast %select_n3A_1623 : vector<16xf32> to vector<1x16xf32>
    tpu.vector_store %arg7[%swap3A_1625, %swap3A_1626], %swap3A_1629 {strides = array<i32>} : memref<8x128xf32, #tpu.memory_space<vmem>>, vector<1x16xf32>,
    %get3A_1630 = arith.constant 688 : index
    %get3A_1631 = tpu.vector_load %arg5[%get3A_1630] {strides = array<i32>} : memref<1024xi32, #tpu.memory_space<vmem>>, vector<16xi32>,
    %get3A_1632 = vector.shape_cast %get3A_1631 : vector<16xi32> to vector<16xi32>
    %sub3A_1633 = vector.broadcast %mul3A_3 : i32 to vector<16xi32>
    %sub3A_1634 = arith.subi %get3A_1632, %sub3A_1633 : vector<16xi32>
    %ge3A_1635 = arith.constant 0 : i32
    %ge3A_1636 = vector.broadcast %ge3A_1635 : i32 to vector<16xi32>
    %ge3A_1637 = arith.cmpi sge, %sub3A_1634, %ge3A_1636 : vector<16xi32>
    %lt3A_1638 = arith.constant 512 : i32
    %lt3A_1639 = vector.broadcast %lt3A_1638 : i32 to vector<16xi32>
    %lt3A_1640 = arith.cmpi slt, %sub3A_1634, %lt3A_1639 : vector<16xi32>
    %and3A_1641 = arith.andi %ge3A_1637, %lt3A_1640 : vector<16xi1>
    %jit3A_1642 = arith.constant 0 : i32
    %jit3A_1643 = arith.constant 511 : i32
    %max3A_1644 = vector.broadcast %jit3A_1642 : i32 to vector<16xi32>
    %max3A_1645 = arith.maxsi %max3A_1644, %sub3A_1634 : vector<16xi32>
    %min3A_1646 = vector.broadcast %jit3A_1643 : i32 to vector<16xi32>
    %min3A_1647 = arith.minsi %min3A_1646, %max3A_1645 : vector<16xi32>
    %mul3A_1648 = arith.constant 1024 : i32
    %mul3A_1649 = vector.broadcast %mul3A_1648 : i32 to vector<16xi32>
    %mul3A_1650 = arith.muli %min3A_1647, %mul3A_1649 : vector<16xi32>
    %get3A_1651 = arith.constant 688 : index
    %get3A_1652 = tpu.vector_load %arg4[%get3A_1651] {strides = array<i32>} : memref<1024xi32, #tpu.memory_space<vmem>>, vector<16xi32>,
    %get3A_1653 = vector.shape_cast %get3A_1652 : vector<16xi32> to vector<16xi32>
    %add3A_1654 = arith.addi %mul3A_1650, %get3A_1653 : vector<16xi32>
    %swap3A_1655 = arith.constant 5 : i32
    %swap3A_1656 = arith.index_cast %swap3A_1655 : i32 to index
    %swap3A_1657 = arith.constant 48 : index
    %swap3A_1658 = tpu.vector_load %arg6[%swap3A_1656, %swap3A_1657] {strides = array<i32>} : memref<8x128xi32, #tpu.memory_space<vmem>>, vector<1x16xi32>,
    %swap3A_1659 = vector.shape_cast %swap3A_1658 : vector<1x16xi32> to vector<16xi32>
    %swap3A_1660 = vector.shape_cast %add3A_1654 : vector<16xi32> to vector<1x16xi32>
    tpu.vector_store %arg6[%swap3A_1656, %swap3A_1657], %swap3A_1660 {strides = array<i32>} : memref<8x128xi32, #tpu.memory_space<vmem>>, vector<1x16xi32>,
    %select_n3A_1661 = arith.select %and3A_1641, %broadcast_in_dim3A_4, %broadcast_in_dim3A_6 : vector<16xi1>, vector<16xf32>
    %swap3A_1662 = arith.constant 5 : i32
    %swap3A_1663 = arith.index_cast %swap3A_1662 : i32 to index
    %swap3A_1664 = arith.constant 48 : index
    %swap3A_1665 = tpu.vector_load %arg7[%swap3A_1663, %swap3A_1664] {strides = array<i32>} : memref<8x128xf32, #tpu.memory_space<vmem>>, vector<1x16xf32>,
    %swap3A_1666 = vector.shape_cast %swap3A_1665 : vector<1x16xf32> to vector<16xf32>
    %swap3A_1667 = vector.shape_cast %select_n3A_1661 : vector<16xf32> to vector<1x16xf32>
    tpu.vector_store %arg7[%swap3A_1663, %swap3A_1664], %swap3A_1667 {strides = array<i32>} : memref<8x128xf32, #tpu.memory_space<vmem>>, vector<1x16xf32>,
    %get3A_1668 = arith.constant 704 : index
    %get3A_1669 = tpu.vector_load %arg5[%get3A_1668] {strides = array<i32>} : memref<1024xi32, #tpu.memory_space<vmem>>, vector<16xi32>,
    %get3A_1670 = vector.shape_cast %get3A_1669 : vector<16xi32> to vector<16xi32>
    %sub3A_1671 = vector.broadcast %mul3A_3 : i32 to vector<16xi32>
    %sub3A_1672 = arith.subi %get3A_1670, %sub3A_1671 : vector<16xi32>
    %ge3A_1673 = arith.constant 0 : i32
    %ge3A_1674 = vector.broadcast %ge3A_1673 : i32 to vector<16xi32>
    %ge3A_1675 = arith.cmpi sge, %sub3A_1672, %ge3A_1674 : vector<16xi32>
    %lt3A_1676 = arith.constant 512 : i32
    %lt3A_1677 = vector.broadcast %lt3A_1676 : i32 to vector<16xi32>
    %lt3A_1678 = arith.cmpi slt, %sub3A_1672, %lt3A_1677 : vector<16xi32>
    %and3A_1679 = arith.andi %ge3A_1675, %lt3A_1678 : vector<16xi1>
    %jit3A_1680 = arith.constant 0 : i32
    %jit3A_1681 = arith.constant 511 : i32
    %max3A_1682 = vector.broadcast %jit3A_1680 : i32 to vector<16xi32>
    %max3A_1683 = arith.maxsi %max3A_1682, %sub3A_1672 : vector<16xi32>
    %min3A_1684 = vector.broadcast %jit3A_1681 : i32 to vector<16xi32>
    %min3A_1685 = arith.minsi %min3A_1684, %max3A_1683 : vector<16xi32>
    %mul3A_1686 = arith.constant 1024 : i32
    %mul3A_1687 = vector.broadcast %mul3A_1686 : i32 to vector<16xi32>
    %mul3A_1688 = arith.muli %min3A_1685, %mul3A_1687 : vector<16xi32>
    %get3A_1689 = arith.constant 704 : index
    %get3A_1690 = tpu.vector_load %arg4[%get3A_1689] {strides = array<i32>} : memref<1024xi32, #tpu.memory_space<vmem>>, vector<16xi32>,
    %get3A_1691 = vector.shape_cast %get3A_1690 : vector<16xi32> to vector<16xi32>
    %add3A_1692 = arith.addi %mul3A_1688, %get3A_1691 : vector<16xi32>
    %swap3A_1693 = arith.constant 5 : i32
    %swap3A_1694 = arith.index_cast %swap3A_1693 : i32 to index
    %swap3A_1695 = arith.constant 64 : index
    %swap3A_1696 = tpu.vector_load %arg6[%swap3A_1694, %swap3A_1695] {strides = array<i32>} : memref<8x128xi32, #tpu.memory_space<vmem>>, vector<1x16xi32>,
    %swap3A_1697 = vector.shape_cast %swap3A_1696 : vector<1x16xi32> to vector<16xi32>
    %swap3A_1698 = vector.shape_cast %add3A_1692 : vector<16xi32> to vector<1x16xi32>
    tpu.vector_store %arg6[%swap3A_1694, %swap3A_1695], %swap3A_1698 {strides = array<i32>} : memref<8x128xi32, #tpu.memory_space<vmem>>, vector<1x16xi32>,
    %select_n3A_1699 = arith.select %and3A_1679, %broadcast_in_dim3A_4, %broadcast_in_dim3A_6 : vector<16xi1>, vector<16xf32>
    %swap3A_1700 = arith.constant 5 : i32
    %swap3A_1701 = arith.index_cast %swap3A_1700 : i32 to index
    %swap3A_1702 = arith.constant 64 : index
    %swap3A_1703 = tpu.vector_load %arg7[%swap3A_1701, %swap3A_1702] {strides = array<i32>} : memref<8x128xf32, #tpu.memory_space<vmem>>, vector<1x16xf32>,
    %swap3A_1704 = vector.shape_cast %swap3A_1703 : vector<1x16xf32> to vector<16xf32>
    %swap3A_1705 = vector.shape_cast %select_n3A_1699 : vector<16xf32> to vector<1x16xf32>
    tpu.vector_store %arg7[%swap3A_1701, %swap3A_1702], %swap3A_1705 {strides = array<i32>} : memref<8x128xf32, #tpu.memory_space<vmem>>, vector<1x16xf32>,
    %get3A_1706 = arith.constant 720 : index
    %get3A_1707 = tpu.vector_load %arg5[%get3A_1706] {strides = array<i32>} : memref<1024xi32, #tpu.memory_space<vmem>>, vector<16xi32>,
    %get3A_1708 = vector.shape_cast %get3A_1707 : vector<16xi32> to vector<16xi32>
    %sub3A_1709 = vector.broadcast %mul3A_3 : i32 to vector<16xi32>
    %sub3A_1710 = arith.subi %get3A_1708, %sub3A_1709 : vector<16xi32>
    %ge3A_1711 = arith.constant 0 : i32
    %ge3A_1712 = vector.broadcast %ge3A_1711 : i32 to vector<16xi32>
    %ge3A_1713 = arith.cmpi sge, %sub3A_1710, %ge3A_1712 : vector<16xi32>
    %lt3A_1714 = arith.constant 512 : i32
    %lt3A_1715 = vector.broadcast %lt3A_1714 : i32 to vector<16xi32>
    %lt3A_1716 = arith.cmpi slt, %sub3A_1710, %lt3A_1715 : vector<16xi32>
    %and3A_1717 = arith.andi %ge3A_1713, %lt3A_1716 : vector<16xi1>
    %jit3A_1718 = arith.constant 0 : i32
    %jit3A_1719 = arith.constant 511 : i32
    %max3A_1720 = vector.broadcast %jit3A_1718 : i32 to vector<16xi32>
    %max3A_1721 = arith.maxsi %max3A_1720, %sub3A_1710 : vector<16xi32>
    %min3A_1722 = vector.broadcast %jit3A_1719 : i32 to vector<16xi32>
    %min3A_1723 = arith.minsi %min3A_1722, %max3A_1721 : vector<16xi32>
    %mul3A_1724 = arith.constant 1024 : i32
    %mul3A_1725 = vector.broadcast %mul3A_1724 : i32 to vector<16xi32>
    %mul3A_1726 = arith.muli %min3A_1723, %mul3A_1725 : vector<16xi32>
    %get3A_1727 = arith.constant 720 : index
    %get3A_1728 = tpu.vector_load %arg4[%get3A_1727] {strides = array<i32>} : memref<1024xi32, #tpu.memory_space<vmem>>, vector<16xi32>,
    %get3A_1729 = vector.shape_cast %get3A_1728 : vector<16xi32> to vector<16xi32>
    %add3A_1730 = arith.addi %mul3A_1726, %get3A_1729 : vector<16xi32>
    %swap3A_1731 = arith.constant 5 : i32
    %swap3A_1732 = arith.index_cast %swap3A_1731 : i32 to index
    %swap3A_1733 = arith.constant 80 : index
    %swap3A_1734 = tpu.vector_load %arg6[%swap3A_1732, %swap3A_1733] {strides = array<i32>} : memref<8x128xi32, #tpu.memory_space<vmem>>, vector<1x16xi32>,
    %swap3A_1735 = vector.shape_cast %swap3A_1734 : vector<1x16xi32> to vector<16xi32>
    %swap3A_1736 = vector.shape_cast %add3A_1730 : vector<16xi32> to vector<1x16xi32>
    tpu.vector_store %arg6[%swap3A_1732, %swap3A_1733], %swap3A_1736 {strides = array<i32>} : memref<8x128xi32, #tpu.memory_space<vmem>>, vector<1x16xi32>,
    %select_n3A_1737 = arith.select %and3A_1717, %broadcast_in_dim3A_4, %broadcast_in_dim3A_6 : vector<16xi1>, vector<16xf32>
    %swap3A_1738 = arith.constant 5 : i32
    %swap3A_1739 = arith.index_cast %swap3A_1738 : i32 to index
    %swap3A_1740 = arith.constant 80 : index
    %swap3A_1741 = tpu.vector_load %arg7[%swap3A_1739, %swap3A_1740] {strides = array<i32>} : memref<8x128xf32, #tpu.memory_space<vmem>>, vector<1x16xf32>,
    %swap3A_1742 = vector.shape_cast %swap3A_1741 : vector<1x16xf32> to vector<16xf32>
    %swap3A_1743 = vector.shape_cast %select_n3A_1737 : vector<16xf32> to vector<1x16xf32>
    tpu.vector_store %arg7[%swap3A_1739, %swap3A_1740], %swap3A_1743 {strides = array<i32>} : memref<8x128xf32, #tpu.memory_space<vmem>>, vector<1x16xf32>,
    %get3A_1744 = arith.constant 736 : index
    %get3A_1745 = tpu.vector_load %arg5[%get3A_1744] {strides = array<i32>} : memref<1024xi32, #tpu.memory_space<vmem>>, vector<16xi32>,
    %get3A_1746 = vector.shape_cast %get3A_1745 : vector<16xi32> to vector<16xi32>
    %sub3A_1747 = vector.broadcast %mul3A_3 : i32 to vector<16xi32>
    %sub3A_1748 = arith.subi %get3A_1746, %sub3A_1747 : vector<16xi32>
    %ge3A_1749 = arith.constant 0 : i32
    %ge3A_1750 = vector.broadcast %ge3A_1749 : i32 to vector<16xi32>
    %ge3A_1751 = arith.cmpi sge, %sub3A_1748, %ge3A_1750 : vector<16xi32>
    %lt3A_1752 = arith.constant 512 : i32
    %lt3A_1753 = vector.broadcast %lt3A_1752 : i32 to vector<16xi32>
    %lt3A_1754 = arith.cmpi slt, %sub3A_1748, %lt3A_1753 : vector<16xi32>
    %and3A_1755 = arith.andi %ge3A_1751, %lt3A_1754 : vector<16xi1>
    %jit3A_1756 = arith.constant 0 : i32
    %jit3A_1757 = arith.constant 511 : i32
    %max3A_1758 = vector.broadcast %jit3A_1756 : i32 to vector<16xi32>
    %max3A_1759 = arith.maxsi %max3A_1758, %sub3A_1748 : vector<16xi32>
    %min3A_1760 = vector.broadcast %jit3A_1757 : i32 to vector<16xi32>
    %min3A_1761 = arith.minsi %min3A_1760, %max3A_1759 : vector<16xi32>
    %mul3A_1762 = arith.constant 1024 : i32
    %mul3A_1763 = vector.broadcast %mul3A_1762 : i32 to vector<16xi32>
    %mul3A_1764 = arith.muli %min3A_1761, %mul3A_1763 : vector<16xi32>
    %get3A_1765 = arith.constant 736 : index
    %get3A_1766 = tpu.vector_load %arg4[%get3A_1765] {strides = array<i32>} : memref<1024xi32, #tpu.memory_space<vmem>>, vector<16xi32>,
    %get3A_1767 = vector.shape_cast %get3A_1766 : vector<16xi32> to vector<16xi32>
    %add3A_1768 = arith.addi %mul3A_1764, %get3A_1767 : vector<16xi32>
    %swap3A_1769 = arith.constant 5 : i32
    %swap3A_1770 = arith.index_cast %swap3A_1769 : i32 to index
    %swap3A_1771 = arith.constant 96 : index
    %swap3A_1772 = tpu.vector_load %arg6[%swap3A_1770, %swap3A_1771] {strides = array<i32>} : memref<8x128xi32, #tpu.memory_space<vmem>>, vector<1x16xi32>,
    %swap3A_1773 = vector.shape_cast %swap3A_1772 : vector<1x16xi32> to vector<16xi32>
    %swap3A_1774 = vector.shape_cast %add3A_1768 : vector<16xi32> to vector<1x16xi32>
    tpu.vector_store %arg6[%swap3A_1770, %swap3A_1771], %swap3A_1774 {strides = array<i32>} : memref<8x128xi32, #tpu.memory_space<vmem>>, vector<1x16xi32>,
    %select_n3A_1775 = arith.select %and3A_1755, %broadcast_in_dim3A_4, %broadcast_in_dim3A_6 : vector<16xi1>, vector<16xf32>
    %swap3A_1776 = arith.constant 5 : i32
    %swap3A_1777 = arith.index_cast %swap3A_1776 : i32 to index
    %swap3A_1778 = arith.constant 96 : index
    %swap3A_1779 = tpu.vector_load %arg7[%swap3A_1777, %swap3A_1778] {strides = array<i32>} : memref<8x128xf32, #tpu.memory_space<vmem>>, vector<1x16xf32>,
    %swap3A_1780 = vector.shape_cast %swap3A_1779 : vector<1x16xf32> to vector<16xf32>
    %swap3A_1781 = vector.shape_cast %select_n3A_1775 : vector<16xf32> to vector<1x16xf32>
    tpu.vector_store %arg7[%swap3A_1777, %swap3A_1778], %swap3A_1781 {strides = array<i32>} : memref<8x128xf32, #tpu.memory_space<vmem>>, vector<1x16xf32>,
    %get3A_1782 = arith.constant 752 : index
    %get3A_1783 = tpu.vector_load %arg5[%get3A_1782] {strides = array<i32>} : memref<1024xi32, #tpu.memory_space<vmem>>, vector<16xi32>,
    %get3A_1784 = vector.shape_cast %get3A_1783 : vector<16xi32> to vector<16xi32>
    %sub3A_1785 = vector.broadcast %mul3A_3 : i32 to vector<16xi32>
    %sub3A_1786 = arith.subi %get3A_1784, %sub3A_1785 : vector<16xi32>
    %ge3A_1787 = arith.constant 0 : i32
    %ge3A_1788 = vector.broadcast %ge3A_1787 : i32 to vector<16xi32>
    %ge3A_1789 = arith.cmpi sge, %sub3A_1786, %ge3A_1788 : vector<16xi32>
    %lt3A_1790 = arith.constant 512 : i32
    %lt3A_1791 = vector.broadcast %lt3A_1790 : i32 to vector<16xi32>
    %lt3A_1792 = arith.cmpi slt, %sub3A_1786, %lt3A_1791 : vector<16xi32>
    %and3A_1793 = arith.andi %ge3A_1789, %lt3A_1792 : vector<16xi1>
    %jit3A_1794 = arith.constant 0 : i32
    %jit3A_1795 = arith.constant 511 : i32
    %max3A_1796 = vector.broadcast %jit3A_1794 : i32 to vector<16xi32>
    %max3A_1797 = arith.maxsi %max3A_1796, %sub3A_1786 : vector<16xi32>
    %min3A_1798 = vector.broadcast %jit3A_1795 : i32 to vector<16xi32>
    %min3A_1799 = arith.minsi %min3A_1798, %max3A_1797 : vector<16xi32>
    %mul3A_1800 = arith.constant 1024 : i32
    %mul3A_1801 = vector.broadcast %mul3A_1800 : i32 to vector<16xi32>
    %mul3A_1802 = arith.muli %min3A_1799, %mul3A_1801 : vector<16xi32>
    %get3A_1803 = arith.constant 752 : index
    %get3A_1804 = tpu.vector_load %arg4[%get3A_1803] {strides = array<i32>} : memref<1024xi32, #tpu.memory_space<vmem>>, vector<16xi32>,
    %get3A_1805 = vector.shape_cast %get3A_1804 : vector<16xi32> to vector<16xi32>
    %add3A_1806 = arith.addi %mul3A_1802, %get3A_1805 : vector<16xi32>
    %swap3A_1807 = arith.constant 5 : i32
    %swap3A_1808 = arith.index_cast %swap3A_1807 : i32 to index
    %swap3A_1809 = arith.constant 112 : index
    %swap3A_1810 = tpu.vector_load %arg6[%swap3A_1808, %swap3A_1809] {strides = array<i32>} : memref<8x128xi32, #tpu.memory_space<vmem>>, vector<1x16xi32>,
    %swap3A_1811 = vector.shape_cast %swap3A_1810 : vector<1x16xi32> to vector<16xi32>
    %swap3A_1812 = vector.shape_cast %add3A_1806 : vector<16xi32> to vector<1x16xi32>
    tpu.vector_store %arg6[%swap3A_1808, %swap3A_1809], %swap3A_1812 {strides = array<i32>} : memref<8x128xi32, #tpu.memory_space<vmem>>, vector<1x16xi32>,
    %select_n3A_1813 = arith.select %and3A_1793, %broadcast_in_dim3A_4, %broadcast_in_dim3A_6 : vector<16xi1>, vector<16xf32>
    %swap3A_1814 = arith.constant 5 : i32
    %swap3A_1815 = arith.index_cast %swap3A_1814 : i32 to index
    %swap3A_1816 = arith.constant 112 : index
    %swap3A_1817 = tpu.vector_load %arg7[%swap3A_1815, %swap3A_1816] {strides = array<i32>} : memref<8x128xf32, #tpu.memory_space<vmem>>, vector<1x16xf32>,
    %swap3A_1818 = vector.shape_cast %swap3A_1817 : vector<1x16xf32> to vector<16xf32>
    %swap3A_1819 = vector.shape_cast %select_n3A_1813 : vector<16xf32> to vector<1x16xf32>
    tpu.vector_store %arg7[%swap3A_1815, %swap3A_1816], %swap3A_1819 {strides = array<i32>} : memref<8x128xf32, #tpu.memory_space<vmem>>, vector<1x16xf32>,
    %get3A_1820 = arith.constant 768 : index
    %get3A_1821 = tpu.vector_load %arg5[%get3A_1820] {strides = array<i32>} : memref<1024xi32, #tpu.memory_space<vmem>>, vector<16xi32>,
    %get3A_1822 = vector.shape_cast %get3A_1821 : vector<16xi32> to vector<16xi32>
    %sub3A_1823 = vector.broadcast %mul3A_3 : i32 to vector<16xi32>
    %sub3A_1824 = arith.subi %get3A_1822, %sub3A_1823 : vector<16xi32>
    %ge3A_1825 = arith.constant 0 : i32
    %ge3A_1826 = vector.broadcast %ge3A_1825 : i32 to vector<16xi32>
    %ge3A_1827 = arith.cmpi sge, %sub3A_1824, %ge3A_1826 : vector<16xi32>
    %lt3A_1828 = arith.constant 512 : i32
    %lt3A_1829 = vector.broadcast %lt3A_1828 : i32 to vector<16xi32>
    %lt3A_1830 = arith.cmpi slt, %sub3A_1824, %lt3A_1829 : vector<16xi32>
    %and3A_1831 = arith.andi %ge3A_1827, %lt3A_1830 : vector<16xi1>
    %jit3A_1832 = arith.constant 0 : i32
    %jit3A_1833 = arith.constant 511 : i32
    %max3A_1834 = vector.broadcast %jit3A_1832 : i32 to vector<16xi32>
    %max3A_1835 = arith.maxsi %max3A_1834, %sub3A_1824 : vector<16xi32>
    %min3A_1836 = vector.broadcast %jit3A_1833 : i32 to vector<16xi32>
    %min3A_1837 = arith.minsi %min3A_1836, %max3A_1835 : vector<16xi32>
    %mul3A_1838 = arith.constant 1024 : i32
    %mul3A_1839 = vector.broadcast %mul3A_1838 : i32 to vector<16xi32>
    %mul3A_1840 = arith.muli %min3A_1837, %mul3A_1839 : vector<16xi32>
    %get3A_1841 = arith.constant 768 : index
    %get3A_1842 = tpu.vector_load %arg4[%get3A_1841] {strides = array<i32>} : memref<1024xi32, #tpu.memory_space<vmem>>, vector<16xi32>,
    %get3A_1843 = vector.shape_cast %get3A_1842 : vector<16xi32> to vector<16xi32>
    %add3A_1844 = arith.addi %mul3A_1840, %get3A_1843 : vector<16xi32>
    %swap3A_1845 = arith.constant 6 : i32
    %swap3A_1846 = arith.index_cast %swap3A_1845 : i32 to index
    %swap3A_1847 = arith.constant 0 : index
    %swap3A_1848 = tpu.vector_load %arg6[%swap3A_1846, %swap3A_1847] {strides = array<i32>} : memref<8x128xi32, #tpu.memory_space<vmem>>, vector<1x16xi32>,
    %swap3A_1849 = vector.shape_cast %swap3A_1848 : vector<1x16xi32> to vector<16xi32>
    %swap3A_1850 = vector.shape_cast %add3A_1844 : vector<16xi32> to vector<1x16xi32>
    tpu.vector_store %arg6[%swap3A_1846, %swap3A_1847], %swap3A_1850 {strides = array<i32>} : memref<8x128xi32, #tpu.memory_space<vmem>>, vector<1x16xi32>,
    %select_n3A_1851 = arith.select %and3A_1831, %broadcast_in_dim3A_4, %broadcast_in_dim3A_6 : vector<16xi1>, vector<16xf32>
    %swap3A_1852 = arith.constant 6 : i32
    %swap3A_1853 = arith.index_cast %swap3A_1852 : i32 to index
    %swap3A_1854 = arith.constant 0 : index
    %swap3A_1855 = tpu.vector_load %arg7[%swap3A_1853, %swap3A_1854] {strides = array<i32>} : memref<8x128xf32, #tpu.memory_space<vmem>>, vector<1x16xf32>,
    %swap3A_1856 = vector.shape_cast %swap3A_1855 : vector<1x16xf32> to vector<16xf32>
    %swap3A_1857 = vector.shape_cast %select_n3A_1851 : vector<16xf32> to vector<1x16xf32>
    tpu.vector_store %arg7[%swap3A_1853, %swap3A_1854], %swap3A_1857 {strides = array<i32>} : memref<8x128xf32, #tpu.memory_space<vmem>>, vector<1x16xf32>,
    %get3A_1858 = arith.constant 784 : index
    %get3A_1859 = tpu.vector_load %arg5[%get3A_1858] {strides = array<i32>} : memref<1024xi32, #tpu.memory_space<vmem>>, vector<16xi32>,
    %get3A_1860 = vector.shape_cast %get3A_1859 : vector<16xi32> to vector<16xi32>
    %sub3A_1861 = vector.broadcast %mul3A_3 : i32 to vector<16xi32>
    %sub3A_1862 = arith.subi %get3A_1860, %sub3A_1861 : vector<16xi32>
    %ge3A_1863 = arith.constant 0 : i32
    %ge3A_1864 = vector.broadcast %ge3A_1863 : i32 to vector<16xi32>
    %ge3A_1865 = arith.cmpi sge, %sub3A_1862, %ge3A_1864 : vector<16xi32>
    %lt3A_1866 = arith.constant 512 : i32
    %lt3A_1867 = vector.broadcast %lt3A_1866 : i32 to vector<16xi32>
    %lt3A_1868 = arith.cmpi slt, %sub3A_1862, %lt3A_1867 : vector<16xi32>
    %and3A_1869 = arith.andi %ge3A_1865, %lt3A_1868 : vector<16xi1>
    %jit3A_1870 = arith.constant 0 : i32
    %jit3A_1871 = arith.constant 511 : i32
    %max3A_1872 = vector.broadcast %jit3A_1870 : i32 to vector<16xi32>
    %max3A_1873 = arith.maxsi %max3A_1872, %sub3A_1862 : vector<16xi32>
    %min3A_1874 = vector.broadcast %jit3A_1871 : i32 to vector<16xi32>
    %min3A_1875 = arith.minsi %min3A_1874, %max3A_1873 : vector<16xi32>
    %mul3A_1876 = arith.constant 1024 : i32
    %mul3A_1877 = vector.broadcast %mul3A_1876 : i32 to vector<16xi32>
    %mul3A_1878 = arith.muli %min3A_1875, %mul3A_1877 : vector<16xi32>
    %get3A_1879 = arith.constant 784 : index
    %get3A_1880 = tpu.vector_load %arg4[%get3A_1879] {strides = array<i32>} : memref<1024xi32, #tpu.memory_space<vmem>>, vector<16xi32>,
    %get3A_1881 = vector.shape_cast %get3A_1880 : vector<16xi32> to vector<16xi32>
    %add3A_1882 = arith.addi %mul3A_1878, %get3A_1881 : vector<16xi32>
    %swap3A_1883 = arith.constant 6 : i32
    %swap3A_1884 = arith.index_cast %swap3A_1883 : i32 to index
    %swap3A_1885 = arith.constant 16 : index
    %swap3A_1886 = tpu.vector_load %arg6[%swap3A_1884, %swap3A_1885] {strides = array<i32>} : memref<8x128xi32, #tpu.memory_space<vmem>>, vector<1x16xi32>,
    %swap3A_1887 = vector.shape_cast %swap3A_1886 : vector<1x16xi32> to vector<16xi32>
    %swap3A_1888 = vector.shape_cast %add3A_1882 : vector<16xi32> to vector<1x16xi32>
    tpu.vector_store %arg6[%swap3A_1884, %swap3A_1885], %swap3A_1888 {strides = array<i32>} : memref<8x128xi32, #tpu.memory_space<vmem>>, vector<1x16xi32>,
    %select_n3A_1889 = arith.select %and3A_1869, %broadcast_in_dim3A_4, %broadcast_in_dim3A_6 : vector<16xi1>, vector<16xf32>
    %swap3A_1890 = arith.constant 6 : i32
    %swap3A_1891 = arith.index_cast %swap3A_1890 : i32 to index
    %swap3A_1892 = arith.constant 16 : index
    %swap3A_1893 = tpu.vector_load %arg7[%swap3A_1891, %swap3A_1892] {strides = array<i32>} : memref<8x128xf32, #tpu.memory_space<vmem>>, vector<1x16xf32>,
    %swap3A_1894 = vector.shape_cast %swap3A_1893 : vector<1x16xf32> to vector<16xf32>
    %swap3A_1895 = vector.shape_cast %select_n3A_1889 : vector<16xf32> to vector<1x16xf32>
    tpu.vector_store %arg7[%swap3A_1891, %swap3A_1892], %swap3A_1895 {strides = array<i32>} : memref<8x128xf32, #tpu.memory_space<vmem>>, vector<1x16xf32>,
    %get3A_1896 = arith.constant 800 : index
    %get3A_1897 = tpu.vector_load %arg5[%get3A_1896] {strides = array<i32>} : memref<1024xi32, #tpu.memory_space<vmem>>, vector<16xi32>,
    %get3A_1898 = vector.shape_cast %get3A_1897 : vector<16xi32> to vector<16xi32>
    %sub3A_1899 = vector.broadcast %mul3A_3 : i32 to vector<16xi32>
    %sub3A_1900 = arith.subi %get3A_1898, %sub3A_1899 : vector<16xi32>
    %ge3A_1901 = arith.constant 0 : i32
    %ge3A_1902 = vector.broadcast %ge3A_1901 : i32 to vector<16xi32>
    %ge3A_1903 = arith.cmpi sge, %sub3A_1900, %ge3A_1902 : vector<16xi32>
    %lt3A_1904 = arith.constant 512 : i32
    %lt3A_1905 = vector.broadcast %lt3A_1904 : i32 to vector<16xi32>
    %lt3A_1906 = arith.cmpi slt, %sub3A_1900, %lt3A_1905 : vector<16xi32>
    %and3A_1907 = arith.andi %ge3A_1903, %lt3A_1906 : vector<16xi1>
    %jit3A_1908 = arith.constant 0 : i32
    %jit3A_1909 = arith.constant 511 : i32
    %max3A_1910 = vector.broadcast %jit3A_1908 : i32 to vector<16xi32>
    %max3A_1911 = arith.maxsi %max3A_1910, %sub3A_1900 : vector<16xi32>
    %min3A_1912 = vector.broadcast %jit3A_1909 : i32 to vector<16xi32>
    %min3A_1913 = arith.minsi %min3A_1912, %max3A_1911 : vector<16xi32>
    %mul3A_1914 = arith.constant 1024 : i32
    %mul3A_1915 = vector.broadcast %mul3A_1914 : i32 to vector<16xi32>
    %mul3A_1916 = arith.muli %min3A_1913, %mul3A_1915 : vector<16xi32>
    %get3A_1917 = arith.constant 800 : index
    %get3A_1918 = tpu.vector_load %arg4[%get3A_1917] {strides = array<i32>} : memref<1024xi32, #tpu.memory_space<vmem>>, vector<16xi32>,
    %get3A_1919 = vector.shape_cast %get3A_1918 : vector<16xi32> to vector<16xi32>
    %add3A_1920 = arith.addi %mul3A_1916, %get3A_1919 : vector<16xi32>
    %swap3A_1921 = arith.constant 6 : i32
    %swap3A_1922 = arith.index_cast %swap3A_1921 : i32 to index
    %swap3A_1923 = arith.constant 32 : index
    %swap3A_1924 = tpu.vector_load %arg6[%swap3A_1922, %swap3A_1923] {strides = array<i32>} : memref<8x128xi32, #tpu.memory_space<vmem>>, vector<1x16xi32>,
    %swap3A_1925 = vector.shape_cast %swap3A_1924 : vector<1x16xi32> to vector<16xi32>
    %swap3A_1926 = vector.shape_cast %add3A_1920 : vector<16xi32> to vector<1x16xi32>
    tpu.vector_store %arg6[%swap3A_1922, %swap3A_1923], %swap3A_1926 {strides = array<i32>} : memref<8x128xi32, #tpu.memory_space<vmem>>, vector<1x16xi32>,
    %select_n3A_1927 = arith.select %and3A_1907, %broadcast_in_dim3A_4, %broadcast_in_dim3A_6 : vector<16xi1>, vector<16xf32>
    %swap3A_1928 = arith.constant 6 : i32
    %swap3A_1929 = arith.index_cast %swap3A_1928 : i32 to index
    %swap3A_1930 = arith.constant 32 : index
    %swap3A_1931 = tpu.vector_load %arg7[%swap3A_1929, %swap3A_1930] {strides = array<i32>} : memref<8x128xf32, #tpu.memory_space<vmem>>, vector<1x16xf32>,
    %swap3A_1932 = vector.shape_cast %swap3A_1931 : vector<1x16xf32> to vector<16xf32>
    %swap3A_1933 = vector.shape_cast %select_n3A_1927 : vector<16xf32> to vector<1x16xf32>
    tpu.vector_store %arg7[%swap3A_1929, %swap3A_1930], %swap3A_1933 {strides = array<i32>} : memref<8x128xf32, #tpu.memory_space<vmem>>, vector<1x16xf32>,
    %get3A_1934 = arith.constant 816 : index
    %get3A_1935 = tpu.vector_load %arg5[%get3A_1934] {strides = array<i32>} : memref<1024xi32, #tpu.memory_space<vmem>>, vector<16xi32>,
    %get3A_1936 = vector.shape_cast %get3A_1935 : vector<16xi32> to vector<16xi32>
    %sub3A_1937 = vector.broadcast %mul3A_3 : i32 to vector<16xi32>
    %sub3A_1938 = arith.subi %get3A_1936, %sub3A_1937 : vector<16xi32>
    %ge3A_1939 = arith.constant 0 : i32
    %ge3A_1940 = vector.broadcast %ge3A_1939 : i32 to vector<16xi32>
    %ge3A_1941 = arith.cmpi sge, %sub3A_1938, %ge3A_1940 : vector<16xi32>
    %lt3A_1942 = arith.constant 512 : i32
    %lt3A_1943 = vector.broadcast %lt3A_1942 : i32 to vector<16xi32>
    %lt3A_1944 = arith.cmpi slt, %sub3A_1938, %lt3A_1943 : vector<16xi32>
    %and3A_1945 = arith.andi %ge3A_1941, %lt3A_1944 : vector<16xi1>
    %jit3A_1946 = arith.constant 0 : i32
    %jit3A_1947 = arith.constant 511 : i32
    %max3A_1948 = vector.broadcast %jit3A_1946 : i32 to vector<16xi32>
    %max3A_1949 = arith.maxsi %max3A_1948, %sub3A_1938 : vector<16xi32>
    %min3A_1950 = vector.broadcast %jit3A_1947 : i32 to vector<16xi32>
    %min3A_1951 = arith.minsi %min3A_1950, %max3A_1949 : vector<16xi32>
    %mul3A_1952 = arith.constant 1024 : i32
    %mul3A_1953 = vector.broadcast %mul3A_1952 : i32 to vector<16xi32>
    %mul3A_1954 = arith.muli %min3A_1951, %mul3A_1953 : vector<16xi32>
    %get3A_1955 = arith.constant 816 : index
    %get3A_1956 = tpu.vector_load %arg4[%get3A_1955] {strides = array<i32>} : memref<1024xi32, #tpu.memory_space<vmem>>, vector<16xi32>,
    %get3A_1957 = vector.shape_cast %get3A_1956 : vector<16xi32> to vector<16xi32>
    %add3A_1958 = arith.addi %mul3A_1954, %get3A_1957 : vector<16xi32>
    %swap3A_1959 = arith.constant 6 : i32
    %swap3A_1960 = arith.index_cast %swap3A_1959 : i32 to index
    %swap3A_1961 = arith.constant 48 : index
    %swap3A_1962 = tpu.vector_load %arg6[%swap3A_1960, %swap3A_1961] {strides = array<i32>} : memref<8x128xi32, #tpu.memory_space<vmem>>, vector<1x16xi32>,
    %swap3A_1963 = vector.shape_cast %swap3A_1962 : vector<1x16xi32> to vector<16xi32>
    %swap3A_1964 = vector.shape_cast %add3A_1958 : vector<16xi32> to vector<1x16xi32>
    tpu.vector_store %arg6[%swap3A_1960, %swap3A_1961], %swap3A_1964 {strides = array<i32>} : memref<8x128xi32, #tpu.memory_space<vmem>>, vector<1x16xi32>,
    %select_n3A_1965 = arith.select %and3A_1945, %broadcast_in_dim3A_4, %broadcast_in_dim3A_6 : vector<16xi1>, vector<16xf32>
    %swap3A_1966 = arith.constant 6 : i32
    %swap3A_1967 = arith.index_cast %swap3A_1966 : i32 to index
    %swap3A_1968 = arith.constant 48 : index
    %swap3A_1969 = tpu.vector_load %arg7[%swap3A_1967, %swap3A_1968] {strides = array<i32>} : memref<8x128xf32, #tpu.memory_space<vmem>>, vector<1x16xf32>,
    %swap3A_1970 = vector.shape_cast %swap3A_1969 : vector<1x16xf32> to vector<16xf32>
    %swap3A_1971 = vector.shape_cast %select_n3A_1965 : vector<16xf32> to vector<1x16xf32>
    tpu.vector_store %arg7[%swap3A_1967, %swap3A_1968], %swap3A_1971 {strides = array<i32>} : memref<8x128xf32, #tpu.memory_space<vmem>>, vector<1x16xf32>,
    %get3A_1972 = arith.constant 832 : index
    %get3A_1973 = tpu.vector_load %arg5[%get3A_1972] {strides = array<i32>} : memref<1024xi32, #tpu.memory_space<vmem>>, vector<16xi32>,
    %get3A_1974 = vector.shape_cast %get3A_1973 : vector<16xi32> to vector<16xi32>
    %sub3A_1975 = vector.broadcast %mul3A_3 : i32 to vector<16xi32>
    %sub3A_1976 = arith.subi %get3A_1974, %sub3A_1975 : vector<16xi32>
    %ge3A_1977 = arith.constant 0 : i32
    %ge3A_1978 = vector.broadcast %ge3A_1977 : i32 to vector<16xi32>
    %ge3A_1979 = arith.cmpi sge, %sub3A_1976, %ge3A_1978 : vector<16xi32>
    %lt3A_1980 = arith.constant 512 : i32
    %lt3A_1981 = vector.broadcast %lt3A_1980 : i32 to vector<16xi32>
    %lt3A_1982 = arith.cmpi slt, %sub3A_1976, %lt3A_1981 : vector<16xi32>
    %and3A_1983 = arith.andi %ge3A_1979, %lt3A_1982 : vector<16xi1>
    %jit3A_1984 = arith.constant 0 : i32
    %jit3A_1985 = arith.constant 511 : i32
    %max3A_1986 = vector.broadcast %jit3A_1984 : i32 to vector<16xi32>
    %max3A_1987 = arith.maxsi %max3A_1986, %sub3A_1976 : vector<16xi32>
    %min3A_1988 = vector.broadcast %jit3A_1985 : i32 to vector<16xi32>
    %min3A_1989 = arith.minsi %min3A_1988, %max3A_1987 : vector<16xi32>
    %mul3A_1990 = arith.constant 1024 : i32
    %mul3A_1991 = vector.broadcast %mul3A_1990 : i32 to vector<16xi32>
    %mul3A_1992 = arith.muli %min3A_1989, %mul3A_1991 : vector<16xi32>
    %get3A_1993 = arith.constant 832 : index
    %get3A_1994 = tpu.vector_load %arg4[%get3A_1993] {strides = array<i32>} : memref<1024xi32, #tpu.memory_space<vmem>>, vector<16xi32>,
    %get3A_1995 = vector.shape_cast %get3A_1994 : vector<16xi32> to vector<16xi32>
    %add3A_1996 = arith.addi %mul3A_1992, %get3A_1995 : vector<16xi32>
    %swap3A_1997 = arith.constant 6 : i32
    %swap3A_1998 = arith.index_cast %swap3A_1997 : i32 to index
    %swap3A_1999 = arith.constant 64 : index
    %swap3A_2000 = tpu.vector_load %arg6[%swap3A_1998, %swap3A_1999] {strides = array<i32>} : memref<8x128xi32, #tpu.memory_space<vmem>>, vector<1x16xi32>,
    %swap3A_2001 = vector.shape_cast %swap3A_2000 : vector<1x16xi32> to vector<16xi32>
    %swap3A_2002 = vector.shape_cast %add3A_1996 : vector<16xi32> to vector<1x16xi32>
    tpu.vector_store %arg6[%swap3A_1998, %swap3A_1999], %swap3A_2002 {strides = array<i32>} : memref<8x128xi32, #tpu.memory_space<vmem>>, vector<1x16xi32>,
    %select_n3A_2003 = arith.select %and3A_1983, %broadcast_in_dim3A_4, %broadcast_in_dim3A_6 : vector<16xi1>, vector<16xf32>
    %swap3A_2004 = arith.constant 6 : i32
    %swap3A_2005 = arith.index_cast %swap3A_2004 : i32 to index
    %swap3A_2006 = arith.constant 64 : index
    %swap3A_2007 = tpu.vector_load %arg7[%swap3A_2005, %swap3A_2006] {strides = array<i32>} : memref<8x128xf32, #tpu.memory_space<vmem>>, vector<1x16xf32>,
    %swap3A_2008 = vector.shape_cast %swap3A_2007 : vector<1x16xf32> to vector<16xf32>
    %swap3A_2009 = vector.shape_cast %select_n3A_2003 : vector<16xf32> to vector<1x16xf32>
    tpu.vector_store %arg7[%swap3A_2005, %swap3A_2006], %swap3A_2009 {strides = array<i32>} : memref<8x128xf32, #tpu.memory_space<vmem>>, vector<1x16xf32>,
    %get3A_2010 = arith.constant 848 : index
    %get3A_2011 = tpu.vector_load %arg5[%get3A_2010] {strides = array<i32>} : memref<1024xi32, #tpu.memory_space<vmem>>, vector<16xi32>,
    %get3A_2012 = vector.shape_cast %get3A_2011 : vector<16xi32> to vector<16xi32>
    %sub3A_2013 = vector.broadcast %mul3A_3 : i32 to vector<16xi32>
    %sub3A_2014 = arith.subi %get3A_2012, %sub3A_2013 : vector<16xi32>
    %ge3A_2015 = arith.constant 0 : i32
    %ge3A_2016 = vector.broadcast %ge3A_2015 : i32 to vector<16xi32>
    %ge3A_2017 = arith.cmpi sge, %sub3A_2014, %ge3A_2016 : vector<16xi32>
    %lt3A_2018 = arith.constant 512 : i32
    %lt3A_2019 = vector.broadcast %lt3A_2018 : i32 to vector<16xi32>
    %lt3A_2020 = arith.cmpi slt, %sub3A_2014, %lt3A_2019 : vector<16xi32>
    %and3A_2021 = arith.andi %ge3A_2017, %lt3A_2020 : vector<16xi1>
    %jit3A_2022 = arith.constant 0 : i32
    %jit3A_2023 = arith.constant 511 : i32
    %max3A_2024 = vector.broadcast %jit3A_2022 : i32 to vector<16xi32>
    %max3A_2025 = arith.maxsi %max3A_2024, %sub3A_2014 : vector<16xi32>
    %min3A_2026 = vector.broadcast %jit3A_2023 : i32 to vector<16xi32>
    %min3A_2027 = arith.minsi %min3A_2026, %max3A_2025 : vector<16xi32>
    %mul3A_2028 = arith.constant 1024 : i32
    %mul3A_2029 = vector.broadcast %mul3A_2028 : i32 to vector<16xi32>
    %mul3A_2030 = arith.muli %min3A_2027, %mul3A_2029 : vector<16xi32>
    %get3A_2031 = arith.constant 848 : index
    %get3A_2032 = tpu.vector_load %arg4[%get3A_2031] {strides = array<i32>} : memref<1024xi32, #tpu.memory_space<vmem>>, vector<16xi32>,
    %get3A_2033 = vector.shape_cast %get3A_2032 : vector<16xi32> to vector<16xi32>
    %add3A_2034 = arith.addi %mul3A_2030, %get3A_2033 : vector<16xi32>
    %swap3A_2035 = arith.constant 6 : i32
    %swap3A_2036 = arith.index_cast %swap3A_2035 : i32 to index
    %swap3A_2037 = arith.constant 80 : index
    %swap3A_2038 = tpu.vector_load %arg6[%swap3A_2036, %swap3A_2037] {strides = array<i32>} : memref<8x128xi32, #tpu.memory_space<vmem>>, vector<1x16xi32>,
    %swap3A_2039 = vector.shape_cast %swap3A_2038 : vector<1x16xi32> to vector<16xi32>
    %swap3A_2040 = vector.shape_cast %add3A_2034 : vector<16xi32> to vector<1x16xi32>
    tpu.vector_store %arg6[%swap3A_2036, %swap3A_2037], %swap3A_2040 {strides = array<i32>} : memref<8x128xi32, #tpu.memory_space<vmem>>, vector<1x16xi32>,
    %select_n3A_2041 = arith.select %and3A_2021, %broadcast_in_dim3A_4, %broadcast_in_dim3A_6 : vector<16xi1>, vector<16xf32>
    %swap3A_2042 = arith.constant 6 : i32
    %swap3A_2043 = arith.index_cast %swap3A_2042 : i32 to index
    %swap3A_2044 = arith.constant 80 : index
    %swap3A_2045 = tpu.vector_load %arg7[%swap3A_2043, %swap3A_2044] {strides = array<i32>} : memref<8x128xf32, #tpu.memory_space<vmem>>, vector<1x16xf32>,
    %swap3A_2046 = vector.shape_cast %swap3A_2045 : vector<1x16xf32> to vector<16xf32>
    %swap3A_2047 = vector.shape_cast %select_n3A_2041 : vector<16xf32> to vector<1x16xf32>
    tpu.vector_store %arg7[%swap3A_2043, %swap3A_2044], %swap3A_2047 {strides = array<i32>} : memref<8x128xf32, #tpu.memory_space<vmem>>, vector<1x16xf32>,
    %get3A_2048 = arith.constant 864 : index
    %get3A_2049 = tpu.vector_load %arg5[%get3A_2048] {strides = array<i32>} : memref<1024xi32, #tpu.memory_space<vmem>>, vector<16xi32>,
    %get3A_2050 = vector.shape_cast %get3A_2049 : vector<16xi32> to vector<16xi32>
    %sub3A_2051 = vector.broadcast %mul3A_3 : i32 to vector<16xi32>
    %sub3A_2052 = arith.subi %get3A_2050, %sub3A_2051 : vector<16xi32>
    %ge3A_2053 = arith.constant 0 : i32
    %ge3A_2054 = vector.broadcast %ge3A_2053 : i32 to vector<16xi32>
    %ge3A_2055 = arith.cmpi sge, %sub3A_2052, %ge3A_2054 : vector<16xi32>
    %lt3A_2056 = arith.constant 512 : i32
    %lt3A_2057 = vector.broadcast %lt3A_2056 : i32 to vector<16xi32>
    %lt3A_2058 = arith.cmpi slt, %sub3A_2052, %lt3A_2057 : vector<16xi32>
    %and3A_2059 = arith.andi %ge3A_2055, %lt3A_2058 : vector<16xi1>
    %jit3A_2060 = arith.constant 0 : i32
    %jit3A_2061 = arith.constant 511 : i32
    %max3A_2062 = vector.broadcast %jit3A_2060 : i32 to vector<16xi32>
    %max3A_2063 = arith.maxsi %max3A_2062, %sub3A_2052 : vector<16xi32>
    %min3A_2064 = vector.broadcast %jit3A_2061 : i32 to vector<16xi32>
    %min3A_2065 = arith.minsi %min3A_2064, %max3A_2063 : vector<16xi32>
    %mul3A_2066 = arith.constant 1024 : i32
    %mul3A_2067 = vector.broadcast %mul3A_2066 : i32 to vector<16xi32>
    %mul3A_2068 = arith.muli %min3A_2065, %mul3A_2067 : vector<16xi32>
    %get3A_2069 = arith.constant 864 : index
    %get3A_2070 = tpu.vector_load %arg4[%get3A_2069] {strides = array<i32>} : memref<1024xi32, #tpu.memory_space<vmem>>, vector<16xi32>,
    %get3A_2071 = vector.shape_cast %get3A_2070 : vector<16xi32> to vector<16xi32>
    %add3A_2072 = arith.addi %mul3A_2068, %get3A_2071 : vector<16xi32>
    %swap3A_2073 = arith.constant 6 : i32
    %swap3A_2074 = arith.index_cast %swap3A_2073 : i32 to index
    %swap3A_2075 = arith.constant 96 : index
    %swap3A_2076 = tpu.vector_load %arg6[%swap3A_2074, %swap3A_2075] {strides = array<i32>} : memref<8x128xi32, #tpu.memory_space<vmem>>, vector<1x16xi32>,
    %swap3A_2077 = vector.shape_cast %swap3A_2076 : vector<1x16xi32> to vector<16xi32>
    %swap3A_2078 = vector.shape_cast %add3A_2072 : vector<16xi32> to vector<1x16xi32>
    tpu.vector_store %arg6[%swap3A_2074, %swap3A_2075], %swap3A_2078 {strides = array<i32>} : memref<8x128xi32, #tpu.memory_space<vmem>>, vector<1x16xi32>,
    %select_n3A_2079 = arith.select %and3A_2059, %broadcast_in_dim3A_4, %broadcast_in_dim3A_6 : vector<16xi1>, vector<16xf32>
    %swap3A_2080 = arith.constant 6 : i32
    %swap3A_2081 = arith.index_cast %swap3A_2080 : i32 to index
    %swap3A_2082 = arith.constant 96 : index
    %swap3A_2083 = tpu.vector_load %arg7[%swap3A_2081, %swap3A_2082] {strides = array<i32>} : memref<8x128xf32, #tpu.memory_space<vmem>>, vector<1x16xf32>,
    %swap3A_2084 = vector.shape_cast %swap3A_2083 : vector<1x16xf32> to vector<16xf32>
    %swap3A_2085 = vector.shape_cast %select_n3A_2079 : vector<16xf32> to vector<1x16xf32>
    tpu.vector_store %arg7[%swap3A_2081, %swap3A_2082], %swap3A_2085 {strides = array<i32>} : memref<8x128xf32, #tpu.memory_space<vmem>>, vector<1x16xf32>,
    %get3A_2086 = arith.constant 880 : index
    %get3A_2087 = tpu.vector_load %arg5[%get3A_2086] {strides = array<i32>} : memref<1024xi32, #tpu.memory_space<vmem>>, vector<16xi32>,
    %get3A_2088 = vector.shape_cast %get3A_2087 : vector<16xi32> to vector<16xi32>
    %sub3A_2089 = vector.broadcast %mul3A_3 : i32 to vector<16xi32>
    %sub3A_2090 = arith.subi %get3A_2088, %sub3A_2089 : vector<16xi32>
    %ge3A_2091 = arith.constant 0 : i32
    %ge3A_2092 = vector.broadcast %ge3A_2091 : i32 to vector<16xi32>
    %ge3A_2093 = arith.cmpi sge, %sub3A_2090, %ge3A_2092 : vector<16xi32>
    %lt3A_2094 = arith.constant 512 : i32
    %lt3A_2095 = vector.broadcast %lt3A_2094 : i32 to vector<16xi32>
    %lt3A_2096 = arith.cmpi slt, %sub3A_2090, %lt3A_2095 : vector<16xi32>
    %and3A_2097 = arith.andi %ge3A_2093, %lt3A_2096 : vector<16xi1>
    %jit3A_2098 = arith.constant 0 : i32
    %jit3A_2099 = arith.constant 511 : i32
    %max3A_2100 = vector.broadcast %jit3A_2098 : i32 to vector<16xi32>
    %max3A_2101 = arith.maxsi %max3A_2100, %sub3A_2090 : vector<16xi32>
    %min3A_2102 = vector.broadcast %jit3A_2099 : i32 to vector<16xi32>
    %min3A_2103 = arith.minsi %min3A_2102, %max3A_2101 : vector<16xi32>
    %mul3A_2104 = arith.constant 1024 : i32
    %mul3A_2105 = vector.broadcast %mul3A_2104 : i32 to vector<16xi32>
    %mul3A_2106 = arith.muli %min3A_2103, %mul3A_2105 : vector<16xi32>
    %get3A_2107 = arith.constant 880 : index
    %get3A_2108 = tpu.vector_load %arg4[%get3A_2107] {strides = array<i32>} : memref<1024xi32, #tpu.memory_space<vmem>>, vector<16xi32>,
    %get3A_2109 = vector.shape_cast %get3A_2108 : vector<16xi32> to vector<16xi32>
    %add3A_2110 = arith.addi %mul3A_2106, %get3A_2109 : vector<16xi32>
    %swap3A_2111 = arith.constant 6 : i32
    %swap3A_2112 = arith.index_cast %swap3A_2111 : i32 to index
    %swap3A_2113 = arith.constant 112 : index
    %swap3A_2114 = tpu.vector_load %arg6[%swap3A_2112, %swap3A_2113] {strides = array<i32>} : memref<8x128xi32, #tpu.memory_space<vmem>>, vector<1x16xi32>,
    %swap3A_2115 = vector.shape_cast %swap3A_2114 : vector<1x16xi32> to vector<16xi32>
    %swap3A_2116 = vector.shape_cast %add3A_2110 : vector<16xi32> to vector<1x16xi32>
    tpu.vector_store %arg6[%swap3A_2112, %swap3A_2113], %swap3A_2116 {strides = array<i32>} : memref<8x128xi32, #tpu.memory_space<vmem>>, vector<1x16xi32>,
    %select_n3A_2117 = arith.select %and3A_2097, %broadcast_in_dim3A_4, %broadcast_in_dim3A_6 : vector<16xi1>, vector<16xf32>
    %swap3A_2118 = arith.constant 6 : i32
    %swap3A_2119 = arith.index_cast %swap3A_2118 : i32 to index
    %swap3A_2120 = arith.constant 112 : index
    %swap3A_2121 = tpu.vector_load %arg7[%swap3A_2119, %swap3A_2120] {strides = array<i32>} : memref<8x128xf32, #tpu.memory_space<vmem>>, vector<1x16xf32>,
    %swap3A_2122 = vector.shape_cast %swap3A_2121 : vector<1x16xf32> to vector<16xf32>
    %swap3A_2123 = vector.shape_cast %select_n3A_2117 : vector<16xf32> to vector<1x16xf32>
    tpu.vector_store %arg7[%swap3A_2119, %swap3A_2120], %swap3A_2123 {strides = array<i32>} : memref<8x128xf32, #tpu.memory_space<vmem>>, vector<1x16xf32>,
    %get3A_2124 = arith.constant 896 : index
    %get3A_2125 = tpu.vector_load %arg5[%get3A_2124] {strides = array<i32>} : memref<1024xi32, #tpu.memory_space<vmem>>, vector<16xi32>,
    %get3A_2126 = vector.shape_cast %get3A_2125 : vector<16xi32> to vector<16xi32>
    %sub3A_2127 = vector.broadcast %mul3A_3 : i32 to vector<16xi32>
    %sub3A_2128 = arith.subi %get3A_2126, %sub3A_2127 : vector<16xi32>
    %ge3A_2129 = arith.constant 0 : i32
    %ge3A_2130 = vector.broadcast %ge3A_2129 : i32 to vector<16xi32>
    %ge3A_2131 = arith.cmpi sge, %sub3A_2128, %ge3A_2130 : vector<16xi32>
    %lt3A_2132 = arith.constant 512 : i32
    %lt3A_2133 = vector.broadcast %lt3A_2132 : i32 to vector<16xi32>
    %lt3A_2134 = arith.cmpi slt, %sub3A_2128, %lt3A_2133 : vector<16xi32>
    %and3A_2135 = arith.andi %ge3A_2131, %lt3A_2134 : vector<16xi1>
    %jit3A_2136 = arith.constant 0 : i32
    %jit3A_2137 = arith.constant 511 : i32
    %max3A_2138 = vector.broadcast %jit3A_2136 : i32 to vector<16xi32>
    %max3A_2139 = arith.maxsi %max3A_2138, %sub3A_2128 : vector<16xi32>
    %min3A_2140 = vector.broadcast %jit3A_2137 : i32 to vector<16xi32>
    %min3A_2141 = arith.minsi %min3A_2140, %max3A_2139 : vector<16xi32>
    %mul3A_2142 = arith.constant 1024 : i32
    %mul3A_2143 = vector.broadcast %mul3A_2142 : i32 to vector<16xi32>
    %mul3A_2144 = arith.muli %min3A_2141, %mul3A_2143 : vector<16xi32>
    %get3A_2145 = arith.constant 896 : index
    %get3A_2146 = tpu.vector_load %arg4[%get3A_2145] {strides = array<i32>} : memref<1024xi32, #tpu.memory_space<vmem>>, vector<16xi32>,
    %get3A_2147 = vector.shape_cast %get3A_2146 : vector<16xi32> to vector<16xi32>
    %add3A_2148 = arith.addi %mul3A_2144, %get3A_2147 : vector<16xi32>
    %swap3A_2149 = arith.constant 7 : i32
    %swap3A_2150 = arith.index_cast %swap3A_2149 : i32 to index
    %swap3A_2151 = arith.constant 0 : index
    %swap3A_2152 = tpu.vector_load %arg6[%swap3A_2150, %swap3A_2151] {strides = array<i32>} : memref<8x128xi32, #tpu.memory_space<vmem>>, vector<1x16xi32>,
    %swap3A_2153 = vector.shape_cast %swap3A_2152 : vector<1x16xi32> to vector<16xi32>
    %swap3A_2154 = vector.shape_cast %add3A_2148 : vector<16xi32> to vector<1x16xi32>
    tpu.vector_store %arg6[%swap3A_2150, %swap3A_2151], %swap3A_2154 {strides = array<i32>} : memref<8x128xi32, #tpu.memory_space<vmem>>, vector<1x16xi32>,
    %select_n3A_2155 = arith.select %and3A_2135, %broadcast_in_dim3A_4, %broadcast_in_dim3A_6 : vector<16xi1>, vector<16xf32>
    %swap3A_2156 = arith.constant 7 : i32
    %swap3A_2157 = arith.index_cast %swap3A_2156 : i32 to index
    %swap3A_2158 = arith.constant 0 : index
    %swap3A_2159 = tpu.vector_load %arg7[%swap3A_2157, %swap3A_2158] {strides = array<i32>} : memref<8x128xf32, #tpu.memory_space<vmem>>, vector<1x16xf32>,
    %swap3A_2160 = vector.shape_cast %swap3A_2159 : vector<1x16xf32> to vector<16xf32>
    %swap3A_2161 = vector.shape_cast %select_n3A_2155 : vector<16xf32> to vector<1x16xf32>
    tpu.vector_store %arg7[%swap3A_2157, %swap3A_2158], %swap3A_2161 {strides = array<i32>} : memref<8x128xf32, #tpu.memory_space<vmem>>, vector<1x16xf32>,
    %get3A_2162 = arith.constant 912 : index
    %get3A_2163 = tpu.vector_load %arg5[%get3A_2162] {strides = array<i32>} : memref<1024xi32, #tpu.memory_space<vmem>>, vector<16xi32>,
    %get3A_2164 = vector.shape_cast %get3A_2163 : vector<16xi32> to vector<16xi32>
    %sub3A_2165 = vector.broadcast %mul3A_3 : i32 to vector<16xi32>
    %sub3A_2166 = arith.subi %get3A_2164, %sub3A_2165 : vector<16xi32>
    %ge3A_2167 = arith.constant 0 : i32
    %ge3A_2168 = vector.broadcast %ge3A_2167 : i32 to vector<16xi32>
    %ge3A_2169 = arith.cmpi sge, %sub3A_2166, %ge3A_2168 : vector<16xi32>
    %lt3A_2170 = arith.constant 512 : i32
    %lt3A_2171 = vector.broadcast %lt3A_2170 : i32 to vector<16xi32>
    %lt3A_2172 = arith.cmpi slt, %sub3A_2166, %lt3A_2171 : vector<16xi32>
    %and3A_2173 = arith.andi %ge3A_2169, %lt3A_2172 : vector<16xi1>
    %jit3A_2174 = arith.constant 0 : i32
    %jit3A_2175 = arith.constant 511 : i32
    %max3A_2176 = vector.broadcast %jit3A_2174 : i32 to vector<16xi32>
    %max3A_2177 = arith.maxsi %max3A_2176, %sub3A_2166 : vector<16xi32>
    %min3A_2178 = vector.broadcast %jit3A_2175 : i32 to vector<16xi32>
    %min3A_2179 = arith.minsi %min3A_2178, %max3A_2177 : vector<16xi32>
    %mul3A_2180 = arith.constant 1024 : i32
    %mul3A_2181 = vector.broadcast %mul3A_2180 : i32 to vector<16xi32>
    %mul3A_2182 = arith.muli %min3A_2179, %mul3A_2181 : vector<16xi32>
    %get3A_2183 = arith.constant 912 : index
    %get3A_2184 = tpu.vector_load %arg4[%get3A_2183] {strides = array<i32>} : memref<1024xi32, #tpu.memory_space<vmem>>, vector<16xi32>,
    %get3A_2185 = vector.shape_cast %get3A_2184 : vector<16xi32> to vector<16xi32>
    %add3A_2186 = arith.addi %mul3A_2182, %get3A_2185 : vector<16xi32>
    %swap3A_2187 = arith.constant 7 : i32
    %swap3A_2188 = arith.index_cast %swap3A_2187 : i32 to index
    %swap3A_2189 = arith.constant 16 : index
    %swap3A_2190 = tpu.vector_load %arg6[%swap3A_2188, %swap3A_2189] {strides = array<i32>} : memref<8x128xi32, #tpu.memory_space<vmem>>, vector<1x16xi32>,
    %swap3A_2191 = vector.shape_cast %swap3A_2190 : vector<1x16xi32> to vector<16xi32>
    %swap3A_2192 = vector.shape_cast %add3A_2186 : vector<16xi32> to vector<1x16xi32>
    tpu.vector_store %arg6[%swap3A_2188, %swap3A_2189], %swap3A_2192 {strides = array<i32>} : memref<8x128xi32, #tpu.memory_space<vmem>>, vector<1x16xi32>,
    %select_n3A_2193 = arith.select %and3A_2173, %broadcast_in_dim3A_4, %broadcast_in_dim3A_6 : vector<16xi1>, vector<16xf32>
    %swap3A_2194 = arith.constant 7 : i32
    %swap3A_2195 = arith.index_cast %swap3A_2194 : i32 to index
    %swap3A_2196 = arith.constant 16 : index
    %swap3A_2197 = tpu.vector_load %arg7[%swap3A_2195, %swap3A_2196] {strides = array<i32>} : memref<8x128xf32, #tpu.memory_space<vmem>>, vector<1x16xf32>,
    %swap3A_2198 = vector.shape_cast %swap3A_2197 : vector<1x16xf32> to vector<16xf32>
    %swap3A_2199 = vector.shape_cast %select_n3A_2193 : vector<16xf32> to vector<1x16xf32>
    tpu.vector_store %arg7[%swap3A_2195, %swap3A_2196], %swap3A_2199 {strides = array<i32>} : memref<8x128xf32, #tpu.memory_space<vmem>>, vector<1x16xf32>,
    %get3A_2200 = arith.constant 928 : index
    %get3A_2201 = tpu.vector_load %arg5[%get3A_2200] {strides = array<i32>} : memref<1024xi32, #tpu.memory_space<vmem>>, vector<16xi32>,
    %get3A_2202 = vector.shape_cast %get3A_2201 : vector<16xi32> to vector<16xi32>
    %sub3A_2203 = vector.broadcast %mul3A_3 : i32 to vector<16xi32>
    %sub3A_2204 = arith.subi %get3A_2202, %sub3A_2203 : vector<16xi32>
    %ge3A_2205 = arith.constant 0 : i32
    %ge3A_2206 = vector.broadcast %ge3A_2205 : i32 to vector<16xi32>
    %ge3A_2207 = arith.cmpi sge, %sub3A_2204, %ge3A_2206 : vector<16xi32>
    %lt3A_2208 = arith.constant 512 : i32
    %lt3A_2209 = vector.broadcast %lt3A_2208 : i32 to vector<16xi32>
    %lt3A_2210 = arith.cmpi slt, %sub3A_2204, %lt3A_2209 : vector<16xi32>
    %and3A_2211 = arith.andi %ge3A_2207, %lt3A_2210 : vector<16xi1>
    %jit3A_2212 = arith.constant 0 : i32
    %jit3A_2213 = arith.constant 511 : i32
    %max3A_2214 = vector.broadcast %jit3A_2212 : i32 to vector<16xi32>
    %max3A_2215 = arith.maxsi %max3A_2214, %sub3A_2204 : vector<16xi32>
    %min3A_2216 = vector.broadcast %jit3A_2213 : i32 to vector<16xi32>
    %min3A_2217 = arith.minsi %min3A_2216, %max3A_2215 : vector<16xi32>
    %mul3A_2218 = arith.constant 1024 : i32
    %mul3A_2219 = vector.broadcast %mul3A_2218 : i32 to vector<16xi32>
    %mul3A_2220 = arith.muli %min3A_2217, %mul3A_2219 : vector<16xi32>
    %get3A_2221 = arith.constant 928 : index
    %get3A_2222 = tpu.vector_load %arg4[%get3A_2221] {strides = array<i32>} : memref<1024xi32, #tpu.memory_space<vmem>>, vector<16xi32>,
    %get3A_2223 = vector.shape_cast %get3A_2222 : vector<16xi32> to vector<16xi32>
    %add3A_2224 = arith.addi %mul3A_2220, %get3A_2223 : vector<16xi32>
    %swap3A_2225 = arith.constant 7 : i32
    %swap3A_2226 = arith.index_cast %swap3A_2225 : i32 to index
    %swap3A_2227 = arith.constant 32 : index
    %swap3A_2228 = tpu.vector_load %arg6[%swap3A_2226, %swap3A_2227] {strides = array<i32>} : memref<8x128xi32, #tpu.memory_space<vmem>>, vector<1x16xi32>,
    %swap3A_2229 = vector.shape_cast %swap3A_2228 : vector<1x16xi32> to vector<16xi32>
    %swap3A_2230 = vector.shape_cast %add3A_2224 : vector<16xi32> to vector<1x16xi32>
    tpu.vector_store %arg6[%swap3A_2226, %swap3A_2227], %swap3A_2230 {strides = array<i32>} : memref<8x128xi32, #tpu.memory_space<vmem>>, vector<1x16xi32>,
    %select_n3A_2231 = arith.select %and3A_2211, %broadcast_in_dim3A_4, %broadcast_in_dim3A_6 : vector<16xi1>, vector<16xf32>
    %swap3A_2232 = arith.constant 7 : i32
    %swap3A_2233 = arith.index_cast %swap3A_2232 : i32 to index
    %swap3A_2234 = arith.constant 32 : index
    %swap3A_2235 = tpu.vector_load %arg7[%swap3A_2233, %swap3A_2234] {strides = array<i32>} : memref<8x128xf32, #tpu.memory_space<vmem>>, vector<1x16xf32>,
    %swap3A_2236 = vector.shape_cast %swap3A_2235 : vector<1x16xf32> to vector<16xf32>
    %swap3A_2237 = vector.shape_cast %select_n3A_2231 : vector<16xf32> to vector<1x16xf32>
    tpu.vector_store %arg7[%swap3A_2233, %swap3A_2234], %swap3A_2237 {strides = array<i32>} : memref<8x128xf32, #tpu.memory_space<vmem>>, vector<1x16xf32>,
    %get3A_2238 = arith.constant 944 : index
    %get3A_2239 = tpu.vector_load %arg5[%get3A_2238] {strides = array<i32>} : memref<1024xi32, #tpu.memory_space<vmem>>, vector<16xi32>,
    %get3A_2240 = vector.shape_cast %get3A_2239 : vector<16xi32> to vector<16xi32>
    %sub3A_2241 = vector.broadcast %mul3A_3 : i32 to vector<16xi32>
    %sub3A_2242 = arith.subi %get3A_2240, %sub3A_2241 : vector<16xi32>
    %ge3A_2243 = arith.constant 0 : i32
    %ge3A_2244 = vector.broadcast %ge3A_2243 : i32 to vector<16xi32>
    %ge3A_2245 = arith.cmpi sge, %sub3A_2242, %ge3A_2244 : vector<16xi32>
    %lt3A_2246 = arith.constant 512 : i32
    %lt3A_2247 = vector.broadcast %lt3A_2246 : i32 to vector<16xi32>
    %lt3A_2248 = arith.cmpi slt, %sub3A_2242, %lt3A_2247 : vector<16xi32>
    %and3A_2249 = arith.andi %ge3A_2245, %lt3A_2248 : vector<16xi1>
    %jit3A_2250 = arith.constant 0 : i32
    %jit3A_2251 = arith.constant 511 : i32
    %max3A_2252 = vector.broadcast %jit3A_2250 : i32 to vector<16xi32>
    %max3A_2253 = arith.maxsi %max3A_2252, %sub3A_2242 : vector<16xi32>
    %min3A_2254 = vector.broadcast %jit3A_2251 : i32 to vector<16xi32>
    %min3A_2255 = arith.minsi %min3A_2254, %max3A_2253 : vector<16xi32>
    %mul3A_2256 = arith.constant 1024 : i32
    %mul3A_2257 = vector.broadcast %mul3A_2256 : i32 to vector<16xi32>
    %mul3A_2258 = arith.muli %min3A_2255, %mul3A_2257 : vector<16xi32>
    %get3A_2259 = arith.constant 944 : index
    %get3A_2260 = tpu.vector_load %arg4[%get3A_2259] {strides = array<i32>} : memref<1024xi32, #tpu.memory_space<vmem>>, vector<16xi32>,
    %get3A_2261 = vector.shape_cast %get3A_2260 : vector<16xi32> to vector<16xi32>
    %add3A_2262 = arith.addi %mul3A_2258, %get3A_2261 : vector<16xi32>
    %swap3A_2263 = arith.constant 7 : i32
    %swap3A_2264 = arith.index_cast %swap3A_2263 : i32 to index
    %swap3A_2265 = arith.constant 48 : index
    %swap3A_2266 = tpu.vector_load %arg6[%swap3A_2264, %swap3A_2265] {strides = array<i32>} : memref<8x128xi32, #tpu.memory_space<vmem>>, vector<1x16xi32>,
    %swap3A_2267 = vector.shape_cast %swap3A_2266 : vector<1x16xi32> to vector<16xi32>
    %swap3A_2268 = vector.shape_cast %add3A_2262 : vector<16xi32> to vector<1x16xi32>
    tpu.vector_store %arg6[%swap3A_2264, %swap3A_2265], %swap3A_2268 {strides = array<i32>} : memref<8x128xi32, #tpu.memory_space<vmem>>, vector<1x16xi32>,
    %select_n3A_2269 = arith.select %and3A_2249, %broadcast_in_dim3A_4, %broadcast_in_dim3A_6 : vector<16xi1>, vector<16xf32>
    %swap3A_2270 = arith.constant 7 : i32
    %swap3A_2271 = arith.index_cast %swap3A_2270 : i32 to index
    %swap3A_2272 = arith.constant 48 : index
    %swap3A_2273 = tpu.vector_load %arg7[%swap3A_2271, %swap3A_2272] {strides = array<i32>} : memref<8x128xf32, #tpu.memory_space<vmem>>, vector<1x16xf32>,
    %swap3A_2274 = vector.shape_cast %swap3A_2273 : vector<1x16xf32> to vector<16xf32>
    %swap3A_2275 = vector.shape_cast %select_n3A_2269 : vector<16xf32> to vector<1x16xf32>
    tpu.vector_store %arg7[%swap3A_2271, %swap3A_2272], %swap3A_2275 {strides = array<i32>} : memref<8x128xf32, #tpu.memory_space<vmem>>, vector<1x16xf32>,
    %get3A_2276 = arith.constant 960 : index
    %get3A_2277 = tpu.vector_load %arg5[%get3A_2276] {strides = array<i32>} : memref<1024xi32, #tpu.memory_space<vmem>>, vector<16xi32>,
    %get3A_2278 = vector.shape_cast %get3A_2277 : vector<16xi32> to vector<16xi32>
    %sub3A_2279 = vector.broadcast %mul3A_3 : i32 to vector<16xi32>
    %sub3A_2280 = arith.subi %get3A_2278, %sub3A_2279 : vector<16xi32>
    %ge3A_2281 = arith.constant 0 : i32
    %ge3A_2282 = vector.broadcast %ge3A_2281 : i32 to vector<16xi32>
    %ge3A_2283 = arith.cmpi sge, %sub3A_2280, %ge3A_2282 : vector<16xi32>
    %lt3A_2284 = arith.constant 512 : i32
    %lt3A_2285 = vector.broadcast %lt3A_2284 : i32 to vector<16xi32>
    %lt3A_2286 = arith.cmpi slt, %sub3A_2280, %lt3A_2285 : vector<16xi32>
    %and3A_2287 = arith.andi %ge3A_2283, %lt3A_2286 : vector<16xi1>
    %jit3A_2288 = arith.constant 0 : i32
    %jit3A_2289 = arith.constant 511 : i32
    %max3A_2290 = vector.broadcast %jit3A_2288 : i32 to vector<16xi32>
    %max3A_2291 = arith.maxsi %max3A_2290, %sub3A_2280 : vector<16xi32>
    %min3A_2292 = vector.broadcast %jit3A_2289 : i32 to vector<16xi32>
    %min3A_2293 = arith.minsi %min3A_2292, %max3A_2291 : vector<16xi32>
    %mul3A_2294 = arith.constant 1024 : i32
    %mul3A_2295 = vector.broadcast %mul3A_2294 : i32 to vector<16xi32>
    %mul3A_2296 = arith.muli %min3A_2293, %mul3A_2295 : vector<16xi32>
    %get3A_2297 = arith.constant 960 : index
    %get3A_2298 = tpu.vector_load %arg4[%get3A_2297] {strides = array<i32>} : memref<1024xi32, #tpu.memory_space<vmem>>, vector<16xi32>,
    %get3A_2299 = vector.shape_cast %get3A_2298 : vector<16xi32> to vector<16xi32>
    %add3A_2300 = arith.addi %mul3A_2296, %get3A_2299 : vector<16xi32>
    %swap3A_2301 = arith.constant 7 : i32
    %swap3A_2302 = arith.index_cast %swap3A_2301 : i32 to index
    %swap3A_2303 = arith.constant 64 : index
    %swap3A_2304 = tpu.vector_load %arg6[%swap3A_2302, %swap3A_2303] {strides = array<i32>} : memref<8x128xi32, #tpu.memory_space<vmem>>, vector<1x16xi32>,
    %swap3A_2305 = vector.shape_cast %swap3A_2304 : vector<1x16xi32> to vector<16xi32>
    %swap3A_2306 = vector.shape_cast %add3A_2300 : vector<16xi32> to vector<1x16xi32>
    tpu.vector_store %arg6[%swap3A_2302, %swap3A_2303], %swap3A_2306 {strides = array<i32>} : memref<8x128xi32, #tpu.memory_space<vmem>>, vector<1x16xi32>,
    %select_n3A_2307 = arith.select %and3A_2287, %broadcast_in_dim3A_4, %broadcast_in_dim3A_6 : vector<16xi1>, vector<16xf32>
    %swap3A_2308 = arith.constant 7 : i32
    %swap3A_2309 = arith.index_cast %swap3A_2308 : i32 to index
    %swap3A_2310 = arith.constant 64 : index
    %swap3A_2311 = tpu.vector_load %arg7[%swap3A_2309, %swap3A_2310] {strides = array<i32>} : memref<8x128xf32, #tpu.memory_space<vmem>>, vector<1x16xf32>,
    %swap3A_2312 = vector.shape_cast %swap3A_2311 : vector<1x16xf32> to vector<16xf32>
    %swap3A_2313 = vector.shape_cast %select_n3A_2307 : vector<16xf32> to vector<1x16xf32>
    tpu.vector_store %arg7[%swap3A_2309, %swap3A_2310], %swap3A_2313 {strides = array<i32>} : memref<8x128xf32, #tpu.memory_space<vmem>>, vector<1x16xf32>,
    %get3A_2314 = arith.constant 976 : index
    %get3A_2315 = tpu.vector_load %arg5[%get3A_2314] {strides = array<i32>} : memref<1024xi32, #tpu.memory_space<vmem>>, vector<16xi32>,
    %get3A_2316 = vector.shape_cast %get3A_2315 : vector<16xi32> to vector<16xi32>
    %sub3A_2317 = vector.broadcast %mul3A_3 : i32 to vector<16xi32>
    %sub3A_2318 = arith.subi %get3A_2316, %sub3A_2317 : vector<16xi32>
    %ge3A_2319 = arith.constant 0 : i32
    %ge3A_2320 = vector.broadcast %ge3A_2319 : i32 to vector<16xi32>
    %ge3A_2321 = arith.cmpi sge, %sub3A_2318, %ge3A_2320 : vector<16xi32>
    %lt3A_2322 = arith.constant 512 : i32
    %lt3A_2323 = vector.broadcast %lt3A_2322 : i32 to vector<16xi32>
    %lt3A_2324 = arith.cmpi slt, %sub3A_2318, %lt3A_2323 : vector<16xi32>
    %and3A_2325 = arith.andi %ge3A_2321, %lt3A_2324 : vector<16xi1>
    %jit3A_2326 = arith.constant 0 : i32
    %jit3A_2327 = arith.constant 511 : i32
    %max3A_2328 = vector.broadcast %jit3A_2326 : i32 to vector<16xi32>
    %max3A_2329 = arith.maxsi %max3A_2328, %sub3A_2318 : vector<16xi32>
    %min3A_2330 = vector.broadcast %jit3A_2327 : i32 to vector<16xi32>
    %min3A_2331 = arith.minsi %min3A_2330, %max3A_2329 : vector<16xi32>
    %mul3A_2332 = arith.constant 1024 : i32
    %mul3A_2333 = vector.broadcast %mul3A_2332 : i32 to vector<16xi32>
    %mul3A_2334 = arith.muli %min3A_2331, %mul3A_2333 : vector<16xi32>
    %get3A_2335 = arith.constant 976 : index
    %get3A_2336 = tpu.vector_load %arg4[%get3A_2335] {strides = array<i32>} : memref<1024xi32, #tpu.memory_space<vmem>>, vector<16xi32>,
    %get3A_2337 = vector.shape_cast %get3A_2336 : vector<16xi32> to vector<16xi32>
    %add3A_2338 = arith.addi %mul3A_2334, %get3A_2337 : vector<16xi32>
    %swap3A_2339 = arith.constant 7 : i32
    %swap3A_2340 = arith.index_cast %swap3A_2339 : i32 to index
    %swap3A_2341 = arith.constant 80 : index
    %swap3A_2342 = tpu.vector_load %arg6[%swap3A_2340, %swap3A_2341] {strides = array<i32>} : memref<8x128xi32, #tpu.memory_space<vmem>>, vector<1x16xi32>,
    %swap3A_2343 = vector.shape_cast %swap3A_2342 : vector<1x16xi32> to vector<16xi32>
    %swap3A_2344 = vector.shape_cast %add3A_2338 : vector<16xi32> to vector<1x16xi32>
    tpu.vector_store %arg6[%swap3A_2340, %swap3A_2341], %swap3A_2344 {strides = array<i32>} : memref<8x128xi32, #tpu.memory_space<vmem>>, vector<1x16xi32>,
    %select_n3A_2345 = arith.select %and3A_2325, %broadcast_in_dim3A_4, %broadcast_in_dim3A_6 : vector<16xi1>, vector<16xf32>
    %swap3A_2346 = arith.constant 7 : i32
    %swap3A_2347 = arith.index_cast %swap3A_2346 : i32 to index
    %swap3A_2348 = arith.constant 80 : index
    %swap3A_2349 = tpu.vector_load %arg7[%swap3A_2347, %swap3A_2348] {strides = array<i32>} : memref<8x128xf32, #tpu.memory_space<vmem>>, vector<1x16xf32>,
    %swap3A_2350 = vector.shape_cast %swap3A_2349 : vector<1x16xf32> to vector<16xf32>
    %swap3A_2351 = vector.shape_cast %select_n3A_2345 : vector<16xf32> to vector<1x16xf32>
    tpu.vector_store %arg7[%swap3A_2347, %swap3A_2348], %swap3A_2351 {strides = array<i32>} : memref<8x128xf32, #tpu.memory_space<vmem>>, vector<1x16xf32>,
    %get3A_2352 = arith.constant 992 : index
    %get3A_2353 = tpu.vector_load %arg5[%get3A_2352] {strides = array<i32>} : memref<1024xi32, #tpu.memory_space<vmem>>, vector<16xi32>,
    %get3A_2354 = vector.shape_cast %get3A_2353 : vector<16xi32> to vector<16xi32>
    %sub3A_2355 = vector.broadcast %mul3A_3 : i32 to vector<16xi32>
    %sub3A_2356 = arith.subi %get3A_2354, %sub3A_2355 : vector<16xi32>
    %ge3A_2357 = arith.constant 0 : i32
    %ge3A_2358 = vector.broadcast %ge3A_2357 : i32 to vector<16xi32>
    %ge3A_2359 = arith.cmpi sge, %sub3A_2356, %ge3A_2358 : vector<16xi32>
    %lt3A_2360 = arith.constant 512 : i32
    %lt3A_2361 = vector.broadcast %lt3A_2360 : i32 to vector<16xi32>
    %lt3A_2362 = arith.cmpi slt, %sub3A_2356, %lt3A_2361 : vector<16xi32>
    %and3A_2363 = arith.andi %ge3A_2359, %lt3A_2362 : vector<16xi1>
    %jit3A_2364 = arith.constant 0 : i32
    %jit3A_2365 = arith.constant 511 : i32
    %max3A_2366 = vector.broadcast %jit3A_2364 : i32 to vector<16xi32>
    %max3A_2367 = arith.maxsi %max3A_2366, %sub3A_2356 : vector<16xi32>
    %min3A_2368 = vector.broadcast %jit3A_2365 : i32 to vector<16xi32>
    %min3A_2369 = arith.minsi %min3A_2368, %max3A_2367 : vector<16xi32>
    %mul3A_2370 = arith.constant 1024 : i32
    %mul3A_2371 = vector.broadcast %mul3A_2370 : i32 to vector<16xi32>
    %mul3A_2372 = arith.muli %min3A_2369, %mul3A_2371 : vector<16xi32>
    %get3A_2373 = arith.constant 992 : index
    %get3A_2374 = tpu.vector_load %arg4[%get3A_2373] {strides = array<i32>} : memref<1024xi32, #tpu.memory_space<vmem>>, vector<16xi32>,
    %get3A_2375 = vector.shape_cast %get3A_2374 : vector<16xi32> to vector<16xi32>
    %add3A_2376 = arith.addi %mul3A_2372, %get3A_2375 : vector<16xi32>
    %swap3A_2377 = arith.constant 7 : i32
    %swap3A_2378 = arith.index_cast %swap3A_2377 : i32 to index
    %swap3A_2379 = arith.constant 96 : index
    %swap3A_2380 = tpu.vector_load %arg6[%swap3A_2378, %swap3A_2379] {strides = array<i32>} : memref<8x128xi32, #tpu.memory_space<vmem>>, vector<1x16xi32>,
    %swap3A_2381 = vector.shape_cast %swap3A_2380 : vector<1x16xi32> to vector<16xi32>
    %swap3A_2382 = vector.shape_cast %add3A_2376 : vector<16xi32> to vector<1x16xi32>
    tpu.vector_store %arg6[%swap3A_2378, %swap3A_2379], %swap3A_2382 {strides = array<i32>} : memref<8x128xi32, #tpu.memory_space<vmem>>, vector<1x16xi32>,
    %select_n3A_2383 = arith.select %and3A_2363, %broadcast_in_dim3A_4, %broadcast_in_dim3A_6 : vector<16xi1>, vector<16xf32>
    %swap3A_2384 = arith.constant 7 : i32
    %swap3A_2385 = arith.index_cast %swap3A_2384 : i32 to index
    %swap3A_2386 = arith.constant 96 : index
    %swap3A_2387 = tpu.vector_load %arg7[%swap3A_2385, %swap3A_2386] {strides = array<i32>} : memref<8x128xf32, #tpu.memory_space<vmem>>, vector<1x16xf32>,
    %swap3A_2388 = vector.shape_cast %swap3A_2387 : vector<1x16xf32> to vector<16xf32>
    %swap3A_2389 = vector.shape_cast %select_n3A_2383 : vector<16xf32> to vector<1x16xf32>
    tpu.vector_store %arg7[%swap3A_2385, %swap3A_2386], %swap3A_2389 {strides = array<i32>} : memref<8x128xf32, #tpu.memory_space<vmem>>, vector<1x16xf32>,
    %get3A_2390 = arith.constant 1008 : index
    %get3A_2391 = tpu.vector_load %arg5[%get3A_2390] {strides = array<i32>} : memref<1024xi32, #tpu.memory_space<vmem>>, vector<16xi32>,
    %get3A_2392 = vector.shape_cast %get3A_2391 : vector<16xi32> to vector<16xi32>
    %sub3A_2393 = vector.broadcast %mul3A_3 : i32 to vector<16xi32>
    %sub3A_2394 = arith.subi %get3A_2392, %sub3A_2393 : vector<16xi32>
    %ge3A_2395 = arith.constant 0 : i32
    %ge3A_2396 = vector.broadcast %ge3A_2395 : i32 to vector<16xi32>
    %ge3A_2397 = arith.cmpi sge, %sub3A_2394, %ge3A_2396 : vector<16xi32>
    %lt3A_2398 = arith.constant 512 : i32
    %lt3A_2399 = vector.broadcast %lt3A_2398 : i32 to vector<16xi32>
    %lt3A_2400 = arith.cmpi slt, %sub3A_2394, %lt3A_2399 : vector<16xi32>
    %and3A_2401 = arith.andi %ge3A_2397, %lt3A_2400 : vector<16xi1>
    %jit3A_2402 = arith.constant 0 : i32
    %jit3A_2403 = arith.constant 511 : i32
    %max3A_2404 = vector.broadcast %jit3A_2402 : i32 to vector<16xi32>
    %max3A_2405 = arith.maxsi %max3A_2404, %sub3A_2394 : vector<16xi32>
    %min3A_2406 = vector.broadcast %jit3A_2403 : i32 to vector<16xi32>
    %min3A_2407 = arith.minsi %min3A_2406, %max3A_2405 : vector<16xi32>
    %mul3A_2408 = arith.constant 1024 : i32
    %mul3A_2409 = vector.broadcast %mul3A_2408 : i32 to vector<16xi32>
    %mul3A_2410 = arith.muli %min3A_2407, %mul3A_2409 : vector<16xi32>
    %get3A_2411 = arith.constant 1008 : index
    %get3A_2412 = tpu.vector_load %arg4[%get3A_2411] {strides = array<i32>} : memref<1024xi32, #tpu.memory_space<vmem>>, vector<16xi32>,
    %get3A_2413 = vector.shape_cast %get3A_2412 : vector<16xi32> to vector<16xi32>
    %add3A_2414 = arith.addi %mul3A_2410, %get3A_2413 : vector<16xi32>
    %swap3A_2415 = arith.constant 7 : i32
    %swap3A_2416 = arith.index_cast %swap3A_2415 : i32 to index
    %swap3A_2417 = arith.constant 112 : index
    %swap3A_2418 = tpu.vector_load %arg6[%swap3A_2416, %swap3A_2417] {strides = array<i32>} : memref<8x128xi32, #tpu.memory_space<vmem>>, vector<1x16xi32>,
    %swap3A_2419 = vector.shape_cast %swap3A_2418 : vector<1x16xi32> to vector<16xi32>
    %swap3A_2420 = vector.shape_cast %add3A_2414 : vector<16xi32> to vector<1x16xi32>
    tpu.vector_store %arg6[%swap3A_2416, %swap3A_2417], %swap3A_2420 {strides = array<i32>} : memref<8x128xi32, #tpu.memory_space<vmem>>, vector<1x16xi32>,
    %select_n3A_2421 = arith.select %and3A_2401, %broadcast_in_dim3A_4, %broadcast_in_dim3A_6 : vector<16xi1>, vector<16xf32>
    %swap3A_2422 = arith.constant 7 : i32
    %swap3A_2423 = arith.index_cast %swap3A_2422 : i32 to index
    %swap3A_2424 = arith.constant 112 : index
    %swap3A_2425 = tpu.vector_load %arg7[%swap3A_2423, %swap3A_2424] {strides = array<i32>} : memref<8x128xf32, #tpu.memory_space<vmem>>, vector<1x16xf32>,
    %swap3A_2426 = vector.shape_cast %swap3A_2425 : vector<1x16xf32> to vector<16xf32>
    %swap3A_2427 = vector.shape_cast %select_n3A_2421 : vector<16xf32> to vector<1x16xf32>
    tpu.vector_store %arg7[%swap3A_2423, %swap3A_2424], %swap3A_2427 {strides = array<i32>} : memref<8x128xf32, #tpu.memory_space<vmem>>, vector<1x16xf32>,
    %scan3A = arith.constant 0 : i32
    %scan3A_2428 = arith.constant 256 : i32
    %scan3A_2429 = arith.addi %scan3A, %scan3A_2428 : i32
    %scan3A_2430 = arith.constant 1 : i32
    scf.for %scan3A_2474 = %scan3A to %scan3A_2429 step %scan3A_2430  : i32 {
      %mul3A_2475 = arith.constant 16 : i32
      %mul3A_2476 = arith.muli %scan3A_2474, %mul3A_2475 : i32
      %add3A_2477 = arith.constant 0 : i32
      %add3A_2478 = arith.addi %add3A_2477, %mul3A_2476 : i32
      %broadcast_in_dim3A_2479 = arith.constant 0.000000e+00 : f32
      %broadcast_in_dim3A_2480 = vector.broadcast %broadcast_in_dim3A_2479 : f32 to vector<16xf32>
      %swap3A_2481 = arith.index_cast %add3A_2478 : i32 to index
      %swap3A_2482 = tpu.vector_load %arg8[%swap3A_2481] {strides = array<i32>} : memref<4096xf32, #tpu.memory_space<vmem>>, vector<16xf32>,
      %swap3A_2483 = vector.shape_cast %swap3A_2482 : vector<16xf32> to vector<16xf32>
      %swap3A_2484 = vector.shape_cast %broadcast_in_dim3A_2480 : vector<16xf32> to vector<16xf32>
      tpu.vector_store %arg8[%swap3A_2481], %swap3A_2484 {strides = array<i32>} : memref<4096xf32, #tpu.memory_space<vmem>>, vector<16xf32>,
    }
    %scan3A_2431 = arith.constant 256 : i32
    %mul3A_2432 = arith.constant 32768 : i32
    %mul3A_2433 = arith.muli %arg1, %mul3A_2432 : i32
    %add3A_2434 = arith.constant 0 : i32
    %add3A_2435 = arith.addi %mul3A_2433, %add3A_2434 : i32
    "tpu.region"() ({
      %run_scoped3A_2474 = tpu.sem_alloc : memref<!tpu.dma_semaphore, #tpu.memory_space<semaphore_mem>>
      %dma_start3A = tpu.memref_slice %arg9[%add3A_2435] : memref<524288xf32, #tpu.memory_space<vmem_shared>> -> memref<4096xf32, #tpu.memory_space<vmem_shared>>
      %dma_start3A_2475 = tpu.memref_slice %arg9[%add3A_2435] : memref<524288xf32, #tpu.memory_space<vmem_shared>> -> memref<4096xf32, #tpu.memory_space<vmem_shared>>
      tpu.enqueue_dma source(%arg8 : memref<4096xf32, #tpu.memory_space<vmem>>) target(%dma_start3A_2475 : memref<4096xf32, #tpu.memory_space<vmem_shared>>) target_semaphore(%run_scoped3A_2474 : memref<!tpu.dma_semaphore, #tpu.memory_space<semaphore_mem>>)
      %dma_wait3A = tpu.memref_slice %arg9[%add3A_2435] : memref<524288xf32, #tpu.memory_space<vmem_shared>> -> memref<4096xf32, #tpu.memory_space<vmem_shared>>
      %dma_wait3A_2476 = tpu.memref_slice %arg9[%add3A_2435] : memref<524288xf32, #tpu.memory_space<vmem_shared>> -> memref<4096xf32, #tpu.memory_space<vmem_shared>>
      tpu.wait_dma2 semaphore(%run_scoped3A_2474 : memref<!tpu.dma_semaphore, #tpu.memory_space<semaphore_mem>>) src(%arg8 : memref<4096xf32, #tpu.memory_space<vmem>>) dst(%dma_wait3A_2476 : memref<4096xf32, #tpu.memory_space<vmem_shared>>)
      tpu.yield
    }) : () -> ()
    %add3A_2436 = arith.constant 4096 : i32
    %add3A_2437 = arith.addi %mul3A_2433, %add3A_2436 : i32
    "tpu.region"() ({
      %run_scoped3A_2474 = tpu.sem_alloc : memref<!tpu.dma_semaphore, #tpu.memory_space<semaphore_mem>>
      %dma_start3A = tpu.memref_slice %arg9[%add3A_2437] : memref<524288xf32, #tpu.memory_space<vmem_shared>> -> memref<4096xf32, #tpu.memory_space<vmem_shared>>
      %dma_start3A_2475 = tpu.memref_slice %arg9[%add3A_2437] : memref<524288xf32, #tpu.memory_space<vmem_shared>> -> memref<4096xf32, #tpu.memory_space<vmem_shared>>
      tpu.enqueue_dma source(%arg8 : memref<4096xf32, #tpu.memory_space<vmem>>) target(%dma_start3A_2475 : memref<4096xf32, #tpu.memory_space<vmem_shared>>) target_semaphore(%run_scoped3A_2474 : memref<!tpu.dma_semaphore, #tpu.memory_space<semaphore_mem>>)
      %dma_wait3A = tpu.memref_slice %arg9[%add3A_2437] : memref<524288xf32, #tpu.memory_space<vmem_shared>> -> memref<4096xf32, #tpu.memory_space<vmem_shared>>
      %dma_wait3A_2476 = tpu.memref_slice %arg9[%add3A_2437] : memref<524288xf32, #tpu.memory_space<vmem_shared>> -> memref<4096xf32, #tpu.memory_space<vmem_shared>>
      tpu.wait_dma2 semaphore(%run_scoped3A_2474 : memref<!tpu.dma_semaphore, #tpu.memory_space<semaphore_mem>>) src(%arg8 : memref<4096xf32, #tpu.memory_space<vmem>>) dst(%dma_wait3A_2476 : memref<4096xf32, #tpu.memory_space<vmem_shared>>)
      tpu.yield
    }) : () -> ()
    %add3A_2438 = arith.constant 8192 : i32
    %add3A_2439 = arith.addi %mul3A_2433, %add3A_2438 : i32
    "tpu.region"() ({
      %run_scoped3A_2474 = tpu.sem_alloc : memref<!tpu.dma_semaphore, #tpu.memory_space<semaphore_mem>>
      %dma_start3A = tpu.memref_slice %arg9[%add3A_2439] : memref<524288xf32, #tpu.memory_space<vmem_shared>> -> memref<4096xf32, #tpu.memory_space<vmem_shared>>
      %dma_start3A_2475 = tpu.memref_slice %arg9[%add3A_2439] : memref<524288xf32, #tpu.memory_space<vmem_shared>> -> memref<4096xf32, #tpu.memory_space<vmem_shared>>
      tpu.enqueue_dma source(%arg8 : memref<4096xf32, #tpu.memory_space<vmem>>) target(%dma_start3A_2475 : memref<4096xf32, #tpu.memory_space<vmem_shared>>) target_semaphore(%run_scoped3A_2474 : memref<!tpu.dma_semaphore, #tpu.memory_space<semaphore_mem>>)
      %dma_wait3A = tpu.memref_slice %arg9[%add3A_2439] : memref<524288xf32, #tpu.memory_space<vmem_shared>> -> memref<4096xf32, #tpu.memory_space<vmem_shared>>
      %dma_wait3A_2476 = tpu.memref_slice %arg9[%add3A_2439] : memref<524288xf32, #tpu.memory_space<vmem_shared>> -> memref<4096xf32, #tpu.memory_space<vmem_shared>>
      tpu.wait_dma2 semaphore(%run_scoped3A_2474 : memref<!tpu.dma_semaphore, #tpu.memory_space<semaphore_mem>>) src(%arg8 : memref<4096xf32, #tpu.memory_space<vmem>>) dst(%dma_wait3A_2476 : memref<4096xf32, #tpu.memory_space<vmem_shared>>)
      tpu.yield
    }) : () -> ()
    %add3A_2440 = arith.constant 12288 : i32
    %add3A_2441 = arith.addi %mul3A_2433, %add3A_2440 : i32
    "tpu.region"() ({
      %run_scoped3A_2474 = tpu.sem_alloc : memref<!tpu.dma_semaphore, #tpu.memory_space<semaphore_mem>>
      %dma_start3A = tpu.memref_slice %arg9[%add3A_2441] : memref<524288xf32, #tpu.memory_space<vmem_shared>> -> memref<4096xf32, #tpu.memory_space<vmem_shared>>
      %dma_start3A_2475 = tpu.memref_slice %arg9[%add3A_2441] : memref<524288xf32, #tpu.memory_space<vmem_shared>> -> memref<4096xf32, #tpu.memory_space<vmem_shared>>
      tpu.enqueue_dma source(%arg8 : memref<4096xf32, #tpu.memory_space<vmem>>) target(%dma_start3A_2475 : memref<4096xf32, #tpu.memory_space<vmem_shared>>) target_semaphore(%run_scoped3A_2474 : memref<!tpu.dma_semaphore, #tpu.memory_space<semaphore_mem>>)
      %dma_wait3A = tpu.memref_slice %arg9[%add3A_2441] : memref<524288xf32, #tpu.memory_space<vmem_shared>> -> memref<4096xf32, #tpu.memory_space<vmem_shared>>
      %dma_wait3A_2476 = tpu.memref_slice %arg9[%add3A_2441] : memref<524288xf32, #tpu.memory_space<vmem_shared>> -> memref<4096xf32, #tpu.memory_space<vmem_shared>>
      tpu.wait_dma2 semaphore(%run_scoped3A_2474 : memref<!tpu.dma_semaphore, #tpu.memory_space<semaphore_mem>>) src(%arg8 : memref<4096xf32, #tpu.memory_space<vmem>>) dst(%dma_wait3A_2476 : memref<4096xf32, #tpu.memory_space<vmem_shared>>)
      tpu.yield
    }) : () -> ()
    %add3A_2442 = arith.constant 16384 : i32
    %add3A_2443 = arith.addi %mul3A_2433, %add3A_2442 : i32
    "tpu.region"() ({
      %run_scoped3A_2474 = tpu.sem_alloc : memref<!tpu.dma_semaphore, #tpu.memory_space<semaphore_mem>>
      %dma_start3A = tpu.memref_slice %arg9[%add3A_2443] : memref<524288xf32, #tpu.memory_space<vmem_shared>> -> memref<4096xf32, #tpu.memory_space<vmem_shared>>
      %dma_start3A_2475 = tpu.memref_slice %arg9[%add3A_2443] : memref<524288xf32, #tpu.memory_space<vmem_shared>> -> memref<4096xf32, #tpu.memory_space<vmem_shared>>
      tpu.enqueue_dma source(%arg8 : memref<4096xf32, #tpu.memory_space<vmem>>) target(%dma_start3A_2475 : memref<4096xf32, #tpu.memory_space<vmem_shared>>) target_semaphore(%run_scoped3A_2474 : memref<!tpu.dma_semaphore, #tpu.memory_space<semaphore_mem>>)
      %dma_wait3A = tpu.memref_slice %arg9[%add3A_2443] : memref<524288xf32, #tpu.memory_space<vmem_shared>> -> memref<4096xf32, #tpu.memory_space<vmem_shared>>
      %dma_wait3A_2476 = tpu.memref_slice %arg9[%add3A_2443] : memref<524288xf32, #tpu.memory_space<vmem_shared>> -> memref<4096xf32, #tpu.memory_space<vmem_shared>>
      tpu.wait_dma2 semaphore(%run_scoped3A_2474 : memref<!tpu.dma_semaphore, #tpu.memory_space<semaphore_mem>>) src(%arg8 : memref<4096xf32, #tpu.memory_space<vmem>>) dst(%dma_wait3A_2476 : memref<4096xf32, #tpu.memory_space<vmem_shared>>)
      tpu.yield
    }) : () -> ()
    %add3A_2444 = arith.constant 20480 : i32
    %add3A_2445 = arith.addi %mul3A_2433, %add3A_2444 : i32
    "tpu.region"() ({
      %run_scoped3A_2474 = tpu.sem_alloc : memref<!tpu.dma_semaphore, #tpu.memory_space<semaphore_mem>>
      %dma_start3A = tpu.memref_slice %arg9[%add3A_2445] : memref<524288xf32, #tpu.memory_space<vmem_shared>> -> memref<4096xf32, #tpu.memory_space<vmem_shared>>
      %dma_start3A_2475 = tpu.memref_slice %arg9[%add3A_2445] : memref<524288xf32, #tpu.memory_space<vmem_shared>> -> memref<4096xf32, #tpu.memory_space<vmem_shared>>
      tpu.enqueue_dma source(%arg8 : memref<4096xf32, #tpu.memory_space<vmem>>) target(%dma_start3A_2475 : memref<4096xf32, #tpu.memory_space<vmem_shared>>) target_semaphore(%run_scoped3A_2474 : memref<!tpu.dma_semaphore, #tpu.memory_space<semaphore_mem>>)
      %dma_wait3A = tpu.memref_slice %arg9[%add3A_2445] : memref<524288xf32, #tpu.memory_space<vmem_shared>> -> memref<4096xf32, #tpu.memory_space<vmem_shared>>
      %dma_wait3A_2476 = tpu.memref_slice %arg9[%add3A_2445] : memref<524288xf32, #tpu.memory_space<vmem_shared>> -> memref<4096xf32, #tpu.memory_space<vmem_shared>>
      tpu.wait_dma2 semaphore(%run_scoped3A_2474 : memref<!tpu.dma_semaphore, #tpu.memory_space<semaphore_mem>>) src(%arg8 : memref<4096xf32, #tpu.memory_space<vmem>>) dst(%dma_wait3A_2476 : memref<4096xf32, #tpu.memory_space<vmem_shared>>)
      tpu.yield
    }) : () -> ()
    %add3A_2446 = arith.constant 24576 : i32
    %add3A_2447 = arith.addi %mul3A_2433, %add3A_2446 : i32
    "tpu.region"() ({
      %run_scoped3A_2474 = tpu.sem_alloc : memref<!tpu.dma_semaphore, #tpu.memory_space<semaphore_mem>>
      %dma_start3A = tpu.memref_slice %arg9[%add3A_2447] : memref<524288xf32, #tpu.memory_space<vmem_shared>> -> memref<4096xf32, #tpu.memory_space<vmem_shared>>
      %dma_start3A_2475 = tpu.memref_slice %arg9[%add3A_2447] : memref<524288xf32, #tpu.memory_space<vmem_shared>> -> memref<4096xf32, #tpu.memory_space<vmem_shared>>
      tpu.enqueue_dma source(%arg8 : memref<4096xf32, #tpu.memory_space<vmem>>) target(%dma_start3A_2475 : memref<4096xf32, #tpu.memory_space<vmem_shared>>) target_semaphore(%run_scoped3A_2474 : memref<!tpu.dma_semaphore, #tpu.memory_space<semaphore_mem>>)
      %dma_wait3A = tpu.memref_slice %arg9[%add3A_2447] : memref<524288xf32, #tpu.memory_space<vmem_shared>> -> memref<4096xf32, #tpu.memory_space<vmem_shared>>
      %dma_wait3A_2476 = tpu.memref_slice %arg9[%add3A_2447] : memref<524288xf32, #tpu.memory_space<vmem_shared>> -> memref<4096xf32, #tpu.memory_space<vmem_shared>>
      tpu.wait_dma2 semaphore(%run_scoped3A_2474 : memref<!tpu.dma_semaphore, #tpu.memory_space<semaphore_mem>>) src(%arg8 : memref<4096xf32, #tpu.memory_space<vmem>>) dst(%dma_wait3A_2476 : memref<4096xf32, #tpu.memory_space<vmem_shared>>)
      tpu.yield
    }) : () -> ()
    %add3A_2448 = arith.constant 28672 : i32
    %add3A_2449 = arith.addi %mul3A_2433, %add3A_2448 : i32
    "tpu.region"() ({
      %run_scoped3A_2474 = tpu.sem_alloc : memref<!tpu.dma_semaphore, #tpu.memory_space<semaphore_mem>>
      %dma_start3A = tpu.memref_slice %arg9[%add3A_2449] : memref<524288xf32, #tpu.memory_space<vmem_shared>> -> memref<4096xf32, #tpu.memory_space<vmem_shared>>
      %dma_start3A_2475 = tpu.memref_slice %arg9[%add3A_2449] : memref<524288xf32, #tpu.memory_space<vmem_shared>> -> memref<4096xf32, #tpu.memory_space<vmem_shared>>
      tpu.enqueue_dma source(%arg8 : memref<4096xf32, #tpu.memory_space<vmem>>) target(%dma_start3A_2475 : memref<4096xf32, #tpu.memory_space<vmem_shared>>) target_semaphore(%run_scoped3A_2474 : memref<!tpu.dma_semaphore, #tpu.memory_space<semaphore_mem>>)
      %dma_wait3A = tpu.memref_slice %arg9[%add3A_2449] : memref<524288xf32, #tpu.memory_space<vmem_shared>> -> memref<4096xf32, #tpu.memory_space<vmem_shared>>
      %dma_wait3A_2476 = tpu.memref_slice %arg9[%add3A_2449] : memref<524288xf32, #tpu.memory_space<vmem_shared>> -> memref<4096xf32, #tpu.memory_space<vmem_shared>>
      tpu.wait_dma2 semaphore(%run_scoped3A_2474 : memref<!tpu.dma_semaphore, #tpu.memory_space<semaphore_mem>>) src(%arg8 : memref<4096xf32, #tpu.memory_space<vmem>>) dst(%dma_wait3A_2476 : memref<4096xf32, #tpu.memory_space<vmem_shared>>)
      tpu.yield
    }) : () -> ()
    %barrier3A = arith.constant 0 : index
    tpu.barrier barrier_id(%barrier3A)
    %run_scoped3A_2450 = arith.constant 0 : i32
    %run_scoped3A_2451 = arith.constant 0 : i32
    "tpu.region"() ({
      %run_scoped3A_2474 = tpu.sem_alloc : memref<!tpu.dma_semaphore, #tpu.memory_space<semaphore_mem>>
      %dma_start3A = arith.constant 0 : i32
      %dma_start3A_2475 = tpu.memref_slice %arg7[%run_scoped3A_2450, %dma_start3A] : memref<8x128xf32, #tpu.memory_space<vmem>> -> memref<1x128xf32, #tpu.memory_space<vmem>>
      %dma_start3A_2476 = tpu.memref_squeeze %dma_start3A_2475 : memref<1x128xf32, #tpu.memory_space<vmem>> -> memref<128xf32, #tpu.memory_space<vmem>>
      %dma_start3A_2477 = arith.constant 0 : i32
      %dma_start3A_2478 = tpu.memref_slice %arg6[%run_scoped3A_2451, %dma_start3A_2477] : memref<8x128xi32, #tpu.memory_space<vmem>> -> memref<1x128xi32, #tpu.memory_space<vmem>>
      %dma_start3A_2479 = tpu.memref_squeeze %dma_start3A_2478 : memref<1x128xi32, #tpu.memory_space<vmem>> -> memref<128xi32, #tpu.memory_space<vmem>>
      %dma_start3A_2480 = arith.constant 0 : i32
      %dma_start3A_2481 = tpu.memref_slice %arg9[%dma_start3A_2480] : memref<524288xf32, #tpu.memory_space<vmem_shared>> -> memref<524288xf32, #tpu.memory_space<vmem_shared>>
      tpu.enqueue_indirect_dma source(%dma_start3A_2476 : memref<128xf32, #tpu.memory_space<vmem>>) target(%dma_start3A_2481 : memref<524288xf32, #tpu.memory_space<vmem_shared>>) offsets(%dma_start3A_2479 : memref<128xi32, #tpu.memory_space<vmem>>) semaphore(%run_scoped3A_2474 : memref<!tpu.dma_semaphore, #tpu.memory_space<semaphore_mem>>) {add = true}
      %dma_wait3A = arith.constant 0 : i32
      %dma_wait3A_2482 = tpu.memref_slice %arg7[%run_scoped3A_2450, %dma_wait3A] : memref<8x128xf32, #tpu.memory_space<vmem>> -> memref<1x128xf32, #tpu.memory_space<vmem>>
      %dma_wait3A_2483 = tpu.memref_squeeze %dma_wait3A_2482 : memref<1x128xf32, #tpu.memory_space<vmem>> -> memref<128xf32, #tpu.memory_space<vmem>>
      %dma_wait3A_2484 = arith.constant 0 : i32
      %dma_wait3A_2485 = tpu.memref_slice %arg6[%run_scoped3A_2451, %dma_wait3A_2484] : memref<8x128xi32, #tpu.memory_space<vmem>> -> memref<1x128xi32, #tpu.memory_space<vmem>>
      %dma_wait3A_2486 = tpu.memref_squeeze %dma_wait3A_2485 : memref<1x128xi32, #tpu.memory_space<vmem>> -> memref<128xi32, #tpu.memory_space<vmem>>
      %dma_wait3A_2487 = arith.constant 0 : i32
      %dma_wait3A_2488 = tpu.memref_slice %arg9[%dma_wait3A_2487] : memref<524288xf32, #tpu.memory_space<vmem_shared>> -> memref<524288xf32, #tpu.memory_space<vmem_shared>>
      tpu.wait_indirect_dma semaphore(%run_scoped3A_2474 : memref<!tpu.dma_semaphore, #tpu.memory_space<semaphore_mem>>) src(%dma_wait3A_2483 : memref<128xf32, #tpu.memory_space<vmem>>) dst(%dma_wait3A_2488 : memref<524288xf32, #tpu.memory_space<vmem_shared>>)
      tpu.yield
    }) : () -> ()
    %run_scoped3A_2452 = arith.constant 1 : i32
    %run_scoped3A_2453 = arith.constant 1 : i32
    "tpu.region"() ({
      %run_scoped3A_2474 = tpu.sem_alloc : memref<!tpu.dma_semaphore, #tpu.memory_space<semaphore_mem>>
      %dma_start3A = arith.constant 0 : i32
      %dma_start3A_2475 = tpu.memref_slice %arg7[%run_scoped3A_2452, %dma_start3A] : memref<8x128xf32, #tpu.memory_space<vmem>> -> memref<1x128xf32, #tpu.memory_space<vmem>>
      %dma_start3A_2476 = tpu.memref_squeeze %dma_start3A_2475 : memref<1x128xf32, #tpu.memory_space<vmem>> -> memref<128xf32, #tpu.memory_space<vmem>>
      %dma_start3A_2477 = arith.constant 0 : i32
      %dma_start3A_2478 = tpu.memref_slice %arg6[%run_scoped3A_2453, %dma_start3A_2477] : memref<8x128xi32, #tpu.memory_space<vmem>> -> memref<1x128xi32, #tpu.memory_space<vmem>>
      %dma_start3A_2479 = tpu.memref_squeeze %dma_start3A_2478 : memref<1x128xi32, #tpu.memory_space<vmem>> -> memref<128xi32, #tpu.memory_space<vmem>>
      %dma_start3A_2480 = arith.constant 0 : i32
      %dma_start3A_2481 = tpu.memref_slice %arg9[%dma_start3A_2480] : memref<524288xf32, #tpu.memory_space<vmem_shared>> -> memref<524288xf32, #tpu.memory_space<vmem_shared>>
      tpu.enqueue_indirect_dma source(%dma_start3A_2476 : memref<128xf32, #tpu.memory_space<vmem>>) target(%dma_start3A_2481 : memref<524288xf32, #tpu.memory_space<vmem_shared>>) offsets(%dma_start3A_2479 : memref<128xi32, #tpu.memory_space<vmem>>) semaphore(%run_scoped3A_2474 : memref<!tpu.dma_semaphore, #tpu.memory_space<semaphore_mem>>) {add = true}
      %dma_wait3A = arith.constant 0 : i32
      %dma_wait3A_2482 = tpu.memref_slice %arg7[%run_scoped3A_2452, %dma_wait3A] : memref<8x128xf32, #tpu.memory_space<vmem>> -> memref<1x128xf32, #tpu.memory_space<vmem>>
      %dma_wait3A_2483 = tpu.memref_squeeze %dma_wait3A_2482 : memref<1x128xf32, #tpu.memory_space<vmem>> -> memref<128xf32, #tpu.memory_space<vmem>>
      %dma_wait3A_2484 = arith.constant 0 : i32
      %dma_wait3A_2485 = tpu.memref_slice %arg6[%run_scoped3A_2453, %dma_wait3A_2484] : memref<8x128xi32, #tpu.memory_space<vmem>> -> memref<1x128xi32, #tpu.memory_space<vmem>>
      %dma_wait3A_2486 = tpu.memref_squeeze %dma_wait3A_2485 : memref<1x128xi32, #tpu.memory_space<vmem>> -> memref<128xi32, #tpu.memory_space<vmem>>
      %dma_wait3A_2487 = arith.constant 0 : i32
      %dma_wait3A_2488 = tpu.memref_slice %arg9[%dma_wait3A_2487] : memref<524288xf32, #tpu.memory_space<vmem_shared>> -> memref<524288xf32, #tpu.memory_space<vmem_shared>>
      tpu.wait_indirect_dma semaphore(%run_scoped3A_2474 : memref<!tpu.dma_semaphore, #tpu.memory_space<semaphore_mem>>) src(%dma_wait3A_2483 : memref<128xf32, #tpu.memory_space<vmem>>) dst(%dma_wait3A_2488 : memref<524288xf32, #tpu.memory_space<vmem_shared>>)
      tpu.yield
    }) : () -> ()
    %run_scoped3A_2454 = arith.constant 2 : i32
    %run_scoped3A_2455 = arith.constant 2 : i32
    "tpu.region"() ({
      %run_scoped3A_2474 = tpu.sem_alloc : memref<!tpu.dma_semaphore, #tpu.memory_space<semaphore_mem>>
      %dma_start3A = arith.constant 0 : i32
      %dma_start3A_2475 = tpu.memref_slice %arg7[%run_scoped3A_2454, %dma_start3A] : memref<8x128xf32, #tpu.memory_space<vmem>> -> memref<1x128xf32, #tpu.memory_space<vmem>>
      %dma_start3A_2476 = tpu.memref_squeeze %dma_start3A_2475 : memref<1x128xf32, #tpu.memory_space<vmem>> -> memref<128xf32, #tpu.memory_space<vmem>>
      %dma_start3A_2477 = arith.constant 0 : i32
      %dma_start3A_2478 = tpu.memref_slice %arg6[%run_scoped3A_2455, %dma_start3A_2477] : memref<8x128xi32, #tpu.memory_space<vmem>> -> memref<1x128xi32, #tpu.memory_space<vmem>>
      %dma_start3A_2479 = tpu.memref_squeeze %dma_start3A_2478 : memref<1x128xi32, #tpu.memory_space<vmem>> -> memref<128xi32, #tpu.memory_space<vmem>>
      %dma_start3A_2480 = arith.constant 0 : i32
      %dma_start3A_2481 = tpu.memref_slice %arg9[%dma_start3A_2480] : memref<524288xf32, #tpu.memory_space<vmem_shared>> -> memref<524288xf32, #tpu.memory_space<vmem_shared>>
      tpu.enqueue_indirect_dma source(%dma_start3A_2476 : memref<128xf32, #tpu.memory_space<vmem>>) target(%dma_start3A_2481 : memref<524288xf32, #tpu.memory_space<vmem_shared>>) offsets(%dma_start3A_2479 : memref<128xi32, #tpu.memory_space<vmem>>) semaphore(%run_scoped3A_2474 : memref<!tpu.dma_semaphore, #tpu.memory_space<semaphore_mem>>) {add = true}
      %dma_wait3A = arith.constant 0 : i32
      %dma_wait3A_2482 = tpu.memref_slice %arg7[%run_scoped3A_2454, %dma_wait3A] : memref<8x128xf32, #tpu.memory_space<vmem>> -> memref<1x128xf32, #tpu.memory_space<vmem>>
      %dma_wait3A_2483 = tpu.memref_squeeze %dma_wait3A_2482 : memref<1x128xf32, #tpu.memory_space<vmem>> -> memref<128xf32, #tpu.memory_space<vmem>>
      %dma_wait3A_2484 = arith.constant 0 : i32
      %dma_wait3A_2485 = tpu.memref_slice %arg6[%run_scoped3A_2455, %dma_wait3A_2484] : memref<8x128xi32, #tpu.memory_space<vmem>> -> memref<1x128xi32, #tpu.memory_space<vmem>>
      %dma_wait3A_2486 = tpu.memref_squeeze %dma_wait3A_2485 : memref<1x128xi32, #tpu.memory_space<vmem>> -> memref<128xi32, #tpu.memory_space<vmem>>
      %dma_wait3A_2487 = arith.constant 0 : i32
      %dma_wait3A_2488 = tpu.memref_slice %arg9[%dma_wait3A_2487] : memref<524288xf32, #tpu.memory_space<vmem_shared>> -> memref<524288xf32, #tpu.memory_space<vmem_shared>>
      tpu.wait_indirect_dma semaphore(%run_scoped3A_2474 : memref<!tpu.dma_semaphore, #tpu.memory_space<semaphore_mem>>) src(%dma_wait3A_2483 : memref<128xf32, #tpu.memory_space<vmem>>) dst(%dma_wait3A_2488 : memref<524288xf32, #tpu.memory_space<vmem_shared>>)
      tpu.yield
    }) : () -> ()
    %run_scoped3A_2456 = arith.constant 3 : i32
    %run_scoped3A_2457 = arith.constant 3 : i32
    "tpu.region"() ({
      %run_scoped3A_2474 = tpu.sem_alloc : memref<!tpu.dma_semaphore, #tpu.memory_space<semaphore_mem>>
      %dma_start3A = arith.constant 0 : i32
      %dma_start3A_2475 = tpu.memref_slice %arg7[%run_scoped3A_2456, %dma_start3A] : memref<8x128xf32, #tpu.memory_space<vmem>> -> memref<1x128xf32, #tpu.memory_space<vmem>>
      %dma_start3A_2476 = tpu.memref_squeeze %dma_start3A_2475 : memref<1x128xf32, #tpu.memory_space<vmem>> -> memref<128xf32, #tpu.memory_space<vmem>>
      %dma_start3A_2477 = arith.constant 0 : i32
      %dma_start3A_2478 = tpu.memref_slice %arg6[%run_scoped3A_2457, %dma_start3A_2477] : memref<8x128xi32, #tpu.memory_space<vmem>> -> memref<1x128xi32, #tpu.memory_space<vmem>>
      %dma_start3A_2479 = tpu.memref_squeeze %dma_start3A_2478 : memref<1x128xi32, #tpu.memory_space<vmem>> -> memref<128xi32, #tpu.memory_space<vmem>>
      %dma_start3A_2480 = arith.constant 0 : i32
      %dma_start3A_2481 = tpu.memref_slice %arg9[%dma_start3A_2480] : memref<524288xf32, #tpu.memory_space<vmem_shared>> -> memref<524288xf32, #tpu.memory_space<vmem_shared>>
      tpu.enqueue_indirect_dma source(%dma_start3A_2476 : memref<128xf32, #tpu.memory_space<vmem>>) target(%dma_start3A_2481 : memref<524288xf32, #tpu.memory_space<vmem_shared>>) offsets(%dma_start3A_2479 : memref<128xi32, #tpu.memory_space<vmem>>) semaphore(%run_scoped3A_2474 : memref<!tpu.dma_semaphore, #tpu.memory_space<semaphore_mem>>) {add = true}
      %dma_wait3A = arith.constant 0 : i32
      %dma_wait3A_2482 = tpu.memref_slice %arg7[%run_scoped3A_2456, %dma_wait3A] : memref<8x128xf32, #tpu.memory_space<vmem>> -> memref<1x128xf32, #tpu.memory_space<vmem>>
      %dma_wait3A_2483 = tpu.memref_squeeze %dma_wait3A_2482 : memref<1x128xf32, #tpu.memory_space<vmem>> -> memref<128xf32, #tpu.memory_space<vmem>>
      %dma_wait3A_2484 = arith.constant 0 : i32
      %dma_wait3A_2485 = tpu.memref_slice %arg6[%run_scoped3A_2457, %dma_wait3A_2484] : memref<8x128xi32, #tpu.memory_space<vmem>> -> memref<1x128xi32, #tpu.memory_space<vmem>>
      %dma_wait3A_2486 = tpu.memref_squeeze %dma_wait3A_2485 : memref<1x128xi32, #tpu.memory_space<vmem>> -> memref<128xi32, #tpu.memory_space<vmem>>
      %dma_wait3A_2487 = arith.constant 0 : i32
      %dma_wait3A_2488 = tpu.memref_slice %arg9[%dma_wait3A_2487] : memref<524288xf32, #tpu.memory_space<vmem_shared>> -> memref<524288xf32, #tpu.memory_space<vmem_shared>>
      tpu.wait_indirect_dma semaphore(%run_scoped3A_2474 : memref<!tpu.dma_semaphore, #tpu.memory_space<semaphore_mem>>) src(%dma_wait3A_2483 : memref<128xf32, #tpu.memory_space<vmem>>) dst(%dma_wait3A_2488 : memref<524288xf32, #tpu.memory_space<vmem_shared>>)
      tpu.yield
    }) : () -> ()
    %run_scoped3A_2458 = arith.constant 4 : i32
    %run_scoped3A_2459 = arith.constant 4 : i32
    "tpu.region"() ({
      %run_scoped3A_2474 = tpu.sem_alloc : memref<!tpu.dma_semaphore, #tpu.memory_space<semaphore_mem>>
      %dma_start3A = arith.constant 0 : i32
      %dma_start3A_2475 = tpu.memref_slice %arg7[%run_scoped3A_2458, %dma_start3A] : memref<8x128xf32, #tpu.memory_space<vmem>> -> memref<1x128xf32, #tpu.memory_space<vmem>>
      %dma_start3A_2476 = tpu.memref_squeeze %dma_start3A_2475 : memref<1x128xf32, #tpu.memory_space<vmem>> -> memref<128xf32, #tpu.memory_space<vmem>>
      %dma_start3A_2477 = arith.constant 0 : i32
      %dma_start3A_2478 = tpu.memref_slice %arg6[%run_scoped3A_2459, %dma_start3A_2477] : memref<8x128xi32, #tpu.memory_space<vmem>> -> memref<1x128xi32, #tpu.memory_space<vmem>>
      %dma_start3A_2479 = tpu.memref_squeeze %dma_start3A_2478 : memref<1x128xi32, #tpu.memory_space<vmem>> -> memref<128xi32, #tpu.memory_space<vmem>>
      %dma_start3A_2480 = arith.constant 0 : i32
      %dma_start3A_2481 = tpu.memref_slice %arg9[%dma_start3A_2480] : memref<524288xf32, #tpu.memory_space<vmem_shared>> -> memref<524288xf32, #tpu.memory_space<vmem_shared>>
      tpu.enqueue_indirect_dma source(%dma_start3A_2476 : memref<128xf32, #tpu.memory_space<vmem>>) target(%dma_start3A_2481 : memref<524288xf32, #tpu.memory_space<vmem_shared>>) offsets(%dma_start3A_2479 : memref<128xi32, #tpu.memory_space<vmem>>) semaphore(%run_scoped3A_2474 : memref<!tpu.dma_semaphore, #tpu.memory_space<semaphore_mem>>) {add = true}
      %dma_wait3A = arith.constant 0 : i32
      %dma_wait3A_2482 = tpu.memref_slice %arg7[%run_scoped3A_2458, %dma_wait3A] : memref<8x128xf32, #tpu.memory_space<vmem>> -> memref<1x128xf32, #tpu.memory_space<vmem>>
      %dma_wait3A_2483 = tpu.memref_squeeze %dma_wait3A_2482 : memref<1x128xf32, #tpu.memory_space<vmem>> -> memref<128xf32, #tpu.memory_space<vmem>>
      %dma_wait3A_2484 = arith.constant 0 : i32
      %dma_wait3A_2485 = tpu.memref_slice %arg6[%run_scoped3A_2459, %dma_wait3A_2484] : memref<8x128xi32, #tpu.memory_space<vmem>> -> memref<1x128xi32, #tpu.memory_space<vmem>>
      %dma_wait3A_2486 = tpu.memref_squeeze %dma_wait3A_2485 : memref<1x128xi32, #tpu.memory_space<vmem>> -> memref<128xi32, #tpu.memory_space<vmem>>
      %dma_wait3A_2487 = arith.constant 0 : i32
      %dma_wait3A_2488 = tpu.memref_slice %arg9[%dma_wait3A_2487] : memref<524288xf32, #tpu.memory_space<vmem_shared>> -> memref<524288xf32, #tpu.memory_space<vmem_shared>>
      tpu.wait_indirect_dma semaphore(%run_scoped3A_2474 : memref<!tpu.dma_semaphore, #tpu.memory_space<semaphore_mem>>) src(%dma_wait3A_2483 : memref<128xf32, #tpu.memory_space<vmem>>) dst(%dma_wait3A_2488 : memref<524288xf32, #tpu.memory_space<vmem_shared>>)
      tpu.yield
    }) : () -> ()
    %run_scoped3A_2460 = arith.constant 5 : i32
    %run_scoped3A_2461 = arith.constant 5 : i32
    "tpu.region"() ({
      %run_scoped3A_2474 = tpu.sem_alloc : memref<!tpu.dma_semaphore, #tpu.memory_space<semaphore_mem>>
      %dma_start3A = arith.constant 0 : i32
      %dma_start3A_2475 = tpu.memref_slice %arg7[%run_scoped3A_2460, %dma_start3A] : memref<8x128xf32, #tpu.memory_space<vmem>> -> memref<1x128xf32, #tpu.memory_space<vmem>>
      %dma_start3A_2476 = tpu.memref_squeeze %dma_start3A_2475 : memref<1x128xf32, #tpu.memory_space<vmem>> -> memref<128xf32, #tpu.memory_space<vmem>>
      %dma_start3A_2477 = arith.constant 0 : i32
      %dma_start3A_2478 = tpu.memref_slice %arg6[%run_scoped3A_2461, %dma_start3A_2477] : memref<8x128xi32, #tpu.memory_space<vmem>> -> memref<1x128xi32, #tpu.memory_space<vmem>>
      %dma_start3A_2479 = tpu.memref_squeeze %dma_start3A_2478 : memref<1x128xi32, #tpu.memory_space<vmem>> -> memref<128xi32, #tpu.memory_space<vmem>>
      %dma_start3A_2480 = arith.constant 0 : i32
      %dma_start3A_2481 = tpu.memref_slice %arg9[%dma_start3A_2480] : memref<524288xf32, #tpu.memory_space<vmem_shared>> -> memref<524288xf32, #tpu.memory_space<vmem_shared>>
      tpu.enqueue_indirect_dma source(%dma_start3A_2476 : memref<128xf32, #tpu.memory_space<vmem>>) target(%dma_start3A_2481 : memref<524288xf32, #tpu.memory_space<vmem_shared>>) offsets(%dma_start3A_2479 : memref<128xi32, #tpu.memory_space<vmem>>) semaphore(%run_scoped3A_2474 : memref<!tpu.dma_semaphore, #tpu.memory_space<semaphore_mem>>) {add = true}
      %dma_wait3A = arith.constant 0 : i32
      %dma_wait3A_2482 = tpu.memref_slice %arg7[%run_scoped3A_2460, %dma_wait3A] : memref<8x128xf32, #tpu.memory_space<vmem>> -> memref<1x128xf32, #tpu.memory_space<vmem>>
      %dma_wait3A_2483 = tpu.memref_squeeze %dma_wait3A_2482 : memref<1x128xf32, #tpu.memory_space<vmem>> -> memref<128xf32, #tpu.memory_space<vmem>>
      %dma_wait3A_2484 = arith.constant 0 : i32
      %dma_wait3A_2485 = tpu.memref_slice %arg6[%run_scoped3A_2461, %dma_wait3A_2484] : memref<8x128xi32, #tpu.memory_space<vmem>> -> memref<1x128xi32, #tpu.memory_space<vmem>>
      %dma_wait3A_2486 = tpu.memref_squeeze %dma_wait3A_2485 : memref<1x128xi32, #tpu.memory_space<vmem>> -> memref<128xi32, #tpu.memory_space<vmem>>
      %dma_wait3A_2487 = arith.constant 0 : i32
      %dma_wait3A_2488 = tpu.memref_slice %arg9[%dma_wait3A_2487] : memref<524288xf32, #tpu.memory_space<vmem_shared>> -> memref<524288xf32, #tpu.memory_space<vmem_shared>>
      tpu.wait_indirect_dma semaphore(%run_scoped3A_2474 : memref<!tpu.dma_semaphore, #tpu.memory_space<semaphore_mem>>) src(%dma_wait3A_2483 : memref<128xf32, #tpu.memory_space<vmem>>) dst(%dma_wait3A_2488 : memref<524288xf32, #tpu.memory_space<vmem_shared>>)
      tpu.yield
    }) : () -> ()
    %run_scoped3A_2462 = arith.constant 6 : i32
    %run_scoped3A_2463 = arith.constant 6 : i32
    "tpu.region"() ({
      %run_scoped3A_2474 = tpu.sem_alloc : memref<!tpu.dma_semaphore, #tpu.memory_space<semaphore_mem>>
      %dma_start3A = arith.constant 0 : i32
      %dma_start3A_2475 = tpu.memref_slice %arg7[%run_scoped3A_2462, %dma_start3A] : memref<8x128xf32, #tpu.memory_space<vmem>> -> memref<1x128xf32, #tpu.memory_space<vmem>>
      %dma_start3A_2476 = tpu.memref_squeeze %dma_start3A_2475 : memref<1x128xf32, #tpu.memory_space<vmem>> -> memref<128xf32, #tpu.memory_space<vmem>>
      %dma_start3A_2477 = arith.constant 0 : i32
      %dma_start3A_2478 = tpu.memref_slice %arg6[%run_scoped3A_2463, %dma_start3A_2477] : memref<8x128xi32, #tpu.memory_space<vmem>> -> memref<1x128xi32, #tpu.memory_space<vmem>>
      %dma_start3A_2479 = tpu.memref_squeeze %dma_start3A_2478 : memref<1x128xi32, #tpu.memory_space<vmem>> -> memref<128xi32, #tpu.memory_space<vmem>>
      %dma_start3A_2480 = arith.constant 0 : i32
      %dma_start3A_2481 = tpu.memref_slice %arg9[%dma_start3A_2480] : memref<524288xf32, #tpu.memory_space<vmem_shared>> -> memref<524288xf32, #tpu.memory_space<vmem_shared>>
      tpu.enqueue_indirect_dma source(%dma_start3A_2476 : memref<128xf32, #tpu.memory_space<vmem>>) target(%dma_start3A_2481 : memref<524288xf32, #tpu.memory_space<vmem_shared>>) offsets(%dma_start3A_2479 : memref<128xi32, #tpu.memory_space<vmem>>) semaphore(%run_scoped3A_2474 : memref<!tpu.dma_semaphore, #tpu.memory_space<semaphore_mem>>) {add = true}
      %dma_wait3A = arith.constant 0 : i32
      %dma_wait3A_2482 = tpu.memref_slice %arg7[%run_scoped3A_2462, %dma_wait3A] : memref<8x128xf32, #tpu.memory_space<vmem>> -> memref<1x128xf32, #tpu.memory_space<vmem>>
      %dma_wait3A_2483 = tpu.memref_squeeze %dma_wait3A_2482 : memref<1x128xf32, #tpu.memory_space<vmem>> -> memref<128xf32, #tpu.memory_space<vmem>>
      %dma_wait3A_2484 = arith.constant 0 : i32
      %dma_wait3A_2485 = tpu.memref_slice %arg6[%run_scoped3A_2463, %dma_wait3A_2484] : memref<8x128xi32, #tpu.memory_space<vmem>> -> memref<1x128xi32, #tpu.memory_space<vmem>>
      %dma_wait3A_2486 = tpu.memref_squeeze %dma_wait3A_2485 : memref<1x128xi32, #tpu.memory_space<vmem>> -> memref<128xi32, #tpu.memory_space<vmem>>
      %dma_wait3A_2487 = arith.constant 0 : i32
      %dma_wait3A_2488 = tpu.memref_slice %arg9[%dma_wait3A_2487] : memref<524288xf32, #tpu.memory_space<vmem_shared>> -> memref<524288xf32, #tpu.memory_space<vmem_shared>>
      tpu.wait_indirect_dma semaphore(%run_scoped3A_2474 : memref<!tpu.dma_semaphore, #tpu.memory_space<semaphore_mem>>) src(%dma_wait3A_2483 : memref<128xf32, #tpu.memory_space<vmem>>) dst(%dma_wait3A_2488 : memref<524288xf32, #tpu.memory_space<vmem_shared>>)
      tpu.yield
    }) : () -> ()
    %run_scoped3A_2464 = arith.constant 7 : i32
    %run_scoped3A_2465 = arith.constant 7 : i32
    "tpu.region"() ({
      %run_scoped3A_2474 = tpu.sem_alloc : memref<!tpu.dma_semaphore, #tpu.memory_space<semaphore_mem>>
      %dma_start3A = arith.constant 0 : i32
      %dma_start3A_2475 = tpu.memref_slice %arg7[%run_scoped3A_2464, %dma_start3A] : memref<8x128xf32, #tpu.memory_space<vmem>> -> memref<1x128xf32, #tpu.memory_space<vmem>>
      %dma_start3A_2476 = tpu.memref_squeeze %dma_start3A_2475 : memref<1x128xf32, #tpu.memory_space<vmem>> -> memref<128xf32, #tpu.memory_space<vmem>>
      %dma_start3A_2477 = arith.constant 0 : i32
      %dma_start3A_2478 = tpu.memref_slice %arg6[%run_scoped3A_2465, %dma_start3A_2477] : memref<8x128xi32, #tpu.memory_space<vmem>> -> memref<1x128xi32, #tpu.memory_space<vmem>>
      %dma_start3A_2479 = tpu.memref_squeeze %dma_start3A_2478 : memref<1x128xi32, #tpu.memory_space<vmem>> -> memref<128xi32, #tpu.memory_space<vmem>>
      %dma_start3A_2480 = arith.constant 0 : i32
      %dma_start3A_2481 = tpu.memref_slice %arg9[%dma_start3A_2480] : memref<524288xf32, #tpu.memory_space<vmem_shared>> -> memref<524288xf32, #tpu.memory_space<vmem_shared>>
      tpu.enqueue_indirect_dma source(%dma_start3A_2476 : memref<128xf32, #tpu.memory_space<vmem>>) target(%dma_start3A_2481 : memref<524288xf32, #tpu.memory_space<vmem_shared>>) offsets(%dma_start3A_2479 : memref<128xi32, #tpu.memory_space<vmem>>) semaphore(%run_scoped3A_2474 : memref<!tpu.dma_semaphore, #tpu.memory_space<semaphore_mem>>) {add = true}
      %dma_wait3A = arith.constant 0 : i32
      %dma_wait3A_2482 = tpu.memref_slice %arg7[%run_scoped3A_2464, %dma_wait3A] : memref<8x128xf32, #tpu.memory_space<vmem>> -> memref<1x128xf32, #tpu.memory_space<vmem>>
      %dma_wait3A_2483 = tpu.memref_squeeze %dma_wait3A_2482 : memref<1x128xf32, #tpu.memory_space<vmem>> -> memref<128xf32, #tpu.memory_space<vmem>>
      %dma_wait3A_2484 = arith.constant 0 : i32
      %dma_wait3A_2485 = tpu.memref_slice %arg6[%run_scoped3A_2465, %dma_wait3A_2484] : memref<8x128xi32, #tpu.memory_space<vmem>> -> memref<1x128xi32, #tpu.memory_space<vmem>>
      %dma_wait3A_2486 = tpu.memref_squeeze %dma_wait3A_2485 : memref<1x128xi32, #tpu.memory_space<vmem>> -> memref<128xi32, #tpu.memory_space<vmem>>
      %dma_wait3A_2487 = arith.constant 0 : i32
      %dma_wait3A_2488 = tpu.memref_slice %arg9[%dma_wait3A_2487] : memref<524288xf32, #tpu.memory_space<vmem_shared>> -> memref<524288xf32, #tpu.memory_space<vmem_shared>>
      tpu.wait_indirect_dma semaphore(%run_scoped3A_2474 : memref<!tpu.dma_semaphore, #tpu.memory_space<semaphore_mem>>) src(%dma_wait3A_2483 : memref<128xf32, #tpu.memory_space<vmem>>) dst(%dma_wait3A_2488 : memref<524288xf32, #tpu.memory_space<vmem_shared>>)
      tpu.yield
    }) : () -> ()
    %barrier3A_2466 = arith.constant 0 : index
    tpu.barrier barrier_id(%barrier3A_2466)
    %mul3A_2467 = arith.constant 524288 : i32
    %mul3A_2468 = arith.muli %arg0, %mul3A_2467 : i32
    %mul3A_2469 = arith.constant 32768 : i32
    %mul3A_2470 = arith.muli %arg1, %mul3A_2469 : i32
    %add3A_2471 = arith.addi %mul3A_2468, %mul3A_2470 : i32
    %mul3A_2472 = arith.constant 32768 : i32
    %mul3A_2473 = arith.muli %arg1, %mul3A_2472 : i32
    "tpu.region"() ({
      %run_scoped3A_2474 = tpu.sem_alloc : memref<!tpu.dma_semaphore, #tpu.memory_space<semaphore_mem>>
      %dma_start3A = tpu.memref_slice %arg3[%add3A_2471] : memref<1048576xf32, #tpu.memory_space<hbm>> -> memref<32768xf32, #tpu.memory_space<hbm>>
      %dma_start3A_2475 = tpu.memref_slice %arg9[%mul3A_2473] : memref<524288xf32, #tpu.memory_space<vmem_shared>> -> memref<32768xf32, #tpu.memory_space<vmem_shared>>
      tpu.enqueue_dma source(%dma_start3A_2475 : memref<32768xf32, #tpu.memory_space<vmem_shared>>) target(%dma_start3A : memref<32768xf32, #tpu.memory_space<hbm>>) target_semaphore(%run_scoped3A_2474 : memref<!tpu.dma_semaphore, #tpu.memory_space<semaphore_mem>>)
      %dma_wait3A = tpu.memref_slice %arg3[%add3A_2471] : memref<1048576xf32, #tpu.memory_space<hbm>> -> memref<32768xf32, #tpu.memory_space<hbm>>
      %dma_wait3A_2476 = tpu.memref_slice %arg9[%mul3A_2473] : memref<524288xf32, #tpu.memory_space<vmem_shared>> -> memref<32768xf32, #tpu.memory_space<vmem_shared>>
      tpu.wait_dma2 semaphore(%run_scoped3A_2474 : memref<!tpu.dma_semaphore, #tpu.memory_space<semaphore_mem>>) src(%dma_wait3A_2476 : memref<32768xf32, #tpu.memory_space<vmem_shared>>) dst(%dma_wait3A : memref<32768xf32, #tpu.memory_space<hbm>>)
      tpu.yield
    }) : () -> ()
    return
  }
}

module attributes {stable_mosaic.version = 14 : i64} {
  func.func @_temporal_body(%arg0: i32, %arg1: memref<1x1024x384xf32, #tpu.memory_space<vmem>>, %arg2: memref<1x1024xf32, #tpu.memory_space<vmem>>, %arg3: memref<12x384xf32, #tpu.memory_space<vmem>>, %arg4: memref<384x1024xf32, #tpu.memory_space<vmem>>, %arg5: memref<384x12xf32, #tpu.memory_space<vmem>>, %arg6: memref<12x12xf32, #tpu.memory_space<vmem>>, %arg7: memref<12x12xf32, #tpu.memory_space<vmem>>, %arg8: memref<384x12xf32, #tpu.memory_space<vmem>>, %arg9: memref<12x384xf32, #tpu.memory_space<vmem>>, %arg10: memref<384x384xf32, #tpu.memory_space<vmem>>, %arg11: memref<1x1024x384xf32, #tpu.memory_space<vmem>>) attributes {dimension_semantics = [#tpu.dimension_semantics<arbitrary>], iteration_bounds = array<i64: 4>, scalar_prefetch = 0 : i64, scratch_operands = 0 : i64, tpu.core_type = #tpu.core_type<tc>, window_params = [{transform_indices = @transform_0, window_bounds = array<i64: 1, 1024, 384>}, {pipeline_mode = #tpu.pipeline_mode<synchronous>, transform_indices = @transform_1, window_bounds = array<i64: 1, 1024>}, {pipeline_mode = #tpu.pipeline_mode<synchronous>, transform_indices = @transform_2, window_bounds = array<i64: 12, 384>}, {pipeline_mode = #tpu.pipeline_mode<synchronous>, transform_indices = @transform_3, window_bounds = array<i64: 384, 1024>}, {pipeline_mode = #tpu.pipeline_mode<synchronous>, transform_indices = @transform_4, window_bounds = array<i64: 384, 12>}, {pipeline_mode = #tpu.pipeline_mode<synchronous>, transform_indices = @transform_5, window_bounds = array<i64: 12, 12>}, {pipeline_mode = #tpu.pipeline_mode<synchronous>, transform_indices = @transform_6, window_bounds = array<i64: 12, 12>}, {pipeline_mode = #tpu.pipeline_mode<synchronous>, transform_indices = @transform_7, window_bounds = array<i64: 384, 12>}, {pipeline_mode = #tpu.pipeline_mode<synchronous>, transform_indices = @transform_8, window_bounds = array<i64: 12, 384>}, {pipeline_mode = #tpu.pipeline_mode<synchronous>, transform_indices = @transform_9, window_bounds = array<i64: 384, 384>}, {transform_indices = @transform_10, window_bounds = array<i64: 1, 1024, 384>}]} {
    %get3A = arith.constant 0 : index
    %get3A_0 = arith.constant 0 : index
    %get3A_1 = arith.constant 0 : index
    %get3A_2 = vector.load %arg1[%get3A, %get3A_0, %get3A_1] : memref<1x1024x384xf32, #tpu.memory_space<vmem>>, vector<1x1024x384xf32>
    %get3A_3 = vector.shape_cast %get3A_2 : vector<1x1024x384xf32> to vector<1024x384xf32>
    %get3A_4 = arith.constant 0 : index
    %get3A_5 = arith.constant 0 : index
    %get3A_6 = vector.load %arg2[%get3A_4, %get3A_5] : memref<1x1024xf32, #tpu.memory_space<vmem>>, vector<1x1024xf32>
    %dot_general3A = arith.constant dense<0.000000e+00> : vector<1x384xf32>
    %dot_general3A_7 = tpu.matmul %get3A_6, %get3A_3, %dot_general3A {dimension_numbers = #tpu.dot_dimension_numbers<[1], [0], [0], [1], [0, 0, 1, 1], [], []>, transpose_lhs_hint = false} : vector<1x1024xf32>, vector<1024x384xf32>, vector<1x384xf32> -> vector<1x384xf32>
    %get3A_8 = arith.constant 0 : index
    %get3A_9 = arith.constant 0 : index
    %get3A_10 = vector.load %arg3[%get3A_8, %get3A_9] : memref<12x384xf32, #tpu.memory_space<vmem>>, vector<12x384xf32>
    %mul3A = vector.broadcast %dot_general3A_7 : vector<1x384xf32> to vector<12x384xf32>
    %mul3A_11 = arith.mulf %get3A_10, %mul3A : vector<12x384xf32>
    %get3A_12 = arith.constant 0 : index
    %get3A_13 = arith.constant 0 : index
    %get3A_14 = vector.load %arg4[%get3A_12, %get3A_13] : memref<384x1024xf32, #tpu.memory_space<vmem>>, vector<384x1024xf32>
    %dot_general3A_15 = arith.constant dense<0.000000e+00> : vector<12x1024xf32>
    %dot_general3A_16 = tpu.matmul %mul3A_11, %get3A_14, %dot_general3A_15 {dimension_numbers = #tpu.dot_dimension_numbers<[1], [0], [0], [1], [0, 0, 1, 1], [], []>, transpose_lhs_hint = false} : vector<12x384xf32>, vector<384x1024xf32>, vector<12x1024xf32> -> vector<12x1024xf32>
    %get3A_17 = arith.constant 0 : index
    %get3A_18 = arith.constant 0 : index
    %get3A_19 = vector.load %arg5[%get3A_17, %get3A_18] : memref<384x12xf32, #tpu.memory_space<vmem>>, vector<384x12xf32>
    %dot_general3A_20 = arith.constant dense<0.000000e+00> : vector<1024x12xf32>
    %dot_general3A_21 = tpu.matmul %get3A_3, %get3A_19, %dot_general3A_20 {dimension_numbers = #tpu.dot_dimension_numbers<[1], [0], [0], [1], [0, 0, 1, 1], [], []>, transpose_lhs_hint = false} : vector<1024x384xf32>, vector<384x12xf32>, vector<1024x12xf32> -> vector<1024x12xf32>
    %dot_general3A_22 = arith.constant dense<0.000000e+00> : vector<12x12xf32>
    %dot_general3A_23 = tpu.matmul %dot_general3A_16, %dot_general3A_21, %dot_general3A_22 {dimension_numbers = #tpu.dot_dimension_numbers<[1], [0], [0], [1], [0, 0, 1, 1], [], []>, transpose_lhs_hint = false} : vector<12x1024xf32>, vector<1024x12xf32>, vector<12x12xf32> -> vector<12x12xf32>
    %get3A_24 = arith.constant 0 : index
    %get3A_25 = arith.constant 0 : index
    %get3A_26 = vector.load %arg6[%get3A_24, %get3A_25] : memref<12x12xf32, #tpu.memory_space<vmem>>, vector<12x12xf32>
    %add3A = arith.addf %dot_general3A_23, %get3A_26 : vector<12x12xf32>
    %logistic3A = arith.negf %add3A : vector<12x12xf32>
    %logistic3A_27 = math.exp %logistic3A : vector<12x12xf32>
    %logistic3A_28 = arith.constant 1.000000e+00 : f32
    %logistic3A_29 = vector.broadcast %logistic3A_28 : f32 to vector<12x12xf32>
    %logistic3A_30 = arith.addf %logistic3A_29, %logistic3A_27 : vector<12x12xf32>
    %logistic3A_31 = arith.divf %logistic3A_29, %logistic3A_30 : vector<12x12xf32>
    %get3A_32 = arith.constant 0 : index
    %get3A_33 = arith.constant 0 : index
    %get3A_34 = vector.load %arg7[%get3A_32, %get3A_33] : memref<12x12xf32, #tpu.memory_space<vmem>>, vector<12x12xf32>
    %dot_general3A_35 = arith.constant dense<0.000000e+00> : vector<12x12xf32>
    %dot_general3A_36 = tpu.matmul %get3A_34, %logistic3A_31, %dot_general3A_35 {dimension_numbers = #tpu.dot_dimension_numbers<[1], [0], [0], [1], [0, 0, 1, 1], [], []>, transpose_lhs_hint = false} : vector<12x12xf32>, vector<12x12xf32>, vector<12x12xf32> -> vector<12x12xf32>
    %reduce_max3A = arith.constant dense<0xFF800000> : vector<12xf32>
    %reduce_max3A_37 = vector.multi_reduction <maximumf>, %dot_general3A_36, %reduce_max3A [0] : vector<12x12xf32> to vector<12xf32>
    %broadcast_in_dim3A = vector.shape_cast %reduce_max3A_37 : vector<12xf32> to vector<1x12xf32>
    %sub3A = vector.broadcast %broadcast_in_dim3A : vector<1x12xf32> to vector<12x12xf32>
    %sub3A_38 = arith.subf %dot_general3A_36, %sub3A : vector<12x12xf32>
    %exp3A = math.exp %sub3A_38 : vector<12x12xf32>
    %reduce_sum3A = arith.constant dense<0.000000e+00> : vector<12xf32>
    %reduce_sum3A_39 = vector.multi_reduction <add>, %exp3A, %reduce_sum3A [0] : vector<12x12xf32> to vector<12xf32>
    %broadcast_in_dim3A_40 = vector.shape_cast %reduce_sum3A_39 : vector<12xf32> to vector<1x12xf32>
    %div3A = vector.broadcast %broadcast_in_dim3A_40 : vector<1x12xf32> to vector<12x12xf32>
    %div3A_41 = arith.divf %exp3A, %div3A : vector<12x12xf32>
    %get3A_42 = arith.constant 0 : index
    %get3A_43 = arith.constant 0 : index
    %get3A_44 = vector.load %arg8[%get3A_42, %get3A_43] : memref<384x12xf32, #tpu.memory_space<vmem>>, vector<384x12xf32>
    %dot_general3A_45 = arith.constant dense<0.000000e+00> : vector<384x12xf32>
    %dot_general3A_46 = tpu.matmul %get3A_44, %div3A_41, %dot_general3A_45 {dimension_numbers = #tpu.dot_dimension_numbers<[1], [0], [0], [1], [0, 0, 1, 1], [], []>, transpose_lhs_hint = false} : vector<384x12xf32>, vector<12x12xf32>, vector<384x12xf32> -> vector<384x12xf32>
    %get3A_47 = arith.constant 0 : index
    %get3A_48 = arith.constant 0 : index
    %get3A_49 = vector.load %arg9[%get3A_47, %get3A_48] : memref<12x384xf32, #tpu.memory_space<vmem>>, vector<12x384xf32>
    %dot_general3A_50 = arith.constant dense<0.000000e+00> : vector<384x384xf32>
    %dot_general3A_51 = tpu.matmul %dot_general3A_46, %get3A_49, %dot_general3A_50 {dimension_numbers = #tpu.dot_dimension_numbers<[1], [0], [0], [1], [0, 0, 1, 1], [], []>, transpose_lhs_hint = false} : vector<384x12xf32>, vector<12x384xf32>, vector<384x384xf32> -> vector<384x384xf32>
    %get3A_52 = arith.constant 0 : index
    %get3A_53 = arith.constant 0 : index
    %get3A_54 = vector.load %arg10[%get3A_52, %get3A_53] : memref<384x384xf32, #tpu.memory_space<vmem>>, vector<384x384xf32>
    %mul3A_55 = arith.mulf %get3A_54, %dot_general3A_51 : vector<384x384xf32>
    %dot_general3A_56 = arith.constant dense<0.000000e+00> : vector<1024x384xf32>
    %dot_general3A_57 = tpu.matmul %get3A_3, %mul3A_55, %dot_general3A_56 {dimension_numbers = #tpu.dot_dimension_numbers<[1], [0], [0], [1], [0, 0, 1, 1], [], []>, transpose_lhs_hint = false} : vector<1024x384xf32>, vector<384x384xf32>, vector<1024x384xf32> -> vector<1024x384xf32>
    %swap3A = arith.constant 0 : index
    %swap3A_58 = arith.constant 0 : index
    %swap3A_59 = arith.constant 0 : index
    %swap3A_60 = vector.load %arg11[%swap3A, %swap3A_58, %swap3A_59] : memref<1x1024x384xf32, #tpu.memory_space<vmem>>, vector<1x1024x384xf32>
    %swap3A_61 = vector.shape_cast %swap3A_60 : vector<1x1024x384xf32> to vector<1024x384xf32>
    %swap3A_62 = vector.shape_cast %dot_general3A_57 : vector<1024x384xf32> to vector<1x1024x384xf32>
    tpu.vector_store %arg11[%swap3A, %swap3A_58, %swap3A_59], %swap3A_62 {strides = array<i32>} : memref<1x1024x384xf32, #tpu.memory_space<vmem>>, vector<1x1024x384xf32>,
    return
  }
  func.func @transform_0(%arg0: i32) -> (i32, i32, i32) {
    %c0_i32 = arith.constant 0 : i32
    %c0_i32_0 = arith.constant 0 : i32
    %c0_i32_1 = arith.constant 0 : i32
    return %arg0, %c0_i32, %c0_i32_0 : i32, i32, i32
  }
  func.func @transform_1(%arg0: i32) -> (i32, i32) {
    %c0_i32 = arith.constant 0 : i32
    %c0_i32_0 = arith.constant 0 : i32
    %c0_i32_1 = arith.constant 0 : i32
    return %c0_i32, %c0_i32_0 : i32, i32
  }
  func.func @transform_2(%arg0: i32) -> (i32, i32) {
    %c0_i32 = arith.constant 0 : i32
    %c0_i32_0 = arith.constant 0 : i32
    %c0_i32_1 = arith.constant 0 : i32
    return %c0_i32, %c0_i32_0 : i32, i32
  }
  func.func @transform_3(%arg0: i32) -> (i32, i32) {
    %c0_i32 = arith.constant 0 : i32
    %c0_i32_0 = arith.constant 0 : i32
    %c0_i32_1 = arith.constant 0 : i32
    return %c0_i32, %c0_i32_0 : i32, i32
  }
  func.func @transform_4(%arg0: i32) -> (i32, i32) {
    %c0_i32 = arith.constant 0 : i32
    %c0_i32_0 = arith.constant 0 : i32
    %c0_i32_1 = arith.constant 0 : i32
    return %c0_i32, %c0_i32_0 : i32, i32
  }
  func.func @transform_5(%arg0: i32) -> (i32, i32) {
    %c0_i32 = arith.constant 0 : i32
    %c0_i32_0 = arith.constant 0 : i32
    %c0_i32_1 = arith.constant 0 : i32
    return %c0_i32, %c0_i32_0 : i32, i32
  }
  func.func @transform_6(%arg0: i32) -> (i32, i32) {
    %c0_i32 = arith.constant 0 : i32
    %c0_i32_0 = arith.constant 0 : i32
    %c0_i32_1 = arith.constant 0 : i32
    return %c0_i32, %c0_i32_0 : i32, i32
  }
  func.func @transform_7(%arg0: i32) -> (i32, i32) {
    %c0_i32 = arith.constant 0 : i32
    %c0_i32_0 = arith.constant 0 : i32
    %c0_i32_1 = arith.constant 0 : i32
    return %c0_i32, %c0_i32_0 : i32, i32
  }
  func.func @transform_8(%arg0: i32) -> (i32, i32) {
    %c0_i32 = arith.constant 0 : i32
    %c0_i32_0 = arith.constant 0 : i32
    %c0_i32_1 = arith.constant 0 : i32
    return %c0_i32, %c0_i32_0 : i32, i32
  }
  func.func @transform_9(%arg0: i32) -> (i32, i32) {
    %c0_i32 = arith.constant 0 : i32
    %c0_i32_0 = arith.constant 0 : i32
    %c0_i32_1 = arith.constant 0 : i32
    return %c0_i32, %c0_i32_0 : i32, i32
  }
  func.func @transform_10(%arg0: i32) -> (i32, i32, i32) {
    %c0_i32 = arith.constant 0 : i32
    %c0_i32_0 = arith.constant 0 : i32
    %c0_i32_1 = arith.constant 0 : i32
    return %arg0, %c0_i32, %c0_i32_0 : i32, i32, i32
  }
}

module attributes {stable_mosaic.version = 14 : i64} {
  func.func @_main_body(%arg0: i32, %arg1: memref<1x1024x384xf32, #tpu.memory_space<vmem>>, %arg2: memref<1x1024x384xf32, #tpu.memory_space<vmem>>, %arg3: memref<1024x1024xf32, #tpu.memory_space<vmem>>, %arg4: memref<1024x1024xbf16, #tpu.memory_space<vmem>>, %arg5: memref<1024x1024xbf16, #tpu.memory_space<vmem>>, %arg6: memref<384x12xf32, #tpu.memory_space<vmem>>, %arg7: memref<384x12xf32, #tpu.memory_space<vmem>>, %arg8: memref<384x384xf32, #tpu.memory_space<vmem>>, %arg9: memref<1x384xf32, #tpu.memory_space<vmem>>, %arg10: memref<384x384xf32, #tpu.memory_space<vmem>>, %arg11: memref<1x384xf32, #tpu.memory_space<vmem>>, %arg12: memref<384x384xf32, #tpu.memory_space<vmem>>, %arg13: memref<1x384xf32, #tpu.memory_space<vmem>>, %arg14: memref<384x384xf32, #tpu.memory_space<vmem>>, %arg15: memref<1x384xf32, #tpu.memory_space<vmem>>, %arg16: memref<384x384xf32, #tpu.memory_space<vmem>>, %arg17: memref<1x384xf32, #tpu.memory_space<vmem>>, %arg18: memref<1x384xf32, #tpu.memory_space<vmem>>, %arg19: memref<1x1024x384xf32, #tpu.memory_space<vmem>>) attributes {dimension_semantics = [#tpu.dimension_semantics<arbitrary>], iteration_bounds = array<i64: 4>, scalar_prefetch = 0 : i64, scratch_operands = 0 : i64, tpu.core_type = #tpu.core_type<tc>, window_params = [{transform_indices = @transform_0, window_bounds = array<i64: 1, 1024, 384>}, {transform_indices = @transform_1, window_bounds = array<i64: 1, 1024, 384>}, {pipeline_mode = #tpu.pipeline_mode<synchronous>, transform_indices = @transform_2, window_bounds = array<i64: 1024, 1024>}, {pipeline_mode = #tpu.pipeline_mode<synchronous>, transform_indices = @transform_3, window_bounds = array<i64: 1024, 1024>}, {pipeline_mode = #tpu.pipeline_mode<synchronous>, transform_indices = @transform_4, window_bounds = array<i64: 1024, 1024>}, {pipeline_mode = #tpu.pipeline_mode<synchronous>, transform_indices = @transform_5, window_bounds = array<i64: 384, 12>}, {pipeline_mode = #tpu.pipeline_mode<synchronous>, transform_indices = @transform_6, window_bounds = array<i64: 384, 12>}, {pipeline_mode = #tpu.pipeline_mode<synchronous>, transform_indices = @transform_7, window_bounds = array<i64: 384, 384>}, {pipeline_mode = #tpu.pipeline_mode<synchronous>, transform_indices = @transform_8, window_bounds = array<i64: 1, 384>}, {pipeline_mode = #tpu.pipeline_mode<synchronous>, transform_indices = @transform_9, window_bounds = array<i64: 384, 384>}, {pipeline_mode = #tpu.pipeline_mode<synchronous>, transform_indices = @transform_10, window_bounds = array<i64: 1, 384>}, {pipeline_mode = #tpu.pipeline_mode<synchronous>, transform_indices = @transform_11, window_bounds = array<i64: 384, 384>}, {pipeline_mode = #tpu.pipeline_mode<synchronous>, transform_indices = @transform_12, window_bounds = array<i64: 1, 384>}, {pipeline_mode = #tpu.pipeline_mode<synchronous>, transform_indices = @transform_13, window_bounds = array<i64: 384, 384>}, {pipeline_mode = #tpu.pipeline_mode<synchronous>, transform_indices = @transform_14, window_bounds = array<i64: 1, 384>}, {pipeline_mode = #tpu.pipeline_mode<synchronous>, transform_indices = @transform_15, window_bounds = array<i64: 384, 384>}, {pipeline_mode = #tpu.pipeline_mode<synchronous>, transform_indices = @transform_16, window_bounds = array<i64: 1, 384>}, {pipeline_mode = #tpu.pipeline_mode<synchronous>, transform_indices = @transform_17, window_bounds = array<i64: 1, 384>}, {transform_indices = @transform_18, window_bounds = array<i64: 1, 1024, 384>}]} {
    %get3A = arith.constant 0 : index
    %get3A_0 = arith.constant 0 : index
    %get3A_1 = arith.constant 0 : index
    %get3A_2 = vector.load %arg1[%get3A, %get3A_0, %get3A_1] : memref<1x1024x384xf32, #tpu.memory_space<vmem>>, vector<1x1024x384xf32>
    %get3A_3 = vector.shape_cast %get3A_2 : vector<1x1024x384xf32> to vector<1024x384xf32>
    %get3A_4 = arith.constant 0 : index
    %get3A_5 = arith.constant 0 : index
    %get3A_6 = vector.load %arg6[%get3A_4, %get3A_5] : memref<384x12xf32, #tpu.memory_space<vmem>>, vector<384x12xf32>
    %dot_general3A = arith.constant dense<0.000000e+00> : vector<1024x12xf32>
    %dot_general3A_7 = tpu.matmul %get3A_3, %get3A_6, %dot_general3A {dimension_numbers = #tpu.dot_dimension_numbers<[1], [0], [0], [1], [0, 0, 1, 1], [], []>, transpose_lhs_hint = false} : vector<1024x384xf32>, vector<384x12xf32>, vector<1024x12xf32> -> vector<1024x12xf32>
    %get3A_8 = arith.constant 0 : index
    %get3A_9 = arith.constant 0 : index
    %get3A_10 = vector.load %arg7[%get3A_8, %get3A_9] : memref<384x12xf32, #tpu.memory_space<vmem>>, vector<384x12xf32>
    %dot_general3A_11 = arith.constant dense<0.000000e+00> : vector<1024x12xf32>
    %dot_general3A_12 = tpu.matmul %get3A_3, %get3A_10, %dot_general3A_11 {dimension_numbers = #tpu.dot_dimension_numbers<[1], [0], [0], [1], [0, 0, 1, 1], [], []>, transpose_lhs_hint = false} : vector<1024x384xf32>, vector<384x12xf32>, vector<1024x12xf32> -> vector<1024x12xf32>
    %dot_general3A_13 = arith.constant dense<0.000000e+00> : vector<1024x1024xf32>
    %dot_general3A_14 = tpu.matmul %dot_general3A_7, %dot_general3A_12, %dot_general3A_13 {dimension_numbers = #tpu.dot_dimension_numbers<[1], [1], [0], [0], [0, 0, 1, 0], [], []>, transpose_lhs_hint = false} : vector<1024x12xf32>, vector<1024x12xf32>, vector<1024x1024xf32> -> vector<1024x1024xf32>
    %get3A_15 = arith.constant 0 : index
    %get3A_16 = arith.constant 0 : index
    %get3A_17 = vector.load %arg3[%get3A_15, %get3A_16] : memref<1024x1024xf32, #tpu.memory_space<vmem>>, vector<1024x1024xf32>
    %add3A = arith.addf %dot_general3A_14, %get3A_17 : vector<1024x1024xf32>
    %logistic3A = arith.negf %add3A : vector<1024x1024xf32>
    %logistic3A_18 = math.exp %logistic3A : vector<1024x1024xf32>
    %logistic3A_19 = arith.constant 1.000000e+00 : f32
    %logistic3A_20 = vector.broadcast %logistic3A_19 : f32 to vector<1024x1024xf32>
    %logistic3A_21 = arith.addf %logistic3A_20, %logistic3A_18 : vector<1024x1024xf32>
    %logistic3A_22 = arith.divf %logistic3A_20, %logistic3A_21 : vector<1024x1024xf32>
    %get3A_23 = arith.constant 0 : index
    %get3A_24 = arith.constant 0 : index
    %get3A_25 = vector.load %arg4[%get3A_23, %get3A_24] : memref<1024x1024xbf16, #tpu.memory_space<vmem>>, vector<1024x1024xbf16>
    %convert_element_type3A = arith.truncf %logistic3A_22 : vector<1024x1024xf32> to vector<1024x1024xbf16>
    %dot_general3A_26 = arith.constant dense<0.000000e+00> : vector<1024x1024xf32>
    %dot_general3A_27 = tpu.matmul %get3A_25, %convert_element_type3A, %dot_general3A_26 {dimension_numbers = #tpu.dot_dimension_numbers<[1], [0], [0], [1], [0, 0, 1, 1], [], []>, transpose_lhs_hint = false} : vector<1024x1024xbf16>, vector<1024x1024xbf16>, vector<1024x1024xf32> -> vector<1024x1024xf32>
    %reduce_max3A = arith.constant dense<0xFF800000> : vector<1024xf32>
    %reduce_max3A_28 = vector.multi_reduction <maximumf>, %dot_general3A_27, %reduce_max3A [0] : vector<1024x1024xf32> to vector<1024xf32>
    %broadcast_in_dim3A = vector.shape_cast %reduce_max3A_28 : vector<1024xf32> to vector<1x1024xf32>
    %sub3A = vector.broadcast %broadcast_in_dim3A : vector<1x1024xf32> to vector<1024x1024xf32>
    %sub3A_29 = arith.subf %dot_general3A_27, %sub3A : vector<1024x1024xf32>
    %exp3A = math.exp %sub3A_29 : vector<1024x1024xf32>
    %reduce_sum3A = arith.constant dense<0.000000e+00> : vector<1024xf32>
    %reduce_sum3A_30 = vector.multi_reduction <add>, %exp3A, %reduce_sum3A [0] : vector<1024x1024xf32> to vector<1024xf32>
    %broadcast_in_dim3A_31 = vector.shape_cast %reduce_sum3A_30 : vector<1024xf32> to vector<1x1024xf32>
    %div3A = vector.broadcast %broadcast_in_dim3A_31 : vector<1x1024xf32> to vector<1024x1024xf32>
    %div3A_32 = arith.divf %exp3A, %div3A : vector<1024x1024xf32>
    %convert_element_type3A_33 = arith.truncf %div3A_32 : vector<1024x1024xf32> to vector<1024x1024xbf16>
    %convert_element_type3A_34 = arith.truncf %get3A_3 : vector<1024x384xf32> to vector<1024x384xbf16>
    %dot_general3A_35 = arith.constant dense<0.000000e+00> : vector<1024x384xf32>
    %dot_general3A_36 = tpu.matmul %convert_element_type3A_33, %convert_element_type3A_34, %dot_general3A_35 {dimension_numbers = #tpu.dot_dimension_numbers<[1], [0], [0], [1], [0, 0, 1, 1], [], []>, transpose_lhs_hint = false} : vector<1024x1024xbf16>, vector<1024x384xbf16>, vector<1024x384xf32> -> vector<1024x384xf32>
    %get3A_37 = arith.constant 0 : index
    %get3A_38 = arith.constant 0 : index
    %get3A_39 = vector.load %arg5[%get3A_37, %get3A_38] : memref<1024x1024xbf16, #tpu.memory_space<vmem>>, vector<1024x1024xbf16>
    %convert_element_type3A_40 = arith.truncf %dot_general3A_36 : vector<1024x384xf32> to vector<1024x384xbf16>
    %dot_general3A_41 = arith.constant dense<0.000000e+00> : vector<1024x384xf32>
    %dot_general3A_42 = tpu.matmul %get3A_39, %convert_element_type3A_40, %dot_general3A_41 {dimension_numbers = #tpu.dot_dimension_numbers<[1], [0], [0], [1], [0, 0, 1, 1], [], []>, transpose_lhs_hint = false} : vector<1024x1024xbf16>, vector<1024x384xbf16>, vector<1024x384xf32> -> vector<1024x384xf32>
    %add3A_43 = arith.addf %dot_general3A_36, %dot_general3A_42 : vector<1024x384xf32>
    %get3A_44 = arith.constant 0 : index
    %get3A_45 = arith.constant 0 : index
    %get3A_46 = vector.load %arg8[%get3A_44, %get3A_45] : memref<384x384xf32, #tpu.memory_space<vmem>>, vector<384x384xf32>
    %dot_general3A_47 = arith.constant dense<0.000000e+00> : vector<1024x384xf32>
    %dot_general3A_48 = tpu.matmul %add3A_43, %get3A_46, %dot_general3A_47 {dimension_numbers = #tpu.dot_dimension_numbers<[1], [0], [0], [1], [0, 0, 1, 1], [], []>, transpose_lhs_hint = false} : vector<1024x384xf32>, vector<384x384xf32>, vector<1024x384xf32> -> vector<1024x384xf32>
    %get3A_49 = arith.constant 0 : index
    %get3A_50 = arith.constant 0 : index
    %get3A_51 = vector.load %arg9[%get3A_49, %get3A_50] : memref<1x384xf32, #tpu.memory_space<vmem>>, vector<1x384xf32>
    %add3A_52 = vector.broadcast %get3A_51 : vector<1x384xf32> to vector<1024x384xf32>
    %add3A_53 = arith.addf %dot_general3A_48, %add3A_52 : vector<1024x384xf32>
    %convert_element_type3A_54 = arith.truncf %add3A_53 : vector<1024x384xf32> to vector<1024x384xbf16>
    %dot_general3A_55 = arith.constant dense<0.000000e+00> : vector<1024x384xf32>
    %dot_general3A_56 = tpu.matmul %get3A_39, %convert_element_type3A_54, %dot_general3A_55 {dimension_numbers = #tpu.dot_dimension_numbers<[1], [0], [0], [1], [0, 0, 1, 1], [], []>, transpose_lhs_hint = false} : vector<1024x1024xbf16>, vector<1024x384xbf16>, vector<1024x384xf32> -> vector<1024x384xf32>
    %add3A_57 = arith.addf %add3A_53, %dot_general3A_56 : vector<1024x384xf32>
    %get3A_58 = arith.constant 0 : index
    %get3A_59 = arith.constant 0 : index
    %get3A_60 = vector.load %arg10[%get3A_58, %get3A_59] : memref<384x384xf32, #tpu.memory_space<vmem>>, vector<384x384xf32>
    %dot_general3A_61 = arith.constant dense<0.000000e+00> : vector<1024x384xf32>
    %dot_general3A_62 = tpu.matmul %add3A_57, %get3A_60, %dot_general3A_61 {dimension_numbers = #tpu.dot_dimension_numbers<[1], [0], [0], [1], [0, 0, 1, 1], [], []>, transpose_lhs_hint = false} : vector<1024x384xf32>, vector<384x384xf32>, vector<1024x384xf32> -> vector<1024x384xf32>
    %get3A_63 = arith.constant 0 : index
    %get3A_64 = arith.constant 0 : index
    %get3A_65 = vector.load %arg11[%get3A_63, %get3A_64] : memref<1x384xf32, #tpu.memory_space<vmem>>, vector<1x384xf32>
    %add3A_66 = vector.broadcast %get3A_65 : vector<1x384xf32> to vector<1024x384xf32>
    %add3A_67 = arith.addf %dot_general3A_62, %add3A_66 : vector<1024x384xf32>
    %max3A = arith.constant 0.000000e+00 : f32
    %max3A_68 = vector.broadcast %max3A : f32 to vector<1024x384xf32>
    %max3A_69 = arith.maximumf %add3A_67, %max3A_68 : vector<1024x384xf32>
    %get3A_70 = arith.constant 0 : index
    %get3A_71 = arith.constant 0 : index
    %get3A_72 = vector.load %arg12[%get3A_70, %get3A_71] : memref<384x384xf32, #tpu.memory_space<vmem>>, vector<384x384xf32>
    %dot_general3A_73 = arith.constant dense<0.000000e+00> : vector<1024x384xf32>
    %dot_general3A_74 = tpu.matmul %max3A_69, %get3A_72, %dot_general3A_73 {dimension_numbers = #tpu.dot_dimension_numbers<[1], [0], [0], [1], [0, 0, 1, 1], [], []>, transpose_lhs_hint = false} : vector<1024x384xf32>, vector<384x384xf32>, vector<1024x384xf32> -> vector<1024x384xf32>
    %get3A_75 = arith.constant 0 : index
    %get3A_76 = arith.constant 0 : index
    %get3A_77 = vector.load %arg13[%get3A_75, %get3A_76] : memref<1x384xf32, #tpu.memory_space<vmem>>, vector<1x384xf32>
    %add3A_78 = vector.broadcast %get3A_77 : vector<1x384xf32> to vector<1024x384xf32>
    %add3A_79 = arith.addf %dot_general3A_74, %add3A_78 : vector<1024x384xf32>
    %get3A_80 = arith.constant 0 : index
    %get3A_81 = arith.constant 0 : index
    %get3A_82 = arith.constant 0 : index
    %get3A_83 = vector.load %arg2[%get3A_80, %get3A_81, %get3A_82] : memref<1x1024x384xf32, #tpu.memory_space<vmem>>, vector<1x1024x384xf32>
    %get3A_84 = vector.shape_cast %get3A_83 : vector<1x1024x384xf32> to vector<1024x384xf32>
    %get3A_85 = arith.constant 0 : index
    %get3A_86 = arith.constant 0 : index
    %get3A_87 = vector.load %arg14[%get3A_85, %get3A_86] : memref<384x384xf32, #tpu.memory_space<vmem>>, vector<384x384xf32>
    %dot_general3A_88 = arith.constant dense<0.000000e+00> : vector<1024x384xf32>
    %dot_general3A_89 = tpu.matmul %get3A_84, %get3A_87, %dot_general3A_88 {dimension_numbers = #tpu.dot_dimension_numbers<[1], [0], [0], [1], [0, 0, 1, 1], [], []>, transpose_lhs_hint = false} : vector<1024x384xf32>, vector<384x384xf32>, vector<1024x384xf32> -> vector<1024x384xf32>
    %get3A_90 = arith.constant 0 : index
    %get3A_91 = arith.constant 0 : index
    %get3A_92 = vector.load %arg15[%get3A_90, %get3A_91] : memref<1x384xf32, #tpu.memory_space<vmem>>, vector<1x384xf32>
    %add3A_93 = vector.broadcast %get3A_92 : vector<1x384xf32> to vector<1024x384xf32>
    %add3A_94 = arith.addf %dot_general3A_89, %add3A_93 : vector<1024x384xf32>
    %add3A_95 = arith.addf %add3A_79, %add3A_94 : vector<1024x384xf32>
    %max3A_96 = arith.constant 0.000000e+00 : f32
    %max3A_97 = vector.broadcast %max3A_96 : f32 to vector<1024x384xf32>
    %max3A_98 = arith.maximumf %add3A_95, %max3A_97 : vector<1024x384xf32>
    %get3A_99 = arith.constant 0 : index
    %get3A_100 = arith.constant 0 : index
    %get3A_101 = vector.load %arg16[%get3A_99, %get3A_100] : memref<384x384xf32, #tpu.memory_space<vmem>>, vector<384x384xf32>
    %dot_general3A_102 = arith.constant dense<0.000000e+00> : vector<1024x384xf32>
    %dot_general3A_103 = tpu.matmul %max3A_98, %get3A_101, %dot_general3A_102 {dimension_numbers = #tpu.dot_dimension_numbers<[1], [0], [0], [1], [0, 0, 1, 1], [], []>, transpose_lhs_hint = false} : vector<1024x384xf32>, vector<384x384xf32>, vector<1024x384xf32> -> vector<1024x384xf32>
    %mul3A = arith.mulf %max3A_98, %max3A_98 : vector<1024x384xf32>
    %get3A_104 = arith.constant 0 : index
    %get3A_105 = arith.constant 0 : index
    %get3A_106 = vector.load %arg16[%get3A_104, %get3A_105] : memref<384x384xf32, #tpu.memory_space<vmem>>, vector<384x384xf32>
    %dot_general3A_107 = arith.constant dense<0.000000e+00> : vector<1024x384xf32>
    %dot_general3A_108 = tpu.matmul %mul3A, %get3A_106, %dot_general3A_107 {dimension_numbers = #tpu.dot_dimension_numbers<[1], [0], [0], [1], [0, 0, 1, 1], [], []>, transpose_lhs_hint = false} : vector<1024x384xf32>, vector<384x384xf32>, vector<1024x384xf32> -> vector<1024x384xf32>
    %mul3A_109 = arith.mulf %dot_general3A_103, %dot_general3A_103 : vector<1024x384xf32>
    %sub3A_110 = arith.subf %dot_general3A_108, %mul3A_109 : vector<1024x384xf32>
    %sub3A_111 = arith.subf %max3A_98, %dot_general3A_103 : vector<1024x384xf32>
    %add3A_112 = arith.constant 9.99999974E-6 : f32
    %add3A_113 = vector.broadcast %add3A_112 : f32 to vector<1024x384xf32>
    %add3A_114 = arith.addf %sub3A_110, %add3A_113 : vector<1024x384xf32>
    %sqrt3A = math.sqrt %add3A_114 : vector<1024x384xf32>
    %div3A_115 = arith.divf %sub3A_111, %sqrt3A : vector<1024x384xf32>
    %get3A_116 = arith.constant 0 : index
    %get3A_117 = arith.constant 0 : index
    %get3A_118 = vector.load %arg17[%get3A_116, %get3A_117] : memref<1x384xf32, #tpu.memory_space<vmem>>, vector<1x384xf32>
    %mul3A_119 = vector.broadcast %get3A_118 : vector<1x384xf32> to vector<1024x384xf32>
    %mul3A_120 = arith.mulf %div3A_115, %mul3A_119 : vector<1024x384xf32>
    %get3A_121 = arith.constant 0 : index
    %get3A_122 = arith.constant 0 : index
    %get3A_123 = vector.load %arg18[%get3A_121, %get3A_122] : memref<1x384xf32, #tpu.memory_space<vmem>>, vector<1x384xf32>
    %add3A_124 = vector.broadcast %get3A_123 : vector<1x384xf32> to vector<1024x384xf32>
    %add3A_125 = arith.addf %mul3A_120, %add3A_124 : vector<1024x384xf32>
    %swap3A = arith.constant 0 : index
    %swap3A_126 = arith.constant 0 : index
    %swap3A_127 = arith.constant 0 : index
    %swap3A_128 = vector.load %arg19[%swap3A, %swap3A_126, %swap3A_127] : memref<1x1024x384xf32, #tpu.memory_space<vmem>>, vector<1x1024x384xf32>
    %swap3A_129 = vector.shape_cast %swap3A_128 : vector<1x1024x384xf32> to vector<1024x384xf32>
    %swap3A_130 = vector.shape_cast %add3A_125 : vector<1024x384xf32> to vector<1x1024x384xf32>
    tpu.vector_store %arg19[%swap3A, %swap3A_126, %swap3A_127], %swap3A_130 {strides = array<i32>} : memref<1x1024x384xf32, #tpu.memory_space<vmem>>, vector<1x1024x384xf32>,
    return
  }
  func.func @transform_0(%arg0: i32) -> (i32, i32, i32) {
    %c0_i32 = arith.constant 0 : i32
    %c0_i32_0 = arith.constant 0 : i32
    %c0_i32_1 = arith.constant 0 : i32
    return %arg0, %c0_i32, %c0_i32_0 : i32, i32, i32
  }
  func.func @transform_1(%arg0: i32) -> (i32, i32, i32) {
    %c0_i32 = arith.constant 0 : i32
    %c0_i32_0 = arith.constant 0 : i32
    %c0_i32_1 = arith.constant 0 : i32
    return %arg0, %c0_i32, %c0_i32_0 : i32, i32, i32
  }
  func.func @transform_2(%arg0: i32) -> (i32, i32) {
    %c0_i32 = arith.constant 0 : i32
    %c0_i32_0 = arith.constant 0 : i32
    %c0_i32_1 = arith.constant 0 : i32
    return %c0_i32, %c0_i32_0 : i32, i32
  }
  func.func @transform_3(%arg0: i32) -> (i32, i32) {
    %c0_i32 = arith.constant 0 : i32
    %c0_i32_0 = arith.constant 0 : i32
    %c0_i32_1 = arith.constant 0 : i32
    return %c0_i32, %c0_i32_0 : i32, i32
  }
  func.func @transform_4(%arg0: i32) -> (i32, i32) {
    %c0_i32 = arith.constant 0 : i32
    %c0_i32_0 = arith.constant 0 : i32
    %c0_i32_1 = arith.constant 0 : i32
    return %c0_i32, %c0_i32_0 : i32, i32
  }
  func.func @transform_5(%arg0: i32) -> (i32, i32) {
    %c0_i32 = arith.constant 0 : i32
    %c0_i32_0 = arith.constant 0 : i32
    %c0_i32_1 = arith.constant 0 : i32
    return %c0_i32, %c0_i32_0 : i32, i32
  }
  func.func @transform_6(%arg0: i32) -> (i32, i32) {
    %c0_i32 = arith.constant 0 : i32
    %c0_i32_0 = arith.constant 0 : i32
    %c0_i32_1 = arith.constant 0 : i32
    return %c0_i32, %c0_i32_0 : i32, i32
  }
  func.func @transform_7(%arg0: i32) -> (i32, i32) {
    %c0_i32 = arith.constant 0 : i32
    %c0_i32_0 = arith.constant 0 : i32
    %c0_i32_1 = arith.constant 0 : i32
    return %c0_i32, %c0_i32_0 : i32, i32
  }
  func.func @transform_8(%arg0: i32) -> (i32, i32) {
    %c0_i32 = arith.constant 0 : i32
    %c0_i32_0 = arith.constant 0 : i32
    %c0_i32_1 = arith.constant 0 : i32
    return %c0_i32, %c0_i32_0 : i32, i32
  }
  func.func @transform_9(%arg0: i32) -> (i32, i32) {
    %c0_i32 = arith.constant 0 : i32
    %c0_i32_0 = arith.constant 0 : i32
    %c0_i32_1 = arith.constant 0 : i32
    return %c0_i32, %c0_i32_0 : i32, i32
  }
  func.func @transform_10(%arg0: i32) -> (i32, i32) {
    %c0_i32 = arith.constant 0 : i32
    %c0_i32_0 = arith.constant 0 : i32
    %c0_i32_1 = arith.constant 0 : i32
    return %c0_i32, %c0_i32_0 : i32, i32
  }
  func.func @transform_11(%arg0: i32) -> (i32, i32) {
    %c0_i32 = arith.constant 0 : i32
    %c0_i32_0 = arith.constant 0 : i32
    %c0_i32_1 = arith.constant 0 : i32
    return %c0_i32, %c0_i32_0 : i32, i32
  }
  func.func @transform_12(%arg0: i32) -> (i32, i32) {
    %c0_i32 = arith.constant 0 : i32
    %c0_i32_0 = arith.constant 0 : i32
    %c0_i32_1 = arith.constant 0 : i32
    return %c0_i32, %c0_i32_0 : i32, i32
  }
  func.func @transform_13(%arg0: i32) -> (i32, i32) {
    %c0_i32 = arith.constant 0 : i32
    %c0_i32_0 = arith.constant 0 : i32
    %c0_i32_1 = arith.constant 0 : i32
    return %c0_i32, %c0_i32_0 : i32, i32
  }
  func.func @transform_14(%arg0: i32) -> (i32, i32) {
    %c0_i32 = arith.constant 0 : i32
    %c0_i32_0 = arith.constant 0 : i32
    %c0_i32_1 = arith.constant 0 : i32
    return %c0_i32, %c0_i32_0 : i32, i32
  }
  func.func @transform_15(%arg0: i32) -> (i32, i32) {
    %c0_i32 = arith.constant 0 : i32
    %c0_i32_0 = arith.constant 0 : i32
    %c0_i32_1 = arith.constant 0 : i32
    return %c0_i32, %c0_i32_0 : i32, i32
  }
  func.func @transform_16(%arg0: i32) -> (i32, i32) {
    %c0_i32 = arith.constant 0 : i32
    %c0_i32_0 = arith.constant 0 : i32
    %c0_i32_1 = arith.constant 0 : i32
    return %c0_i32, %c0_i32_0 : i32, i32
  }
  func.func @transform_17(%arg0: i32) -> (i32, i32) {
    %c0_i32 = arith.constant 0 : i32
    %c0_i32_0 = arith.constant 0 : i32
    %c0_i32_1 = arith.constant 0 : i32
    return %c0_i32, %c0_i32_0 : i32, i32
  }
  func.func @transform_18(%arg0: i32) -> (i32, i32, i32) {
    %c0_i32 = arith.constant 0 : i32
    %c0_i32_0 = arith.constant 0 : i32
    %c0_i32_1 = arith.constant 0 : i32
    return %arg0, %c0_i32, %c0_i32_0 : i32, i32, i32
  }
}

</mosaic_0001>

<sc_bundles>
// kernel: kernel.5.cloned.1.call-start
scs
__scs_entry_jumppad:
0x0: {  	(pc) =	sbr.rel $0x88, $3  }
0x1: {  	(tag) =	ssettag $0x0;
	lr =	simm.s32 $0x1  }
0x2: {  	[smem:$0x3F8B] =	sst lr;
	_ =	strace $0xD0000000  }
0x3: {  	_ = 	snop  }
0x4: {  	_ = 	snop  }
0x5: {  	_ = 	snop  }
0x6: {  	_ = 	snop  }
0x7: {  	_ = 	snop  }
__scs_overlays_trampoline_lowered:
0x8: {  	[smem:$0x3F9A] =	sst s0  }
0x9: {  	[smem:$0x3F9B] =	sst s1  }
0xa: {  	[smem:$0x3F9C] =	sst s2  }
0xb: {  	[smem:$0x3F9D] =	sst s3  }
0xc: {  	[smem:$0x3F9E] =	sst s4  }
0xd: {  	[smem:$0x3F9F] =	sst s5  }
0xe: {  	[smem:$0x3FA0] =	sst s6  }
0xf: {  	[smem:$0x3FA1] =	sst s7  }
0x10: {  	[smem:$0x3FA2] =	sst s8  }
0x11: {  	[smem:$0x3FA3] =	sst s9;
	s0 =	simm.s32 @!p0 $0x0  }
0x12: {  	s1 =	sld [smem:$0x3F89];
	s0 =	simm.s32 @p0 $0x1  }
0x13: {  	[smem:$0x3FA4] =	sst s0;
	s0 =	simm.s32 @!p1 $0x0  }
0x14: {  	s2 =	sld [smem:$0x3F88];
	s0 =	simm.s32 @p1 $0x1  }
0x15: {  	[smem:$0x3FA5] =	sst s0;
	s0 =	simm.s32 @!p2 $0x0  }
0x16: {  	s3 =	sld [smem:$0x3FDB];
	s0 =	simm.s32 @p2 $0x1  }
0x17: {  	s4 =	simm.s32 $0x1BF5;
	[smem:$0x3FA7] =	sst s0  }
0x18: {  	s0 =	sld [smem:$0x3F8A];
	_ =	swait.ge [sflag:s4], $0x0  }
0x19: {  	s7 =	sld [smem:$0x3F8B]  }
0x1a: {  	s8 =	sadd.s32 $0xFFFFE003, lr  }
0x1b: {  	s9 =	sadd.s32 $0xFFFFFEF7, lr;
	s5 =	simm.s32 $0xFFFFFFFF;
	p2 =	slt.u32 s8, $0xFFFFF086  }
0x1c: {  	p1 =	slt.u32 s9, $0xF7A;
	s5 =	simm.s32 @!p2 $0x0  }
0x1d: {  	s5 =	simm.s32 @p1 $0x1;
	p0 =	seq.s32 s7, s2  }
0x1e: {  	s7 =	smul.u32 @!p0 $0xF7A, s2;
	p2 =	seq.s32 @!p0 s5, $0x0  }
0x1f: {  	s9 =	smul.u32 $0xF7A, s1;
	s8 =	simm.s32 @!p0 $0x1BF5;
	p2 =	por !p2, p0  }
0x20: {  	[sflag:s8] =	ssyncset.s32 @!p0 $0xFFFFF086;
	s6 =	sadd.s32 @!p0 s3, s7;
	s7 =	simm.s32 @!p0 $0x108  }
0x21: {  	s3 =	sadd.s32 s3, s9;
	s6 =	sadd.s32 @!p0 $0x88, s6;
	s7 =	simm.s32 @p2 $0x1082  }
0x22: {  	[simem:s7], [sflag:s8] =	dma.local @!p0 [hbm:s6], $0xF7A  }
0x23: {  	s9 =	sor.u32 $0xD0000000, s2;
	s6 =	simm.s32 $0x108;
	_ =	swait.ge @!p0 [sflag:s8], $0x0  }
0x24: {  	s3 =	sadd.s32 $0x88, s3;
	s6 =	simm.s32 @!p1 $0x1082;
	[sflag:s4] =	ssyncset.s32 $0xFFFFF086  }
0x25: {  	[simem:s6], [sflag:s4] =	dma.local [hbm:s3], $0xF7A  }
0x26: {  	[smem:$0x3F8B] =	sst s1;
	(tag) =	ssettag s2;
	_ =	strace s9  }
0x27: {  	s1 =	sld [smem:$0x3F9B]  }
0x28: {  	s2 =	sld [smem:$0x3F9C]  }
0x29: {  	s4 =	sld [smem:$0x3F9E]  }
0x2a: {  	p0 =	seq.s32 s5, $0x0;
	s5 =	sld [smem:$0x3F9F]  }
0x2b: {  	s6 =	sld [smem:$0x3FA0]  }
0x2c: {  	s7 =	sld [smem:$0x3FA1]  }
0x2d: {  	s3 =	simm.s32 $0x108;
	s8 =	sld [smem:$0x3FA2]  }
0x2e: {  	s3 =	simm.s32 @!p0 $0x1082;
	s9 =	sld [smem:$0x3FA3]  }
0x2f: {  	lr =	sadd.s32 s0, s3;
	s0 =	sld [smem:$0x3F9A]  }
0x30: {  	s3 =	sld [smem:$0x3F9D]  }
0x31: {  	[smem:$0x3FA6] =	sst s10  }
0x32: {  	s10 =	sld [smem:$0x3FA4];
	_ =	sdelay $0x3  }
0x33: {  	p0 =	seq.s32 s10, $0x1;
	s10 =	sld [smem:$0x3FA6];
	_ =	sdelay $0x3  }
0x34: {  	[smem:$0x3FA6] =	sst s10  }
0x35: {  	s10 =	sld [smem:$0x3FA5];
	_ =	sdelay $0x3  }
0x36: {  	p1 =	seq.s32 s10, $0x1;
	s10 =	sld [smem:$0x3FA6];
	_ =	sdelay $0x3  }
0x37: {  	[smem:$0x3FA6] =	sst s10  }
0x38: {  	s10 =	sld [smem:$0x3FA7]  }
0x39: {  	_ = 	snop;
	(pc) =	sbr.ind lr, $3  }
0x3a: {  	_ = 	snop  }
0x3b: {  	_ = 	snop  }
0x3c: {  	p2 =	seq.s32 s10, $0x1;
	s10 =	sld [smem:$0x3FA6]  }
0x3d: {  	_ =	shalt  }
0x3e: {  	_ =	shalt  }
0x3f: {  	_ =	shalt  }
0x40: {  	_ =	shalt  }
0x41: {  	_ =	shalt  }
0x42: {  	_ =	shalt  }
0x43: {  	_ =	shalt  }
0x44: {  	_ =	shalt  }
0x45: {  	_ =	shalt  }
0x46: {  	_ =	shalt  }
0x47: {  	_ =	shalt  }
0x48: {  	_ =	shalt  }
0x49: {  	_ =	shalt  }
0x4a: {  	_ =	shalt  }
0x4b: {  	_ =	shalt  }
0x4c: {  	_ =	shalt  }
0x4d: {  	_ =	shalt  }
0x4e: {  	_ =	shalt  }
0x4f: {  	_ =	shalt  }
0x50: {  	_ =	shalt  }
0x51: {  	_ =	shalt  }
0x52: {  	_ =	shalt  }
0x53: {  	_ =	shalt  }
0x54: {  	_ =	shalt  }
0x55: {  	_ =	shalt  }
0x56: {  	_ =	shalt  }
0x57: {  	_ =	shalt  }
0x58: {  	_ =	shalt  }
0x59: {  	_ =	shalt  }
0x5a: {  	_ =	shalt  }
0x5b: {  	_ =	shalt  }
0x5c: {  	_ =	shalt  }
0x5d: {  	_ =	shalt  }
0x5e: {  	_ =	shalt  }
0x5f: {  	_ =	shalt  }
0x60: {  	_ =	shalt  }
0x61: {  	_ =	shalt  }
0x62: {  	_ =	shalt  }
0x63: {  	_ =	shalt  }
0x64: {  	_ =	shalt  }
0x65: {  	_ =	shalt  }
0x66: {  	_ =	shalt  }
0x67: {  	_ =	shalt  }
0x68: {  	_ =	shalt  }
0x69: {  	_ =	shalt  }
0x6a: {  	_ =	shalt  }
0x6b: {  	_ =	shalt  }
0x6c: {  	_ =	shalt  }
0x6d: {  	_ =	shalt  }
0x6e: {  	_ =	shalt  }
0x6f: {  	_ =	shalt  }
0x70: {  	_ =	shalt  }
0x71: {  	_ =	shalt  }
0x72: {  	_ =	shalt  }
0x73: {  	_ =	shalt  }
0x74: {  	_ =	shalt  }
0x75: {  	_ =	shalt  }
0x76: {  	_ =	shalt  }
0x77: {  	_ =	shalt  }
0x78: {  	_ =	shalt  }
0x79: {  	_ =	shalt  }
0x7a: {  	_ =	shalt  }
0x7b: {  	_ =	shalt  }
0x7c: {  	_ =	shalt  }
0x7d: {  	_ =	shalt  }
0x7e: {  	_ =	shalt  }
0x7f: {  	_ =	shalt  }
0x80: {  	_ =	shalt  }
0x81: {  	_ =	shalt  }
0x82: {  	_ =	shalt  }
0x83: {  	_ =	shalt  }
0x84: {  	_ =	shalt  }
0x85: {  	_ =	shalt  }
0x86: {  	_ =	shalt  }
0x87: {  	_ =	shalt  }
.Lfunc_end0:
.L_simem_size_0:
called_computation_lowered:
.L_overlay_start_0:
0x88: {  	s2 =	sld [smem:$0x3FD9]  }
0x89: {  	s3 =	sld [smem:$0x3FFE];
	_ =	sdelay $0x1  }
0x8a: {  	s1 =	srdreg.scid  }
0x8b: {  	s0 =	sand.u32 $0x1, s1  }
0x8c: {  	s17 =	sshll.u32 s0, $0xA;
	s2 =	sadd.s32 s3, s2  }
0x8d: {  	s2 =	sadd.s32 s2, s17  }
0x8e: {  	[smem:$0x3FB2] =	sst s2  }
0x8f: {  	_ = 	snop  }
0x90: {  	s2 =	sld [smem:$0x3FB4];
	(tm) =	ssettm $0x1  }
0x91: {  	s18 =	sld [smem:$0x3FFB];
	_ =	sdelay $0x3  }
0x92: {  	_ =	strace s18  }
0x93: {  	s3 =	sld [smem:$0x3FFC];
	_ =	sdelay $0x3  }
0x94: {  	_ =	strace s3  }
0x95: {  	s3 =	sld [smem:$0x3FFD];
	_ =	sdelay $0x3  }
0x96: {  	_ =	strace s3  }
0x97: {  	_ =	strace $0x8FFFFFFF  }
0x98: {  	s19 =	sld [smem:$0x3FDB];
	_ =	sdelay $0x1  }
0x99: {  	s4 =	simm.s32 $_scs_section_size  }
0x9a: {  	s5 =	simm.s32 $_size__tile_overlayer_lowered;
	s6 =	simm.s32 $_tile_overlayer_lowered  }
0x9b: {  	s22 =	simm.s32 $0x1BFF;
	s21 =	sshll.u32 s6, $0x1;
	s3 =	sadd.s32 s4, s19  }
0x9c: {  	s7 =	simm.s32 $0x0;
	s20 =	sshll.u32 s5, $0x1;
	s5 =	sadd.s32 s21, s3  }
0x9d: {  	[timem:s7], [sflag:s22] =	dma.local [hbm:s5], s20  }
0x9e: {  	_ =	swait.ge [sflag:s22], s20  }
0x9f: {  	s4 =	ssub.s32 $0x0, s20;
	[sflag:s22] =	ssyncset.done $0x0  }
0xa0: {  	[sflag:s22] =	ssyncadd.s32 s4;
	_ =	sdelay $0x1  }
0xa1: {  	s23 =	simm.s32 $0x1B8B  }
0xa2: {  	_ =	swait.ge [sflag:s23], $0x1  }
0xa3: {  	[sflag:s23] =	ssyncset.done $0x0  }
0xa4: {  	s25 =	simm.s32 $0x1B8E;
	s24 =	sld [smem:$0x3FFE];
	[sflag:s23] =	ssyncadd.s32 $0xFFFFFFFF  }
0xa5: {  	s26 =	simm.s32 $execute0_lowered;
	[smem:$0x3FD2] =	sst s25  }
0xa6: {  	s5 =	sshll.u32 s26, $0x1;
	_ =	strace $0x80000046;
	[dreg:$0x1] =	wrdreg $0xFFFFFFFF  }
0xa7: {  	s28 =	simm.s32 $_size_execute0_lowered;
	s3 =	sadd.s32 s3, s5;
	[dreg:$0x0] =	wrdreg $0x0  }
0xa8: {  	s5 =	sshll.u32 s28, $0x1;
	[dreg:$0x2] =	wrdreg s3  }
0xa9: {  	[dreg:$0x3] =	wrdreg s5  }
0xaa: {  	[dreg:$0x4] =	wrdreg $0xC0  }
0xab: {  	_ =	task [dreg:s7], $0x5FFFF  }
0xac: {  	[dreg:$0x1] =	wrdreg $0xFFFFFFFF  }
0xad: {  	[dreg:$0x0] =	wrdreg $0x60  }
0xae: {  	[dreg:$0x2] =	wrdreg s2  }
0xaf: {  	[dreg:$0x3] =	wrdreg s24  }
0xb0: {  	[dreg:$0x4] =	wrdreg $0x20000  }
0xb1: {  	[dreg:$0x5] =	wrdreg $0x9  }
0xb2: {  	_ =	task.clear_ibuf [dreg:s7], $0x6FFFF;
	_ =	strace $0x90000046  }
0xb3: {  	s29 =	simm.s32 $0x9;
	_ =	strace $0x80000048  }
0xb4: {  	_ =	swait.ge [sflag:s29], $0x1  }
0xb5: {  	[sflag:s29] =	ssyncadd.s32 $0xFFFFFFFF  }
0xb6: {  	_ =	strace $0x90000048  }
0xb7: {  	_ =	sfence  }
0xb8: {  	s30 =	sld [smem:$0x0];
	_ =	sdelay $0x2  }
0xb9: {  	s31 =	sshll.u32 s1, $0xD;
	s1 =	sshrl.u32 s1, $0x2  }
0xba: {  	s3 =	sand.u32 $0x4000, s31;
	s1 =	sadd.s32 s1, s30  }
0xbb: {  	s0 =	sor.u32 s3, s0;
	s1 =	sshll.u32 s1, $0x11  }
0xbc: {  	s0 =	sor.u32 s1, s0  }
0xbd: {  	s0 =	sadd.s32 $0x8F2B, s0  }
0xbe: {  	[sflag:s0] =	ssyncadd.remote.s32 $0x1  }
0xbf: {  	_ =	sfence.sel $0xFFFF  }
0xc0: {  	[dreg:$0x0] =	wrdreg $0xFFFFFFFF;
	(pc) =	sbr.abs _section_cstart, $3  }
0xc1: {  	[dreg:$0x1] =	wrdreg $0xFFFFFFFF  }
0xc2: {  	_ =	task.clear_ibuf [dreg:s7], $0x2FFFF;
	_ =	strace $0x9FFFFFFF  }
0xc3: {  	(tm) =	ssettm $0x7FFFFFFF  }
tec
execute0_lowered:
.L_overlay_start_1:
0x0: {  	(tag) =	ssettag $0x1  }
0x1: {  	s0 =	rddreg [dreg:$0x0]  }
0x2: {  	s3 =	rddreg [dreg:$0x1]  }
0x3: {  	s2 =	rddreg [dreg:$0x2];
	s4 =	srdreg.scid  }
0x4: {  	s1 =	stileid.u32;
	s6 =	simm.s32 $0x0;
	s16 =	simm.s32 $0x80  }
0x5: {  	s17 =	simm.s32 $0x100;
	s18 =	simm.s32 $0x1;
	s20 =	simm.s32 $0x1000  }
0x6: {  	s28 =	simm.s32 $0x980;
	s29 =	simm.s32 $0xD80;
	s30 =	simm.s32 $0xA00  }
0x7: {  	s31 =	simm.s32 $0xE00;
	s19 =	simm.s32 $0xB00;
	s21 =	simm.s32 $0xF00  }
0x8: {  	s23 =	simm.s32 $0xF80;
	s24 =	simm.s32 $0x0;
	s7 =	sand.u32 $0x1, s4  }
0x9: {  	s5 =	sshll.u32 s1, $0xF;
	[smem:$0x7FF] =	sst s6;
	s8 =	sshll.u32 s1, $0x8  }
0xa: {  	s4 =	sshll.u32 s7, $0x13;
	_ =	strace $0x80000047;
	s25 =	ssub.s32 $0x2, s7  }
0xb: {  	s22 =	sshll.u32 s7, $0x9;
	s4 =	sor.u32 s5, s4;
	s26 =	sshrl.u32 s25, $0x1  }
0xc: {  	s5 =	sadd.s32 s5, s2;
	v0 =	vmov s22;
	s22 =	simm.s32 $0xB80;
	s4 =	sshrl.u32 s4, $0x3  }
0xd: {  	s15 =	ssub.s32 s25, s26;
	s7 =	sadd.s32 $0x1000, s5;
	s9 =	sadd.s32 $0x3000, s5  }
0xe: {  	s10 =	sadd.s32 $0x4000, s5;
	s11 =	sadd.s32 $0x5000, s5;
	s12 =	sadd.s32 $0x6000, s5  }
0xf: {  	s13 =	sadd.s32 $0x7000, s5;
	s3 =	sadd.s32 s4, s3;
	s4 =	sadd.s32 s0, s8  }
0x10: {  	s8 =	sadd.s32 $0x2000, s5;
	s15 =	smax.u32 s15, $0x1;
	s0 =	simm.s32 $0xA80  }
0x11: {  	v1 =	vimm.f32 $0.0e+00;
	s6 =	sadd.s32 $0x10, s4;
	s14 =	sadd.s32 $0x4200, s3;
	s3 =	simm.s32 $0xE80  }
.LBB2_1:
0x12: {  	s25 =	simm.s32 $0x0  }
0x13: {  	[tilespmem:s25], [sflag:$0x1] =	stream.strided.gather [hbm4b:s4+s16], $0x400, s17, s16, $0x38;
	[tilespmem:$0xA000] =	vst v63  }
0x14: {  	_ =	swait.ge [sflag:s18], $0x400  }
0x15: {  	[sflag:s18] =	ssyncset.done $0x0  }
0x16: {  	s26 =	simm.s32 $0x400;
	[sflag:s18] =	ssyncadd.s32 $0xFFFFFC00  }
0x17: {  	[tilespmem:s26], [sflag:$0x1] =	stream.strided.gather [hbm4b:s6+s16], $0x400, s17, s16, $0x38;
	[tilespmem:$0xA000] =	vst v63  }
0x18: {  	_ =	swait.ge [sflag:s18], $0x400  }
0x19: {  	[sflag:s18] =	ssyncset.done $0x0  }
0x1a: {  	[sflag:s18] =	ssyncadd.s32 $0xFFFFFC00  }
0x1b: {  	v2 =	vld [tilespmem:$0x400]  }
0x1c: {  	v3 =	vld [tilespmem:$0x410]  }
0x1d: {  	v5 =	vld [tilespmem:$0x420]  }
0x1e: {  	v7 =	vld [tilespmem:$0x430]  }
0x1f: {  	v10 =	vld [tilespmem:$0x440]  }
0x20: {  	v29 =	vld [tilespmem:$0x470]  }
0x21: {  	v45 =	vld [tilespmem:$0x4D0];
	_ =	sdelay $0x2  }
0x22: {  	v2 =	vsub.s32 v2, v0;
	v3 =	vsub.s32 v3, v0;
	v5 =	vsub.s32 v5, v0  }
0x23: {  	v7 =	vsub.s32 v7, v0;
	v10 =	vsub.s32 v10, v0;
	v19 =	vsub.s32 v29, v0  }
0x24: {  	v49 =	vsub.s32 v45, v0;
	vm0 =	vgt.s32 v2, $0x0;
	vm10 =	vlt.u32 v2, $0x200  }
0x25: {  	v26 =	vld [tilespmem:$0x460];
	vm1 =	vgt.s32 v3, $0x0;
	vm11 =	vlt.u32 v3, $0x200;
	vm12 =	vgt.s32 v5, $0x0  }
0x26: {  	vm13 =	vgt.s32 v7, $0x0;
	vm14 =	vlt.u32 v5, $0x200;
	vm15 =	vlt.u32 v7, $0x200  }
0x27: {  	vm4 =	vgt.s32 v10, $0x0;
	vm5 =	vlt.u32 v10, $0x200;
	v6 =	vnsel vm0, $0x0, v2  }
0x28: {  	v37 =	vld [tilespmem:$0x4A0];
	v2 =	vsel vm10, $0x3F800000, v1;
	v22 =	vnsel vm1, $0x0, v3;
	v23 =	vnsel vm12, $0x0, v5  }
0x29: {  	v4 =	vld [tilespmem:$0x0];
	v14 =	vsel vm11, $0x3F800000, v1;
	v25 =	vnsel vm13, $0x0, v7;
	v27 =	vnsel vm4, $0x0, v10  }
0x2a: {  	v8 =	vld [tilespmem:$0x10];
	v5 =	vsub.s32 v26, v0;
	v18 =	vsel vm5, $0x3F800000, v1;
	vm10 =	vgt.s32 v19, $0x0  }
0x2b: {  	v24 =	vld [tilespmem:$0x450];
	vm11 =	vlt.u32 v19, $0x200;
	v6 =	vmin.u32 v6, $0x1FF;
	v3 =	vmin.u32 v22, $0x1FF  }
0x2c: {  	v12 =	vld [tilespmem:$0x40];
	v28 =	vmin.u32 v27, $0x1FF;
	vm7 =	vgt.s32 v5, $0x0;
	vm9 =	vlt.u32 v5, $0x200  }
0x2d: {  	v31 =	vld [tilespmem:$0x480];
	v35 =	vnsel vm10, $0x0, v19;
	v19 =	vsub.s32 v37, v0;
	vm10 =	vgt.s32 v49, $0x0  }
0x2e: {  	v34 =	vld [tilespmem:$0x490];
	v6 =	vshll.u32 v6, $0xA;
	v3 =	vshll.u32 v3, $0xA;
	v10 =	vshll.u32 v28, $0xA  }
0x2f: {  	v32 =	vnsel vm7, $0x0, v5;
	v5 =	vsel vm9, $0x3F800000, v1;
	vm4 =	vgt.s32 v19, $0x0  }
0x30: {  	vm5 =	vlt.u32 v19, $0x200;
	v50 =	vnsel vm10, $0x0, v49;
	v4 =	vadd.s32 v4, v6  }
0x31: {  	v13 =	vadd.s32 v8, v3;
	v3 =	vmin.u32 v23, $0x1FF;
	v6 =	vsel vm14, $0x3F800000, v1  }
0x32: {  	v9 =	vld [tilespmem:$0x20];
	v8 =	vsub.s32 v24, v0;
	v20 =	vadd.s32 v12, v10;
	v33 =	vmin.u32 v32, $0x1FF  }
0x33: {  	v12 =	vsub.s32 v31, v0;
	v23 =	vsub.s32 v34, v0;
	v24 =	vsel vm11, $0x3F800000, v1  }
0x34: {  	v41 =	vld [tilespmem:$0x4C0];
	v42 =	vnsel vm4, $0x0, v19;
	vm11 =	vlt.u32 v49, $0x200;
	v3 =	vshll.u32 v3, $0xA  }
0x35: {  	v39 =	vld [tilespmem:$0x4B0];
	vm6 =	vgt.s32 v8, $0x0;
	vm8 =	vlt.u32 v8, $0x200;
	vm12 =	vgt.s32 v12, $0x0  }
0x36: {  	v11 =	vld [tilespmem:$0x30];
	vm13 =	vgt.s32 v23, $0x0;
	vm14 =	vlt.u32 v12, $0x200;
	v44 =	vmin.u32 v42, $0x1FF  }
0x37: {  	v17 =	vld [tilespmem:$0x60];
	v9 =	vadd.s32 v9, v3;
	v3 =	vmin.u32 v25, $0x1FF;
	v16 =	vnsel vm6, $0x0, v8  }
0x38: {  	v8 =	vshll.u32 v33, $0xA;
	v22 =	vnsel vm12, $0x0, v12;
	v19 =	vshll.u32 v44, $0xA  }
0x39: {  	v27 =	vld [tilespmem:$0xA0];
	v12 =	vsub.s32 v41, v0;
	v3 =	vshll.u32 v3, $0xA;
	v30 =	vmin.u32 v16, $0x1FF  }
0x3a: {  	v15 =	vld [tilespmem:$0x50];
	v38 =	vmin.u32 v22, $0x1FF;
	v16 =	vnsel vm13, $0x0, v23;
	v22 =	vsub.s32 v39, v0  }
0x3b: {  	v21 =	vld [tilespmem:$0x70];
	vm7 =	vgt.s32 v12, $0x0;
	vm9 =	vlt.u32 v12, $0x200;
	v7 =	vadd.s32 v11, v3  }
0x3c: {  	v31 =	vld [tilespmem:$0x4E0];
	v3 =	vsel vm15, $0x3F800000, v1;
	v10 =	vshll.u32 v30, $0xA;
	v11 =	vadd.s32 v17, v8  }
0x3d: {  	v34 =	vld [tilespmem:$0x500];
	v8 =	vmin.u32 v35, $0x1FF;
	v40 =	vmin.u32 v16, $0x1FF;
	v16 =	vsel vm14, $0x3F800000, v1  }
0x3e: {  	vm15 =	vlt.u32 v23, $0x200;
	vm6 =	vgt.s32 v22, $0x0;
	v30 =	vadd.s32 v27, v19  }
0x3f: {  	v36 =	vld [tilespmem:$0x80];
	v27 =	vsel vm5, $0x3F800000, v1;
	v32 =	vnsel vm7, $0x0, v12;
	v12 =	vsel vm9, $0x3F800000, v1  }
0x40: {  	v43 =	vld [tilespmem:$0xB0];
	v15 =	vadd.s32 v15, v10;
	v10 =	vsel vm8, $0x3F800000, v1;
	v8 =	vshll.u32 v8, $0xA  }
0x41: {  	v48 =	vld [tilespmem:$0x4F0];
	v28 =	vnsel vm6, $0x0, v22;
	vm8 =	vlt.u32 v22, $0x200;
	v47 =	vmin.u32 v32, $0x1FF  }
0x42: {  	v62 =	vld [tilespmem:$0x540];
	v51 =	vsub.s32 v31, v0;
	v34 =	vsub.s32 v34, v0;
	v26 =	vadd.s32 v21, v8  }
0x43: {  	v25 =	vld [tilespmem:$0x90];
	v8 =	vshll.u32 v38, $0xA;
	v46 =	vmin.u32 v28, $0x1FF;
	v22 =	vsel vm8, $0x3F800000, v1  }
0x44: {  	vm12 =	vgt.s32 v51, $0x0;
	vm14 =	vlt.u32 v51, $0x200;
	vm4 =	vgt.s32 v34, $0x0  }
0x45: {  	v54 =	vld [tilespmem:$0x510];
	vm5 =	vlt.u32 v34, $0x200;
	v21 =	vadd.s32 v36, v8;
	v8 =	vshll.u32 v40, $0xA  }
0x46: {  	v29 =	vld [tilespmem:$0xC0];
	v19 =	vshll.u32 v46, $0xA;
	v35 =	vnsel vm12, $0x0, v51;
	v36 =	vsub.s32 v48, v0  }
0x47: {  	[tilespmem:$0x810] =	vst v13;
	v56 =	vnsel vm4, $0x0, v34;
	v13 =	vsel vm5, $0x3F800000, v1;
	v34 =	vsub.s32 v62, v0  }
0x48: {  	v59 =	vld [tilespmem:$0x530];
	v17 =	vadd.s32 v25, v8;
	v8 =	vsel vm15, $0x3F800000, v1;
	v28 =	vadd.s32 v43, v19  }
0x49: {  	v19 =	vshll.u32 v47, $0xA;
	v53 =	vmin.u32 v35, $0x1FF;
	vm13 =	vgt.s32 v36, $0x0  }
0x4a: {  	v39 =	vld [tilespmem:$0x100];
	vm15 =	vlt.u32 v36, $0x200;
	v35 =	vsub.s32 v54, v0;
	v58 =	vmin.u32 v56, $0x1FF  }
0x4b: {  	v41 =	vld [tilespmem:$0x550];
	vm12 =	vgt.s32 v34, $0x0;
	v23 =	vadd.s32 v29, v19;
	v19 =	vmin.u32 v50, $0x1FF  }
0x4c: {  	v33 =	vld [tilespmem:$0xD0];
	v25 =	vnsel vm13, $0x0, v36;
	vm6 =	vgt.s32 v35, $0x0;
	v60 =	vshll.u32 v58, $0xA  }
0x4d: {  	v38 =	vld [tilespmem:$0x520];
	vm8 =	vlt.u32 v35, $0x200;
	v36 =	vsub.s32 v59, v0;
	v46 =	vnsel vm12, $0x0, v34  }
0x4e: {  	v52 =	vld [tilespmem:$0xE0];
	[tilespmem:$0x800] =	vst v4;
	v19 =	vshll.u32 v19, $0xA;
	v55 =	vmin.u32 v25, $0x1FF;
	v25 =	vsel vm14, $0x3F800000, v1  }
0x4f: {  	v45 =	vld [tilespmem:$0x560];
	[tilespmem:$0x820] =	vst v9;
	v61 =	vnsel vm6, $0x0, v35;
	v4 =	vadd.s32 v39, v60;
	v9 =	vsel vm8, $0x3F800000, v1  }
0x50: {  	v37 =	vld [tilespmem:$0xF0];
	vm10 =	vgt.s32 v36, $0x0;
	v35 =	vsub.s32 v41, v0;
	vm14 =	vlt.u32 v34, $0x200  }
0x51: {  	v48 =	vld [tilespmem:$0x570];
	v32 =	vadd.s32 v33, v19;
	v33 =	vsel vm11, $0x3F800000, v1;
	v19 =	vshll.u32 v53, $0xA  }
0x52: {  	[tilespmem:$0xC00] =	vst v2;
	v62 =	vld [tilespmem:$0x5A0];
	v38 =	vsub.s32 v38, v0;
	v2 =	vmin.u32 v61, $0x1FF;
	v43 =	vnsel vm10, $0x0, v36  }
0x53: {  	v57 =	vld [tilespmem:$0x110];
	[tilespmem:$0xC10] =	vst v14;
	vm11 =	vlt.u32 v36, $0x200;
	vm13 =	vgt.s32 v35, $0x0;
	v31 =	vadd.s32 v52, v19  }
0x54: {  	[tilespmem:$0xC30] =	vst v3;
	v19 =	vshll.u32 v55, $0xA;
	vm7 =	vgt.s32 v38, $0x0;
	v2 =	vshll.u32 v2, $0xA  }
0x55: {  	[tilespmem:$0x850] =	vst v15;
	vm9 =	vlt.u32 v38, $0x200;
	v3 =	vmin.u32 v43, $0x1FF;
	v15 =	vsel vm11, $0x3F800000, v1  }
0x56: {  	[tilespmem:$0xC40] =	vst v18;
	v42 =	vld [tilespmem:$0x130];
	v49 =	vnsel vm13, $0x0, v35;
	v52 =	vsub.s32 v45, v0;
	v18 =	vsub.s32 v48, v0  }
0x57: {  	[tilespmem:$0x880] =	vst v21;
	v21 =	vsub.s32 v62, v0;
	v29 =	vadd.s32 v37, v19;
	v19 =	vsel vm15, $0x3F800000, v1  }
0x58: {  	[tilespmem:$0xC60] =	vst v5;
	v50 =	vld [tilespmem:$0x580];
	v63 =	vnsel vm7, $0x0, v38;
	v14 =	vadd.s32 v57, v2;
	v3 =	vshll.u32 v3, $0xA  }
0x59: {  	[tilespmem:$0x840] =	vst v20;
	v20 =	vmin.u32 v49, $0x1FF;
	vm15 =	vlt.u32 v35, $0x200;
	vm4 =	vgt.s32 v52, $0x0  }
0x5a: {  	[tilespmem:$0xC20] =	vst v6;
	v47 =	vld [tilespmem:$0x150];
	vm5 =	vlt.u32 v52, $0x200;
	vm6 =	vgt.s32 v18, $0x0;
	vm8 =	vlt.u32 v18, $0x200  }
0x5b: {  	v44 =	vld [tilespmem:$0x140];
	[tilespmem:$0x830] =	vst v7;
	vm12 =	vgt.s32 v21, $0x0;
	v2 =	vmin.u32 v63, $0x1FF;
	v7 =	vadd.s32 v42, v3  }
0x5c: {  	[tilespmem:$0xC70] =	vst v24;
	v40 =	vld [tilespmem:$0x120];
	v3 =	vmin.u32 v46, $0x1FF;
	v51 =	vshll.u32 v20, $0xA;
	v5 =	vsel vm15, $0x3F800000, v1  }
0x5d: {  	[tilespmem:$0x8A0] =	vst v30;
	v39 =	vld [tilespmem:$0x5B0];
	v54 =	vnsel vm4, $0x0, v52;
	v58 =	vnsel vm6, $0x0, v18;
	v59 =	vsub.s32 v50, v0  }
0x5e: {  	[tilespmem:$0x890] =	vst v17;
	v53 =	vld [tilespmem:$0x160];
	v17 =	vsel vm5, $0x3F800000, v1;
	v30 =	vsel vm8, $0x3F800000, v1;
	v45 =	vnsel vm12, $0x0, v21  }
0x5f: {  	[tilespmem:$0x860] =	vst v11;
	v55 =	vld [tilespmem:$0x170];
	v2 =	vshll.u32 v2, $0xA;
	v3 =	vshll.u32 v3, $0xA;
	v11 =	vadd.s32 v47, v51  }
0x60: {  	[tilespmem:$0xC80] =	vst v16;
	v48 =	vld [tilespmem:$0x5D0];
	v56 =	vmin.u32 v54, $0x1FF;
	v61 =	vmin.u32 v58, $0x1FF;
	vm7 =	vgt.s32 v59, $0x0  }
0x61: {  	[tilespmem:$0xC50] =	vst v10;
	v62 =	vld [tilespmem:$0x600];
	v47 =	vmin.u32 v45, $0x1FF;
	v6 =	vadd.s32 v40, v2;
	v2 =	vsel vm9, $0x3F800000, v1  }
0x62: {  	[tilespmem:$0x870] =	vst v26;
	v57 =	vld [tilespmem:$0x590];
	v10 =	vadd.s32 v44, v3;
	v3 =	vsel vm14, $0x3F800000, v1;
	v20 =	vshll.u32 v56, $0xA  }
0x63: {  	[tilespmem:$0xC90] =	vst v8;
	v60 =	vld [tilespmem:$0x180];
	v63 =	vnsel vm7, $0x0, v59;
	vm9 =	vlt.u32 v59, $0x200;
	vm14 =	vlt.u32 v21, $0x200  }
0x64: {  	[tilespmem:$0x8C0] =	vst v23;
	v37 =	vld [tilespmem:$0x620];
	v16 =	vadd.s32 v53, v20;
	v20 =	vshll.u32 v61, $0xA;
	v38 =	vmin.u32 v63, $0x1FF  }
0x65: {  	[tilespmem:$0x8E0] =	vst v31;
	v26 =	vsel vm9, $0x3F800000, v1;
	v31 =	vsel vm14, $0x3F800000, v1;
	v23 =	vsub.s32 v48, v0  }
0x66: {  	[tilespmem:$0xCF0] =	vst v19;
	v19 =	vsub.s32 v62, v0;
	v8 =	vadd.s32 v55, v20;
	v18 =	vshll.u32 v38, $0xA  }
0x67: {  	[tilespmem:$0xCD0] =	vst v33;
	v33 =	vld [tilespmem:$0x610];
	v24 =	vsub.s32 v57, v0;
	v20 =	vsub.s32 v39, v0;
	vm6 =	vgt.s32 v23, $0x0  }
0x68: {  	[tilespmem:$0xCA0] =	vst v27;
	v51 =	vld [tilespmem:$0x5E0];
	vm8 =	vlt.u32 v23, $0x200;
	vm12 =	vgt.s32 v19, $0x0;
	vm14 =	vlt.u32 v19, $0x200  }
0x69: {  	[tilespmem:$0xD30] =	vst v15;
	v15 =	vsub.s32 v37, v0;
	v18 =	vadd.s32 v60, v18;
	vm10 =	vgt.s32 v24, $0x0  }
0x6a: {  	[tilespmem:$0xCC0] =	vst v12;
	v44 =	vld [tilespmem:$0x5C0];
	vm11 =	vlt.u32 v24, $0x200;
	vm13 =	vgt.s32 v20, $0x0;
	vm15 =	vlt.u32 v20, $0x200  }
0x6b: {  	[tilespmem:$0x920] =	vst v6;
	v58 =	vnsel vm6, $0x0, v23;
	v6 =	vsel vm8, $0x3F800000, v1;
	v39 =	vnsel vm12, $0x0, v19  }
0x6c: {  	[tilespmem:$0x960] =	vst v16;
	v23 =	vsub.s32 v33, v0;
	v16 =	vsel vm14, $0x3F800000, v1;
	v41 =	vnsel vm10, $0x0, v24  }
0x6d: {  	[tilespmem:$0x8D0] =	vst v32;
	v54 =	vld [tilespmem:$0x1D0];
	v32 =	vsel vm11, $0x3F800000, v1;
	v49 =	vnsel vm13, $0x0, v20;
	v59 =	vsub.s32 v51, v0  }
0x6e: {  	[tilespmem:$0xCB0] =	vst v22;
	v61 =	vmin.u32 v58, $0x1FF;
	vm13 =	vgt.s32 v23, $0x0;
	v43 =	vmin.u32 v41, $0x1FF  }
0x6f: {  	[tilespmem:$0xD00] =	vst v13;
	v40 =	vld [tilespmem:$0x190];
	v50 =	vmin.u32 v49, $0x1FF;
	v24 =	vsub.s32 v44, v0;
	vm7 =	vgt.s32 v59, $0x0  }
0x70: {  	[tilespmem:$0x8B0] =	vst v28;
	v56 =	vld [tilespmem:$0x5F0];
	v13 =	vshll.u32 v61, $0xA;
	vm9 =	vlt.u32 v59, $0x200;
	v41 =	vmin.u32 v39, $0x1FF  }
0x71: {  	[tilespmem:$0xD10] =	vst v9;
	v36 =	vld [tilespmem:$0x200];
	v44 =	vnsel vm13, $0x0, v23;
	v22 =	vshll.u32 v43, $0xA;
	vm4 =	vgt.s32 v24, $0x0  }
0x72: {  	v42 =	vld [tilespmem:$0x1A0];
	[tilespmem:$0x930] =	vst v7;
	vm5 =	vlt.u32 v24, $0x200;
	v63 =	vnsel vm7, $0x0, v59;
	v9 =	vadd.s32 v54, v13  }
0x73: {  	[tilespmem:$0x940] =	vst v10;
	v7 =	vsel vm9, $0x3F800000, v1;
	v10 =	vshll.u32 v41, $0xA;
	v45 =	vmin.u32 v44, $0x1FF  }
0x74: {  	v34 =	vld [tilespmem:$0x1F0];
	[tilespmem:$0x8F0] =	vst v29;
	v12 =	vadd.s32 v40, v22;
	v22 =	vshll.u32 v47, $0xA;
	v53 =	vnsel vm4, $0x0, v24  }
0x75: {  	v46 =	vld [tilespmem:$0x1B0];
	[tilespmem:$0x910] =	vst v14;
	v14 =	vsel vm5, $0x3F800000, v1;
	v29 =	vmin.u32 v63, $0x1FF;
	v24 =	vsub.s32 v56, v0  }
0x76: {  	[tilespmem:$0xD50] =	vst v5;
	v60 =	vld [tilespmem:$0x1E0];
	v5 =	vadd.s32 v36, v10;
	v10 =	vshll.u32 v45, $0xA;
	vm4 =	vgt.s32 v15, $0x0  }
0x77: {  	[tilespmem:$0xCE0] =	vst v25;
	v51 =	vld [tilespmem:$0x650];
	vm5 =	vlt.u32 v15, $0x200;
	v21 =	vadd.s32 v42, v22;
	v22 =	vshll.u32 v50, $0xA  }
0x78: {  	[tilespmem:$0x900] =	vst v4;
	v52 =	vld [tilespmem:$0x1C0];
	v55 =	vmin.u32 v53, $0x1FF;
	v13 =	vshll.u32 v29, $0xA;
	vm10 =	vgt.s32 v24, $0x0  }
0x79: {  	v33 =	vld [tilespmem:$0x690];
	vm11 =	vlt.u32 v24, $0x200;
	v48 =	vnsel vm4, $0x0, v15;
	[tilespmem:$0x990] =	vst v12;
	v12 =	vsel vm5, $0x3F800000, v1  }
0x7a: {  	[tilespmem:$0xD60] =	vst v17;
	v54 =	vld [tilespmem:$0x660];
	v20 =	vadd.s32 v46, v22;
	v22 =	vsel vm15, $0x3F800000, v1;
	v57 =	vshll.u32 v55, $0xA  }
0x7b: {  	[tilespmem:$0xD20] =	vst v2;
	v40 =	vld [tilespmem:$0x210];
	v2 =	vadd.s32 v60, v13;
	v35 =	vnsel vm10, $0x0, v24;
	v43 =	vsel vm11, $0x3F800000, v1  }
0x7c: {  	[tilespmem:$0xD70] =	vst v30;
	v47 =	vld [tilespmem:$0x220];
	vm15 =	vlt.u32 v23, $0x200;
	v50 =	vmin.u32 v48, $0x1FF;
	v17 =	vsub.s32 v51, v0  }
0x7d: {  	[tilespmem:$0x970] =	vst v8;
	v63 =	vld [tilespmem:$0x680];
	v4 =	vadd.s32 v52, v57;
	v13 =	vmin.u32 v35, $0x1FF;
	v8 =	vsel vm15, $0x3F800000, v1  }
0x7e: {  	[tilespmem:$0x950] =	vst v11;
	v42 =	vld [tilespmem:$0x630];
	v15 =	vshll.u32 v50, $0xA;
	vm10 =	vgt.s32 v17, $0x0;
	vm11 =	vlt.u32 v17, $0x200  }
0x7f: {  	[tilespmem:$0xD40] =	vst v3;
	v38 =	vshll.u32 v13, $0xA;
	v59 =	vnsel vm10, $0x0, v17;
	v60 =	vsub.s32 v54, v0  }
0x80: {  	[tilespmem:$0xD80] =	vst v26;
	v46 =	vld [tilespmem:$0x640];
	v17 =	vsub.s32 v33, v0;
	v3 =	vadd.s32 v34, v38;
	v10 =	vadd.s32 v40, v10  }
0x81: {  	[tilespmem:$0xDA0] =	vst v31;
	v58 =	vld [tilespmem:$0x250];
	v15 =	vadd.s32 v47, v15;
	v62 =	vmin.u32 v59, $0x1FF;
	vm12 =	vgt.s32 v60, $0x0  }
0x82: {  	[tilespmem:$0x9B0] =	vst v20;
	v34 =	vsel vm11, $0x3F800000, v1;
	vm14 =	vlt.u32 v60, $0x200;
	v20 =	vsub.s32 v63, v0  }
0x83: {  	[tilespmem:$0x980] =	vst v18;
	v57 =	vld [tilespmem:$0x670];
	v13 =	vsub.s32 v42, v0;
	v28 =	vshll.u32 v62, $0xA;
	v29 =	vnsel vm12, $0x0, v60  }
0x84: {  	[tilespmem:$0x9E0] =	vst v2;
	v2 =	vsel vm14, $0x3F800000, v1;
	vm4 =	vgt.s32 v20, $0x0;
	vm5 =	vlt.u32 v20, $0x200  }
0x85: {  	[tilespmem:$0xD90] =	vst v32;
	vm6 =	vgt.s32 v13, $0x0;
	v19 =	vsub.s32 v46, v0;
	vm8 =	vlt.u32 v13, $0x200  }
0x86: {  	v61 =	vld [tilespmem:$0x260];
	[tilespmem:$0x9C0] =	vst v4;
	v4 =	vadd.s32 v58, v28;
	v32 =	vmin.u32 v29, $0x1FF;
	v41 =	vnsel vm4, $0x0, v20  }
0x87: {  	[tilespmem:$0xDC0] =	vst v14;
	v50 =	vsel vm5, $0x3F800000, v1;
	v52 =	vnsel vm6, $0x0, v13;
	vm7 =	vgt.s32 v19, $0x0  }
0x88: {  	v27 =	vld [tilespmem:$0x700];
	[tilespmem:$0x9A0] =	vst v21;
	v21 =	vsel vm8, $0x3F800000, v1;
	vm9 =	vlt.u32 v19, $0x200;
	v30 =	vsub.s32 v57, v0  }
0x89: {  	[tilespmem:$0xDF0] =	vst v43;
	v38 =	vld [tilespmem:$0x6A0];
	v14 =	vshll.u32 v32, $0xA;
	v43 =	vmin.u32 v41, $0x1FF;
	vm6 =	vgt.s32 v17, $0x0  }
0x8a: {  	[tilespmem:$0xDD0] =	vst v6;
	v39 =	vld [tilespmem:$0x280];
	vm8 =	vlt.u32 v17, $0x200;
	v18 =	vmin.u32 v52, $0x1FF;
	v55 =	vnsel vm7, $0x0, v19  }
0x8b: {  	[tilespmem:$0xE00] =	vst v16;
	v49 =	vld [tilespmem:$0x230];
	v19 =	vsel vm9, $0x3F800000, v1;
	vm13 =	vgt.s32 v30, $0x0;
	v36 =	vadd.s32 v61, v14  }
0x8c: {  	[tilespmem:$0x9D0] =	vst v9;
	v53 =	vld [tilespmem:$0x240];
	vm15 =	vlt.u32 v30, $0x200;
	v45 =	vshll.u32 v43, $0xA;
	v46 =	vnsel vm6, $0x0, v17  }
0x8d: {  	[tilespmem:$0xA00] =	vst v5;
	v62 =	vld [tilespmem:$0x6F0];
	v54 =	vsel vm8, $0x3F800000, v1;
	v18 =	vshll.u32 v18, $0xA;
	v56 =	vmin.u32 v55, $0x1FF  }
0x8e: {  	[tilespmem:$0x9F0] =	vst v3;
	v42 =	vld [tilespmem:$0x290];
	v35 =	vnsel vm13, $0x0, v30;
	v3 =	vsel vm15, $0x3F800000, v1;
	v47 =	vsub.s32 v38, v0  }
0x8f: {  	v5 =	vadd.s32 v39, v45;
	v11 =	vmin.u32 v46, $0x1FF;
	[tilespmem:$0xA60] =	vst v36;
	v36 =	vsub.s32 v27, v0  }
0x90: {  	v31 =	vld [tilespmem:$0x270];
	[tilespmem:$0xDE0] =	vst v7;
	v13 =	vadd.s32 v49, v18;
	v18 =	vshll.u32 v56, $0xA;
	v37 =	vmin.u32 v35, $0x1FF  }
0x91: {  	v44 =	vld [tilespmem:$0x6B0];
	[tilespmem:$0xE20] =	vst v12;
	vm7 =	vgt.s32 v47, $0x0;
	v11 =	vshll.u32 v11, $0xA;
	vm9 =	vlt.u32 v47, $0x200  }
0x92: {  	v48 =	vld [tilespmem:$0x2A0];
	[tilespmem:$0xDB0] =	vst v22;
	v32 =	vsub.s32 v62, v0;
	v18 =	vadd.s32 v53, v18;
	v14 =	vshll.u32 v37, $0xA  }
0x93: {  	[tilespmem:$0xE10] =	vst v8;
	v33 =	vld [tilespmem:$0x2F0];
	v24 =	vnsel vm7, $0x0, v47;
	v51 =	vadd.s32 v42, v11;
	v56 =	vsel vm9, $0x3F800000, v1  }
0x94: {  	v59 =	vld [tilespmem:$0x6E0];
	[tilespmem:$0xA10] =	vst v10;
	vm6 =	vgt.s32 v32, $0x0;
	vm7 =	vgt.s32 v36, $0x0;
	vm8 =	vlt.u32 v32, $0x200  }
0x95: {  	[tilespmem:$0xA20] =	vst v15;
	v38 =	vld [tilespmem:$0x720];
	vm9 =	vlt.u32 v36, $0x200;
	v40 =	vadd.s32 v31, v14;
	v52 =	vmin.u32 v24, $0x1FF  }
0x96: {  	[tilespmem:$0xE50] =	vst v34;
	v49 =	vld [tilespmem:$0x6C0];
	v14 =	vsub.s32 v44, v0;
	v35 =	vnsel vm6, $0x0, v32;
	v43 =	vsel vm8, $0x3F800000, v1  }
0x97: {  	v34 =	vld [tilespmem:$0x710];
	[tilespmem:$0xA80] =	vst v5;
	v46 =	vsel vm9, $0x3F800000, v1;
	v11 =	vshll.u32 v52, $0xA;
	vm10 =	vgt.s32 v14, $0x0  }
0x98: {  	v55 =	vld [tilespmem:$0x2B0];
	vm11 =	vlt.u32 v14, $0x200;
	[tilespmem:$0xA70] =	vst v40;
	v5 =	vmin.u32 v35, $0x1FF;
	v40 =	vnsel vm7, $0x0, v36  }
0x99: {  	[tilespmem:$0xE60] =	vst v2;
	v53 =	vld [tilespmem:$0x6D0];
	v11 =	vadd.s32 v48, v11;
	v57 =	vnsel vm10, $0x0, v14;
	v63 =	vsel vm11, $0x3F800000, v1  }
0x9a: {  	[tilespmem:$0xA50] =	vst v4;
	v37 =	vld [tilespmem:$0x300];
	v14 =	vsub.s32 v59, v0;
	v5 =	vshll.u32 v5, $0xA;
	v41 =	vmin.u32 v40, $0x1FF  }
0x9b: {  	[tilespmem:$0xA30] =	vst v13;
	v42 =	vld [tilespmem:$0x730];
	v10 =	vsub.s32 v38, v0;
	v16 =	vsub.s32 v49, v0;
	v13 =	vmin.u32 v57, $0x1FF  }
0x9c: {  	[tilespmem:$0xE80] =	vst v50;
	vm4 =	vgt.s32 v14, $0x0;
	vm5 =	vlt.u32 v14, $0x200;
	v5 =	vadd.s32 v33, v5  }
0x9d: {  	[tilespmem:$0xE30] =	vst v21;
	v15 =	vshll.u32 v41, $0xA;
	vm12 =	vgt.s32 v16, $0x0;
	v13 =	vshll.u32 v13, $0xA  }
0x9e: {  	v22 =	vld [tilespmem:$0x780];
	[tilespmem:$0xE40] =	vst v19;
	v17 =	vsub.s32 v53, v0;
	vm14 =	vlt.u32 v16, $0x200;
	v31 =	vnsel vm4, $0x0, v14  }
0x9f: {  	[tilespmem:$0xE90] =	vst v54;
	v39 =	vsel vm5, $0x3F800000, v1;
	v14 =	vsub.s32 v34, v0;
	v45 =	vadd.s32 v37, v15  }
0xa0: {  	[tilespmem:$0xE70] =	vst v3;
	v52 =	vsub.s32 v42, v0;
	v60 =	vnsel vm12, $0x0, v16;
	v13 =	vadd.s32 v55, v13  }
0xa1: {  	v50 =	vld [tilespmem:$0x740];
	[tilespmem:$0xA40] =	vst v18;
	vm13 =	vgt.s32 v17, $0x0;
	v28 =	vsel vm14, $0x3F800000, v1;
	vm15 =	vlt.u32 v17, $0x200  }
0xa2: {  	[tilespmem:$0xEF0] =	vst v43;
	v43 =	vld [tilespmem:$0x7C0];
	v3 =	vmin.u32 v31, $0x1FF;
	vm10 =	vgt.s32 v14, $0x0;
	vm11 =	vlt.u32 v14, $0x200  }
0xa3: {  	v29 =	vld [tilespmem:$0x2E0];
	[tilespmem:$0xA90] =	vst v51;
	vm12 =	vgt.s32 v10, $0x0;
	vm14 =	vlt.u32 v10, $0x200;
	v31 =	vsub.s32 v22, v0  }
0xa4: {  	[tilespmem:$0xEA0] =	vst v56;
	v18 =	vmin.u32 v60, $0x1FF;
	v24 =	vnsel vm13, $0x0, v17;
	v30 =	vsel vm15, $0x3F800000, v1  }
0xa5: {  	[tilespmem:$0xF00] =	vst v46;
	v3 =	vshll.u32 v3, $0xA;
	v47 =	vnsel vm10, $0x0, v14;
	v51 =	vnsel vm12, $0x0, v10  }
0xa6: {  	v58 =	vld [tilespmem:$0x2C0];
	[tilespmem:$0xAA0] =	vst v11;
	vm13 =	vgt.s32 v52, $0x0;
	v14 =	vsub.s32 v50, v0;
	vm15 =	vlt.u32 v52, $0x200  }
0xa7: {  	v61 =	vld [tilespmem:$0x2D0];
	[tilespmem:$0xEB0] =	vst v63;
	vm12 =	vgt.s32 v31, $0x0;
	v50 =	vsub.s32 v43, v0;
	v18 =	vshll.u32 v18, $0xA  }
0xa8: {  	v63 =	vld [tilespmem:$0x770];
	[tilespmem:$0xAF0] =	vst v5;
	v26 =	vmin.u32 v24, $0x1FF;
	v3 =	vadd.s32 v29, v3;
	v49 =	vmin.u32 v47, $0x1FF  }
0xa9: {  	v44 =	vld [tilespmem:$0x310];
	[tilespmem:$0xEE0] =	vst v39;
	v54 =	vmin.u32 v51, $0x1FF;
	v56 =	vnsel vm13, $0x0, v52;
	vm4 =	vgt.s32 v14, $0x0  }
0xaa: {  	v48 =	vld [tilespmem:$0x320];
	[tilespmem:$0xB00] =	vst v45;
	v60 =	vsel vm15, $0x3F800000, v1;
	vm5 =	vlt.u32 v14, $0x200;
	v35 =	vnsel vm12, $0x0, v31  }
0xab: {  	v53 =	vld [tilespmem:$0x330];
	[tilespmem:$0xAB0] =	vst v13;
	v25 =	vadd.s32 v58, v18;
	v16 =	vshll.u32 v26, $0xA;
	v4 =	vshll.u32 v49, $0xA  }
0xac: {  	v55 =	vld [tilespmem:$0x750];
	v6 =	vshll.u32 v54, $0xA;
	v57 =	vmin.u32 v56, $0x1FF;
	[tilespmem:$0xAE0] =	vst v3;
	v3 =	vsel vm14, $0x3F800000, v1  }
0xad: {  	v59 =	vld [tilespmem:$0x340];
	[tilespmem:$0xEC0] =	vst v28;
	v23 =	vsel vm5, $0x3F800000, v1;
	v11 =	vsub.s32 v63, v0;
	v39 =	vmin.u32 v35, $0x1FF  }
0xae: {  	v40 =	vld [tilespmem:$0x7B0];
	[tilespmem:$0xED0] =	vst v30;
	vm14 =	vlt.u32 v31, $0x200;
	v2 =	vadd.s32 v61, v16;
	v4 =	vadd.s32 v44, v4  }
0xaf: {  	v58 =	vld [tilespmem:$0x760];
	[tilespmem:$0xF30] =	vst v60;
	v6 =	vadd.s32 v48, v6;
	v7 =	vshll.u32 v57, $0xA;
	v61 =	vnsel vm4, $0x0, v14  }
0xb0: {  	v26 =	vld [tilespmem:$0x790];
	vm10 =	vgt.s32 v11, $0x0;
	[tilespmem:$0xAD0] =	vst v2;
	v2 =	vsel vm11, $0x3F800000, v1;
	v7 =	vadd.s32 v53, v7  }
0xb1: {  	v28 =	vld [tilespmem:$0x370];
	[tilespmem:$0xAC0] =	vst v25;
	v9 =	vsub.s32 v55, v0;
	v8 =	vmin.u32 v61, $0x1FF;
	v30 =	vnsel vm10, $0x0, v11  }
0xb2: {  	v56 =	vld [tilespmem:$0x7F0];
	[tilespmem:$0xF20] =	vst v3;
	vm11 =	vlt.u32 v11, $0x200;
	vm6 =	vgt.s32 v9, $0x0;
	v8 =	vshll.u32 v8, $0xA  }
0xb3: {  	v32 =	vld [tilespmem:$0x380];
	[tilespmem:$0xF40] =	vst v23;
	vm8 =	vlt.u32 v9, $0x200;
	v33 =	vmin.u32 v30, $0x1FF;
	v20 =	vnsel vm6, $0x0, v9  }
0xb4: {  	v62 =	vld [tilespmem:$0x350];
	[tilespmem:$0xB10] =	vst v4;
	v8 =	vadd.s32 v59, v8;
	v27 =	vsel vm8, $0x3F800000, v1;
	v5 =	vshll.u32 v33, $0xA  }
0xb5: {  	v48 =	vld [tilespmem:$0x7D0];
	[tilespmem:$0xB20] =	vst v6;
	v10 =	vsub.s32 v58, v0;
	v12 =	vmin.u32 v20, $0x1FF;
	v36 =	vsub.s32 v26, v0  }
0xb6: {  	[tilespmem:$0xB40] =	vst v8;
	v38 =	vadd.s32 v28, v5;
	v5 =	vshll.u32 v39, $0xA;
	v8 =	vsub.s32 v40, v0  }
0xb7: {  	[tilespmem:$0xF10] =	vst v2;
	v61 =	vsub.s32 v56, v0;
	vm7 =	vgt.s32 v10, $0x0;
	v12 =	vshll.u32 v12, $0xA  }
0xb8: {  	[tilespmem:$0xB30] =	vst v7;
	vm9 =	vlt.u32 v10, $0x200;
	vm13 =	vgt.s32 v36, $0x0;
	v5 =	vadd.s32 v32, v5  }
0xb9: {  	v21 =	vld [tilespmem:$0x360];
	[tilespmem:$0xF50] =	vst v27;
	vm15 =	vlt.u32 v36, $0x200;
	vm6 =	vgt.s32 v8, $0x0;
	vm8 =	vlt.u32 v8, $0x200  }
0xba: {  	v34 =	vld [tilespmem:$0x7A0];
	[tilespmem:$0xB70] =	vst v38;
	v7 =	vsub.s32 v48, v0;
	v24 =	vnsel vm7, $0x0, v10;
	v2 =	vadd.s32 v62, v12  }
0xbb: {  	v37 =	vld [tilespmem:$0x390];
	v29 =	vsel vm9, $0x3F800000, v1;
	v41 =	vnsel vm13, $0x0, v36;
	v45 =	vsel vm15, $0x3F800000, v1;
	[tilespmem:$0xB80] =	vst v5  }
0xbc: {  	v49 =	vnsel vm6, $0x0, v8;
	vm7 =	vgt.s32 v50, $0x0;
	vm9 =	vlt.u32 v50, $0x200;
	[tilespmem:$0xB50] =	vst v2  }
0xbd: {  	v51 =	vld [tilespmem:$0x3C0];
	vm10 =	vgt.s32 v7, $0x0;
	v25 =	vmin.u32 v24, $0x1FF;
	v2 =	vsel vm11, $0x3F800000, v1;
	[tilespmem:$0xF60] =	vst v29  }
0xbe: {  	v52 =	vld [tilespmem:$0x7E0];
	v42 =	vmin.u32 v41, $0x1FF;
	v54 =	vnsel vm7, $0x0, v50;
	[tilespmem:$0xF90] =	vst v45;
	v9 =	vshll.u32 v25, $0xA  }
0xbf: {  	v44 =	vld [tilespmem:$0x3A0];
	v6 =	vshll.u32 v42, $0xA;
	[tilespmem:$0xF70] =	vst v2;
	v3 =	vadd.s32 v21, v9;
	v9 =	vsub.s32 v34, v0  }
0xc0: {  	v55 =	vmin.u32 v54, $0x1FF;
	v6 =	vadd.s32 v37, v6;
	[tilespmem:$0xB60] =	vst v3;
	vm4 =	vgt.s32 v9, $0x0  }
0xc1: {  	v47 =	vld [tilespmem:$0x3B0];
	v4 =	vshll.u32 v55, $0xA;
	v3 =	vsel vm14, $0x3F800000, v1;
	[tilespmem:$0xB90] =	vst v6;
	v46 =	vnsel vm4, $0x0, v9  }
0xc2: {  	vm5 =	vlt.u32 v9, $0x200;
	v4 =	vadd.s32 v51, v4;
	[tilespmem:$0xF80] =	vst v3;
	v2 =	vmin.u32 v46, $0x1FF  }
0xc3: {  	v57 =	vld [tilespmem:$0x3D0];
	v5 =	vsub.s32 v52, v0;
	v53 =	vsel vm5, $0x3F800000, v1;
	[tilespmem:$0xBC0] =	vst v4;
	v2 =	vshll.u32 v2, $0xA  }
0xc4: {  	vm13 =	vgt.s32 v61, $0x0;
	v3 =	vmin.u32 v49, $0x1FF;
	[tilespmem:$0xFA0] =	vst v53;
	v2 =	vadd.s32 v44, v2  }
0xc5: {  	v59 =	vld [tilespmem:$0x3E0];
	v58 =	vnsel vm10, $0x0, v7;
	v3 =	vshll.u32 v3, $0xA;
	[tilespmem:$0xBA0] =	vst v2;
	v2 =	vsel vm8, $0x3F800000, v1  }
0xc6: {  	vm12 =	vgt.s32 v5, $0x0;
	v3 =	vadd.s32 v47, v3;
	[tilespmem:$0xFB0] =	vst v2;
	v2 =	vmin.u32 v58, $0x1FF  }
0xc7: {  	v62 =	vld [tilespmem:$0x3F0];
	v60 =	vnsel vm12, $0x0, v5;
	[tilespmem:$0xBB0] =	vst v3;
	v3 =	vsel vm9, $0x3F800000, v1;
	v2 =	vshll.u32 v2, $0xA  }
0xc8: {  	vm11 =	vlt.u32 v7, $0x200;
	[tilespmem:$0xFC0] =	vst v3;
	v3 =	vmin.u32 v60, $0x1FF;
	v2 =	vadd.s32 v57, v2  }
0xc9: {  	v63 =	vnsel vm13, $0x0, v61;
	v3 =	vshll.u32 v3, $0xA;
	[tilespmem:$0xBD0] =	vst v2;
	v2 =	vsel vm11, $0x3F800000, v1  }
0xca: {  	vm14 =	vlt.u32 v5, $0x200;
	[tilespmem:$0xFD0] =	vst v2;
	v2 =	vadd.s32 v59, v3;
	v3 =	vmin.u32 v63, $0x1FF  }
0xcb: {  	[tilespmem:$0xBE0] =	vst v2;
	v2 =	vsel vm14, $0x3F800000, v1;
	v3 =	vshll.u32 v3, $0xA  }
0xcc: {  	vm15 =	vlt.u32 v61, $0x200;
	[tilespmem:$0xFE0] =	vst v2;
	v2 =	vadd.s32 v62, v3  }
0xcd: {  	[tilespmem:$0xBF0] =	vst v2;
	v2 =	vsel vm15, $0x3F800000, v1  }
0xce: {  	s25 =	simm.s32 $0x40;
	s26 =	simm.s32 $0x0;
	[tilespmem:$0xFF0] =	vst v2  }
.LBB2_2:
0xcf: {  	p0 =	sne.s32 s25, $0x3FC0;
	[tilespmem:s26+$0x1000] =	vst v1;
	s26 =	smov.u32 s25;
	s25 =	sadd.s32 $0x40, s25  }
.Ltmp0:
0xd0: {  	(pc) =	sbr.rel @p0 .LBB2_2-.Ltmp0, $2  }
0xd1: {  	_ =	sdelay $0x2  }
0xd2: {  	s26 =	sshra.s32 s26, $0x2  }
0xd3: {  	[tilespmem:s26+$0x1000] =	vst v1  }
0xd4: {  	[spmem:s5] =	stream.linear.scatter [tilespmem:s20], [sflag:$0x1], $0x1000, $0x38;
	[tilespmem:$0xA000] =	vst v63  }
0xd5: {  	_ =	swait.ge [sflag:s18], $0x1000  }
0xd6: {  	[sflag:s18] =	ssyncset.done $0x0  }
0xd7: {  	[sflag:s18] =	ssyncadd.s32 $0xFFFFF000  }
0xd8: {  	[spmem:s7] =	stream.linear.scatter [tilespmem:s20], [sflag:$0x1], $0x1000, $0x38;
	[tilespmem:$0xA000] =	vst v63  }
0xd9: {  	_ =	swait.ge [sflag:s18], $0x1000  }
0xda: {  	[sflag:s18] =	ssyncset.done $0x0  }
0xdb: {  	[sflag:s18] =	ssyncadd.s32 $0xFFFFF000  }
0xdc: {  	[spmem:s8] =	stream.linear.scatter [tilespmem:s20], [sflag:$0x1], $0x1000, $0x38;
	[tilespmem:$0xA000] =	vst v63  }
0xdd: {  	_ =	swait.ge [sflag:s18], $0x1000  }
0xde: {  	[sflag:s18] =	ssyncset.done $0x0  }
0xdf: {  	[sflag:s18] =	ssyncadd.s32 $0xFFFFF000  }
0xe0: {  	[spmem:s9] =	stream.linear.scatter [tilespmem:s20], [sflag:$0x1], $0x1000, $0x38;
	[tilespmem:$0xA000] =	vst v63  }
0xe1: {  	_ =	swait.ge [sflag:s18], $0x1000  }
0xe2: {  	[sflag:s18] =	ssyncset.done $0x0  }
0xe3: {  	[sflag:s18] =	ssyncadd.s32 $0xFFFFF000  }
0xe4: {  	[spmem:s10] =	stream.linear.scatter [tilespmem:s20], [sflag:$0x1], $0x1000, $0x38;
	[tilespmem:$0xA000] =	vst v63  }
0xe5: {  	_ =	swait.ge [sflag:s18], $0x1000  }
0xe6: {  	[sflag:s18] =	ssyncset.done $0x0  }
0xe7: {  	[sflag:s18] =	ssyncadd.s32 $0xFFFFF000  }
0xe8: {  	[spmem:s11] =	stream.linear.scatter [tilespmem:s20], [sflag:$0x1], $0x1000, $0x38;
	[tilespmem:$0xA000] =	vst v63  }
0xe9: {  	_ =	swait.ge [sflag:s18], $0x1000  }
0xea: {  	[sflag:s18] =	ssyncset.done $0x0  }
0xeb: {  	[sflag:s18] =	ssyncadd.s32 $0xFFFFF000  }
0xec: {  	[spmem:s12] =	stream.linear.scatter [tilespmem:s20], [sflag:$0x1], $0x1000, $0x38;
	[tilespmem:$0xA000] =	vst v63  }
0xed: {  	_ =	swait.ge [sflag:s18], $0x1000  }
0xee: {  	[sflag:s18] =	ssyncset.done $0x0  }
0xef: {  	[sflag:s18] =	ssyncadd.s32 $0xFFFFF000  }
0xf0: {  	[spmem:s13] =	stream.linear.scatter [tilespmem:s20], [sflag:$0x1], $0x1000, $0x38;
	[tilespmem:$0xA000] =	vst v63  }
0xf1: {  	_ =	swait.ge [sflag:s18], $0x1000  }
0xf2: {  	[sflag:s18] =	ssyncset.done $0x0  }
0xf3: {  	[sflag:s18] =	ssyncadd.s32 $0xFFFFF000  }
0xf4: {  	s25 =	simm.s32 $0x800;
	s26 =	simm.s32 $0xC00;
	[bflag:$0x0] =	sbarrier.arrive $0xFFFF  }
0xf5: {  	[spmem:s2] =	stream.indirect.scatter.add.f32 [tilespmem:s26], [sflag:$0x1], $0x1, s25, s16, $0xb8;
	[tilespmem:$0xA000] =	vst v63  }
0xf6: {  	_ =	swait.ge [sflag:s18], $0x80  }
0xf7: {  	[sflag:s18] =	ssyncset.done $0x0  }
0xf8: {  	s25 =	simm.s32 $0x880;
	s26 =	simm.s32 $0xC80;
	[sflag:s18] =	ssyncadd.s32 $0xFFFFFF80  }
0xf9: {  	[spmem:s2] =	stream.indirect.scatter.add.f32 [tilespmem:s26], [sflag:$0x1], $0x1, s25, s16, $0xb8;
	[tilespmem:$0xA000] =	vst v63  }
0xfa: {  	_ =	swait.ge [sflag:s18], $0x80  }
0xfb: {  	[sflag:s18] =	ssyncset.done $0x0  }
0xfc: {  	s25 =	simm.s32 $0x900;
	s26 =	simm.s32 $0xD00;
	[sflag:s18] =	ssyncadd.s32 $0xFFFFFF80  }
0xfd: {  	[spmem:s2] =	stream.indirect.scatter.add.f32 [tilespmem:s26], [sflag:$0x1], $0x1, s25, s16, $0xb8;
	[tilespmem:$0xA000] =	vst v63  }
0xfe: {  	_ =	swait.ge [sflag:s18], $0x80  }
0xff: {  	[sflag:s18] =	ssyncset.done $0x0  }
0x100: {  	[sflag:s18] =	ssyncadd.s32 $0xFFFFFF80  }
0x101: {  	[spmem:s2] =	stream.indirect.scatter.add.f32 [tilespmem:s29], [sflag:$0x1], $0x1, s28, s16, $0xb8;
	[tilespmem:$0xA000] =	vst v63  }
0x102: {  	_ =	swait.ge [sflag:s18], $0x80  }
0x103: {  	[sflag:s18] =	ssyncset.done $0x0  }
0x104: {  	[sflag:s18] =	ssyncadd.s32 $0xFFFFFF80  }
0x105: {  	[spmem:s2] =	stream.indirect.scatter.add.f32 [tilespmem:s31], [sflag:$0x1], $0x1, s30, s16, $0xb8;
	[tilespmem:$0xA000] =	vst v63  }
0x106: {  	_ =	swait.ge [sflag:s18], $0x80  }
0x107: {  	[sflag:s18] =	ssyncset.done $0x0  }
0x108: {  	[sflag:s18] =	ssyncadd.s32 $0xFFFFFF80  }
0x109: {  	[spmem:s2] =	stream.indirect.scatter.add.f32 [tilespmem:s3], [sflag:$0x1], $0x1, s0, s16, $0xb8;
	[tilespmem:$0xA000] =	vst v63  }
0x10a: {  	_ =	swait.ge [sflag:s18], $0x80  }
0x10b: {  	[sflag:s18] =	ssyncset.done $0x0  }
0x10c: {  	[sflag:s18] =	ssyncadd.s32 $0xFFFFFF80  }
0x10d: {  	[spmem:s2] =	stream.indirect.scatter.add.f32 [tilespmem:s21], [sflag:$0x1], $0x1, s19, s16, $0xb8;
	[tilespmem:$0xA000] =	vst v63  }
0x10e: {  	_ =	swait.ge [sflag:s18], $0x80  }
0x10f: {  	[sflag:s18] =	ssyncset.done $0x0  }
0x110: {  	[sflag:s18] =	ssyncadd.s32 $0xFFFFFF80  }
0x111: {  	[spmem:s2] =	stream.indirect.scatter.add.f32 [tilespmem:s23], [sflag:$0x1], $0x1, s22, s16, $0xb8;
	[tilespmem:$0xA000] =	vst v63  }
0x112: {  	_ =	swait.ge [sflag:s18], $0x80  }
0x113: {  	s24 =	sadd.s32 $0x1, s24;
	s26 =	sshll.u32 s1, $0x6;
	[sflag:s18] =	ssyncset.done $0x0  }
0x114: {  	p0 =	sne.s32 s24, s15;
	s25 =	sor.u32 $0x1C01, s26;
	[sflag:s18] =	ssyncadd.s32 $0xFFFFFF80  }
.Ltmp1:
0x115: {  	s26 =	sshrl.u32 s5, $0x3;
	[bflag:$0x0] =	sbarrier.arrive $0xFFFF;
	(pc) =	sbr.rel @p0 .LBB2_1-.Ltmp1, $4  }
0x116: {  	[hbm:s14], [sflag:s25] =	dma.local [spmem:s26], $0x1000  }
0x117: {  	_ =	swait.ge [sflag:s18], $0x1000  }
0x118: {  	[sflag:s18] =	ssyncset.done $0x0  }
0x119: {  	[sflag:s18] =	ssyncadd.s32 $0xFFFFF000  }
0x11a: {  	_ =	sfence.sel $0x180000  }
0x11b: {  	[bflag:$0x0] =	sbarrier.arrive $0xFFFF  }
0x11c: {  	_ =	strace $0x90000047  }
0x11d: {  	[bflag:$0x2] =	sbarrier.arrive $0xFFFF  }
0x11e: {  	p0 =	sne.s32 s1, $0x0;
	s0 =	rddreg [dreg:$0x3]  }
0x11f: {  	s0 =	sadd.s32 @!p0 $0x100000, s0  }
0x120: {  	[sflag:s0] =	ssyncadd.tile.s32 @!p0 $0x1;
	_ =	shalt  }
.Lfunc_end2:
_tile_overlayer_lowered:
.L_overlay_start_2:
0x121: {  	(tag) =	ssettag $0x2  }
0x122: {  	s0 =	rddreg [dreg:$0x0];
	s2 =	stileid.u32  }
0x123: {  	s1 =	rddreg [dreg:$0x1];
	p0 =	sne.s32 s2, $0x0  }
0x124: {  	s3 =	rddreg [dreg:$0x2];
	[bflag:$0x3] =	sbarrier.arrive $0xFFFF;
	s2 =	simm.s32 @!p0 $0x1C01  }
0x125: {  	[timem:s3], [sflag:s2] =	dma.local @!p0 [hbm:s0], s1  }
0x126: {  	s0 =	simm.s32 @!p0 $0x1  }
0x127: {  	_ =	swait.ge @!p0 [sflag:s0], s1  }
0x128: {  	s1 =	ssub.s32 @!p0 $0x0, s1;
	[sflag:s0] =	ssyncset.done @!p0 $0x0  }
0x129: {  	[sflag:s0] =	ssyncadd.s32 @!p0 s1  }
0x12a: {  	[bflag:$0x3] =	sbarrier.arrive $0xFFFF  }
0x12b: {  	_ =	shalt  }

</sc_bundles>
